<compile_context>
chip_gen: v7x
topology: tpu7x:2x2x1
jax: 0.10.2.dev20260603
libtpu: 0.0.44.dev20260713+nightly
codegen_flags: <defaults>
</compile_context>

<pallas_src>
import functools

import jax
import jax.numpy as jnp
from jax import lax
from jax.experimental import pallas as pl
from jax.experimental.pallas import tpu as pltpu
from jax.experimental.pallas import tpu_sc as plsc

N = 10000
E = 320000
DIN = 128
HID = 128
DOUT = 64

NC = 2
NS = 16
NW = NC * NS
K = 80
EW = E // NW
CH = EW // K
CI = 63
NB = 4
RZC = 80
NRC = N // RZC
NZJ = -(-NRC // NS)

BT = 1000
GT = N // BT


def _mesh():
    return plsc.VectorSubcoreMesh(
        core_axis_name="c", subcore_axis_name="s", num_cores=NC, num_subcores=NS
    )


def _sc_degree(dst3):

    @functools.partial(
        pl.kernel,
        out_type=jax.ShapeDtypeStruct((NC, N, 16), jnp.float32),
        mesh=_mesh(),
        scratch_types=[
            pltpu.VMEM((CH, K), jnp.int32),
            pltpu.VMEM((K, 16), jnp.float32),
            pltpu.VMEM((RZC, 16), jnp.float32),
            pltpu.VMEM_SHARED((N, 16), jnp.float32),
            pltpu.SemaphoreType.DMA,
        ],
        compiler_params=pltpu.CompilerParams(use_tc_tiling_on_sc=False),
    )
    def deg_kernel(dst_hbm, out_hbm, didx_v, ones_v, zbuf_v, acc_sh, isem):
        cid = lax.axis_index("c")
        sid = lax.axis_index("s")
        wid = cid * NS + sid
        di = pltpu.async_copy(dst_hbm.at[wid], didx_v, isem)

        def fill(i, carry):
            ones_v[i, :] = jnp.full((16,), 1.0, jnp.float32)
            return carry

        lax.fori_loop(0, K, fill, 0)

        def zrow(i, carry):
            zbuf_v[i, :] = jnp.zeros((16,), jnp.float32)
            return carry

        lax.fori_loop(0, RZC, zrow, 0)

        def zchunk(j, carry):
            c = sid + j * NS

            @pl.when(c < NRC)
            def _():
                pltpu.sync_copy(zbuf_v, acc_sh.at[pl.ds(c * RZC, RZC)])

            return carry

        lax.fori_loop(0, NZJ, zchunk, 0)
        di.wait()
        plsc.subcore_barrier()

        def chunk(c, carry):
            pltpu.sync_copy(ones_v, acc_sh.at[didx_v.at[c]], add=True)
            return carry

        lax.fori_loop(0, CH, chunk, 0)
        plsc.subcore_barrier()

        def ochunk(j, carry):
            c = sid + j * NS

            @pl.when(c < NRC)
            def _():
                r0 = c * RZC
                pltpu.sync_copy(acc_sh.at[pl.ds(r0, RZC)],
                                out_hbm.at[cid, pl.ds(r0, RZC)])

            return carry

        lax.fori_loop(0, NZJ, ochunk, 0)

    return deg_kernel(dst3)


def _sc_propagate(hhat, src3, dst3):

    @functools.partial(
        pl.kernel,
        out_type=jax.ShapeDtypeStruct((NC, N, HID), jnp.float32),
        mesh=_mesh(),
        scratch_types=[
            pltpu.VMEM((CI, K), jnp.int32),
            pltpu.VMEM((CI, K), jnp.int32),
            [pltpu.VMEM((K, HID), jnp.float32)] * NB,
            pltpu.VMEM_SHARED((N, HID), jnp.float32),
            [pltpu.SemaphoreType.DMA] * NB,
            [pltpu.SemaphoreType.DMA] * NB,
        ],
        compiler_params=pltpu.CompilerParams(use_tc_tiling_on_sc=False),
    )
    def prop_kernel(hhat_hbm, src_hbm, dst_hbm, out_hbm,
                    sidx_v, didx_v, rows_bufs, acc_sh, gsems, ssems):
        zbuf_v = rows_bufs[0]
        cid = lax.axis_index("c")
        sid = lax.axis_index("s")
        wid = cid * NS + sid
        dsi = pltpu.async_copy(src_hbm.at[wid, pl.ds(0, CI)], sidx_v, gsems[0])
        ddi = pltpu.async_copy(dst_hbm.at[wid, pl.ds(0, CI)], didx_v, gsems[1])

        def zrow(i, carry):
            for j in range(HID // 16):
                zbuf_v[i, pl.ds(j * 16, 16)] = jnp.zeros((16,), jnp.float32)
            return carry

        lax.fori_loop(0, RZC, zrow, 0)

        def zchunk(j, carry):
            c = sid + j * NS

            @pl.when(c < NRC)
            def _():
                pltpu.sync_copy(zbuf_v, acc_sh.at[pl.ds(c * RZC, RZC)])

            return carry

        lax.fori_loop(0, NZJ, zchunk, 0)
        dsi.wait()
        ddi.wait()
        plsc.subcore_barrier()

        def run_phase(count):
            ng = count // NB
            tail = count - ng * NB

            for j in range(NB):
                pltpu.async_copy(hhat_hbm.at[sidx_v.at[j]], rows_bufs[j],
                                 gsems[j])

            def chunk_group(g, carry):
                c = g * NB
                sdescs = []
                for j in range(NB):
                    pltpu.make_async_copy(hhat_hbm.at[sidx_v.at[c + j]],
                                          rows_bufs[j], gsems[j]).wait()
                    sdescs.append(
                        pltpu.async_copy(rows_bufs[j],
                                         acc_sh.at[didx_v.at[c + j]],
                                         ssems[j], add=True))
                for j in range(NB):
                    sdescs[j].wait()

                    @pl.when(g < ng - 1)
                    def _():
                        pltpu.async_copy(hhat_hbm.at[sidx_v.at[c + NB + j]],
                                         rows_bufs[j], gsems[j])

                return carry

            lax.fori_loop(0, ng, chunk_group, 0)
            for t in range(tail):
                c = ng * NB + t
                pltpu.async_copy(hhat_hbm.at[sidx_v.at[c]], rows_bufs[t],
                                 gsems[t]).wait()
                pltpu.sync_copy(rows_bufs[t], acc_sh.at[didx_v.at[c]],
                                add=True)

        run_phase(CI)
        pltpu.sync_copy(src_hbm.at[wid, pl.ds(CI, CH - CI)],
                        sidx_v.at[pl.ds(0, CH - CI)])
        pltpu.sync_copy(dst_hbm.at[wid, pl.ds(CI, CH - CI)],
                        didx_v.at[pl.ds(0, CH - CI)])
        run_phase(CH - CI)
        plsc.subcore_barrier()

        def ochunk(j, carry):
            c = sid + j * NS

            @pl.when(c < NRC)
            def _():
                r0 = c * RZC
                pltpu.sync_copy(acc_sh.at[pl.ds(r0, RZC)],
                                out_hbm.at[cid, pl.ds(r0, RZC)])

            return carry

        lax.fori_loop(0, NZJ, ochunk, 0)

    return prop_kernel(hhat, src3, dst3)


def _tc_pre(degp, x, W1):

    def body(degp_ref, x_ref, w_ref, dinv_ref, hhat_ref):
        deg = degp_ref[0, :, 0:1] + degp_ref[1, :, 0:1] + 1.0
        dinv = lax.rsqrt(jnp.maximum(deg, 1.0))
        dinvb = jnp.broadcast_to(dinv, (BT, HID))
        dinv_ref[...] = dinvb
        hhat_ref[...] = (
            jnp.dot(x_ref[...], w_ref[...], preferred_element_type=jnp.float32)
            * dinvb
        )

    return pl.pallas_call(
        body,
        grid=(GT,),
        in_specs=[
            pl.BlockSpec((NC, BT, 16), lambda i: (0, i, 0)),
            pl.BlockSpec((BT, DIN), lambda i: (i, 0)),
            pl.BlockSpec((DIN, HID), lambda i: (0, 0)),
        ],
        out_specs=[
            pl.BlockSpec((BT, HID), lambda i: (i, 0)),
            pl.BlockSpec((BT, HID), lambda i: (i, 0)),
        ],
        out_shape=[
            jax.ShapeDtypeStruct((N, HID), jnp.float32),
            jax.ShapeDtypeStruct((N, HID), jnp.float32),
        ],
    )(degp, x, W1)


def _tc_mid(accp, hhat, dinv, b2d, Wn):

    def body(accp_ref, hhat_ref, dinv_ref, b_ref, w_ref, h_ref, hn_ref):
        t = (accp_ref[0] + accp_ref[1] + hhat_ref[...]) * dinv_ref[...] \
            + b_ref[...]
        h = jnp.maximum(t, 0.0)
        h_ref[...] = h
        hn_ref[...] = (
            jnp.dot(h, w_ref[...], preferred_element_type=jnp.float32)
            * dinv_ref[...]
        )

    return pl.pallas_call(
        body,
        grid=(GT,),
        in_specs=[
            pl.BlockSpec((NC, BT, HID), lambda i: (0, i, 0)),
            pl.BlockSpec((BT, HID), lambda i: (i, 0)),
            pl.BlockSpec((BT, HID), lambda i: (i, 0)),
            pl.BlockSpec((1, HID), lambda i: (0, 0)),
            pl.BlockSpec((HID, HID), lambda i: (0, 0)),
        ],
        out_specs=[
            pl.BlockSpec((BT, HID), lambda i: (i, 0)),
            pl.BlockSpec((BT, HID), lambda i: (i, 0)),
        ],
        out_shape=[
            jax.ShapeDtypeStruct((N, HID), jnp.float32),
            jax.ShapeDtypeStruct((N, HID), jnp.float32),
        ],
    )(accp, hhat, dinv, b2d, Wn)


def _tc_fin(accp, hhat3, dinv, b2d, h1, h2, Wl, bl2d):

    def body(accp_ref, hhat_ref, dinv_ref, b_ref, h1_ref, h2_ref, wl_ref,
             bl_ref, out_ref):
        t = (accp_ref[0] + accp_ref[1] + hhat_ref[...]) * dinv_ref[...] \
            + b_ref[...]
        h3 = jnp.maximum(t, 0.0)
        acc = jnp.dot(h1_ref[...], wl_ref[0:HID, :],
                      preferred_element_type=jnp.float32)
        acc += jnp.dot(h2_ref[...], wl_ref[HID:2 * HID, :],
                       preferred_element_type=jnp.float32)
        acc += jnp.dot(h3, wl_ref[2 * HID:3 * HID, :],
                       preferred_element_type=jnp.float32)
        out_ref[...] = acc + bl_ref[...]

    return pl.pallas_call(
        body,
        grid=(GT,),
        in_specs=[
            pl.BlockSpec((NC, BT, HID), lambda i: (0, i, 0)),
            pl.BlockSpec((BT, HID), lambda i: (i, 0)),
            pl.BlockSpec((BT, HID), lambda i: (i, 0)),
            pl.BlockSpec((1, HID), lambda i: (0, 0)),
            pl.BlockSpec((BT, HID), lambda i: (i, 0)),
            pl.BlockSpec((BT, HID), lambda i: (i, 0)),
            pl.BlockSpec((3 * HID, DOUT), lambda i: (0, 0)),
            pl.BlockSpec((1, DOUT), lambda i: (0, 0)),
        ],
        out_specs=pl.BlockSpec((BT, DOUT), lambda i: (i, 0)),
        out_shape=jax.ShapeDtypeStruct((N, DOUT), jnp.float32),
    )(accp, hhat3, dinv, b2d, h1, h2, Wl, bl2d)


def kernel(x, edge_index, W1, b1, W2, b2, W3, b3, Wl, bl):
    src3 = edge_index[0].reshape(NW, CH, K)
    dst3 = edge_index[1].reshape(NW, CH, K)

    degp = _sc_degree(dst3)
    dinv, hhat1 = _tc_pre(degp, x, W1)

    acc1 = _sc_propagate(hhat1, src3, dst3)
    h1, hhat2 = _tc_mid(acc1, hhat1, dinv, b1.reshape(1, HID), W2)

    acc2 = _sc_propagate(hhat2, src3, dst3)
    h2, hhat3 = _tc_mid(acc2, hhat2, dinv, b2.reshape(1, HID), W3)

    acc3 = _sc_propagate(hhat3, src3, dst3)
    out = _tc_fin(acc3, hhat3, dinv, b3.reshape(1, HID), h1, h2, Wl,
                  bl.reshape(1, DOUT))
    return out

# --- scband reference (transcript-rebuilt; emitter-appended) ---
"""Pipeline reference for scband-jknet-12343736009310 (READ-ONLY COPY).

The authoritative reference and input builder live on the scoring server;
editing this copy changes nothing except your own understanding.
"""

import jax, jax.numpy as jnp
import numpy as np

N = 10000
E = 320000
DIN = 128
HID = 128
DOUT = 64
N_LAYERS = 3

def setup_inputs(seed: int = 0) -> dict:
    key = jax.random.key(seed)
    ks = jax.random.split(key, 12)
    x = jax.random.normal(ks[0], (N, DIN), dtype=jnp.float32)
    edge_index = jax.random.randint(ks[1], (2, E), 0, N, dtype=jnp.int32)
    W1 = jax.random.normal(ks[2], (DIN, HID), dtype=jnp.float32) * (1.0 / np.sqrt(DIN))
    b1 = jnp.zeros((HID,), dtype=jnp.float32)
    W2 = jax.random.normal(ks[3], (HID, HID), dtype=jnp.float32) * (1.0 / np.sqrt(HID))
    b2 = jnp.zeros((HID,), dtype=jnp.float32)
    W3 = jax.random.normal(ks[4], (HID, HID), dtype=jnp.float32) * (1.0 / np.sqrt(HID))
    b3 = jnp.zeros((HID,), dtype=jnp.float32)
    Wl = jax.random.normal(ks[5], (HID * N_LAYERS, DOUT), dtype=jnp.float32) * (1.0 / np.sqrt(HID * N_LAYERS))
    bl = jnp.zeros((DOUT,), dtype=jnp.float32)
    return {"x": x, "edge_index": edge_index, "W1": W1, "b1": b1, "W2": W2, "b2": b2, "W3": W3, "b3": b3, "Wl": Wl, "bl": bl}


def _gcn_conv(h, src, dst, W, b):
    # PyG GCNConv: linear transform, then symmetric-normalized propagation with self-loops
    h = h @ W
    loop = jnp.arange(N, dtype=src.dtype)
    s = jnp.concatenate([src, loop])
    d = jnp.concatenate([dst, loop])
    deg = jnp.zeros((N,), dtype=jnp.float32).at[d].add(1.0)
    dinv = 1.0 / jnp.sqrt(jnp.maximum(deg, 1.0))
    norm = dinv[s] * dinv[d]
    msg = h[s] * norm[:, None]
    out = jnp.zeros_like(h).at[d].add(msg)
    return out + b


def reference(x, edge_index, W1, b1, W2, b2, W3, b3, Wl, bl):
    src = edge_index[0]
    dst = edge_index[1]
    xs = []
    h = x
    for (W, b) in ((W1, b1), (W2, b2), (W3, b3)):
        h = jax.nn.relu(_gcn_conv(h, src, dst, W, b))
        xs.append(h)
    # JumpingKnowledge mode='cat'
    cat = jnp.concatenate(xs, axis=1)
    return cat @ Wl + bl

if __name__ == "__main__":
    import jax
    _d = setup_inputs()
    print(jax.jit(kernel)(*tuple(_d.values())))

</pallas_src>

<mosaic_0001>
#map = affine_map<(d0, d1) -> (0, 0)>
#map1 = affine_map<(d0, d1) -> (0, 0, 0)>
module attributes {stable_mosaic.version = 14 : i64} {
  func.func @prop_kernel(%arg0: i32, %arg1: i32, %arg2: memref<10000x128xf32, #tpu.memory_space<hbm>>, %arg3: memref<32x125x80xi32, #tpu.memory_space<hbm>>, %arg4: memref<32x125x80xi32, #tpu.memory_space<hbm>>, %arg5: memref<2x10000x128xf32, #tpu.memory_space<hbm>>, %arg6: memref<63x80xi32, #tpu.memory_space<vmem>>, %arg7: memref<63x80xi32, #tpu.memory_space<vmem>>, %arg8: memref<80x128xf32, #tpu.memory_space<vmem>>, %arg9: memref<80x128xf32, #tpu.memory_space<vmem>>, %arg10: memref<80x128xf32, #tpu.memory_space<vmem>>, %arg11: memref<80x128xf32, #tpu.memory_space<vmem>>, %arg12: memref<10000x128xf32, #tpu.memory_space<vmem_shared>>, %arg13: memref<!tpu.dma_semaphore, #tpu.memory_space<semaphore_mem>>, %arg14: memref<!tpu.dma_semaphore, #tpu.memory_space<semaphore_mem>>, %arg15: memref<!tpu.dma_semaphore, #tpu.memory_space<semaphore_mem>>, %arg16: memref<!tpu.dma_semaphore, #tpu.memory_space<semaphore_mem>>, %arg17: memref<!tpu.dma_semaphore, #tpu.memory_space<semaphore_mem>>, %arg18: memref<!tpu.dma_semaphore, #tpu.memory_space<semaphore_mem>>, %arg19: memref<!tpu.dma_semaphore, #tpu.memory_space<semaphore_mem>>, %arg20: memref<!tpu.dma_semaphore, #tpu.memory_space<semaphore_mem>>) attributes {dimension_semantics = [#tpu.dimension_semantics<core_parallel>, #tpu.dimension_semantics<subcore_parallel>], iteration_bounds = array<i64: 2, 16>, scalar_prefetch = 0 : i64, scratch_operands = 15 : i64, tpu.core_type = #tpu.core_type<sc_vector_subcore>, window_params = [{transform_indices = #map}, {transform_indices = #map1}, {transform_indices = #map1}, {transform_indices = #map1}]} {
    %mul3A = arith.constant 16 : i32
    %mul3A_0 = arith.muli %arg0, %mul3A : i32
    %add3A = arith.addi %mul3A_0, %arg1 : i32
    %dma_start3A = arith.constant 0 : i32
    %dma_start3A_1 = arith.constant 0 : i32
    %dma_start3A_2 = tpu.memref_slice %arg3[%add3A, %dma_start3A, %dma_start3A_1] : memref<32x125x80xi32, #tpu.memory_space<hbm>> -> memref<1x63x80xi32, #tpu.memory_space<hbm>>
    %dma_start3A_3 = tpu.memref_squeeze %dma_start3A_2 : memref<1x63x80xi32, #tpu.memory_space<hbm>> -> memref<63x80xi32, #tpu.memory_space<hbm>>
    %dma_start3A_4 = arith.constant 0 : i32
    %dma_start3A_5 = arith.constant 0 : i32
    %dma_start3A_6 = tpu.memref_slice %arg3[%add3A, %dma_start3A_4, %dma_start3A_5] : memref<32x125x80xi32, #tpu.memory_space<hbm>> -> memref<1x63x80xi32, #tpu.memory_space<hbm>>
    %dma_start3A_7 = tpu.memref_squeeze %dma_start3A_6 : memref<1x63x80xi32, #tpu.memory_space<hbm>> -> memref<63x80xi32, #tpu.memory_space<hbm>>
    tpu.enqueue_dma source(%dma_start3A_7 : memref<63x80xi32, #tpu.memory_space<hbm>>) target(%arg6 : memref<63x80xi32, #tpu.memory_space<vmem>>) target_semaphore(%arg13 : memref<!tpu.dma_semaphore, #tpu.memory_space<semaphore_mem>>)
    %dma_start3A_8 = arith.constant 0 : i32
    %dma_start3A_9 = arith.constant 0 : i32
    %dma_start3A_10 = tpu.memref_slice %arg4[%add3A, %dma_start3A_8, %dma_start3A_9] : memref<32x125x80xi32, #tpu.memory_space<hbm>> -> memref<1x63x80xi32, #tpu.memory_space<hbm>>
    %dma_start3A_11 = tpu.memref_squeeze %dma_start3A_10 : memref<1x63x80xi32, #tpu.memory_space<hbm>> -> memref<63x80xi32, #tpu.memory_space<hbm>>
    %dma_start3A_12 = arith.constant 0 : i32
    %dma_start3A_13 = arith.constant 0 : i32
    %dma_start3A_14 = tpu.memref_slice %arg4[%add3A, %dma_start3A_12, %dma_start3A_13] : memref<32x125x80xi32, #tpu.memory_space<hbm>> -> memref<1x63x80xi32, #tpu.memory_space<hbm>>
    %dma_start3A_15 = tpu.memref_squeeze %dma_start3A_14 : memref<1x63x80xi32, #tpu.memory_space<hbm>> -> memref<63x80xi32, #tpu.memory_space<hbm>>
    tpu.enqueue_dma source(%dma_start3A_15 : memref<63x80xi32, #tpu.memory_space<hbm>>) target(%arg7 : memref<63x80xi32, #tpu.memory_space<vmem>>) target_semaphore(%arg14 : memref<!tpu.dma_semaphore, #tpu.memory_space<semaphore_mem>>)
    %scan3A = arith.constant 0 : i32
    %scan3A_16 = arith.constant 0 : i32
    %scan3A_17 = arith.constant 80 : i32
    %scan3A_18 = arith.addi %scan3A_16, %scan3A_17 : i32
    %scan3A_19 = arith.constant 1 : i32
    scf.for %scan3A_191 = %scan3A_16 to %scan3A_18 step %scan3A_19  : i32 {
      %broadcast_in_dim3A = arith.constant 0.000000e+00 : f32
      %broadcast_in_dim3A_192 = vector.broadcast %broadcast_in_dim3A : f32 to vector<16xf32>
      %swap3A = arith.index_cast %scan3A_191 : i32 to index
      %swap3A_193 = arith.constant 0 : index
      %swap3A_194 = tpu.vector_load %arg8[%swap3A, %swap3A_193] {strides = array<i32>} : memref<80x128xf32, #tpu.memory_space<vmem>>, vector<1x16xf32>,
      %swap3A_195 = vector.shape_cast %swap3A_194 : vector<1x16xf32> to vector<16xf32>
      %swap3A_196 = vector.shape_cast %broadcast_in_dim3A_192 : vector<16xf32> to vector<1x16xf32>
      tpu.vector_store %arg8[%swap3A, %swap3A_193], %swap3A_196 {strides = array<i32>} : memref<80x128xf32, #tpu.memory_space<vmem>>, vector<1x16xf32>,
      %broadcast_in_dim3A_197 = arith.constant 0.000000e+00 : f32
      %broadcast_in_dim3A_198 = vector.broadcast %broadcast_in_dim3A_197 : f32 to vector<16xf32>
      %swap3A_199 = arith.index_cast %scan3A_191 : i32 to index
      %swap3A_200 = arith.constant 16 : index
      %swap3A_201 = tpu.vector_load %arg8[%swap3A_199, %swap3A_200] {strides = array<i32>} : memref<80x128xf32, #tpu.memory_space<vmem>>, vector<1x16xf32>,
      %swap3A_202 = vector.shape_cast %swap3A_201 : vector<1x16xf32> to vector<16xf32>
      %swap3A_203 = vector.shape_cast %broadcast_in_dim3A_198 : vector<16xf32> to vector<1x16xf32>
      tpu.vector_store %arg8[%swap3A_199, %swap3A_200], %swap3A_203 {strides = array<i32>} : memref<80x128xf32, #tpu.memory_space<vmem>>, vector<1x16xf32>,
      %broadcast_in_dim3A_204 = arith.constant 0.000000e+00 : f32
      %broadcast_in_dim3A_205 = vector.broadcast %broadcast_in_dim3A_204 : f32 to vector<16xf32>
      %swap3A_206 = arith.index_cast %scan3A_191 : i32 to index
      %swap3A_207 = arith.constant 32 : index
      %swap3A_208 = tpu.vector_load %arg8[%swap3A_206, %swap3A_207] {strides = array<i32>} : memref<80x128xf32, #tpu.memory_space<vmem>>, vector<1x16xf32>,
      %swap3A_209 = vector.shape_cast %swap3A_208 : vector<1x16xf32> to vector<16xf32>
      %swap3A_210 = vector.shape_cast %broadcast_in_dim3A_205 : vector<16xf32> to vector<1x16xf32>
      tpu.vector_store %arg8[%swap3A_206, %swap3A_207], %swap3A_210 {strides = array<i32>} : memref<80x128xf32, #tpu.memory_space<vmem>>, vector<1x16xf32>,
      %broadcast_in_dim3A_211 = arith.constant 0.000000e+00 : f32
      %broadcast_in_dim3A_212 = vector.broadcast %broadcast_in_dim3A_211 : f32 to vector<16xf32>
      %swap3A_213 = arith.index_cast %scan3A_191 : i32 to index
      %swap3A_214 = arith.constant 48 : index
      %swap3A_215 = tpu.vector_load %arg8[%swap3A_213, %swap3A_214] {strides = array<i32>} : memref<80x128xf32, #tpu.memory_space<vmem>>, vector<1x16xf32>,
      %swap3A_216 = vector.shape_cast %swap3A_215 : vector<1x16xf32> to vector<16xf32>
      %swap3A_217 = vector.shape_cast %broadcast_in_dim3A_212 : vector<16xf32> to vector<1x16xf32>
      tpu.vector_store %arg8[%swap3A_213, %swap3A_214], %swap3A_217 {strides = array<i32>} : memref<80x128xf32, #tpu.memory_space<vmem>>, vector<1x16xf32>,
      %broadcast_in_dim3A_218 = arith.constant 0.000000e+00 : f32
      %broadcast_in_dim3A_219 = vector.broadcast %broadcast_in_dim3A_218 : f32 to vector<16xf32>
      %swap3A_220 = arith.index_cast %scan3A_191 : i32 to index
      %swap3A_221 = arith.constant 64 : index
      %swap3A_222 = tpu.vector_load %arg8[%swap3A_220, %swap3A_221] {strides = array<i32>} : memref<80x128xf32, #tpu.memory_space<vmem>>, vector<1x16xf32>,
      %swap3A_223 = vector.shape_cast %swap3A_222 : vector<1x16xf32> to vector<16xf32>
      %swap3A_224 = vector.shape_cast %broadcast_in_dim3A_219 : vector<16xf32> to vector<1x16xf32>
      tpu.vector_store %arg8[%swap3A_220, %swap3A_221], %swap3A_224 {strides = array<i32>} : memref<80x128xf32, #tpu.memory_space<vmem>>, vector<1x16xf32>,
      %broadcast_in_dim3A_225 = arith.constant 0.000000e+00 : f32
      %broadcast_in_dim3A_226 = vector.broadcast %broadcast_in_dim3A_225 : f32 to vector<16xf32>
      %swap3A_227 = arith.index_cast %scan3A_191 : i32 to index
      %swap3A_228 = arith.constant 80 : index
      %swap3A_229 = tpu.vector_load %arg8[%swap3A_227, %swap3A_228] {strides = array<i32>} : memref<80x128xf32, #tpu.memory_space<vmem>>, vector<1x16xf32>,
      %swap3A_230 = vector.shape_cast %swap3A_229 : vector<1x16xf32> to vector<16xf32>
      %swap3A_231 = vector.shape_cast %broadcast_in_dim3A_226 : vector<16xf32> to vector<1x16xf32>
      tpu.vector_store %arg8[%swap3A_227, %swap3A_228], %swap3A_231 {strides = array<i32>} : memref<80x128xf32, #tpu.memory_space<vmem>>, vector<1x16xf32>,
      %broadcast_in_dim3A_232 = arith.constant 0.000000e+00 : f32
      %broadcast_in_dim3A_233 = vector.broadcast %broadcast_in_dim3A_232 : f32 to vector<16xf32>
      %swap3A_234 = arith.index_cast %scan3A_191 : i32 to index
      %swap3A_235 = arith.constant 96 : index
      %swap3A_236 = tpu.vector_load %arg8[%swap3A_234, %swap3A_235] {strides = array<i32>} : memref<80x128xf32, #tpu.memory_space<vmem>>, vector<1x16xf32>,
      %swap3A_237 = vector.shape_cast %swap3A_236 : vector<1x16xf32> to vector<16xf32>
      %swap3A_238 = vector.shape_cast %broadcast_in_dim3A_233 : vector<16xf32> to vector<1x16xf32>
      tpu.vector_store %arg8[%swap3A_234, %swap3A_235], %swap3A_238 {strides = array<i32>} : memref<80x128xf32, #tpu.memory_space<vmem>>, vector<1x16xf32>,
      %broadcast_in_dim3A_239 = arith.constant 0.000000e+00 : f32
      %broadcast_in_dim3A_240 = vector.broadcast %broadcast_in_dim3A_239 : f32 to vector<16xf32>
      %swap3A_241 = arith.index_cast %scan3A_191 : i32 to index
      %swap3A_242 = arith.constant 112 : index
      %swap3A_243 = tpu.vector_load %arg8[%swap3A_241, %swap3A_242] {strides = array<i32>} : memref<80x128xf32, #tpu.memory_space<vmem>>, vector<1x16xf32>,
      %swap3A_244 = vector.shape_cast %swap3A_243 : vector<1x16xf32> to vector<16xf32>
      %swap3A_245 = vector.shape_cast %broadcast_in_dim3A_240 : vector<16xf32> to vector<1x16xf32>
      tpu.vector_store %arg8[%swap3A_241, %swap3A_242], %swap3A_245 {strides = array<i32>} : memref<80x128xf32, #tpu.memory_space<vmem>>, vector<1x16xf32>,
    }
    %scan3A_20 = arith.constant 80 : i32
    %scan3A_21 = arith.constant 0 : i32
    %scan3A_22 = arith.constant 0 : i32
    %scan3A_23 = arith.constant 8 : i32
    %scan3A_24 = arith.addi %scan3A_22, %scan3A_23 : i32
    %scan3A_25 = arith.constant 1 : i32
    scf.for %scan3A_191 = %scan3A_22 to %scan3A_24 step %scan3A_25  : i32 {
      %mul3A_192 = arith.constant 16 : i32
      %mul3A_193 = arith.muli %scan3A_191, %mul3A_192 : i32
      %add3A_194 = arith.addi %arg1, %mul3A_193 : i32
      %lt3A = arith.constant 125 : i32
      %lt3A_195 = arith.cmpi slt, %add3A_194, %lt3A : i32
      %convert_element_type3A = arith.extui %lt3A_195 : i1 to i32
      %cond3A = arith.constant 0 : i32
      %cond3A_196 = arith.cmpi ne, %convert_element_type3A, %cond3A : i32
      scf.if %cond3A_196 {
        %mul3A_197 = arith.constant 80 : i32
        %mul3A_198 = arith.muli %add3A_194, %mul3A_197 : i32
        "tpu.region"() ({
          %run_scoped3A_199 = tpu.sem_alloc : memref<!tpu.dma_semaphore, #tpu.memory_space<semaphore_mem>>
          %dma_start3A_200 = arith.constant 0 : i32
          %dma_start3A_201 = tpu.memref_slice %arg12[%mul3A_198, %dma_start3A_200] : memref<10000x128xf32, #tpu.memory_space<vmem_shared>> -> memref<80x128xf32, #tpu.memory_space<vmem_shared>>
          %dma_start3A_202 = arith.constant 0 : i32
          %dma_start3A_203 = tpu.memref_slice %arg12[%mul3A_198, %dma_start3A_202] : memref<10000x128xf32, #tpu.memory_space<vmem_shared>> -> memref<80x128xf32, #tpu.memory_space<vmem_shared>>
          tpu.enqueue_dma source(%arg8 : memref<80x128xf32, #tpu.memory_space<vmem>>) target(%dma_start3A_203 : memref<80x128xf32, #tpu.memory_space<vmem_shared>>) target_semaphore(%run_scoped3A_199 : memref<!tpu.dma_semaphore, #tpu.memory_space<semaphore_mem>>)
          %dma_wait3A_204 = arith.constant 0 : i32
          %dma_wait3A_205 = tpu.memref_slice %arg12[%mul3A_198, %dma_wait3A_204] : memref<10000x128xf32, #tpu.memory_space<vmem_shared>> -> memref<80x128xf32, #tpu.memory_space<vmem_shared>>
          %dma_wait3A_206 = arith.constant 0 : i32
          %dma_wait3A_207 = tpu.memref_slice %arg12[%mul3A_198, %dma_wait3A_206] : memref<10000x128xf32, #tpu.memory_space<vmem_shared>> -> memref<80x128xf32, #tpu.memory_space<vmem_shared>>
          tpu.wait_dma2 semaphore(%run_scoped3A_199 : memref<!tpu.dma_semaphore, #tpu.memory_space<semaphore_mem>>) src(%arg8 : memref<80x128xf32, #tpu.memory_space<vmem>>) dst(%dma_wait3A_207 : memref<80x128xf32, #tpu.memory_space<vmem_shared>>)
          tpu.yield
        }) : () -> ()
      } else {
      }
    }
    %scan3A_26 = arith.constant 8 : i32
    %dma_wait3A = arith.constant 0 : i32
    %dma_wait3A_27 = arith.constant 0 : i32
    %dma_wait3A_28 = tpu.memref_slice %arg3[%add3A, %dma_wait3A, %dma_wait3A_27] : memref<32x125x80xi32, #tpu.memory_space<hbm>> -> memref<1x63x80xi32, #tpu.memory_space<hbm>>
    %dma_wait3A_29 = tpu.memref_squeeze %dma_wait3A_28 : memref<1x63x80xi32, #tpu.memory_space<hbm>> -> memref<63x80xi32, #tpu.memory_space<hbm>>
    %dma_wait3A_30 = arith.constant 0 : i32
    %dma_wait3A_31 = arith.constant 0 : i32
    %dma_wait3A_32 = tpu.memref_slice %arg3[%add3A, %dma_wait3A_30, %dma_wait3A_31] : memref<32x125x80xi32, #tpu.memory_space<hbm>> -> memref<1x63x80xi32, #tpu.memory_space<hbm>>
    %dma_wait3A_33 = tpu.memref_squeeze %dma_wait3A_32 : memref<1x63x80xi32, #tpu.memory_space<hbm>> -> memref<63x80xi32, #tpu.memory_space<hbm>>
    tpu.wait_dma2 semaphore(%arg13 : memref<!tpu.dma_semaphore, #tpu.memory_space<semaphore_mem>>) src(%dma_wait3A_33 : memref<63x80xi32, #tpu.memory_space<hbm>>) dst(%arg6 : memref<63x80xi32, #tpu.memory_space<vmem>>)
    %dma_wait3A_34 = arith.constant 0 : i32
    %dma_wait3A_35 = arith.constant 0 : i32
    %dma_wait3A_36 = tpu.memref_slice %arg4[%add3A, %dma_wait3A_34, %dma_wait3A_35] : memref<32x125x80xi32, #tpu.memory_space<hbm>> -> memref<1x63x80xi32, #tpu.memory_space<hbm>>
    %dma_wait3A_37 = tpu.memref_squeeze %dma_wait3A_36 : memref<1x63x80xi32, #tpu.memory_space<hbm>> -> memref<63x80xi32, #tpu.memory_space<hbm>>
    %dma_wait3A_38 = arith.constant 0 : i32
    %dma_wait3A_39 = arith.constant 0 : i32
    %dma_wait3A_40 = tpu.memref_slice %arg4[%add3A, %dma_wait3A_38, %dma_wait3A_39] : memref<32x125x80xi32, #tpu.memory_space<hbm>> -> memref<1x63x80xi32, #tpu.memory_space<hbm>>
    %dma_wait3A_41 = tpu.memref_squeeze %dma_wait3A_40 : memref<1x63x80xi32, #tpu.memory_space<hbm>> -> memref<63x80xi32, #tpu.memory_space<hbm>>
    tpu.wait_dma2 semaphore(%arg14 : memref<!tpu.dma_semaphore, #tpu.memory_space<semaphore_mem>>) src(%dma_wait3A_41 : memref<63x80xi32, #tpu.memory_space<hbm>>) dst(%arg7 : memref<63x80xi32, #tpu.memory_space<vmem>>)
    %barrier3A = arith.constant 0 : index
    tpu.barrier barrier_id(%barrier3A)
    %dma_start3A_42 = arith.constant 0 : i32
    %dma_start3A_43 = arith.constant 0 : i32
    %dma_start3A_44 = tpu.memref_slice %arg6[%dma_start3A_42, %dma_start3A_43] : memref<63x80xi32, #tpu.memory_space<vmem>> -> memref<1x80xi32, #tpu.memory_space<vmem>>
    %dma_start3A_45 = tpu.memref_squeeze %dma_start3A_44 : memref<1x80xi32, #tpu.memory_space<vmem>> -> memref<80xi32, #tpu.memory_space<vmem>>
    %dma_start3A_46 = arith.constant 0 : i32
    %dma_start3A_47 = arith.constant 0 : i32
    %dma_start3A_48 = tpu.memref_slice %arg2[%dma_start3A_46, %dma_start3A_47] : memref<10000x128xf32, #tpu.memory_space<hbm>> -> memref<10000x128xf32, #tpu.memory_space<hbm>>
    tpu.enqueue_indirect_dma source(%dma_start3A_48 : memref<10000x128xf32, #tpu.memory_space<hbm>>) target(%arg8 : memref<80x128xf32, #tpu.memory_space<vmem>>) offsets(%dma_start3A_45 : memref<80xi32, #tpu.memory_space<vmem>>) semaphore(%arg13 : memref<!tpu.dma_semaphore, #tpu.memory_space<semaphore_mem>>)
    %dma_start3A_49 = arith.constant 1 : i32
    %dma_start3A_50 = arith.constant 0 : i32
    %dma_start3A_51 = tpu.memref_slice %arg6[%dma_start3A_49, %dma_start3A_50] : memref<63x80xi32, #tpu.memory_space<vmem>> -> memref<1x80xi32, #tpu.memory_space<vmem>>
    %dma_start3A_52 = tpu.memref_squeeze %dma_start3A_51 : memref<1x80xi32, #tpu.memory_space<vmem>> -> memref<80xi32, #tpu.memory_space<vmem>>
    %dma_start3A_53 = arith.constant 0 : i32
    %dma_start3A_54 = arith.constant 0 : i32
    %dma_start3A_55 = tpu.memref_slice %arg2[%dma_start3A_53, %dma_start3A_54] : memref<10000x128xf32, #tpu.memory_space<hbm>> -> memref<10000x128xf32, #tpu.memory_space<hbm>>
    tpu.enqueue_indirect_dma source(%dma_start3A_55 : memref<10000x128xf32, #tpu.memory_space<hbm>>) target(%arg9 : memref<80x128xf32, #tpu.memory_space<vmem>>) offsets(%dma_start3A_52 : memref<80xi32, #tpu.memory_space<vmem>>) semaphore(%arg14 : memref<!tpu.dma_semaphore, #tpu.memory_space<semaphore_mem>>)
    %dma_start3A_56 = arith.constant 2 : i32
    %dma_start3A_57 = arith.constant 0 : i32
    %dma_start3A_58 = tpu.memref_slice %arg6[%dma_start3A_56, %dma_start3A_57] : memref<63x80xi32, #tpu.memory_space<vmem>> -> memref<1x80xi32, #tpu.memory_space<vmem>>
    %dma_start3A_59 = tpu.memref_squeeze %dma_start3A_58 : memref<1x80xi32, #tpu.memory_space<vmem>> -> memref<80xi32, #tpu.memory_space<vmem>>
    %dma_start3A_60 = arith.constant 0 : i32
    %dma_start3A_61 = arith.constant 0 : i32
    %dma_start3A_62 = tpu.memref_slice %arg2[%dma_start3A_60, %dma_start3A_61] : memref<10000x128xf32, #tpu.memory_space<hbm>> -> memref<10000x128xf32, #tpu.memory_space<hbm>>
    tpu.enqueue_indirect_dma source(%dma_start3A_62 : memref<10000x128xf32, #tpu.memory_space<hbm>>) target(%arg10 : memref<80x128xf32, #tpu.memory_space<vmem>>) offsets(%dma_start3A_59 : memref<80xi32, #tpu.memory_space<vmem>>) semaphore(%arg15 : memref<!tpu.dma_semaphore, #tpu.memory_space<semaphore_mem>>)
    %dma_start3A_63 = arith.constant 3 : i32
    %dma_start3A_64 = arith.constant 0 : i32
    %dma_start3A_65 = tpu.memref_slice %arg6[%dma_start3A_63, %dma_start3A_64] : memref<63x80xi32, #tpu.memory_space<vmem>> -> memref<1x80xi32, #tpu.memory_space<vmem>>
    %dma_start3A_66 = tpu.memref_squeeze %dma_start3A_65 : memref<1x80xi32, #tpu.memory_space<vmem>> -> memref<80xi32, #tpu.memory_space<vmem>>
    %dma_start3A_67 = arith.constant 0 : i32
    %dma_start3A_68 = arith.constant 0 : i32
    %dma_start3A_69 = tpu.memref_slice %arg2[%dma_start3A_67, %dma_start3A_68] : memref<10000x128xf32, #tpu.memory_space<hbm>> -> memref<10000x128xf32, #tpu.memory_space<hbm>>
    tpu.enqueue_indirect_dma source(%dma_start3A_69 : memref<10000x128xf32, #tpu.memory_space<hbm>>) target(%arg11 : memref<80x128xf32, #tpu.memory_space<vmem>>) offsets(%dma_start3A_66 : memref<80xi32, #tpu.memory_space<vmem>>) semaphore(%arg16 : memref<!tpu.dma_semaphore, #tpu.memory_space<semaphore_mem>>)
    %scan3A_70 = arith.constant 0 : i32
    %scan3A_71 = arith.constant 0 : i32
    %scan3A_72 = arith.constant 15 : i32
    %scan3A_73 = arith.addi %scan3A_71, %scan3A_72 : i32
    %scan3A_74 = arith.constant 1 : i32
    scf.for %scan3A_191 = %scan3A_71 to %scan3A_73 step %scan3A_74  : i32 {
      %mul3A_192 = arith.constant 4 : i32
      %mul3A_193 = arith.muli %scan3A_191, %mul3A_192 : i32
      %add3A_194 = arith.constant 0 : i32
      %add3A_195 = arith.addi %mul3A_193, %add3A_194 : i32
      %dma_wait3A_196 = arith.constant 0 : i32
      %dma_wait3A_197 = tpu.memref_slice %arg6[%add3A_195, %dma_wait3A_196] : memref<63x80xi32, #tpu.memory_space<vmem>> -> memref<1x80xi32, #tpu.memory_space<vmem>>
      %dma_wait3A_198 = tpu.memref_squeeze %dma_wait3A_197 : memref<1x80xi32, #tpu.memory_space<vmem>> -> memref<80xi32, #tpu.memory_space<vmem>>
      %dma_wait3A_199 = arith.constant 0 : i32
      %dma_wait3A_200 = arith.constant 0 : i32
      %dma_wait3A_201 = tpu.memref_slice %arg2[%dma_wait3A_199, %dma_wait3A_200] : memref<10000x128xf32, #tpu.memory_space<hbm>> -> memref<10000x128xf32, #tpu.memory_space<hbm>>
      tpu.wait_indirect_dma semaphore(%arg13 : memref<!tpu.dma_semaphore, #tpu.memory_space<semaphore_mem>>) src(%dma_wait3A_201 : memref<10000x128xf32, #tpu.memory_space<hbm>>) dst(%arg8 : memref<80x128xf32, #tpu.memory_space<vmem>>)
      %add3A_202 = arith.constant 0 : i32
      %add3A_203 = arith.addi %mul3A_193, %add3A_202 : i32
      %dma_start3A_204 = arith.constant 0 : i32
      %dma_start3A_205 = tpu.memref_slice %arg7[%add3A_203, %dma_start3A_204] : memref<63x80xi32, #tpu.memory_space<vmem>> -> memref<1x80xi32, #tpu.memory_space<vmem>>
      %dma_start3A_206 = tpu.memref_squeeze %dma_start3A_205 : memref<1x80xi32, #tpu.memory_space<vmem>> -> memref<80xi32, #tpu.memory_space<vmem>>
      %dma_start3A_207 = arith.constant 0 : i32
      %dma_start3A_208 = arith.constant 0 : i32
      %dma_start3A_209 = tpu.memref_slice %arg12[%dma_start3A_207, %dma_start3A_208] : memref<10000x128xf32, #tpu.memory_space<vmem_shared>> -> memref<10000x128xf32, #tpu.memory_space<vmem_shared>>
      tpu.enqueue_indirect_dma source(%arg8 : memref<80x128xf32, #tpu.memory_space<vmem>>) target(%dma_start3A_209 : memref<10000x128xf32, #tpu.memory_space<vmem_shared>>) offsets(%dma_start3A_206 : memref<80xi32, #tpu.memory_space<vmem>>) semaphore(%arg17 : memref<!tpu.dma_semaphore, #tpu.memory_space<semaphore_mem>>) {add = true}
      %add3A_210 = arith.constant 1 : i32
      %add3A_211 = arith.addi %mul3A_193, %add3A_210 : i32
      %dma_wait3A_212 = arith.constant 0 : i32
      %dma_wait3A_213 = tpu.memref_slice %arg6[%add3A_211, %dma_wait3A_212] : memref<63x80xi32, #tpu.memory_space<vmem>> -> memref<1x80xi32, #tpu.memory_space<vmem>>
      %dma_wait3A_214 = tpu.memref_squeeze %dma_wait3A_213 : memref<1x80xi32, #tpu.memory_space<vmem>> -> memref<80xi32, #tpu.memory_space<vmem>>
      %dma_wait3A_215 = arith.constant 0 : i32
      %dma_wait3A_216 = arith.constant 0 : i32
      %dma_wait3A_217 = tpu.memref_slice %arg2[%dma_wait3A_215, %dma_wait3A_216] : memref<10000x128xf32, #tpu.memory_space<hbm>> -> memref<10000x128xf32, #tpu.memory_space<hbm>>
      tpu.wait_indirect_dma semaphore(%arg14 : memref<!tpu.dma_semaphore, #tpu.memory_space<semaphore_mem>>) src(%dma_wait3A_217 : memref<10000x128xf32, #tpu.memory_space<hbm>>) dst(%arg9 : memref<80x128xf32, #tpu.memory_space<vmem>>)
      %add3A_218 = arith.constant 1 : i32
      %add3A_219 = arith.addi %mul3A_193, %add3A_218 : i32
      %dma_start3A_220 = arith.constant 0 : i32
      %dma_start3A_221 = tpu.memref_slice %arg7[%add3A_219, %dma_start3A_220] : memref<63x80xi32, #tpu.memory_space<vmem>> -> memref<1x80xi32, #tpu.memory_space<vmem>>
      %dma_start3A_222 = tpu.memref_squeeze %dma_start3A_221 : memref<1x80xi32, #tpu.memory_space<vmem>> -> memref<80xi32, #tpu.memory_space<vmem>>
      %dma_start3A_223 = arith.constant 0 : i32
      %dma_start3A_224 = arith.constant 0 : i32
      %dma_start3A_225 = tpu.memref_slice %arg12[%dma_start3A_223, %dma_start3A_224] : memref<10000x128xf32, #tpu.memory_space<vmem_shared>> -> memref<10000x128xf32, #tpu.memory_space<vmem_shared>>
      tpu.enqueue_indirect_dma source(%arg9 : memref<80x128xf32, #tpu.memory_space<vmem>>) target(%dma_start3A_225 : memref<10000x128xf32, #tpu.memory_space<vmem_shared>>) offsets(%dma_start3A_222 : memref<80xi32, #tpu.memory_space<vmem>>) semaphore(%arg18 : memref<!tpu.dma_semaphore, #tpu.memory_space<semaphore_mem>>) {add = true}
      %add3A_226 = arith.constant 2 : i32
      %add3A_227 = arith.addi %mul3A_193, %add3A_226 : i32
      %dma_wait3A_228 = arith.constant 0 : i32
      %dma_wait3A_229 = tpu.memref_slice %arg6[%add3A_227, %dma_wait3A_228] : memref<63x80xi32, #tpu.memory_space<vmem>> -> memref<1x80xi32, #tpu.memory_space<vmem>>
      %dma_wait3A_230 = tpu.memref_squeeze %dma_wait3A_229 : memref<1x80xi32, #tpu.memory_space<vmem>> -> memref<80xi32, #tpu.memory_space<vmem>>
      %dma_wait3A_231 = arith.constant 0 : i32
      %dma_wait3A_232 = arith.constant 0 : i32
      %dma_wait3A_233 = tpu.memref_slice %arg2[%dma_wait3A_231, %dma_wait3A_232] : memref<10000x128xf32, #tpu.memory_space<hbm>> -> memref<10000x128xf32, #tpu.memory_space<hbm>>
      tpu.wait_indirect_dma semaphore(%arg15 : memref<!tpu.dma_semaphore, #tpu.memory_space<semaphore_mem>>) src(%dma_wait3A_233 : memref<10000x128xf32, #tpu.memory_space<hbm>>) dst(%arg10 : memref<80x128xf32, #tpu.memory_space<vmem>>)
      %add3A_234 = arith.constant 2 : i32
      %add3A_235 = arith.addi %mul3A_193, %add3A_234 : i32
      %dma_start3A_236 = arith.constant 0 : i32
      %dma_start3A_237 = tpu.memref_slice %arg7[%add3A_235, %dma_start3A_236] : memref<63x80xi32, #tpu.memory_space<vmem>> -> memref<1x80xi32, #tpu.memory_space<vmem>>
      %dma_start3A_238 = tpu.memref_squeeze %dma_start3A_237 : memref<1x80xi32, #tpu.memory_space<vmem>> -> memref<80xi32, #tpu.memory_space<vmem>>
      %dma_start3A_239 = arith.constant 0 : i32
      %dma_start3A_240 = arith.constant 0 : i32
      %dma_start3A_241 = tpu.memref_slice %arg12[%dma_start3A_239, %dma_start3A_240] : memref<10000x128xf32, #tpu.memory_space<vmem_shared>> -> memref<10000x128xf32, #tpu.memory_space<vmem_shared>>
      tpu.enqueue_indirect_dma source(%arg10 : memref<80x128xf32, #tpu.memory_space<vmem>>) target(%dma_start3A_241 : memref<10000x128xf32, #tpu.memory_space<vmem_shared>>) offsets(%dma_start3A_238 : memref<80xi32, #tpu.memory_space<vmem>>) semaphore(%arg19 : memref<!tpu.dma_semaphore, #tpu.memory_space<semaphore_mem>>) {add = true}
      %add3A_242 = arith.constant 3 : i32
      %add3A_243 = arith.addi %mul3A_193, %add3A_242 : i32
      %dma_wait3A_244 = arith.constant 0 : i32
      %dma_wait3A_245 = tpu.memref_slice %arg6[%add3A_243, %dma_wait3A_244] : memref<63x80xi32, #tpu.memory_space<vmem>> -> memref<1x80xi32, #tpu.memory_space<vmem>>
      %dma_wait3A_246 = tpu.memref_squeeze %dma_wait3A_245 : memref<1x80xi32, #tpu.memory_space<vmem>> -> memref<80xi32, #tpu.memory_space<vmem>>
      %dma_wait3A_247 = arith.constant 0 : i32
      %dma_wait3A_248 = arith.constant 0 : i32
      %dma_wait3A_249 = tpu.memref_slice %arg2[%dma_wait3A_247, %dma_wait3A_248] : memref<10000x128xf32, #tpu.memory_space<hbm>> -> memref<10000x128xf32, #tpu.memory_space<hbm>>
      tpu.wait_indirect_dma semaphore(%arg16 : memref<!tpu.dma_semaphore, #tpu.memory_space<semaphore_mem>>) src(%dma_wait3A_249 : memref<10000x128xf32, #tpu.memory_space<hbm>>) dst(%arg11 : memref<80x128xf32, #tpu.memory_space<vmem>>)
      %add3A_250 = arith.constant 3 : i32
      %add3A_251 = arith.addi %mul3A_193, %add3A_250 : i32
      %dma_start3A_252 = arith.constant 0 : i32
      %dma_start3A_253 = tpu.memref_slice %arg7[%add3A_251, %dma_start3A_252] : memref<63x80xi32, #tpu.memory_space<vmem>> -> memref<1x80xi32, #tpu.memory_space<vmem>>
      %dma_start3A_254 = tpu.memref_squeeze %dma_start3A_253 : memref<1x80xi32, #tpu.memory_space<vmem>> -> memref<80xi32, #tpu.memory_space<vmem>>
      %dma_start3A_255 = arith.constant 0 : i32
      %dma_start3A_256 = arith.constant 0 : i32
      %dma_start3A_257 = tpu.memref_slice %arg12[%dma_start3A_255, %dma_start3A_256] : memref<10000x128xf32, #tpu.memory_space<vmem_shared>> -> memref<10000x128xf32, #tpu.memory_space<vmem_shared>>
      tpu.enqueue_indirect_dma source(%arg11 : memref<80x128xf32, #tpu.memory_space<vmem>>) target(%dma_start3A_257 : memref<10000x128xf32, #tpu.memory_space<vmem_shared>>) offsets(%dma_start3A_254 : memref<80xi32, #tpu.memory_space<vmem>>) semaphore(%arg20 : memref<!tpu.dma_semaphore, #tpu.memory_space<semaphore_mem>>) {add = true}
      %dma_wait3A_258 = arith.constant 0 : i32
      %dma_wait3A_259 = tpu.memref_slice %arg7[%add3A_203, %dma_wait3A_258] : memref<63x80xi32, #tpu.memory_space<vmem>> -> memref<1x80xi32, #tpu.memory_space<vmem>>
      %dma_wait3A_260 = tpu.memref_squeeze %dma_wait3A_259 : memref<1x80xi32, #tpu.memory_space<vmem>> -> memref<80xi32, #tpu.memory_space<vmem>>
      %dma_wait3A_261 = arith.constant 0 : i32
      %dma_wait3A_262 = arith.constant 0 : i32
      %dma_wait3A_263 = tpu.memref_slice %arg12[%dma_wait3A_261, %dma_wait3A_262] : memref<10000x128xf32, #tpu.memory_space<vmem_shared>> -> memref<10000x128xf32, #tpu.memory_space<vmem_shared>>
      tpu.wait_indirect_dma semaphore(%arg17 : memref<!tpu.dma_semaphore, #tpu.memory_space<semaphore_mem>>) src(%arg8 : memref<80x128xf32, #tpu.memory_space<vmem>>) dst(%dma_wait3A_263 : memref<10000x128xf32, #tpu.memory_space<vmem_shared>>)
      %lt3A = arith.constant 14 : i32
      %lt3A_264 = arith.cmpi slt, %scan3A_191, %lt3A : i32
      %convert_element_type3A = arith.extui %lt3A_264 : i1 to i32
      %cond3A = arith.constant 0 : i32
      %cond3A_265 = arith.cmpi ne, %convert_element_type3A, %cond3A : i32
      scf.if %cond3A_265 {
        %add3A_299 = arith.constant 4 : i32
        %add3A_300 = arith.addi %mul3A_193, %add3A_299 : i32
        %add3A_301 = arith.constant 0 : i32
        %add3A_302 = arith.addi %add3A_300, %add3A_301 : i32
        %dma_start3A_303 = arith.constant 0 : i32
        %dma_start3A_304 = tpu.memref_slice %arg6[%add3A_302, %dma_start3A_303] : memref<63x80xi32, #tpu.memory_space<vmem>> -> memref<1x80xi32, #tpu.memory_space<vmem>>
        %dma_start3A_305 = tpu.memref_squeeze %dma_start3A_304 : memref<1x80xi32, #tpu.memory_space<vmem>> -> memref<80xi32, #tpu.memory_space<vmem>>
        %dma_start3A_306 = arith.constant 0 : i32
        %dma_start3A_307 = arith.constant 0 : i32
        %dma_start3A_308 = tpu.memref_slice %arg2[%dma_start3A_306, %dma_start3A_307] : memref<10000x128xf32, #tpu.memory_space<hbm>> -> memref<10000x128xf32, #tpu.memory_space<hbm>>
        tpu.enqueue_indirect_dma source(%dma_start3A_308 : memref<10000x128xf32, #tpu.memory_space<hbm>>) target(%arg8 : memref<80x128xf32, #tpu.memory_space<vmem>>) offsets(%dma_start3A_305 : memref<80xi32, #tpu.memory_space<vmem>>) semaphore(%arg13 : memref<!tpu.dma_semaphore, #tpu.memory_space<semaphore_mem>>)
      } else {
      }
      %dma_wait3A_266 = arith.constant 0 : i32
      %dma_wait3A_267 = tpu.memref_slice %arg7[%add3A_219, %dma_wait3A_266] : memref<63x80xi32, #tpu.memory_space<vmem>> -> memref<1x80xi32, #tpu.memory_space<vmem>>
      %dma_wait3A_268 = tpu.memref_squeeze %dma_wait3A_267 : memref<1x80xi32, #tpu.memory_space<vmem>> -> memref<80xi32, #tpu.memory_space<vmem>>
      %dma_wait3A_269 = arith.constant 0 : i32
      %dma_wait3A_270 = arith.constant 0 : i32
      %dma_wait3A_271 = tpu.memref_slice %arg12[%dma_wait3A_269, %dma_wait3A_270] : memref<10000x128xf32, #tpu.memory_space<vmem_shared>> -> memref<10000x128xf32, #tpu.memory_space<vmem_shared>>
      tpu.wait_indirect_dma semaphore(%arg18 : memref<!tpu.dma_semaphore, #tpu.memory_space<semaphore_mem>>) src(%arg9 : memref<80x128xf32, #tpu.memory_space<vmem>>) dst(%dma_wait3A_271 : memref<10000x128xf32, #tpu.memory_space<vmem_shared>>)
      %lt3A_272 = arith.constant 14 : i32
      %lt3A_273 = arith.cmpi slt, %scan3A_191, %lt3A_272 : i32
      %convert_element_type3A_274 = arith.extui %lt3A_273 : i1 to i32
      %cond3A_275 = arith.constant 0 : i32
      %cond3A_276 = arith.cmpi ne, %convert_element_type3A_274, %cond3A_275 : i32
      scf.if %cond3A_276 {
        %add3A_299 = arith.constant 4 : i32
        %add3A_300 = arith.addi %mul3A_193, %add3A_299 : i32
        %add3A_301 = arith.constant 1 : i32
        %add3A_302 = arith.addi %add3A_300, %add3A_301 : i32
        %dma_start3A_303 = arith.constant 0 : i32
        %dma_start3A_304 = tpu.memref_slice %arg6[%add3A_302, %dma_start3A_303] : memref<63x80xi32, #tpu.memory_space<vmem>> -> memref<1x80xi32, #tpu.memory_space<vmem>>
        %dma_start3A_305 = tpu.memref_squeeze %dma_start3A_304 : memref<1x80xi32, #tpu.memory_space<vmem>> -> memref<80xi32, #tpu.memory_space<vmem>>
        %dma_start3A_306 = arith.constant 0 : i32
        %dma_start3A_307 = arith.constant 0 : i32
        %dma_start3A_308 = tpu.memref_slice %arg2[%dma_start3A_306, %dma_start3A_307] : memref<10000x128xf32, #tpu.memory_space<hbm>> -> memref<10000x128xf32, #tpu.memory_space<hbm>>
        tpu.enqueue_indirect_dma source(%dma_start3A_308 : memref<10000x128xf32, #tpu.memory_space<hbm>>) target(%arg9 : memref<80x128xf32, #tpu.memory_space<vmem>>) offsets(%dma_start3A_305 : memref<80xi32, #tpu.memory_space<vmem>>) semaphore(%arg14 : memref<!tpu.dma_semaphore, #tpu.memory_space<semaphore_mem>>)
      } else {
      }
      %dma_wait3A_277 = arith.constant 0 : i32
      %dma_wait3A_278 = tpu.memref_slice %arg7[%add3A_235, %dma_wait3A_277] : memref<63x80xi32, #tpu.memory_space<vmem>> -> memref<1x80xi32, #tpu.memory_space<vmem>>
      %dma_wait3A_279 = tpu.memref_squeeze %dma_wait3A_278 : memref<1x80xi32, #tpu.memory_space<vmem>> -> memref<80xi32, #tpu.memory_space<vmem>>
      %dma_wait3A_280 = arith.constant 0 : i32
      %dma_wait3A_281 = arith.constant 0 : i32
      %dma_wait3A_282 = tpu.memref_slice %arg12[%dma_wait3A_280, %dma_wait3A_281] : memref<10000x128xf32, #tpu.memory_space<vmem_shared>> -> memref<10000x128xf32, #tpu.memory_space<vmem_shared>>
      tpu.wait_indirect_dma semaphore(%arg19 : memref<!tpu.dma_semaphore, #tpu.memory_space<semaphore_mem>>) src(%arg10 : memref<80x128xf32, #tpu.memory_space<vmem>>) dst(%dma_wait3A_282 : memref<10000x128xf32, #tpu.memory_space<vmem_shared>>)
      %lt3A_283 = arith.constant 14 : i32
      %lt3A_284 = arith.cmpi slt, %scan3A_191, %lt3A_283 : i32
      %convert_element_type3A_285 = arith.extui %lt3A_284 : i1 to i32
      %cond3A_286 = arith.constant 0 : i32
      %cond3A_287 = arith.cmpi ne, %convert_element_type3A_285, %cond3A_286 : i32
      scf.if %cond3A_287 {
        %add3A_299 = arith.constant 4 : i32
        %add3A_300 = arith.addi %mul3A_193, %add3A_299 : i32
        %add3A_301 = arith.constant 2 : i32
        %add3A_302 = arith.addi %add3A_300, %add3A_301 : i32
        %dma_start3A_303 = arith.constant 0 : i32
        %dma_start3A_304 = tpu.memref_slice %arg6[%add3A_302, %dma_start3A_303] : memref<63x80xi32, #tpu.memory_space<vmem>> -> memref<1x80xi32, #tpu.memory_space<vmem>>
        %dma_start3A_305 = tpu.memref_squeeze %dma_start3A_304 : memref<1x80xi32, #tpu.memory_space<vmem>> -> memref<80xi32, #tpu.memory_space<vmem>>
        %dma_start3A_306 = arith.constant 0 : i32
        %dma_start3A_307 = arith.constant 0 : i32
        %dma_start3A_308 = tpu.memref_slice %arg2[%dma_start3A_306, %dma_start3A_307] : memref<10000x128xf32, #tpu.memory_space<hbm>> -> memref<10000x128xf32, #tpu.memory_space<hbm>>
        tpu.enqueue_indirect_dma source(%dma_start3A_308 : memref<10000x128xf32, #tpu.memory_space<hbm>>) target(%arg10 : memref<80x128xf32, #tpu.memory_space<vmem>>) offsets(%dma_start3A_305 : memref<80xi32, #tpu.memory_space<vmem>>) semaphore(%arg15 : memref<!tpu.dma_semaphore, #tpu.memory_space<semaphore_mem>>)
      } else {
      }
      %dma_wait3A_288 = arith.constant 0 : i32
      %dma_wait3A_289 = tpu.memref_slice %arg7[%add3A_251, %dma_wait3A_288] : memref<63x80xi32, #tpu.memory_space<vmem>> -> memref<1x80xi32, #tpu.memory_space<vmem>>
      %dma_wait3A_290 = tpu.memref_squeeze %dma_wait3A_289 : memref<1x80xi32, #tpu.memory_space<vmem>> -> memref<80xi32, #tpu.memory_space<vmem>>
      %dma_wait3A_291 = arith.constant 0 : i32
      %dma_wait3A_292 = arith.constant 0 : i32
      %dma_wait3A_293 = tpu.memref_slice %arg12[%dma_wait3A_291, %dma_wait3A_292] : memref<10000x128xf32, #tpu.memory_space<vmem_shared>> -> memref<10000x128xf32, #tpu.memory_space<vmem_shared>>
      tpu.wait_indirect_dma semaphore(%arg20 : memref<!tpu.dma_semaphore, #tpu.memory_space<semaphore_mem>>) src(%arg11 : memref<80x128xf32, #tpu.memory_space<vmem>>) dst(%dma_wait3A_293 : memref<10000x128xf32, #tpu.memory_space<vmem_shared>>)
      %lt3A_294 = arith.constant 14 : i32
      %lt3A_295 = arith.cmpi slt, %scan3A_191, %lt3A_294 : i32
      %convert_element_type3A_296 = arith.extui %lt3A_295 : i1 to i32
      %cond3A_297 = arith.constant 0 : i32
      %cond3A_298 = arith.cmpi ne, %convert_element_type3A_296, %cond3A_297 : i32
      scf.if %cond3A_298 {
        %add3A_299 = arith.constant 4 : i32
        %add3A_300 = arith.addi %mul3A_193, %add3A_299 : i32
        %add3A_301 = arith.constant 3 : i32
        %add3A_302 = arith.addi %add3A_300, %add3A_301 : i32
        %dma_start3A_303 = arith.constant 0 : i32
        %dma_start3A_304 = tpu.memref_slice %arg6[%add3A_302, %dma_start3A_303] : memref<63x80xi32, #tpu.memory_space<vmem>> -> memref<1x80xi32, #tpu.memory_space<vmem>>
        %dma_start3A_305 = tpu.memref_squeeze %dma_start3A_304 : memref<1x80xi32, #tpu.memory_space<vmem>> -> memref<80xi32, #tpu.memory_space<vmem>>
        %dma_start3A_306 = arith.constant 0 : i32
        %dma_start3A_307 = arith.constant 0 : i32
        %dma_start3A_308 = tpu.memref_slice %arg2[%dma_start3A_306, %dma_start3A_307] : memref<10000x128xf32, #tpu.memory_space<hbm>> -> memref<10000x128xf32, #tpu.memory_space<hbm>>
        tpu.enqueue_indirect_dma source(%dma_start3A_308 : memref<10000x128xf32, #tpu.memory_space<hbm>>) target(%arg11 : memref<80x128xf32, #tpu.memory_space<vmem>>) offsets(%dma_start3A_305 : memref<80xi32, #tpu.memory_space<vmem>>) semaphore(%arg16 : memref<!tpu.dma_semaphore, #tpu.memory_space<semaphore_mem>>)
      } else {
      }
    }
    %scan3A_75 = arith.constant 15 : i32
    %dma_start3A_76 = arith.constant 60 : i32
    %dma_start3A_77 = arith.constant 0 : i32
    %dma_start3A_78 = tpu.memref_slice %arg6[%dma_start3A_76, %dma_start3A_77] : memref<63x80xi32, #tpu.memory_space<vmem>> -> memref<1x80xi32, #tpu.memory_space<vmem>>
    %dma_start3A_79 = tpu.memref_squeeze %dma_start3A_78 : memref<1x80xi32, #tpu.memory_space<vmem>> -> memref<80xi32, #tpu.memory_space<vmem>>
    %dma_start3A_80 = arith.constant 0 : i32
    %dma_start3A_81 = arith.constant 0 : i32
    %dma_start3A_82 = tpu.memref_slice %arg2[%dma_start3A_80, %dma_start3A_81] : memref<10000x128xf32, #tpu.memory_space<hbm>> -> memref<10000x128xf32, #tpu.memory_space<hbm>>
    tpu.enqueue_indirect_dma source(%dma_start3A_82 : memref<10000x128xf32, #tpu.memory_space<hbm>>) target(%arg8 : memref<80x128xf32, #tpu.memory_space<vmem>>) offsets(%dma_start3A_79 : memref<80xi32, #tpu.memory_space<vmem>>) semaphore(%arg13 : memref<!tpu.dma_semaphore, #tpu.memory_space<semaphore_mem>>)
    %dma_wait3A_83 = arith.constant 60 : i32
    %dma_wait3A_84 = arith.constant 0 : i32
    %dma_wait3A_85 = tpu.memref_slice %arg6[%dma_wait3A_83, %dma_wait3A_84] : memref<63x80xi32, #tpu.memory_space<vmem>> -> memref<1x80xi32, #tpu.memory_space<vmem>>
    %dma_wait3A_86 = tpu.memref_squeeze %dma_wait3A_85 : memref<1x80xi32, #tpu.memory_space<vmem>> -> memref<80xi32, #tpu.memory_space<vmem>>
    %dma_wait3A_87 = arith.constant 0 : i32
    %dma_wait3A_88 = arith.constant 0 : i32
    %dma_wait3A_89 = tpu.memref_slice %arg2[%dma_wait3A_87, %dma_wait3A_88] : memref<10000x128xf32, #tpu.memory_space<hbm>> -> memref<10000x128xf32, #tpu.memory_space<hbm>>
    tpu.wait_indirect_dma semaphore(%arg13 : memref<!tpu.dma_semaphore, #tpu.memory_space<semaphore_mem>>) src(%dma_wait3A_89 : memref<10000x128xf32, #tpu.memory_space<hbm>>) dst(%arg8 : memref<80x128xf32, #tpu.memory_space<vmem>>)
    %run_scoped3A = arith.constant 60 : i32
    "tpu.region"() ({
      %run_scoped3A_191 = tpu.sem_alloc : memref<!tpu.dma_semaphore, #tpu.memory_space<semaphore_mem>>
      %dma_start3A_192 = arith.constant 0 : i32
      %dma_start3A_193 = tpu.memref_slice %arg7[%run_scoped3A, %dma_start3A_192] : memref<63x80xi32, #tpu.memory_space<vmem>> -> memref<1x80xi32, #tpu.memory_space<vmem>>
      %dma_start3A_194 = tpu.memref_squeeze %dma_start3A_193 : memref<1x80xi32, #tpu.memory_space<vmem>> -> memref<80xi32, #tpu.memory_space<vmem>>
      %dma_start3A_195 = arith.constant 0 : i32
      %dma_start3A_196 = arith.constant 0 : i32
      %dma_start3A_197 = tpu.memref_slice %arg12[%dma_start3A_195, %dma_start3A_196] : memref<10000x128xf32, #tpu.memory_space<vmem_shared>> -> memref<10000x128xf32, #tpu.memory_space<vmem_shared>>
      tpu.enqueue_indirect_dma source(%arg8 : memref<80x128xf32, #tpu.memory_space<vmem>>) target(%dma_start3A_197 : memref<10000x128xf32, #tpu.memory_space<vmem_shared>>) offsets(%dma_start3A_194 : memref<80xi32, #tpu.memory_space<vmem>>) semaphore(%run_scoped3A_191 : memref<!tpu.dma_semaphore, #tpu.memory_space<semaphore_mem>>) {add = true}
      %dma_wait3A_198 = arith.constant 0 : i32
      %dma_wait3A_199 = tpu.memref_slice %arg7[%run_scoped3A, %dma_wait3A_198] : memref<63x80xi32, #tpu.memory_space<vmem>> -> memref<1x80xi32, #tpu.memory_space<vmem>>
      %dma_wait3A_200 = tpu.memref_squeeze %dma_wait3A_199 : memref<1x80xi32, #tpu.memory_space<vmem>> -> memref<80xi32, #tpu.memory_space<vmem>>
      %dma_wait3A_201 = arith.constant 0 : i32
      %dma_wait3A_202 = arith.constant 0 : i32
      %dma_wait3A_203 = tpu.memref_slice %arg12[%dma_wait3A_201, %dma_wait3A_202] : memref<10000x128xf32, #tpu.memory_space<vmem_shared>> -> memref<10000x128xf32, #tpu.memory_space<vmem_shared>>
      tpu.wait_indirect_dma semaphore(%run_scoped3A_191 : memref<!tpu.dma_semaphore, #tpu.memory_space<semaphore_mem>>) src(%arg8 : memref<80x128xf32, #tpu.memory_space<vmem>>) dst(%dma_wait3A_203 : memref<10000x128xf32, #tpu.memory_space<vmem_shared>>)
      tpu.yield
    }) : () -> ()
    %dma_start3A_90 = arith.constant 61 : i32
    %dma_start3A_91 = arith.constant 0 : i32
    %dma_start3A_92 = tpu.memref_slice %arg6[%dma_start3A_90, %dma_start3A_91] : memref<63x80xi32, #tpu.memory_space<vmem>> -> memref<1x80xi32, #tpu.memory_space<vmem>>
    %dma_start3A_93 = tpu.memref_squeeze %dma_start3A_92 : memref<1x80xi32, #tpu.memory_space<vmem>> -> memref<80xi32, #tpu.memory_space<vmem>>
    %dma_start3A_94 = arith.constant 0 : i32
    %dma_start3A_95 = arith.constant 0 : i32
    %dma_start3A_96 = tpu.memref_slice %arg2[%dma_start3A_94, %dma_start3A_95] : memref<10000x128xf32, #tpu.memory_space<hbm>> -> memref<10000x128xf32, #tpu.memory_space<hbm>>
    tpu.enqueue_indirect_dma source(%dma_start3A_96 : memref<10000x128xf32, #tpu.memory_space<hbm>>) target(%arg9 : memref<80x128xf32, #tpu.memory_space<vmem>>) offsets(%dma_start3A_93 : memref<80xi32, #tpu.memory_space<vmem>>) semaphore(%arg14 : memref<!tpu.dma_semaphore, #tpu.memory_space<semaphore_mem>>)
    %dma_wait3A_97 = arith.constant 61 : i32
    %dma_wait3A_98 = arith.constant 0 : i32
    %dma_wait3A_99 = tpu.memref_slice %arg6[%dma_wait3A_97, %dma_wait3A_98] : memref<63x80xi32, #tpu.memory_space<vmem>> -> memref<1x80xi32, #tpu.memory_space<vmem>>
    %dma_wait3A_100 = tpu.memref_squeeze %dma_wait3A_99 : memref<1x80xi32, #tpu.memory_space<vmem>> -> memref<80xi32, #tpu.memory_space<vmem>>
    %dma_wait3A_101 = arith.constant 0 : i32
    %dma_wait3A_102 = arith.constant 0 : i32
    %dma_wait3A_103 = tpu.memref_slice %arg2[%dma_wait3A_101, %dma_wait3A_102] : memref<10000x128xf32, #tpu.memory_space<hbm>> -> memref<10000x128xf32, #tpu.memory_space<hbm>>
    tpu.wait_indirect_dma semaphore(%arg14 : memref<!tpu.dma_semaphore, #tpu.memory_space<semaphore_mem>>) src(%dma_wait3A_103 : memref<10000x128xf32, #tpu.memory_space<hbm>>) dst(%arg9 : memref<80x128xf32, #tpu.memory_space<vmem>>)
    %run_scoped3A_104 = arith.constant 61 : i32
    "tpu.region"() ({
      %run_scoped3A_191 = tpu.sem_alloc : memref<!tpu.dma_semaphore, #tpu.memory_space<semaphore_mem>>
      %dma_start3A_192 = arith.constant 0 : i32
      %dma_start3A_193 = tpu.memref_slice %arg7[%run_scoped3A_104, %dma_start3A_192] : memref<63x80xi32, #tpu.memory_space<vmem>> -> memref<1x80xi32, #tpu.memory_space<vmem>>
      %dma_start3A_194 = tpu.memref_squeeze %dma_start3A_193 : memref<1x80xi32, #tpu.memory_space<vmem>> -> memref<80xi32, #tpu.memory_space<vmem>>
      %dma_start3A_195 = arith.constant 0 : i32
      %dma_start3A_196 = arith.constant 0 : i32
      %dma_start3A_197 = tpu.memref_slice %arg12[%dma_start3A_195, %dma_start3A_196] : memref<10000x128xf32, #tpu.memory_space<vmem_shared>> -> memref<10000x128xf32, #tpu.memory_space<vmem_shared>>
      tpu.enqueue_indirect_dma source(%arg9 : memref<80x128xf32, #tpu.memory_space<vmem>>) target(%dma_start3A_197 : memref<10000x128xf32, #tpu.memory_space<vmem_shared>>) offsets(%dma_start3A_194 : memref<80xi32, #tpu.memory_space<vmem>>) semaphore(%run_scoped3A_191 : memref<!tpu.dma_semaphore, #tpu.memory_space<semaphore_mem>>) {add = true}
      %dma_wait3A_198 = arith.constant 0 : i32
      %dma_wait3A_199 = tpu.memref_slice %arg7[%run_scoped3A_104, %dma_wait3A_198] : memref<63x80xi32, #tpu.memory_space<vmem>> -> memref<1x80xi32, #tpu.memory_space<vmem>>
      %dma_wait3A_200 = tpu.memref_squeeze %dma_wait3A_199 : memref<1x80xi32, #tpu.memory_space<vmem>> -> memref<80xi32, #tpu.memory_space<vmem>>
      %dma_wait3A_201 = arith.constant 0 : i32
      %dma_wait3A_202 = arith.constant 0 : i32
      %dma_wait3A_203 = tpu.memref_slice %arg12[%dma_wait3A_201, %dma_wait3A_202] : memref<10000x128xf32, #tpu.memory_space<vmem_shared>> -> memref<10000x128xf32, #tpu.memory_space<vmem_shared>>
      tpu.wait_indirect_dma semaphore(%run_scoped3A_191 : memref<!tpu.dma_semaphore, #tpu.memory_space<semaphore_mem>>) src(%arg9 : memref<80x128xf32, #tpu.memory_space<vmem>>) dst(%dma_wait3A_203 : memref<10000x128xf32, #tpu.memory_space<vmem_shared>>)
      tpu.yield
    }) : () -> ()
    %dma_start3A_105 = arith.constant 62 : i32
    %dma_start3A_106 = arith.constant 0 : i32
    %dma_start3A_107 = tpu.memref_slice %arg6[%dma_start3A_105, %dma_start3A_106] : memref<63x80xi32, #tpu.memory_space<vmem>> -> memref<1x80xi32, #tpu.memory_space<vmem>>
    %dma_start3A_108 = tpu.memref_squeeze %dma_start3A_107 : memref<1x80xi32, #tpu.memory_space<vmem>> -> memref<80xi32, #tpu.memory_space<vmem>>
    %dma_start3A_109 = arith.constant 0 : i32
    %dma_start3A_110 = arith.constant 0 : i32
    %dma_start3A_111 = tpu.memref_slice %arg2[%dma_start3A_109, %dma_start3A_110] : memref<10000x128xf32, #tpu.memory_space<hbm>> -> memref<10000x128xf32, #tpu.memory_space<hbm>>
    tpu.enqueue_indirect_dma source(%dma_start3A_111 : memref<10000x128xf32, #tpu.memory_space<hbm>>) target(%arg10 : memref<80x128xf32, #tpu.memory_space<vmem>>) offsets(%dma_start3A_108 : memref<80xi32, #tpu.memory_space<vmem>>) semaphore(%arg15 : memref<!tpu.dma_semaphore, #tpu.memory_space<semaphore_mem>>)
    %dma_wait3A_112 = arith.constant 62 : i32
    %dma_wait3A_113 = arith.constant 0 : i32
    %dma_wait3A_114 = tpu.memref_slice %arg6[%dma_wait3A_112, %dma_wait3A_113] : memref<63x80xi32, #tpu.memory_space<vmem>> -> memref<1x80xi32, #tpu.memory_space<vmem>>
    %dma_wait3A_115 = tpu.memref_squeeze %dma_wait3A_114 : memref<1x80xi32, #tpu.memory_space<vmem>> -> memref<80xi32, #tpu.memory_space<vmem>>
    %dma_wait3A_116 = arith.constant 0 : i32
    %dma_wait3A_117 = arith.constant 0 : i32
    %dma_wait3A_118 = tpu.memref_slice %arg2[%dma_wait3A_116, %dma_wait3A_117] : memref<10000x128xf32, #tpu.memory_space<hbm>> -> memref<10000x128xf32, #tpu.memory_space<hbm>>
    tpu.wait_indirect_dma semaphore(%arg15 : memref<!tpu.dma_semaphore, #tpu.memory_space<semaphore_mem>>) src(%dma_wait3A_118 : memref<10000x128xf32, #tpu.memory_space<hbm>>) dst(%arg10 : memref<80x128xf32, #tpu.memory_space<vmem>>)
    %run_scoped3A_119 = arith.constant 62 : i32
    "tpu.region"() ({
      %run_scoped3A_191 = tpu.sem_alloc : memref<!tpu.dma_semaphore, #tpu.memory_space<semaphore_mem>>
      %dma_start3A_192 = arith.constant 0 : i32
      %dma_start3A_193 = tpu.memref_slice %arg7[%run_scoped3A_119, %dma_start3A_192] : memref<63x80xi32, #tpu.memory_space<vmem>> -> memref<1x80xi32, #tpu.memory_space<vmem>>
      %dma_start3A_194 = tpu.memref_squeeze %dma_start3A_193 : memref<1x80xi32, #tpu.memory_space<vmem>> -> memref<80xi32, #tpu.memory_space<vmem>>
      %dma_start3A_195 = arith.constant 0 : i32
      %dma_start3A_196 = arith.constant 0 : i32
      %dma_start3A_197 = tpu.memref_slice %arg12[%dma_start3A_195, %dma_start3A_196] : memref<10000x128xf32, #tpu.memory_space<vmem_shared>> -> memref<10000x128xf32, #tpu.memory_space<vmem_shared>>
      tpu.enqueue_indirect_dma source(%arg10 : memref<80x128xf32, #tpu.memory_space<vmem>>) target(%dma_start3A_197 : memref<10000x128xf32, #tpu.memory_space<vmem_shared>>) offsets(%dma_start3A_194 : memref<80xi32, #tpu.memory_space<vmem>>) semaphore(%run_scoped3A_191 : memref<!tpu.dma_semaphore, #tpu.memory_space<semaphore_mem>>) {add = true}
      %dma_wait3A_198 = arith.constant 0 : i32
      %dma_wait3A_199 = tpu.memref_slice %arg7[%run_scoped3A_119, %dma_wait3A_198] : memref<63x80xi32, #tpu.memory_space<vmem>> -> memref<1x80xi32, #tpu.memory_space<vmem>>
      %dma_wait3A_200 = tpu.memref_squeeze %dma_wait3A_199 : memref<1x80xi32, #tpu.memory_space<vmem>> -> memref<80xi32, #tpu.memory_space<vmem>>
      %dma_wait3A_201 = arith.constant 0 : i32
      %dma_wait3A_202 = arith.constant 0 : i32
      %dma_wait3A_203 = tpu.memref_slice %arg12[%dma_wait3A_201, %dma_wait3A_202] : memref<10000x128xf32, #tpu.memory_space<vmem_shared>> -> memref<10000x128xf32, #tpu.memory_space<vmem_shared>>
      tpu.wait_indirect_dma semaphore(%run_scoped3A_191 : memref<!tpu.dma_semaphore, #tpu.memory_space<semaphore_mem>>) src(%arg10 : memref<80x128xf32, #tpu.memory_space<vmem>>) dst(%dma_wait3A_203 : memref<10000x128xf32, #tpu.memory_space<vmem_shared>>)
      tpu.yield
    }) : () -> ()
    "tpu.region"() ({
      %run_scoped3A_191 = tpu.sem_alloc : memref<!tpu.dma_semaphore, #tpu.memory_space<semaphore_mem>>
      %dma_start3A_192 = arith.constant 0 : i32
      %dma_start3A_193 = arith.constant 0 : i32
      %dma_start3A_194 = tpu.memref_slice %arg6[%dma_start3A_192, %dma_start3A_193] : memref<63x80xi32, #tpu.memory_space<vmem>> -> memref<62x80xi32, #tpu.memory_space<vmem>>
      %dma_start3A_195 = arith.constant 63 : i32
      %dma_start3A_196 = arith.constant 0 : i32
      %dma_start3A_197 = tpu.memref_slice %arg3[%add3A, %dma_start3A_195, %dma_start3A_196] : memref<32x125x80xi32, #tpu.memory_space<hbm>> -> memref<1x62x80xi32, #tpu.memory_space<hbm>>
      %dma_start3A_198 = tpu.memref_squeeze %dma_start3A_197 : memref<1x62x80xi32, #tpu.memory_space<hbm>> -> memref<62x80xi32, #tpu.memory_space<hbm>>
      %dma_start3A_199 = arith.constant 0 : i32
      %dma_start3A_200 = arith.constant 0 : i32
      %dma_start3A_201 = tpu.memref_slice %arg6[%dma_start3A_199, %dma_start3A_200] : memref<63x80xi32, #tpu.memory_space<vmem>> -> memref<62x80xi32, #tpu.memory_space<vmem>>
      %dma_start3A_202 = arith.constant 63 : i32
      %dma_start3A_203 = arith.constant 0 : i32
      %dma_start3A_204 = tpu.memref_slice %arg3[%add3A, %dma_start3A_202, %dma_start3A_203] : memref<32x125x80xi32, #tpu.memory_space<hbm>> -> memref<1x62x80xi32, #tpu.memory_space<hbm>>
      %dma_start3A_205 = tpu.memref_squeeze %dma_start3A_204 : memref<1x62x80xi32, #tpu.memory_space<hbm>> -> memref<62x80xi32, #tpu.memory_space<hbm>>
      tpu.enqueue_dma source(%dma_start3A_205 : memref<62x80xi32, #tpu.memory_space<hbm>>) target(%dma_start3A_201 : memref<62x80xi32, #tpu.memory_space<vmem>>) target_semaphore(%run_scoped3A_191 : memref<!tpu.dma_semaphore, #tpu.memory_space<semaphore_mem>>)
      %dma_wait3A_206 = arith.constant 0 : i32
      %dma_wait3A_207 = arith.constant 0 : i32
      %dma_wait3A_208 = tpu.memref_slice %arg6[%dma_wait3A_206, %dma_wait3A_207] : memref<63x80xi32, #tpu.memory_space<vmem>> -> memref<62x80xi32, #tpu.memory_space<vmem>>
      %dma_wait3A_209 = arith.constant 63 : i32
      %dma_wait3A_210 = arith.constant 0 : i32
      %dma_wait3A_211 = tpu.memref_slice %arg3[%add3A, %dma_wait3A_209, %dma_wait3A_210] : memref<32x125x80xi32, #tpu.memory_space<hbm>> -> memref<1x62x80xi32, #tpu.memory_space<hbm>>
      %dma_wait3A_212 = tpu.memref_squeeze %dma_wait3A_211 : memref<1x62x80xi32, #tpu.memory_space<hbm>> -> memref<62x80xi32, #tpu.memory_space<hbm>>
      %dma_wait3A_213 = arith.constant 0 : i32
      %dma_wait3A_214 = arith.constant 0 : i32
      %dma_wait3A_215 = tpu.memref_slice %arg6[%dma_wait3A_213, %dma_wait3A_214] : memref<63x80xi32, #tpu.memory_space<vmem>> -> memref<62x80xi32, #tpu.memory_space<vmem>>
      %dma_wait3A_216 = arith.constant 63 : i32
      %dma_wait3A_217 = arith.constant 0 : i32
      %dma_wait3A_218 = tpu.memref_slice %arg3[%add3A, %dma_wait3A_216, %dma_wait3A_217] : memref<32x125x80xi32, #tpu.memory_space<hbm>> -> memref<1x62x80xi32, #tpu.memory_space<hbm>>
      %dma_wait3A_219 = tpu.memref_squeeze %dma_wait3A_218 : memref<1x62x80xi32, #tpu.memory_space<hbm>> -> memref<62x80xi32, #tpu.memory_space<hbm>>
      tpu.wait_dma2 semaphore(%run_scoped3A_191 : memref<!tpu.dma_semaphore, #tpu.memory_space<semaphore_mem>>) src(%dma_wait3A_219 : memref<62x80xi32, #tpu.memory_space<hbm>>) dst(%dma_wait3A_215 : memref<62x80xi32, #tpu.memory_space<vmem>>)
      tpu.yield
    }) : () -> ()
    "tpu.region"() ({
      %run_scoped3A_191 = tpu.sem_alloc : memref<!tpu.dma_semaphore, #tpu.memory_space<semaphore_mem>>
      %dma_start3A_192 = arith.constant 0 : i32
      %dma_start3A_193 = arith.constant 0 : i32
      %dma_start3A_194 = tpu.memref_slice %arg7[%dma_start3A_192, %dma_start3A_193] : memref<63x80xi32, #tpu.memory_space<vmem>> -> memref<62x80xi32, #tpu.memory_space<vmem>>
      %dma_start3A_195 = arith.constant 63 : i32
      %dma_start3A_196 = arith.constant 0 : i32
      %dma_start3A_197 = tpu.memref_slice %arg4[%add3A, %dma_start3A_195, %dma_start3A_196] : memref<32x125x80xi32, #tpu.memory_space<hbm>> -> memref<1x62x80xi32, #tpu.memory_space<hbm>>
      %dma_start3A_198 = tpu.memref_squeeze %dma_start3A_197 : memref<1x62x80xi32, #tpu.memory_space<hbm>> -> memref<62x80xi32, #tpu.memory_space<hbm>>
      %dma_start3A_199 = arith.constant 0 : i32
      %dma_start3A_200 = arith.constant 0 : i32
      %dma_start3A_201 = tpu.memref_slice %arg7[%dma_start3A_199, %dma_start3A_200] : memref<63x80xi32, #tpu.memory_space<vmem>> -> memref<62x80xi32, #tpu.memory_space<vmem>>
      %dma_start3A_202 = arith.constant 63 : i32
      %dma_start3A_203 = arith.constant 0 : i32
      %dma_start3A_204 = tpu.memref_slice %arg4[%add3A, %dma_start3A_202, %dma_start3A_203] : memref<32x125x80xi32, #tpu.memory_space<hbm>> -> memref<1x62x80xi32, #tpu.memory_space<hbm>>
      %dma_start3A_205 = tpu.memref_squeeze %dma_start3A_204 : memref<1x62x80xi32, #tpu.memory_space<hbm>> -> memref<62x80xi32, #tpu.memory_space<hbm>>
      tpu.enqueue_dma source(%dma_start3A_205 : memref<62x80xi32, #tpu.memory_space<hbm>>) target(%dma_start3A_201 : memref<62x80xi32, #tpu.memory_space<vmem>>) target_semaphore(%run_scoped3A_191 : memref<!tpu.dma_semaphore, #tpu.memory_space<semaphore_mem>>)
      %dma_wait3A_206 = arith.constant 0 : i32
      %dma_wait3A_207 = arith.constant 0 : i32
      %dma_wait3A_208 = tpu.memref_slice %arg7[%dma_wait3A_206, %dma_wait3A_207] : memref<63x80xi32, #tpu.memory_space<vmem>> -> memref<62x80xi32, #tpu.memory_space<vmem>>
      %dma_wait3A_209 = arith.constant 63 : i32
      %dma_wait3A_210 = arith.constant 0 : i32
      %dma_wait3A_211 = tpu.memref_slice %arg4[%add3A, %dma_wait3A_209, %dma_wait3A_210] : memref<32x125x80xi32, #tpu.memory_space<hbm>> -> memref<1x62x80xi32, #tpu.memory_space<hbm>>
      %dma_wait3A_212 = tpu.memref_squeeze %dma_wait3A_211 : memref<1x62x80xi32, #tpu.memory_space<hbm>> -> memref<62x80xi32, #tpu.memory_space<hbm>>
      %dma_wait3A_213 = arith.constant 0 : i32
      %dma_wait3A_214 = arith.constant 0 : i32
      %dma_wait3A_215 = tpu.memref_slice %arg7[%dma_wait3A_213, %dma_wait3A_214] : memref<63x80xi32, #tpu.memory_space<vmem>> -> memref<62x80xi32, #tpu.memory_space<vmem>>
      %dma_wait3A_216 = arith.constant 63 : i32
      %dma_wait3A_217 = arith.constant 0 : i32
      %dma_wait3A_218 = tpu.memref_slice %arg4[%add3A, %dma_wait3A_216, %dma_wait3A_217] : memref<32x125x80xi32, #tpu.memory_space<hbm>> -> memref<1x62x80xi32, #tpu.memory_space<hbm>>
      %dma_wait3A_219 = tpu.memref_squeeze %dma_wait3A_218 : memref<1x62x80xi32, #tpu.memory_space<hbm>> -> memref<62x80xi32, #tpu.memory_space<hbm>>
      tpu.wait_dma2 semaphore(%run_scoped3A_191 : memref<!tpu.dma_semaphore, #tpu.memory_space<semaphore_mem>>) src(%dma_wait3A_219 : memref<62x80xi32, #tpu.memory_space<hbm>>) dst(%dma_wait3A_215 : memref<62x80xi32, #tpu.memory_space<vmem>>)
      tpu.yield
    }) : () -> ()
    %dma_start3A_120 = arith.constant 0 : i32
    %dma_start3A_121 = arith.constant 0 : i32
    %dma_start3A_122 = tpu.memref_slice %arg6[%dma_start3A_120, %dma_start3A_121] : memref<63x80xi32, #tpu.memory_space<vmem>> -> memref<1x80xi32, #tpu.memory_space<vmem>>
    %dma_start3A_123 = tpu.memref_squeeze %dma_start3A_122 : memref<1x80xi32, #tpu.memory_space<vmem>> -> memref<80xi32, #tpu.memory_space<vmem>>
    %dma_start3A_124 = arith.constant 0 : i32
    %dma_start3A_125 = arith.constant 0 : i32
    %dma_start3A_126 = tpu.memref_slice %arg2[%dma_start3A_124, %dma_start3A_125] : memref<10000x128xf32, #tpu.memory_space<hbm>> -> memref<10000x128xf32, #tpu.memory_space<hbm>>
    tpu.enqueue_indirect_dma source(%dma_start3A_126 : memref<10000x128xf32, #tpu.memory_space<hbm>>) target(%arg8 : memref<80x128xf32, #tpu.memory_space<vmem>>) offsets(%dma_start3A_123 : memref<80xi32, #tpu.memory_space<vmem>>) semaphore(%arg13 : memref<!tpu.dma_semaphore, #tpu.memory_space<semaphore_mem>>)
    %dma_start3A_127 = arith.constant 1 : i32
    %dma_start3A_128 = arith.constant 0 : i32
    %dma_start3A_129 = tpu.memref_slice %arg6[%dma_start3A_127, %dma_start3A_128] : memref<63x80xi32, #tpu.memory_space<vmem>> -> memref<1x80xi32, #tpu.memory_space<vmem>>
    %dma_start3A_130 = tpu.memref_squeeze %dma_start3A_129 : memref<1x80xi32, #tpu.memory_space<vmem>> -> memref<80xi32, #tpu.memory_space<vmem>>
    %dma_start3A_131 = arith.constant 0 : i32
    %dma_start3A_132 = arith.constant 0 : i32
    %dma_start3A_133 = tpu.memref_slice %arg2[%dma_start3A_131, %dma_start3A_132] : memref<10000x128xf32, #tpu.memory_space<hbm>> -> memref<10000x128xf32, #tpu.memory_space<hbm>>
    tpu.enqueue_indirect_dma source(%dma_start3A_133 : memref<10000x128xf32, #tpu.memory_space<hbm>>) target(%arg9 : memref<80x128xf32, #tpu.memory_space<vmem>>) offsets(%dma_start3A_130 : memref<80xi32, #tpu.memory_space<vmem>>) semaphore(%arg14 : memref<!tpu.dma_semaphore, #tpu.memory_space<semaphore_mem>>)
    %dma_start3A_134 = arith.constant 2 : i32
    %dma_start3A_135 = arith.constant 0 : i32
    %dma_start3A_136 = tpu.memref_slice %arg6[%dma_start3A_134, %dma_start3A_135] : memref<63x80xi32, #tpu.memory_space<vmem>> -> memref<1x80xi32, #tpu.memory_space<vmem>>
    %dma_start3A_137 = tpu.memref_squeeze %dma_start3A_136 : memref<1x80xi32, #tpu.memory_space<vmem>> -> memref<80xi32, #tpu.memory_space<vmem>>
    %dma_start3A_138 = arith.constant 0 : i32
    %dma_start3A_139 = arith.constant 0 : i32
    %dma_start3A_140 = tpu.memref_slice %arg2[%dma_start3A_138, %dma_start3A_139] : memref<10000x128xf32, #tpu.memory_space<hbm>> -> memref<10000x128xf32, #tpu.memory_space<hbm>>
    tpu.enqueue_indirect_dma source(%dma_start3A_140 : memref<10000x128xf32, #tpu.memory_space<hbm>>) target(%arg10 : memref<80x128xf32, #tpu.memory_space<vmem>>) offsets(%dma_start3A_137 : memref<80xi32, #tpu.memory_space<vmem>>) semaphore(%arg15 : memref<!tpu.dma_semaphore, #tpu.memory_space<semaphore_mem>>)
    %dma_start3A_141 = arith.constant 3 : i32
    %dma_start3A_142 = arith.constant 0 : i32
    %dma_start3A_143 = tpu.memref_slice %arg6[%dma_start3A_141, %dma_start3A_142] : memref<63x80xi32, #tpu.memory_space<vmem>> -> memref<1x80xi32, #tpu.memory_space<vmem>>
    %dma_start3A_144 = tpu.memref_squeeze %dma_start3A_143 : memref<1x80xi32, #tpu.memory_space<vmem>> -> memref<80xi32, #tpu.memory_space<vmem>>
    %dma_start3A_145 = arith.constant 0 : i32
    %dma_start3A_146 = arith.constant 0 : i32
    %dma_start3A_147 = tpu.memref_slice %arg2[%dma_start3A_145, %dma_start3A_146] : memref<10000x128xf32, #tpu.memory_space<hbm>> -> memref<10000x128xf32, #tpu.memory_space<hbm>>
    tpu.enqueue_indirect_dma source(%dma_start3A_147 : memref<10000x128xf32, #tpu.memory_space<hbm>>) target(%arg11 : memref<80x128xf32, #tpu.memory_space<vmem>>) offsets(%dma_start3A_144 : memref<80xi32, #tpu.memory_space<vmem>>) semaphore(%arg16 : memref<!tpu.dma_semaphore, #tpu.memory_space<semaphore_mem>>)
    %scan3A_148 = arith.constant 0 : i32
    %scan3A_149 = arith.constant 0 : i32
    %scan3A_150 = arith.constant 15 : i32
    %scan3A_151 = arith.addi %scan3A_149, %scan3A_150 : i32
    %scan3A_152 = arith.constant 1 : i32
    scf.for %scan3A_191 = %scan3A_149 to %scan3A_151 step %scan3A_152  : i32 {
      %mul3A_192 = arith.constant 4 : i32
      %mul3A_193 = arith.muli %scan3A_191, %mul3A_192 : i32
      %add3A_194 = arith.constant 0 : i32
      %add3A_195 = arith.addi %mul3A_193, %add3A_194 : i32
      %dma_wait3A_196 = arith.constant 0 : i32
      %dma_wait3A_197 = tpu.memref_slice %arg6[%add3A_195, %dma_wait3A_196] : memref<63x80xi32, #tpu.memory_space<vmem>> -> memref<1x80xi32, #tpu.memory_space<vmem>>
      %dma_wait3A_198 = tpu.memref_squeeze %dma_wait3A_197 : memref<1x80xi32, #tpu.memory_space<vmem>> -> memref<80xi32, #tpu.memory_space<vmem>>
      %dma_wait3A_199 = arith.constant 0 : i32
      %dma_wait3A_200 = arith.constant 0 : i32
      %dma_wait3A_201 = tpu.memref_slice %arg2[%dma_wait3A_199, %dma_wait3A_200] : memref<10000x128xf32, #tpu.memory_space<hbm>> -> memref<10000x128xf32, #tpu.memory_space<hbm>>
      tpu.wait_indirect_dma semaphore(%arg13 : memref<!tpu.dma_semaphore, #tpu.memory_space<semaphore_mem>>) src(%dma_wait3A_201 : memref<10000x128xf32, #tpu.memory_space<hbm>>) dst(%arg8 : memref<80x128xf32, #tpu.memory_space<vmem>>)
      %add3A_202 = arith.constant 0 : i32
      %add3A_203 = arith.addi %mul3A_193, %add3A_202 : i32
      %dma_start3A_204 = arith.constant 0 : i32
      %dma_start3A_205 = tpu.memref_slice %arg7[%add3A_203, %dma_start3A_204] : memref<63x80xi32, #tpu.memory_space<vmem>> -> memref<1x80xi32, #tpu.memory_space<vmem>>
      %dma_start3A_206 = tpu.memref_squeeze %dma_start3A_205 : memref<1x80xi32, #tpu.memory_space<vmem>> -> memref<80xi32, #tpu.memory_space<vmem>>
      %dma_start3A_207 = arith.constant 0 : i32
      %dma_start3A_208 = arith.constant 0 : i32
      %dma_start3A_209 = tpu.memref_slice %arg12[%dma_start3A_207, %dma_start3A_208] : memref<10000x128xf32, #tpu.memory_space<vmem_shared>> -> memref<10000x128xf32, #tpu.memory_space<vmem_shared>>
      tpu.enqueue_indirect_dma source(%arg8 : memref<80x128xf32, #tpu.memory_space<vmem>>) target(%dma_start3A_209 : memref<10000x128xf32, #tpu.memory_space<vmem_shared>>) offsets(%dma_start3A_206 : memref<80xi32, #tpu.memory_space<vmem>>) semaphore(%arg17 : memref<!tpu.dma_semaphore, #tpu.memory_space<semaphore_mem>>) {add = true}
      %add3A_210 = arith.constant 1 : i32
      %add3A_211 = arith.addi %mul3A_193, %add3A_210 : i32
      %dma_wait3A_212 = arith.constant 0 : i32
      %dma_wait3A_213 = tpu.memref_slice %arg6[%add3A_211, %dma_wait3A_212] : memref<63x80xi32, #tpu.memory_space<vmem>> -> memref<1x80xi32, #tpu.memory_space<vmem>>
      %dma_wait3A_214 = tpu.memref_squeeze %dma_wait3A_213 : memref<1x80xi32, #tpu.memory_space<vmem>> -> memref<80xi32, #tpu.memory_space<vmem>>
      %dma_wait3A_215 = arith.constant 0 : i32
      %dma_wait3A_216 = arith.constant 0 : i32
      %dma_wait3A_217 = tpu.memref_slice %arg2[%dma_wait3A_215, %dma_wait3A_216] : memref<10000x128xf32, #tpu.memory_space<hbm>> -> memref<10000x128xf32, #tpu.memory_space<hbm>>
      tpu.wait_indirect_dma semaphore(%arg14 : memref<!tpu.dma_semaphore, #tpu.memory_space<semaphore_mem>>) src(%dma_wait3A_217 : memref<10000x128xf32, #tpu.memory_space<hbm>>) dst(%arg9 : memref<80x128xf32, #tpu.memory_space<vmem>>)
      %add3A_218 = arith.constant 1 : i32
      %add3A_219 = arith.addi %mul3A_193, %add3A_218 : i32
      %dma_start3A_220 = arith.constant 0 : i32
      %dma_start3A_221 = tpu.memref_slice %arg7[%add3A_219, %dma_start3A_220] : memref<63x80xi32, #tpu.memory_space<vmem>> -> memref<1x80xi32, #tpu.memory_space<vmem>>
      %dma_start3A_222 = tpu.memref_squeeze %dma_start3A_221 : memref<1x80xi32, #tpu.memory_space<vmem>> -> memref<80xi32, #tpu.memory_space<vmem>>
      %dma_start3A_223 = arith.constant 0 : i32
      %dma_start3A_224 = arith.constant 0 : i32
      %dma_start3A_225 = tpu.memref_slice %arg12[%dma_start3A_223, %dma_start3A_224] : memref<10000x128xf32, #tpu.memory_space<vmem_shared>> -> memref<10000x128xf32, #tpu.memory_space<vmem_shared>>
      tpu.enqueue_indirect_dma source(%arg9 : memref<80x128xf32, #tpu.memory_space<vmem>>) target(%dma_start3A_225 : memref<10000x128xf32, #tpu.memory_space<vmem_shared>>) offsets(%dma_start3A_222 : memref<80xi32, #tpu.memory_space<vmem>>) semaphore(%arg18 : memref<!tpu.dma_semaphore, #tpu.memory_space<semaphore_mem>>) {add = true}
      %add3A_226 = arith.constant 2 : i32
      %add3A_227 = arith.addi %mul3A_193, %add3A_226 : i32
      %dma_wait3A_228 = arith.constant 0 : i32
      %dma_wait3A_229 = tpu.memref_slice %arg6[%add3A_227, %dma_wait3A_228] : memref<63x80xi32, #tpu.memory_space<vmem>> -> memref<1x80xi32, #tpu.memory_space<vmem>>
      %dma_wait3A_230 = tpu.memref_squeeze %dma_wait3A_229 : memref<1x80xi32, #tpu.memory_space<vmem>> -> memref<80xi32, #tpu.memory_space<vmem>>
      %dma_wait3A_231 = arith.constant 0 : i32
      %dma_wait3A_232 = arith.constant 0 : i32
      %dma_wait3A_233 = tpu.memref_slice %arg2[%dma_wait3A_231, %dma_wait3A_232] : memref<10000x128xf32, #tpu.memory_space<hbm>> -> memref<10000x128xf32, #tpu.memory_space<hbm>>
      tpu.wait_indirect_dma semaphore(%arg15 : memref<!tpu.dma_semaphore, #tpu.memory_space<semaphore_mem>>) src(%dma_wait3A_233 : memref<10000x128xf32, #tpu.memory_space<hbm>>) dst(%arg10 : memref<80x128xf32, #tpu.memory_space<vmem>>)
      %add3A_234 = arith.constant 2 : i32
      %add3A_235 = arith.addi %mul3A_193, %add3A_234 : i32
      %dma_start3A_236 = arith.constant 0 : i32
      %dma_start3A_237 = tpu.memref_slice %arg7[%add3A_235, %dma_start3A_236] : memref<63x80xi32, #tpu.memory_space<vmem>> -> memref<1x80xi32, #tpu.memory_space<vmem>>
      %dma_start3A_238 = tpu.memref_squeeze %dma_start3A_237 : memref<1x80xi32, #tpu.memory_space<vmem>> -> memref<80xi32, #tpu.memory_space<vmem>>
      %dma_start3A_239 = arith.constant 0 : i32
      %dma_start3A_240 = arith.constant 0 : i32
      %dma_start3A_241 = tpu.memref_slice %arg12[%dma_start3A_239, %dma_start3A_240] : memref<10000x128xf32, #tpu.memory_space<vmem_shared>> -> memref<10000x128xf32, #tpu.memory_space<vmem_shared>>
      tpu.enqueue_indirect_dma source(%arg10 : memref<80x128xf32, #tpu.memory_space<vmem>>) target(%dma_start3A_241 : memref<10000x128xf32, #tpu.memory_space<vmem_shared>>) offsets(%dma_start3A_238 : memref<80xi32, #tpu.memory_space<vmem>>) semaphore(%arg19 : memref<!tpu.dma_semaphore, #tpu.memory_space<semaphore_mem>>) {add = true}
      %add3A_242 = arith.constant 3 : i32
      %add3A_243 = arith.addi %mul3A_193, %add3A_242 : i32
      %dma_wait3A_244 = arith.constant 0 : i32
      %dma_wait3A_245 = tpu.memref_slice %arg6[%add3A_243, %dma_wait3A_244] : memref<63x80xi32, #tpu.memory_space<vmem>> -> memref<1x80xi32, #tpu.memory_space<vmem>>
      %dma_wait3A_246 = tpu.memref_squeeze %dma_wait3A_245 : memref<1x80xi32, #tpu.memory_space<vmem>> -> memref<80xi32, #tpu.memory_space<vmem>>
      %dma_wait3A_247 = arith.constant 0 : i32
      %dma_wait3A_248 = arith.constant 0 : i32
      %dma_wait3A_249 = tpu.memref_slice %arg2[%dma_wait3A_247, %dma_wait3A_248] : memref<10000x128xf32, #tpu.memory_space<hbm>> -> memref<10000x128xf32, #tpu.memory_space<hbm>>
      tpu.wait_indirect_dma semaphore(%arg16 : memref<!tpu.dma_semaphore, #tpu.memory_space<semaphore_mem>>) src(%dma_wait3A_249 : memref<10000x128xf32, #tpu.memory_space<hbm>>) dst(%arg11 : memref<80x128xf32, #tpu.memory_space<vmem>>)
      %add3A_250 = arith.constant 3 : i32
      %add3A_251 = arith.addi %mul3A_193, %add3A_250 : i32
      %dma_start3A_252 = arith.constant 0 : i32
      %dma_start3A_253 = tpu.memref_slice %arg7[%add3A_251, %dma_start3A_252] : memref<63x80xi32, #tpu.memory_space<vmem>> -> memref<1x80xi32, #tpu.memory_space<vmem>>
      %dma_start3A_254 = tpu.memref_squeeze %dma_start3A_253 : memref<1x80xi32, #tpu.memory_space<vmem>> -> memref<80xi32, #tpu.memory_space<vmem>>
      %dma_start3A_255 = arith.constant 0 : i32
      %dma_start3A_256 = arith.constant 0 : i32
      %dma_start3A_257 = tpu.memref_slice %arg12[%dma_start3A_255, %dma_start3A_256] : memref<10000x128xf32, #tpu.memory_space<vmem_shared>> -> memref<10000x128xf32, #tpu.memory_space<vmem_shared>>
      tpu.enqueue_indirect_dma source(%arg11 : memref<80x128xf32, #tpu.memory_space<vmem>>) target(%dma_start3A_257 : memref<10000x128xf32, #tpu.memory_space<vmem_shared>>) offsets(%dma_start3A_254 : memref<80xi32, #tpu.memory_space<vmem>>) semaphore(%arg20 : memref<!tpu.dma_semaphore, #tpu.memory_space<semaphore_mem>>) {add = true}
      %dma_wait3A_258 = arith.constant 0 : i32
      %dma_wait3A_259 = tpu.memref_slice %arg7[%add3A_203, %dma_wait3A_258] : memref<63x80xi32, #tpu.memory_space<vmem>> -> memref<1x80xi32, #tpu.memory_space<vmem>>
      %dma_wait3A_260 = tpu.memref_squeeze %dma_wait3A_259 : memref<1x80xi32, #tpu.memory_space<vmem>> -> memref<80xi32, #tpu.memory_space<vmem>>
      %dma_wait3A_261 = arith.constant 0 : i32
      %dma_wait3A_262 = arith.constant 0 : i32
      %dma_wait3A_263 = tpu.memref_slice %arg12[%dma_wait3A_261, %dma_wait3A_262] : memref<10000x128xf32, #tpu.memory_space<vmem_shared>> -> memref<10000x128xf32, #tpu.memory_space<vmem_shared>>
      tpu.wait_indirect_dma semaphore(%arg17 : memref<!tpu.dma_semaphore, #tpu.memory_space<semaphore_mem>>) src(%arg8 : memref<80x128xf32, #tpu.memory_space<vmem>>) dst(%dma_wait3A_263 : memref<10000x128xf32, #tpu.memory_space<vmem_shared>>)
      %lt3A = arith.constant 14 : i32
      %lt3A_264 = arith.cmpi slt, %scan3A_191, %lt3A : i32
      %convert_element_type3A = arith.extui %lt3A_264 : i1 to i32
      %cond3A = arith.constant 0 : i32
      %cond3A_265 = arith.cmpi ne, %convert_element_type3A, %cond3A : i32
      scf.if %cond3A_265 {
        %add3A_299 = arith.constant 4 : i32
        %add3A_300 = arith.addi %mul3A_193, %add3A_299 : i32
        %add3A_301 = arith.constant 0 : i32
        %add3A_302 = arith.addi %add3A_300, %add3A_301 : i32
        %dma_start3A_303 = arith.constant 0 : i32
        %dma_start3A_304 = tpu.memref_slice %arg6[%add3A_302, %dma_start3A_303] : memref<63x80xi32, #tpu.memory_space<vmem>> -> memref<1x80xi32, #tpu.memory_space<vmem>>
        %dma_start3A_305 = tpu.memref_squeeze %dma_start3A_304 : memref<1x80xi32, #tpu.memory_space<vmem>> -> memref<80xi32, #tpu.memory_space<vmem>>
        %dma_start3A_306 = arith.constant 0 : i32
        %dma_start3A_307 = arith.constant 0 : i32
        %dma_start3A_308 = tpu.memref_slice %arg2[%dma_start3A_306, %dma_start3A_307] : memref<10000x128xf32, #tpu.memory_space<hbm>> -> memref<10000x128xf32, #tpu.memory_space<hbm>>
        tpu.enqueue_indirect_dma source(%dma_start3A_308 : memref<10000x128xf32, #tpu.memory_space<hbm>>) target(%arg8 : memref<80x128xf32, #tpu.memory_space<vmem>>) offsets(%dma_start3A_305 : memref<80xi32, #tpu.memory_space<vmem>>) semaphore(%arg13 : memref<!tpu.dma_semaphore, #tpu.memory_space<semaphore_mem>>)
      } else {
      }
      %dma_wait3A_266 = arith.constant 0 : i32
      %dma_wait3A_267 = tpu.memref_slice %arg7[%add3A_219, %dma_wait3A_266] : memref<63x80xi32, #tpu.memory_space<vmem>> -> memref<1x80xi32, #tpu.memory_space<vmem>>
      %dma_wait3A_268 = tpu.memref_squeeze %dma_wait3A_267 : memref<1x80xi32, #tpu.memory_space<vmem>> -> memref<80xi32, #tpu.memory_space<vmem>>
      %dma_wait3A_269 = arith.constant 0 : i32
      %dma_wait3A_270 = arith.constant 0 : i32
      %dma_wait3A_271 = tpu.memref_slice %arg12[%dma_wait3A_269, %dma_wait3A_270] : memref<10000x128xf32, #tpu.memory_space<vmem_shared>> -> memref<10000x128xf32, #tpu.memory_space<vmem_shared>>
      tpu.wait_indirect_dma semaphore(%arg18 : memref<!tpu.dma_semaphore, #tpu.memory_space<semaphore_mem>>) src(%arg9 : memref<80x128xf32, #tpu.memory_space<vmem>>) dst(%dma_wait3A_271 : memref<10000x128xf32, #tpu.memory_space<vmem_shared>>)
      %lt3A_272 = arith.constant 14 : i32
      %lt3A_273 = arith.cmpi slt, %scan3A_191, %lt3A_272 : i32
      %convert_element_type3A_274 = arith.extui %lt3A_273 : i1 to i32
      %cond3A_275 = arith.constant 0 : i32
      %cond3A_276 = arith.cmpi ne, %convert_element_type3A_274, %cond3A_275 : i32
      scf.if %cond3A_276 {
        %add3A_299 = arith.constant 4 : i32
        %add3A_300 = arith.addi %mul3A_193, %add3A_299 : i32
        %add3A_301 = arith.constant 1 : i32
        %add3A_302 = arith.addi %add3A_300, %add3A_301 : i32
        %dma_start3A_303 = arith.constant 0 : i32
        %dma_start3A_304 = tpu.memref_slice %arg6[%add3A_302, %dma_start3A_303] : memref<63x80xi32, #tpu.memory_space<vmem>> -> memref<1x80xi32, #tpu.memory_space<vmem>>
        %dma_start3A_305 = tpu.memref_squeeze %dma_start3A_304 : memref<1x80xi32, #tpu.memory_space<vmem>> -> memref<80xi32, #tpu.memory_space<vmem>>
        %dma_start3A_306 = arith.constant 0 : i32
        %dma_start3A_307 = arith.constant 0 : i32
        %dma_start3A_308 = tpu.memref_slice %arg2[%dma_start3A_306, %dma_start3A_307] : memref<10000x128xf32, #tpu.memory_space<hbm>> -> memref<10000x128xf32, #tpu.memory_space<hbm>>
        tpu.enqueue_indirect_dma source(%dma_start3A_308 : memref<10000x128xf32, #tpu.memory_space<hbm>>) target(%arg9 : memref<80x128xf32, #tpu.memory_space<vmem>>) offsets(%dma_start3A_305 : memref<80xi32, #tpu.memory_space<vmem>>) semaphore(%arg14 : memref<!tpu.dma_semaphore, #tpu.memory_space<semaphore_mem>>)
      } else {
      }
      %dma_wait3A_277 = arith.constant 0 : i32
      %dma_wait3A_278 = tpu.memref_slice %arg7[%add3A_235, %dma_wait3A_277] : memref<63x80xi32, #tpu.memory_space<vmem>> -> memref<1x80xi32, #tpu.memory_space<vmem>>
      %dma_wait3A_279 = tpu.memref_squeeze %dma_wait3A_278 : memref<1x80xi32, #tpu.memory_space<vmem>> -> memref<80xi32, #tpu.memory_space<vmem>>
      %dma_wait3A_280 = arith.constant 0 : i32
      %dma_wait3A_281 = arith.constant 0 : i32
      %dma_wait3A_282 = tpu.memref_slice %arg12[%dma_wait3A_280, %dma_wait3A_281] : memref<10000x128xf32, #tpu.memory_space<vmem_shared>> -> memref<10000x128xf32, #tpu.memory_space<vmem_shared>>
      tpu.wait_indirect_dma semaphore(%arg19 : memref<!tpu.dma_semaphore, #tpu.memory_space<semaphore_mem>>) src(%arg10 : memref<80x128xf32, #tpu.memory_space<vmem>>) dst(%dma_wait3A_282 : memref<10000x128xf32, #tpu.memory_space<vmem_shared>>)
      %lt3A_283 = arith.constant 14 : i32
      %lt3A_284 = arith.cmpi slt, %scan3A_191, %lt3A_283 : i32
      %convert_element_type3A_285 = arith.extui %lt3A_284 : i1 to i32
      %cond3A_286 = arith.constant 0 : i32
      %cond3A_287 = arith.cmpi ne, %convert_element_type3A_285, %cond3A_286 : i32
      scf.if %cond3A_287 {
        %add3A_299 = arith.constant 4 : i32
        %add3A_300 = arith.addi %mul3A_193, %add3A_299 : i32
        %add3A_301 = arith.constant 2 : i32
        %add3A_302 = arith.addi %add3A_300, %add3A_301 : i32
        %dma_start3A_303 = arith.constant 0 : i32
        %dma_start3A_304 = tpu.memref_slice %arg6[%add3A_302, %dma_start3A_303] : memref<63x80xi32, #tpu.memory_space<vmem>> -> memref<1x80xi32, #tpu.memory_space<vmem>>
        %dma_start3A_305 = tpu.memref_squeeze %dma_start3A_304 : memref<1x80xi32, #tpu.memory_space<vmem>> -> memref<80xi32, #tpu.memory_space<vmem>>
        %dma_start3A_306 = arith.constant 0 : i32
        %dma_start3A_307 = arith.constant 0 : i32
        %dma_start3A_308 = tpu.memref_slice %arg2[%dma_start3A_306, %dma_start3A_307] : memref<10000x128xf32, #tpu.memory_space<hbm>> -> memref<10000x128xf32, #tpu.memory_space<hbm>>
        tpu.enqueue_indirect_dma source(%dma_start3A_308 : memref<10000x128xf32, #tpu.memory_space<hbm>>) target(%arg10 : memref<80x128xf32, #tpu.memory_space<vmem>>) offsets(%dma_start3A_305 : memref<80xi32, #tpu.memory_space<vmem>>) semaphore(%arg15 : memref<!tpu.dma_semaphore, #tpu.memory_space<semaphore_mem>>)
      } else {
      }
      %dma_wait3A_288 = arith.constant 0 : i32
      %dma_wait3A_289 = tpu.memref_slice %arg7[%add3A_251, %dma_wait3A_288] : memref<63x80xi32, #tpu.memory_space<vmem>> -> memref<1x80xi32, #tpu.memory_space<vmem>>
      %dma_wait3A_290 = tpu.memref_squeeze %dma_wait3A_289 : memref<1x80xi32, #tpu.memory_space<vmem>> -> memref<80xi32, #tpu.memory_space<vmem>>
      %dma_wait3A_291 = arith.constant 0 : i32
      %dma_wait3A_292 = arith.constant 0 : i32
      %dma_wait3A_293 = tpu.memref_slice %arg12[%dma_wait3A_291, %dma_wait3A_292] : memref<10000x128xf32, #tpu.memory_space<vmem_shared>> -> memref<10000x128xf32, #tpu.memory_space<vmem_shared>>
      tpu.wait_indirect_dma semaphore(%arg20 : memref<!tpu.dma_semaphore, #tpu.memory_space<semaphore_mem>>) src(%arg11 : memref<80x128xf32, #tpu.memory_space<vmem>>) dst(%dma_wait3A_293 : memref<10000x128xf32, #tpu.memory_space<vmem_shared>>)
      %lt3A_294 = arith.constant 14 : i32
      %lt3A_295 = arith.cmpi slt, %scan3A_191, %lt3A_294 : i32
      %convert_element_type3A_296 = arith.extui %lt3A_295 : i1 to i32
      %cond3A_297 = arith.constant 0 : i32
      %cond3A_298 = arith.cmpi ne, %convert_element_type3A_296, %cond3A_297 : i32
      scf.if %cond3A_298 {
        %add3A_299 = arith.constant 4 : i32
        %add3A_300 = arith.addi %mul3A_193, %add3A_299 : i32
        %add3A_301 = arith.constant 3 : i32
        %add3A_302 = arith.addi %add3A_300, %add3A_301 : i32
        %dma_start3A_303 = arith.constant 0 : i32
        %dma_start3A_304 = tpu.memref_slice %arg6[%add3A_302, %dma_start3A_303] : memref<63x80xi32, #tpu.memory_space<vmem>> -> memref<1x80xi32, #tpu.memory_space<vmem>>
        %dma_start3A_305 = tpu.memref_squeeze %dma_start3A_304 : memref<1x80xi32, #tpu.memory_space<vmem>> -> memref<80xi32, #tpu.memory_space<vmem>>
        %dma_start3A_306 = arith.constant 0 : i32
        %dma_start3A_307 = arith.constant 0 : i32
        %dma_start3A_308 = tpu.memref_slice %arg2[%dma_start3A_306, %dma_start3A_307] : memref<10000x128xf32, #tpu.memory_space<hbm>> -> memref<10000x128xf32, #tpu.memory_space<hbm>>
        tpu.enqueue_indirect_dma source(%dma_start3A_308 : memref<10000x128xf32, #tpu.memory_space<hbm>>) target(%arg11 : memref<80x128xf32, #tpu.memory_space<vmem>>) offsets(%dma_start3A_305 : memref<80xi32, #tpu.memory_space<vmem>>) semaphore(%arg16 : memref<!tpu.dma_semaphore, #tpu.memory_space<semaphore_mem>>)
      } else {
      }
    }
    %scan3A_153 = arith.constant 15 : i32
    %dma_start3A_154 = arith.constant 60 : i32
    %dma_start3A_155 = arith.constant 0 : i32
    %dma_start3A_156 = tpu.memref_slice %arg6[%dma_start3A_154, %dma_start3A_155] : memref<63x80xi32, #tpu.memory_space<vmem>> -> memref<1x80xi32, #tpu.memory_space<vmem>>
    %dma_start3A_157 = tpu.memref_squeeze %dma_start3A_156 : memref<1x80xi32, #tpu.memory_space<vmem>> -> memref<80xi32, #tpu.memory_space<vmem>>
    %dma_start3A_158 = arith.constant 0 : i32
    %dma_start3A_159 = arith.constant 0 : i32
    %dma_start3A_160 = tpu.memref_slice %arg2[%dma_start3A_158, %dma_start3A_159] : memref<10000x128xf32, #tpu.memory_space<hbm>> -> memref<10000x128xf32, #tpu.memory_space<hbm>>
    tpu.enqueue_indirect_dma source(%dma_start3A_160 : memref<10000x128xf32, #tpu.memory_space<hbm>>) target(%arg8 : memref<80x128xf32, #tpu.memory_space<vmem>>) offsets(%dma_start3A_157 : memref<80xi32, #tpu.memory_space<vmem>>) semaphore(%arg13 : memref<!tpu.dma_semaphore, #tpu.memory_space<semaphore_mem>>)
    %dma_wait3A_161 = arith.constant 60 : i32
    %dma_wait3A_162 = arith.constant 0 : i32
    %dma_wait3A_163 = tpu.memref_slice %arg6[%dma_wait3A_161, %dma_wait3A_162] : memref<63x80xi32, #tpu.memory_space<vmem>> -> memref<1x80xi32, #tpu.memory_space<vmem>>
    %dma_wait3A_164 = tpu.memref_squeeze %dma_wait3A_163 : memref<1x80xi32, #tpu.memory_space<vmem>> -> memref<80xi32, #tpu.memory_space<vmem>>
    %dma_wait3A_165 = arith.constant 0 : i32
    %dma_wait3A_166 = arith.constant 0 : i32
    %dma_wait3A_167 = tpu.memref_slice %arg2[%dma_wait3A_165, %dma_wait3A_166] : memref<10000x128xf32, #tpu.memory_space<hbm>> -> memref<10000x128xf32, #tpu.memory_space<hbm>>
    tpu.wait_indirect_dma semaphore(%arg13 : memref<!tpu.dma_semaphore, #tpu.memory_space<semaphore_mem>>) src(%dma_wait3A_167 : memref<10000x128xf32, #tpu.memory_space<hbm>>) dst(%arg8 : memref<80x128xf32, #tpu.memory_space<vmem>>)
    %run_scoped3A_168 = arith.constant 60 : i32
    "tpu.region"() ({
      %run_scoped3A_191 = tpu.sem_alloc : memref<!tpu.dma_semaphore, #tpu.memory_space<semaphore_mem>>
      %dma_start3A_192 = arith.constant 0 : i32
      %dma_start3A_193 = tpu.memref_slice %arg7[%run_scoped3A_168, %dma_start3A_192] : memref<63x80xi32, #tpu.memory_space<vmem>> -> memref<1x80xi32, #tpu.memory_space<vmem>>
      %dma_start3A_194 = tpu.memref_squeeze %dma_start3A_193 : memref<1x80xi32, #tpu.memory_space<vmem>> -> memref<80xi32, #tpu.memory_space<vmem>>
      %dma_start3A_195 = arith.constant 0 : i32
      %dma_start3A_196 = arith.constant 0 : i32
      %dma_start3A_197 = tpu.memref_slice %arg12[%dma_start3A_195, %dma_start3A_196] : memref<10000x128xf32, #tpu.memory_space<vmem_shared>> -> memref<10000x128xf32, #tpu.memory_space<vmem_shared>>
      tpu.enqueue_indirect_dma source(%arg8 : memref<80x128xf32, #tpu.memory_space<vmem>>) target(%dma_start3A_197 : memref<10000x128xf32, #tpu.memory_space<vmem_shared>>) offsets(%dma_start3A_194 : memref<80xi32, #tpu.memory_space<vmem>>) semaphore(%run_scoped3A_191 : memref<!tpu.dma_semaphore, #tpu.memory_space<semaphore_mem>>) {add = true}
      %dma_wait3A_198 = arith.constant 0 : i32
      %dma_wait3A_199 = tpu.memref_slice %arg7[%run_scoped3A_168, %dma_wait3A_198] : memref<63x80xi32, #tpu.memory_space<vmem>> -> memref<1x80xi32, #tpu.memory_space<vmem>>
      %dma_wait3A_200 = tpu.memref_squeeze %dma_wait3A_199 : memref<1x80xi32, #tpu.memory_space<vmem>> -> memref<80xi32, #tpu.memory_space<vmem>>
      %dma_wait3A_201 = arith.constant 0 : i32
      %dma_wait3A_202 = arith.constant 0 : i32
      %dma_wait3A_203 = tpu.memref_slice %arg12[%dma_wait3A_201, %dma_wait3A_202] : memref<10000x128xf32, #tpu.memory_space<vmem_shared>> -> memref<10000x128xf32, #tpu.memory_space<vmem_shared>>
      tpu.wait_indirect_dma semaphore(%run_scoped3A_191 : memref<!tpu.dma_semaphore, #tpu.memory_space<semaphore_mem>>) src(%arg8 : memref<80x128xf32, #tpu.memory_space<vmem>>) dst(%dma_wait3A_203 : memref<10000x128xf32, #tpu.memory_space<vmem_shared>>)
      tpu.yield
    }) : () -> ()
    %dma_start3A_169 = arith.constant 61 : i32
    %dma_start3A_170 = arith.constant 0 : i32
    %dma_start3A_171 = tpu.memref_slice %arg6[%dma_start3A_169, %dma_start3A_170] : memref<63x80xi32, #tpu.memory_space<vmem>> -> memref<1x80xi32, #tpu.memory_space<vmem>>
    %dma_start3A_172 = tpu.memref_squeeze %dma_start3A_171 : memref<1x80xi32, #tpu.memory_space<vmem>> -> memref<80xi32, #tpu.memory_space<vmem>>
    %dma_start3A_173 = arith.constant 0 : i32
    %dma_start3A_174 = arith.constant 0 : i32
    %dma_start3A_175 = tpu.memref_slice %arg2[%dma_start3A_173, %dma_start3A_174] : memref<10000x128xf32, #tpu.memory_space<hbm>> -> memref<10000x128xf32, #tpu.memory_space<hbm>>
    tpu.enqueue_indirect_dma source(%dma_start3A_175 : memref<10000x128xf32, #tpu.memory_space<hbm>>) target(%arg9 : memref<80x128xf32, #tpu.memory_space<vmem>>) offsets(%dma_start3A_172 : memref<80xi32, #tpu.memory_space<vmem>>) semaphore(%arg14 : memref<!tpu.dma_semaphore, #tpu.memory_space<semaphore_mem>>)
    %dma_wait3A_176 = arith.constant 61 : i32
    %dma_wait3A_177 = arith.constant 0 : i32
    %dma_wait3A_178 = tpu.memref_slice %arg6[%dma_wait3A_176, %dma_wait3A_177] : memref<63x80xi32, #tpu.memory_space<vmem>> -> memref<1x80xi32, #tpu.memory_space<vmem>>
    %dma_wait3A_179 = tpu.memref_squeeze %dma_wait3A_178 : memref<1x80xi32, #tpu.memory_space<vmem>> -> memref<80xi32, #tpu.memory_space<vmem>>
    %dma_wait3A_180 = arith.constant 0 : i32
    %dma_wait3A_181 = arith.constant 0 : i32
    %dma_wait3A_182 = tpu.memref_slice %arg2[%dma_wait3A_180, %dma_wait3A_181] : memref<10000x128xf32, #tpu.memory_space<hbm>> -> memref<10000x128xf32, #tpu.memory_space<hbm>>
    tpu.wait_indirect_dma semaphore(%arg14 : memref<!tpu.dma_semaphore, #tpu.memory_space<semaphore_mem>>) src(%dma_wait3A_182 : memref<10000x128xf32, #tpu.memory_space<hbm>>) dst(%arg9 : memref<80x128xf32, #tpu.memory_space<vmem>>)
    %run_scoped3A_183 = arith.constant 61 : i32
    "tpu.region"() ({
      %run_scoped3A_191 = tpu.sem_alloc : memref<!tpu.dma_semaphore, #tpu.memory_space<semaphore_mem>>
      %dma_start3A_192 = arith.constant 0 : i32
      %dma_start3A_193 = tpu.memref_slice %arg7[%run_scoped3A_183, %dma_start3A_192] : memref<63x80xi32, #tpu.memory_space<vmem>> -> memref<1x80xi32, #tpu.memory_space<vmem>>
      %dma_start3A_194 = tpu.memref_squeeze %dma_start3A_193 : memref<1x80xi32, #tpu.memory_space<vmem>> -> memref<80xi32, #tpu.memory_space<vmem>>
      %dma_start3A_195 = arith.constant 0 : i32
      %dma_start3A_196 = arith.constant 0 : i32
      %dma_start3A_197 = tpu.memref_slice %arg12[%dma_start3A_195, %dma_start3A_196] : memref<10000x128xf32, #tpu.memory_space<vmem_shared>> -> memref<10000x128xf32, #tpu.memory_space<vmem_shared>>
      tpu.enqueue_indirect_dma source(%arg9 : memref<80x128xf32, #tpu.memory_space<vmem>>) target(%dma_start3A_197 : memref<10000x128xf32, #tpu.memory_space<vmem_shared>>) offsets(%dma_start3A_194 : memref<80xi32, #tpu.memory_space<vmem>>) semaphore(%run_scoped3A_191 : memref<!tpu.dma_semaphore, #tpu.memory_space<semaphore_mem>>) {add = true}
      %dma_wait3A_198 = arith.constant 0 : i32
      %dma_wait3A_199 = tpu.memref_slice %arg7[%run_scoped3A_183, %dma_wait3A_198] : memref<63x80xi32, #tpu.memory_space<vmem>> -> memref<1x80xi32, #tpu.memory_space<vmem>>
      %dma_wait3A_200 = tpu.memref_squeeze %dma_wait3A_199 : memref<1x80xi32, #tpu.memory_space<vmem>> -> memref<80xi32, #tpu.memory_space<vmem>>
      %dma_wait3A_201 = arith.constant 0 : i32
      %dma_wait3A_202 = arith.constant 0 : i32
      %dma_wait3A_203 = tpu.memref_slice %arg12[%dma_wait3A_201, %dma_wait3A_202] : memref<10000x128xf32, #tpu.memory_space<vmem_shared>> -> memref<10000x128xf32, #tpu.memory_space<vmem_shared>>
      tpu.wait_indirect_dma semaphore(%run_scoped3A_191 : memref<!tpu.dma_semaphore, #tpu.memory_space<semaphore_mem>>) src(%arg9 : memref<80x128xf32, #tpu.memory_space<vmem>>) dst(%dma_wait3A_203 : memref<10000x128xf32, #tpu.memory_space<vmem_shared>>)
      tpu.yield
    }) : () -> ()
    %barrier3A_184 = arith.constant 0 : index
    tpu.barrier barrier_id(%barrier3A_184)
    %scan3A_185 = arith.constant 0 : i32
    %scan3A_186 = arith.constant 0 : i32
    %scan3A_187 = arith.constant 8 : i32
    %scan3A_188 = arith.addi %scan3A_186, %scan3A_187 : i32
    %scan3A_189 = arith.constant 1 : i32
    scf.for %scan3A_191 = %scan3A_186 to %scan3A_188 step %scan3A_189  : i32 {
      %mul3A_192 = arith.constant 16 : i32
      %mul3A_193 = arith.muli %scan3A_191, %mul3A_192 : i32
      %add3A_194 = arith.addi %arg1, %mul3A_193 : i32
      %lt3A = arith.constant 125 : i32
      %lt3A_195 = arith.cmpi slt, %add3A_194, %lt3A : i32
      %convert_element_type3A = arith.extui %lt3A_195 : i1 to i32
      %cond3A = arith.constant 0 : i32
      %cond3A_196 = arith.cmpi ne, %convert_element_type3A, %cond3A : i32
      scf.if %cond3A_196 {
        %mul3A_197 = arith.constant 80 : i32
        %mul3A_198 = arith.muli %add3A_194, %mul3A_197 : i32
        "tpu.region"() ({
          %run_scoped3A_199 = tpu.sem_alloc : memref<!tpu.dma_semaphore, #tpu.memory_space<semaphore_mem>>
          %dma_start3A_200 = arith.constant 0 : i32
          %dma_start3A_201 = tpu.memref_slice %arg5[%arg0, %mul3A_198, %dma_start3A_200] : memref<2x10000x128xf32, #tpu.memory_space<hbm>> -> memref<1x80x128xf32, #tpu.memory_space<hbm>>
          %dma_start3A_202 = tpu.memref_squeeze %dma_start3A_201 : memref<1x80x128xf32, #tpu.memory_space<hbm>> -> memref<80x128xf32, #tpu.memory_space<hbm>>
          %dma_start3A_203 = arith.constant 0 : i32
          %dma_start3A_204 = tpu.memref_slice %arg12[%mul3A_198, %dma_start3A_203] : memref<10000x128xf32, #tpu.memory_space<vmem_shared>> -> memref<80x128xf32, #tpu.memory_space<vmem_shared>>
          tpu.enqueue_dma source(%dma_start3A_204 : memref<80x128xf32, #tpu.memory_space<vmem_shared>>) target(%dma_start3A_202 : memref<80x128xf32, #tpu.memory_space<hbm>>) target_semaphore(%run_scoped3A_199 : memref<!tpu.dma_semaphore, #tpu.memory_space<semaphore_mem>>)
          %dma_wait3A_205 = arith.constant 0 : i32
          %dma_wait3A_206 = tpu.memref_slice %arg5[%arg0, %mul3A_198, %dma_wait3A_205] : memref<2x10000x128xf32, #tpu.memory_space<hbm>> -> memref<1x80x128xf32, #tpu.memory_space<hbm>>
          %dma_wait3A_207 = tpu.memref_squeeze %dma_wait3A_206 : memref<1x80x128xf32, #tpu.memory_space<hbm>> -> memref<80x128xf32, #tpu.memory_space<hbm>>
          %dma_wait3A_208 = arith.constant 0 : i32
          %dma_wait3A_209 = tpu.memref_slice %arg12[%mul3A_198, %dma_wait3A_208] : memref<10000x128xf32, #tpu.memory_space<vmem_shared>> -> memref<80x128xf32, #tpu.memory_space<vmem_shared>>
          tpu.wait_dma2 semaphore(%run_scoped3A_199 : memref<!tpu.dma_semaphore, #tpu.memory_space<semaphore_mem>>) src(%dma_wait3A_209 : memref<80x128xf32, #tpu.memory_space<vmem_shared>>) dst(%dma_wait3A_207 : memref<80x128xf32, #tpu.memory_space<hbm>>)
          tpu.yield
        }) : () -> ()
      } else {
      }
    }
    %scan3A_190 = arith.constant 8 : i32
    return
  }
}

#map = affine_map<(d0, d1) -> (0, 0, 0)>
module attributes {stable_mosaic.version = 14 : i64} {
  func.func @deg_kernel(%arg0: i32, %arg1: i32, %arg2: memref<32x125x80xi32, #tpu.memory_space<hbm>>, %arg3: memref<2x10000x16xf32, #tpu.memory_space<hbm>>, %arg4: memref<125x80xi32, #tpu.memory_space<vmem>>, %arg5: memref<80x16xf32, #tpu.memory_space<vmem>>, %arg6: memref<80x16xf32, #tpu.memory_space<vmem>>, %arg7: memref<10000x16xf32, #tpu.memory_space<vmem_shared>>, %arg8: memref<!tpu.dma_semaphore, #tpu.memory_space<semaphore_mem>>) attributes {dimension_semantics = [#tpu.dimension_semantics<core_parallel>, #tpu.dimension_semantics<subcore_parallel>], iteration_bounds = array<i64: 2, 16>, scalar_prefetch = 0 : i64, scratch_operands = 5 : i64, tpu.core_type = #tpu.core_type<sc_vector_subcore>, window_params = [{transform_indices = #map}, {transform_indices = #map}]} {
    %mul3A = arith.constant 16 : i32
    %mul3A_0 = arith.muli %arg0, %mul3A : i32
    %add3A = arith.addi %mul3A_0, %arg1 : i32
    %dma_start3A = arith.constant 0 : i32
    %dma_start3A_1 = arith.constant 0 : i32
    %dma_start3A_2 = tpu.memref_slice %arg2[%add3A, %dma_start3A, %dma_start3A_1] : memref<32x125x80xi32, #tpu.memory_space<hbm>> -> memref<1x125x80xi32, #tpu.memory_space<hbm>>
    %dma_start3A_3 = tpu.memref_squeeze %dma_start3A_2 : memref<1x125x80xi32, #tpu.memory_space<hbm>> -> memref<125x80xi32, #tpu.memory_space<hbm>>
    %dma_start3A_4 = arith.constant 0 : i32
    %dma_start3A_5 = arith.constant 0 : i32
    %dma_start3A_6 = tpu.memref_slice %arg2[%add3A, %dma_start3A_4, %dma_start3A_5] : memref<32x125x80xi32, #tpu.memory_space<hbm>> -> memref<1x125x80xi32, #tpu.memory_space<hbm>>
    %dma_start3A_7 = tpu.memref_squeeze %dma_start3A_6 : memref<1x125x80xi32, #tpu.memory_space<hbm>> -> memref<125x80xi32, #tpu.memory_space<hbm>>
    tpu.enqueue_dma source(%dma_start3A_7 : memref<125x80xi32, #tpu.memory_space<hbm>>) target(%arg4 : memref<125x80xi32, #tpu.memory_space<vmem>>) target_semaphore(%arg8 : memref<!tpu.dma_semaphore, #tpu.memory_space<semaphore_mem>>)
    %scan3A = arith.constant 0 : i32
    %scan3A_8 = arith.constant 0 : i32
    %scan3A_9 = arith.constant 80 : i32
    %scan3A_10 = arith.addi %scan3A_8, %scan3A_9 : i32
    %scan3A_11 = arith.constant 1 : i32
    scf.for %scan3A_45 = %scan3A_8 to %scan3A_10 step %scan3A_11  : i32 {
      %broadcast_in_dim3A = arith.constant 1.000000e+00 : f32
      %broadcast_in_dim3A_46 = vector.broadcast %broadcast_in_dim3A : f32 to vector<16xf32>
      %swap3A = arith.index_cast %scan3A_45 : i32 to index
      %swap3A_47 = arith.constant 0 : index
      %swap3A_48 = tpu.vector_load %arg5[%swap3A, %swap3A_47] {strides = array<i32>} : memref<80x16xf32, #tpu.memory_space<vmem>>, vector<1x16xf32>,
      %swap3A_49 = vector.shape_cast %swap3A_48 : vector<1x16xf32> to vector<16xf32>
      %swap3A_50 = vector.shape_cast %broadcast_in_dim3A_46 : vector<16xf32> to vector<1x16xf32>
      tpu.vector_store %arg5[%swap3A, %swap3A_47], %swap3A_50 {strides = array<i32>} : memref<80x16xf32, #tpu.memory_space<vmem>>, vector<1x16xf32>,
    }
    %scan3A_12 = arith.constant 80 : i32
    %scan3A_13 = arith.constant 0 : i32
    %scan3A_14 = arith.constant 0 : i32
    %scan3A_15 = arith.constant 80 : i32
    %scan3A_16 = arith.addi %scan3A_14, %scan3A_15 : i32
    %scan3A_17 = arith.constant 1 : i32
    scf.for %scan3A_45 = %scan3A_14 to %scan3A_16 step %scan3A_17  : i32 {
      %broadcast_in_dim3A = arith.constant 0.000000e+00 : f32
      %broadcast_in_dim3A_46 = vector.broadcast %broadcast_in_dim3A : f32 to vector<16xf32>
      %swap3A = arith.index_cast %scan3A_45 : i32 to index
      %swap3A_47 = arith.constant 0 : index
      %swap3A_48 = tpu.vector_load %arg6[%swap3A, %swap3A_47] {strides = array<i32>} : memref<80x16xf32, #tpu.memory_space<vmem>>, vector<1x16xf32>,
      %swap3A_49 = vector.shape_cast %swap3A_48 : vector<1x16xf32> to vector<16xf32>
      %swap3A_50 = vector.shape_cast %broadcast_in_dim3A_46 : vector<16xf32> to vector<1x16xf32>
      tpu.vector_store %arg6[%swap3A, %swap3A_47], %swap3A_50 {strides = array<i32>} : memref<80x16xf32, #tpu.memory_space<vmem>>, vector<1x16xf32>,
    }
    %scan3A_18 = arith.constant 80 : i32
    %scan3A_19 = arith.constant 0 : i32
    %scan3A_20 = arith.constant 0 : i32
    %scan3A_21 = arith.constant 8 : i32
    %scan3A_22 = arith.addi %scan3A_20, %scan3A_21 : i32
    %scan3A_23 = arith.constant 1 : i32
    scf.for %scan3A_45 = %scan3A_20 to %scan3A_22 step %scan3A_23  : i32 {
      %mul3A_46 = arith.constant 16 : i32
      %mul3A_47 = arith.muli %scan3A_45, %mul3A_46 : i32
      %add3A_48 = arith.addi %arg1, %mul3A_47 : i32
      %lt3A = arith.constant 125 : i32
      %lt3A_49 = arith.cmpi slt, %add3A_48, %lt3A : i32
      %convert_element_type3A = arith.extui %lt3A_49 : i1 to i32
      %cond3A = arith.constant 0 : i32
      %cond3A_50 = arith.cmpi ne, %convert_element_type3A, %cond3A : i32
      scf.if %cond3A_50 {
        %mul3A_51 = arith.constant 80 : i32
        %mul3A_52 = arith.muli %add3A_48, %mul3A_51 : i32
        "tpu.region"() ({
          %run_scoped3A = tpu.sem_alloc : memref<!tpu.dma_semaphore, #tpu.memory_space<semaphore_mem>>
          %dma_start3A_53 = arith.constant 0 : i32
          %dma_start3A_54 = tpu.memref_slice %arg7[%mul3A_52, %dma_start3A_53] : memref<10000x16xf32, #tpu.memory_space<vmem_shared>> -> memref<80x16xf32, #tpu.memory_space<vmem_shared>>
          %dma_start3A_55 = arith.constant 0 : i32
          %dma_start3A_56 = tpu.memref_slice %arg7[%mul3A_52, %dma_start3A_55] : memref<10000x16xf32, #tpu.memory_space<vmem_shared>> -> memref<80x16xf32, #tpu.memory_space<vmem_shared>>
          tpu.enqueue_dma source(%arg6 : memref<80x16xf32, #tpu.memory_space<vmem>>) target(%dma_start3A_56 : memref<80x16xf32, #tpu.memory_space<vmem_shared>>) target_semaphore(%run_scoped3A : memref<!tpu.dma_semaphore, #tpu.memory_space<semaphore_mem>>)
          %dma_wait3A_57 = arith.constant 0 : i32
          %dma_wait3A_58 = tpu.memref_slice %arg7[%mul3A_52, %dma_wait3A_57] : memref<10000x16xf32, #tpu.memory_space<vmem_shared>> -> memref<80x16xf32, #tpu.memory_space<vmem_shared>>
          %dma_wait3A_59 = arith.constant 0 : i32
          %dma_wait3A_60 = tpu.memref_slice %arg7[%mul3A_52, %dma_wait3A_59] : memref<10000x16xf32, #tpu.memory_space<vmem_shared>> -> memref<80x16xf32, #tpu.memory_space<vmem_shared>>
          tpu.wait_dma2 semaphore(%run_scoped3A : memref<!tpu.dma_semaphore, #tpu.memory_space<semaphore_mem>>) src(%arg6 : memref<80x16xf32, #tpu.memory_space<vmem>>) dst(%dma_wait3A_60 : memref<80x16xf32, #tpu.memory_space<vmem_shared>>)
          tpu.yield
        }) : () -> ()
      } else {
      }
    }
    %scan3A_24 = arith.constant 8 : i32
    %dma_wait3A = arith.constant 0 : i32
    %dma_wait3A_25 = arith.constant 0 : i32
    %dma_wait3A_26 = tpu.memref_slice %arg2[%add3A, %dma_wait3A, %dma_wait3A_25] : memref<32x125x80xi32, #tpu.memory_space<hbm>> -> memref<1x125x80xi32, #tpu.memory_space<hbm>>
    %dma_wait3A_27 = tpu.memref_squeeze %dma_wait3A_26 : memref<1x125x80xi32, #tpu.memory_space<hbm>> -> memref<125x80xi32, #tpu.memory_space<hbm>>
    %dma_wait3A_28 = arith.constant 0 : i32
    %dma_wait3A_29 = arith.constant 0 : i32
    %dma_wait3A_30 = tpu.memref_slice %arg2[%add3A, %dma_wait3A_28, %dma_wait3A_29] : memref<32x125x80xi32, #tpu.memory_space<hbm>> -> memref<1x125x80xi32, #tpu.memory_space<hbm>>
    %dma_wait3A_31 = tpu.memref_squeeze %dma_wait3A_30 : memref<1x125x80xi32, #tpu.memory_space<hbm>> -> memref<125x80xi32, #tpu.memory_space<hbm>>
    tpu.wait_dma2 semaphore(%arg8 : memref<!tpu.dma_semaphore, #tpu.memory_space<semaphore_mem>>) src(%dma_wait3A_31 : memref<125x80xi32, #tpu.memory_space<hbm>>) dst(%arg4 : memref<125x80xi32, #tpu.memory_space<vmem>>)
    %barrier3A = arith.constant 0 : index
    tpu.barrier barrier_id(%barrier3A)
    %scan3A_32 = arith.constant 0 : i32
    %scan3A_33 = arith.constant 0 : i32
    %scan3A_34 = arith.constant 125 : i32
    %scan3A_35 = arith.addi %scan3A_33, %scan3A_34 : i32
    %scan3A_36 = arith.constant 1 : i32
    scf.for %scan3A_45 = %scan3A_33 to %scan3A_35 step %scan3A_36  : i32 {
      "tpu.region"() ({
        %run_scoped3A = tpu.sem_alloc : memref<!tpu.dma_semaphore, #tpu.memory_space<semaphore_mem>>
        %dma_start3A_46 = arith.constant 0 : i32
        %dma_start3A_47 = tpu.memref_slice %arg4[%scan3A_45, %dma_start3A_46] : memref<125x80xi32, #tpu.memory_space<vmem>> -> memref<1x80xi32, #tpu.memory_space<vmem>>
        %dma_start3A_48 = tpu.memref_squeeze %dma_start3A_47 : memref<1x80xi32, #tpu.memory_space<vmem>> -> memref<80xi32, #tpu.memory_space<vmem>>
        %dma_start3A_49 = arith.constant 0 : i32
        %dma_start3A_50 = arith.constant 0 : i32
        %dma_start3A_51 = tpu.memref_slice %arg7[%dma_start3A_49, %dma_start3A_50] : memref<10000x16xf32, #tpu.memory_space<vmem_shared>> -> memref<10000x16xf32, #tpu.memory_space<vmem_shared>>
        tpu.enqueue_indirect_dma source(%arg5 : memref<80x16xf32, #tpu.memory_space<vmem>>) target(%dma_start3A_51 : memref<10000x16xf32, #tpu.memory_space<vmem_shared>>) offsets(%dma_start3A_48 : memref<80xi32, #tpu.memory_space<vmem>>) semaphore(%run_scoped3A : memref<!tpu.dma_semaphore, #tpu.memory_space<semaphore_mem>>) {add = true}
        %dma_wait3A_52 = arith.constant 0 : i32
        %dma_wait3A_53 = tpu.memref_slice %arg4[%scan3A_45, %dma_wait3A_52] : memref<125x80xi32, #tpu.memory_space<vmem>> -> memref<1x80xi32, #tpu.memory_space<vmem>>
        %dma_wait3A_54 = tpu.memref_squeeze %dma_wait3A_53 : memref<1x80xi32, #tpu.memory_space<vmem>> -> memref<80xi32, #tpu.memory_space<vmem>>
        %dma_wait3A_55 = arith.constant 0 : i32
        %dma_wait3A_56 = arith.constant 0 : i32
        %dma_wait3A_57 = tpu.memref_slice %arg7[%dma_wait3A_55, %dma_wait3A_56] : memref<10000x16xf32, #tpu.memory_space<vmem_shared>> -> memref<10000x16xf32, #tpu.memory_space<vmem_shared>>
        tpu.wait_indirect_dma semaphore(%run_scoped3A : memref<!tpu.dma_semaphore, #tpu.memory_space<semaphore_mem>>) src(%arg5 : memref<80x16xf32, #tpu.memory_space<vmem>>) dst(%dma_wait3A_57 : memref<10000x16xf32, #tpu.memory_space<vmem_shared>>)
        tpu.yield
      }) : () -> ()
    }
    %scan3A_37 = arith.constant 125 : i32
    %barrier3A_38 = arith.constant 0 : index
    tpu.barrier barrier_id(%barrier3A_38)
    %scan3A_39 = arith.constant 0 : i32
    %scan3A_40 = arith.constant 0 : i32
    %scan3A_41 = arith.constant 8 : i32
    %scan3A_42 = arith.addi %scan3A_40, %scan3A_41 : i32
    %scan3A_43 = arith.constant 1 : i32
    scf.for %scan3A_45 = %scan3A_40 to %scan3A_42 step %scan3A_43  : i32 {
      %mul3A_46 = arith.constant 16 : i32
      %mul3A_47 = arith.muli %scan3A_45, %mul3A_46 : i32
      %add3A_48 = arith.addi %arg1, %mul3A_47 : i32
      %lt3A = arith.constant 125 : i32
      %lt3A_49 = arith.cmpi slt, %add3A_48, %lt3A : i32
      %convert_element_type3A = arith.extui %lt3A_49 : i1 to i32
      %cond3A = arith.constant 0 : i32
      %cond3A_50 = arith.cmpi ne, %convert_element_type3A, %cond3A : i32
      scf.if %cond3A_50 {
        %mul3A_51 = arith.constant 80 : i32
        %mul3A_52 = arith.muli %add3A_48, %mul3A_51 : i32
        "tpu.region"() ({
          %run_scoped3A = tpu.sem_alloc : memref<!tpu.dma_semaphore, #tpu.memory_space<semaphore_mem>>
          %dma_start3A_53 = arith.constant 0 : i32
          %dma_start3A_54 = tpu.memref_slice %arg3[%arg0, %mul3A_52, %dma_start3A_53] : memref<2x10000x16xf32, #tpu.memory_space<hbm>> -> memref<1x80x16xf32, #tpu.memory_space<hbm>>
          %dma_start3A_55 = tpu.memref_squeeze %dma_start3A_54 : memref<1x80x16xf32, #tpu.memory_space<hbm>> -> memref<80x16xf32, #tpu.memory_space<hbm>>
          %dma_start3A_56 = arith.constant 0 : i32
          %dma_start3A_57 = tpu.memref_slice %arg7[%mul3A_52, %dma_start3A_56] : memref<10000x16xf32, #tpu.memory_space<vmem_shared>> -> memref<80x16xf32, #tpu.memory_space<vmem_shared>>
          tpu.enqueue_dma source(%dma_start3A_57 : memref<80x16xf32, #tpu.memory_space<vmem_shared>>) target(%dma_start3A_55 : memref<80x16xf32, #tpu.memory_space<hbm>>) target_semaphore(%run_scoped3A : memref<!tpu.dma_semaphore, #tpu.memory_space<semaphore_mem>>)
          %dma_wait3A_58 = arith.constant 0 : i32
          %dma_wait3A_59 = tpu.memref_slice %arg3[%arg0, %mul3A_52, %dma_wait3A_58] : memref<2x10000x16xf32, #tpu.memory_space<hbm>> -> memref<1x80x16xf32, #tpu.memory_space<hbm>>
          %dma_wait3A_60 = tpu.memref_squeeze %dma_wait3A_59 : memref<1x80x16xf32, #tpu.memory_space<hbm>> -> memref<80x16xf32, #tpu.memory_space<hbm>>
          %dma_wait3A_61 = arith.constant 0 : i32
          %dma_wait3A_62 = tpu.memref_slice %arg7[%mul3A_52, %dma_wait3A_61] : memref<10000x16xf32, #tpu.memory_space<vmem_shared>> -> memref<80x16xf32, #tpu.memory_space<vmem_shared>>
          tpu.wait_dma2 semaphore(%run_scoped3A : memref<!tpu.dma_semaphore, #tpu.memory_space<semaphore_mem>>) src(%dma_wait3A_62 : memref<80x16xf32, #tpu.memory_space<vmem_shared>>) dst(%dma_wait3A_60 : memref<80x16xf32, #tpu.memory_space<hbm>>)
          tpu.yield
        }) : () -> ()
      } else {
      }
    }
    %scan3A_44 = arith.constant 8 : i32
    return
  }
}

#map = affine_map<(d0, d1) -> (0, 0)>
#map1 = affine_map<(d0, d1) -> (0, 0, 0)>
module attributes {stable_mosaic.version = 14 : i64} {
  func.func @prop_kernel(%arg0: i32, %arg1: i32, %arg2: memref<10000x128xf32, #tpu.memory_space<hbm>>, %arg3: memref<32x125x80xi32, #tpu.memory_space<hbm>>, %arg4: memref<32x125x80xi32, #tpu.memory_space<hbm>>, %arg5: memref<2x10000x128xf32, #tpu.memory_space<hbm>>, %arg6: memref<63x80xi32, #tpu.memory_space<vmem>>, %arg7: memref<63x80xi32, #tpu.memory_space<vmem>>, %arg8: memref<80x128xf32, #tpu.memory_space<vmem>>, %arg9: memref<80x128xf32, #tpu.memory_space<vmem>>, %arg10: memref<80x128xf32, #tpu.memory_space<vmem>>, %arg11: memref<80x128xf32, #tpu.memory_space<vmem>>, %arg12: memref<10000x128xf32, #tpu.memory_space<vmem_shared>>, %arg13: memref<!tpu.dma_semaphore, #tpu.memory_space<semaphore_mem>>, %arg14: memref<!tpu.dma_semaphore, #tpu.memory_space<semaphore_mem>>, %arg15: memref<!tpu.dma_semaphore, #tpu.memory_space<semaphore_mem>>, %arg16: memref<!tpu.dma_semaphore, #tpu.memory_space<semaphore_mem>>, %arg17: memref<!tpu.dma_semaphore, #tpu.memory_space<semaphore_mem>>, %arg18: memref<!tpu.dma_semaphore, #tpu.memory_space<semaphore_mem>>, %arg19: memref<!tpu.dma_semaphore, #tpu.memory_space<semaphore_mem>>, %arg20: memref<!tpu.dma_semaphore, #tpu.memory_space<semaphore_mem>>) attributes {dimension_semantics = [#tpu.dimension_semantics<core_parallel>, #tpu.dimension_semantics<subcore_parallel>], iteration_bounds = array<i64: 2, 16>, scalar_prefetch = 0 : i64, scratch_operands = 15 : i64, tpu.core_type = #tpu.core_type<sc_vector_subcore>, window_params = [{transform_indices = #map}, {transform_indices = #map1}, {transform_indices = #map1}, {transform_indices = #map1}]} {
    %mul3A = arith.constant 16 : i32
    %mul3A_0 = arith.muli %arg0, %mul3A : i32
    %add3A = arith.addi %mul3A_0, %arg1 : i32
    %dma_start3A = arith.constant 0 : i32
    %dma_start3A_1 = arith.constant 0 : i32
    %dma_start3A_2 = tpu.memref_slice %arg3[%add3A, %dma_start3A, %dma_start3A_1] : memref<32x125x80xi32, #tpu.memory_space<hbm>> -> memref<1x63x80xi32, #tpu.memory_space<hbm>>
    %dma_start3A_3 = tpu.memref_squeeze %dma_start3A_2 : memref<1x63x80xi32, #tpu.memory_space<hbm>> -> memref<63x80xi32, #tpu.memory_space<hbm>>
    %dma_start3A_4 = arith.constant 0 : i32
    %dma_start3A_5 = arith.constant 0 : i32
    %dma_start3A_6 = tpu.memref_slice %arg3[%add3A, %dma_start3A_4, %dma_start3A_5] : memref<32x125x80xi32, #tpu.memory_space<hbm>> -> memref<1x63x80xi32, #tpu.memory_space<hbm>>
    %dma_start3A_7 = tpu.memref_squeeze %dma_start3A_6 : memref<1x63x80xi32, #tpu.memory_space<hbm>> -> memref<63x80xi32, #tpu.memory_space<hbm>>
    tpu.enqueue_dma source(%dma_start3A_7 : memref<63x80xi32, #tpu.memory_space<hbm>>) target(%arg6 : memref<63x80xi32, #tpu.memory_space<vmem>>) target_semaphore(%arg13 : memref<!tpu.dma_semaphore, #tpu.memory_space<semaphore_mem>>)
    %dma_start3A_8 = arith.constant 0 : i32
    %dma_start3A_9 = arith.constant 0 : i32
    %dma_start3A_10 = tpu.memref_slice %arg4[%add3A, %dma_start3A_8, %dma_start3A_9] : memref<32x125x80xi32, #tpu.memory_space<hbm>> -> memref<1x63x80xi32, #tpu.memory_space<hbm>>
    %dma_start3A_11 = tpu.memref_squeeze %dma_start3A_10 : memref<1x63x80xi32, #tpu.memory_space<hbm>> -> memref<63x80xi32, #tpu.memory_space<hbm>>
    %dma_start3A_12 = arith.constant 0 : i32
    %dma_start3A_13 = arith.constant 0 : i32
    %dma_start3A_14 = tpu.memref_slice %arg4[%add3A, %dma_start3A_12, %dma_start3A_13] : memref<32x125x80xi32, #tpu.memory_space<hbm>> -> memref<1x63x80xi32, #tpu.memory_space<hbm>>
    %dma_start3A_15 = tpu.memref_squeeze %dma_start3A_14 : memref<1x63x80xi32, #tpu.memory_space<hbm>> -> memref<63x80xi32, #tpu.memory_space<hbm>>
    tpu.enqueue_dma source(%dma_start3A_15 : memref<63x80xi32, #tpu.memory_space<hbm>>) target(%arg7 : memref<63x80xi32, #tpu.memory_space<vmem>>) target_semaphore(%arg14 : memref<!tpu.dma_semaphore, #tpu.memory_space<semaphore_mem>>)
    %scan3A = arith.constant 0 : i32
    %scan3A_16 = arith.constant 0 : i32
    %scan3A_17 = arith.constant 80 : i32
    %scan3A_18 = arith.addi %scan3A_16, %scan3A_17 : i32
    %scan3A_19 = arith.constant 1 : i32
    scf.for %scan3A_191 = %scan3A_16 to %scan3A_18 step %scan3A_19  : i32 {
      %broadcast_in_dim3A = arith.constant 0.000000e+00 : f32
      %broadcast_in_dim3A_192 = vector.broadcast %broadcast_in_dim3A : f32 to vector<16xf32>
      %swap3A = arith.index_cast %scan3A_191 : i32 to index
      %swap3A_193 = arith.constant 0 : index
      %swap3A_194 = tpu.vector_load %arg8[%swap3A, %swap3A_193] {strides = array<i32>} : memref<80x128xf32, #tpu.memory_space<vmem>>, vector<1x16xf32>,
      %swap3A_195 = vector.shape_cast %swap3A_194 : vector<1x16xf32> to vector<16xf32>
      %swap3A_196 = vector.shape_cast %broadcast_in_dim3A_192 : vector<16xf32> to vector<1x16xf32>
      tpu.vector_store %arg8[%swap3A, %swap3A_193], %swap3A_196 {strides = array<i32>} : memref<80x128xf32, #tpu.memory_space<vmem>>, vector<1x16xf32>,
      %broadcast_in_dim3A_197 = arith.constant 0.000000e+00 : f32
      %broadcast_in_dim3A_198 = vector.broadcast %broadcast_in_dim3A_197 : f32 to vector<16xf32>
      %swap3A_199 = arith.index_cast %scan3A_191 : i32 to index
      %swap3A_200 = arith.constant 16 : index
      %swap3A_201 = tpu.vector_load %arg8[%swap3A_199, %swap3A_200] {strides = array<i32>} : memref<80x128xf32, #tpu.memory_space<vmem>>, vector<1x16xf32>,
      %swap3A_202 = vector.shape_cast %swap3A_201 : vector<1x16xf32> to vector<16xf32>
      %swap3A_203 = vector.shape_cast %broadcast_in_dim3A_198 : vector<16xf32> to vector<1x16xf32>
      tpu.vector_store %arg8[%swap3A_199, %swap3A_200], %swap3A_203 {strides = array<i32>} : memref<80x128xf32, #tpu.memory_space<vmem>>, vector<1x16xf32>,
      %broadcast_in_dim3A_204 = arith.constant 0.000000e+00 : f32
      %broadcast_in_dim3A_205 = vector.broadcast %broadcast_in_dim3A_204 : f32 to vector<16xf32>
      %swap3A_206 = arith.index_cast %scan3A_191 : i32 to index
      %swap3A_207 = arith.constant 32 : index
      %swap3A_208 = tpu.vector_load %arg8[%swap3A_206, %swap3A_207] {strides = array<i32>} : memref<80x128xf32, #tpu.memory_space<vmem>>, vector<1x16xf32>,
      %swap3A_209 = vector.shape_cast %swap3A_208 : vector<1x16xf32> to vector<16xf32>
      %swap3A_210 = vector.shape_cast %broadcast_in_dim3A_205 : vector<16xf32> to vector<1x16xf32>
      tpu.vector_store %arg8[%swap3A_206, %swap3A_207], %swap3A_210 {strides = array<i32>} : memref<80x128xf32, #tpu.memory_space<vmem>>, vector<1x16xf32>,
      %broadcast_in_dim3A_211 = arith.constant 0.000000e+00 : f32
      %broadcast_in_dim3A_212 = vector.broadcast %broadcast_in_dim3A_211 : f32 to vector<16xf32>
      %swap3A_213 = arith.index_cast %scan3A_191 : i32 to index
      %swap3A_214 = arith.constant 48 : index
      %swap3A_215 = tpu.vector_load %arg8[%swap3A_213, %swap3A_214] {strides = array<i32>} : memref<80x128xf32, #tpu.memory_space<vmem>>, vector<1x16xf32>,
      %swap3A_216 = vector.shape_cast %swap3A_215 : vector<1x16xf32> to vector<16xf32>
      %swap3A_217 = vector.shape_cast %broadcast_in_dim3A_212 : vector<16xf32> to vector<1x16xf32>
      tpu.vector_store %arg8[%swap3A_213, %swap3A_214], %swap3A_217 {strides = array<i32>} : memref<80x128xf32, #tpu.memory_space<vmem>>, vector<1x16xf32>,
      %broadcast_in_dim3A_218 = arith.constant 0.000000e+00 : f32
      %broadcast_in_dim3A_219 = vector.broadcast %broadcast_in_dim3A_218 : f32 to vector<16xf32>
      %swap3A_220 = arith.index_cast %scan3A_191 : i32 to index
      %swap3A_221 = arith.constant 64 : index
      %swap3A_222 = tpu.vector_load %arg8[%swap3A_220, %swap3A_221] {strides = array<i32>} : memref<80x128xf32, #tpu.memory_space<vmem>>, vector<1x16xf32>,
      %swap3A_223 = vector.shape_cast %swap3A_222 : vector<1x16xf32> to vector<16xf32>
      %swap3A_224 = vector.shape_cast %broadcast_in_dim3A_219 : vector<16xf32> to vector<1x16xf32>
      tpu.vector_store %arg8[%swap3A_220, %swap3A_221], %swap3A_224 {strides = array<i32>} : memref<80x128xf32, #tpu.memory_space<vmem>>, vector<1x16xf32>,
      %broadcast_in_dim3A_225 = arith.constant 0.000000e+00 : f32
      %broadcast_in_dim3A_226 = vector.broadcast %broadcast_in_dim3A_225 : f32 to vector<16xf32>
      %swap3A_227 = arith.index_cast %scan3A_191 : i32 to index
      %swap3A_228 = arith.constant 80 : index
      %swap3A_229 = tpu.vector_load %arg8[%swap3A_227, %swap3A_228] {strides = array<i32>} : memref<80x128xf32, #tpu.memory_space<vmem>>, vector<1x16xf32>,
      %swap3A_230 = vector.shape_cast %swap3A_229 : vector<1x16xf32> to vector<16xf32>
      %swap3A_231 = vector.shape_cast %broadcast_in_dim3A_226 : vector<16xf32> to vector<1x16xf32>
      tpu.vector_store %arg8[%swap3A_227, %swap3A_228], %swap3A_231 {strides = array<i32>} : memref<80x128xf32, #tpu.memory_space<vmem>>, vector<1x16xf32>,
      %broadcast_in_dim3A_232 = arith.constant 0.000000e+00 : f32
      %broadcast_in_dim3A_233 = vector.broadcast %broadcast_in_dim3A_232 : f32 to vector<16xf32>
      %swap3A_234 = arith.index_cast %scan3A_191 : i32 to index
      %swap3A_235 = arith.constant 96 : index
      %swap3A_236 = tpu.vector_load %arg8[%swap3A_234, %swap3A_235] {strides = array<i32>} : memref<80x128xf32, #tpu.memory_space<vmem>>, vector<1x16xf32>,
      %swap3A_237 = vector.shape_cast %swap3A_236 : vector<1x16xf32> to vector<16xf32>
      %swap3A_238 = vector.shape_cast %broadcast_in_dim3A_233 : vector<16xf32> to vector<1x16xf32>
      tpu.vector_store %arg8[%swap3A_234, %swap3A_235], %swap3A_238 {strides = array<i32>} : memref<80x128xf32, #tpu.memory_space<vmem>>, vector<1x16xf32>,
      %broadcast_in_dim3A_239 = arith.constant 0.000000e+00 : f32
      %broadcast_in_dim3A_240 = vector.broadcast %broadcast_in_dim3A_239 : f32 to vector<16xf32>
      %swap3A_241 = arith.index_cast %scan3A_191 : i32 to index
      %swap3A_242 = arith.constant 112 : index
      %swap3A_243 = tpu.vector_load %arg8[%swap3A_241, %swap3A_242] {strides = array<i32>} : memref<80x128xf32, #tpu.memory_space<vmem>>, vector<1x16xf32>,
      %swap3A_244 = vector.shape_cast %swap3A_243 : vector<1x16xf32> to vector<16xf32>
      %swap3A_245 = vector.shape_cast %broadcast_in_dim3A_240 : vector<16xf32> to vector<1x16xf32>
      tpu.vector_store %arg8[%swap3A_241, %swap3A_242], %swap3A_245 {strides = array<i32>} : memref<80x128xf32, #tpu.memory_space<vmem>>, vector<1x16xf32>,
    }
    %scan3A_20 = arith.constant 80 : i32
    %scan3A_21 = arith.constant 0 : i32
    %scan3A_22 = arith.constant 0 : i32
    %scan3A_23 = arith.constant 8 : i32
    %scan3A_24 = arith.addi %scan3A_22, %scan3A_23 : i32
    %scan3A_25 = arith.constant 1 : i32
    scf.for %scan3A_191 = %scan3A_22 to %scan3A_24 step %scan3A_25  : i32 {
      %mul3A_192 = arith.constant 16 : i32
      %mul3A_193 = arith.muli %scan3A_191, %mul3A_192 : i32
      %add3A_194 = arith.addi %arg1, %mul3A_193 : i32
      %lt3A = arith.constant 125 : i32
      %lt3A_195 = arith.cmpi slt, %add3A_194, %lt3A : i32
      %convert_element_type3A = arith.extui %lt3A_195 : i1 to i32
      %cond3A = arith.constant 0 : i32
      %cond3A_196 = arith.cmpi ne, %convert_element_type3A, %cond3A : i32
      scf.if %cond3A_196 {
        %mul3A_197 = arith.constant 80 : i32
        %mul3A_198 = arith.muli %add3A_194, %mul3A_197 : i32
        "tpu.region"() ({
          %run_scoped3A_199 = tpu.sem_alloc : memref<!tpu.dma_semaphore, #tpu.memory_space<semaphore_mem>>
          %dma_start3A_200 = arith.constant 0 : i32
          %dma_start3A_201 = tpu.memref_slice %arg12[%mul3A_198, %dma_start3A_200] : memref<10000x128xf32, #tpu.memory_space<vmem_shared>> -> memref<80x128xf32, #tpu.memory_space<vmem_shared>>
          %dma_start3A_202 = arith.constant 0 : i32
          %dma_start3A_203 = tpu.memref_slice %arg12[%mul3A_198, %dma_start3A_202] : memref<10000x128xf32, #tpu.memory_space<vmem_shared>> -> memref<80x128xf32, #tpu.memory_space<vmem_shared>>
          tpu.enqueue_dma source(%arg8 : memref<80x128xf32, #tpu.memory_space<vmem>>) target(%dma_start3A_203 : memref<80x128xf32, #tpu.memory_space<vmem_shared>>) target_semaphore(%run_scoped3A_199 : memref<!tpu.dma_semaphore, #tpu.memory_space<semaphore_mem>>)
          %dma_wait3A_204 = arith.constant 0 : i32
          %dma_wait3A_205 = tpu.memref_slice %arg12[%mul3A_198, %dma_wait3A_204] : memref<10000x128xf32, #tpu.memory_space<vmem_shared>> -> memref<80x128xf32, #tpu.memory_space<vmem_shared>>
          %dma_wait3A_206 = arith.constant 0 : i32
          %dma_wait3A_207 = tpu.memref_slice %arg12[%mul3A_198, %dma_wait3A_206] : memref<10000x128xf32, #tpu.memory_space<vmem_shared>> -> memref<80x128xf32, #tpu.memory_space<vmem_shared>>
          tpu.wait_dma2 semaphore(%run_scoped3A_199 : memref<!tpu.dma_semaphore, #tpu.memory_space<semaphore_mem>>) src(%arg8 : memref<80x128xf32, #tpu.memory_space<vmem>>) dst(%dma_wait3A_207 : memref<80x128xf32, #tpu.memory_space<vmem_shared>>)
          tpu.yield
        }) : () -> ()
      } else {
      }
    }
    %scan3A_26 = arith.constant 8 : i32
    %dma_wait3A = arith.constant 0 : i32
    %dma_wait3A_27 = arith.constant 0 : i32
    %dma_wait3A_28 = tpu.memref_slice %arg3[%add3A, %dma_wait3A, %dma_wait3A_27] : memref<32x125x80xi32, #tpu.memory_space<hbm>> -> memref<1x63x80xi32, #tpu.memory_space<hbm>>
    %dma_wait3A_29 = tpu.memref_squeeze %dma_wait3A_28 : memref<1x63x80xi32, #tpu.memory_space<hbm>> -> memref<63x80xi32, #tpu.memory_space<hbm>>
    %dma_wait3A_30 = arith.constant 0 : i32
    %dma_wait3A_31 = arith.constant 0 : i32
    %dma_wait3A_32 = tpu.memref_slice %arg3[%add3A, %dma_wait3A_30, %dma_wait3A_31] : memref<32x125x80xi32, #tpu.memory_space<hbm>> -> memref<1x63x80xi32, #tpu.memory_space<hbm>>
    %dma_wait3A_33 = tpu.memref_squeeze %dma_wait3A_32 : memref<1x63x80xi32, #tpu.memory_space<hbm>> -> memref<63x80xi32, #tpu.memory_space<hbm>>
    tpu.wait_dma2 semaphore(%arg13 : memref<!tpu.dma_semaphore, #tpu.memory_space<semaphore_mem>>) src(%dma_wait3A_33 : memref<63x80xi32, #tpu.memory_space<hbm>>) dst(%arg6 : memref<63x80xi32, #tpu.memory_space<vmem>>)
    %dma_wait3A_34 = arith.constant 0 : i32
    %dma_wait3A_35 = arith.constant 0 : i32
    %dma_wait3A_36 = tpu.memref_slice %arg4[%add3A, %dma_wait3A_34, %dma_wait3A_35] : memref<32x125x80xi32, #tpu.memory_space<hbm>> -> memref<1x63x80xi32, #tpu.memory_space<hbm>>
    %dma_wait3A_37 = tpu.memref_squeeze %dma_wait3A_36 : memref<1x63x80xi32, #tpu.memory_space<hbm>> -> memref<63x80xi32, #tpu.memory_space<hbm>>
    %dma_wait3A_38 = arith.constant 0 : i32
    %dma_wait3A_39 = arith.constant 0 : i32
    %dma_wait3A_40 = tpu.memref_slice %arg4[%add3A, %dma_wait3A_38, %dma_wait3A_39] : memref<32x125x80xi32, #tpu.memory_space<hbm>> -> memref<1x63x80xi32, #tpu.memory_space<hbm>>
    %dma_wait3A_41 = tpu.memref_squeeze %dma_wait3A_40 : memref<1x63x80xi32, #tpu.memory_space<hbm>> -> memref<63x80xi32, #tpu.memory_space<hbm>>
    tpu.wait_dma2 semaphore(%arg14 : memref<!tpu.dma_semaphore, #tpu.memory_space<semaphore_mem>>) src(%dma_wait3A_41 : memref<63x80xi32, #tpu.memory_space<hbm>>) dst(%arg7 : memref<63x80xi32, #tpu.memory_space<vmem>>)
    %barrier3A = arith.constant 0 : index
    tpu.barrier barrier_id(%barrier3A)
    %dma_start3A_42 = arith.constant 0 : i32
    %dma_start3A_43 = arith.constant 0 : i32
    %dma_start3A_44 = tpu.memref_slice %arg6[%dma_start3A_42, %dma_start3A_43] : memref<63x80xi32, #tpu.memory_space<vmem>> -> memref<1x80xi32, #tpu.memory_space<vmem>>
    %dma_start3A_45 = tpu.memref_squeeze %dma_start3A_44 : memref<1x80xi32, #tpu.memory_space<vmem>> -> memref<80xi32, #tpu.memory_space<vmem>>
    %dma_start3A_46 = arith.constant 0 : i32
    %dma_start3A_47 = arith.constant 0 : i32
    %dma_start3A_48 = tpu.memref_slice %arg2[%dma_start3A_46, %dma_start3A_47] : memref<10000x128xf32, #tpu.memory_space<hbm>> -> memref<10000x128xf32, #tpu.memory_space<hbm>>
    tpu.enqueue_indirect_dma source(%dma_start3A_48 : memref<10000x128xf32, #tpu.memory_space<hbm>>) target(%arg8 : memref<80x128xf32, #tpu.memory_space<vmem>>) offsets(%dma_start3A_45 : memref<80xi32, #tpu.memory_space<vmem>>) semaphore(%arg13 : memref<!tpu.dma_semaphore, #tpu.memory_space<semaphore_mem>>)
    %dma_start3A_49 = arith.constant 1 : i32
    %dma_start3A_50 = arith.constant 0 : i32
    %dma_start3A_51 = tpu.memref_slice %arg6[%dma_start3A_49, %dma_start3A_50] : memref<63x80xi32, #tpu.memory_space<vmem>> -> memref<1x80xi32, #tpu.memory_space<vmem>>
    %dma_start3A_52 = tpu.memref_squeeze %dma_start3A_51 : memref<1x80xi32, #tpu.memory_space<vmem>> -> memref<80xi32, #tpu.memory_space<vmem>>
    %dma_start3A_53 = arith.constant 0 : i32
    %dma_start3A_54 = arith.constant 0 : i32
    %dma_start3A_55 = tpu.memref_slice %arg2[%dma_start3A_53, %dma_start3A_54] : memref<10000x128xf32, #tpu.memory_space<hbm>> -> memref<10000x128xf32, #tpu.memory_space<hbm>>
    tpu.enqueue_indirect_dma source(%dma_start3A_55 : memref<10000x128xf32, #tpu.memory_space<hbm>>) target(%arg9 : memref<80x128xf32, #tpu.memory_space<vmem>>) offsets(%dma_start3A_52 : memref<80xi32, #tpu.memory_space<vmem>>) semaphore(%arg14 : memref<!tpu.dma_semaphore, #tpu.memory_space<semaphore_mem>>)
    %dma_start3A_56 = arith.constant 2 : i32
    %dma_start3A_57 = arith.constant 0 : i32
    %dma_start3A_58 = tpu.memref_slice %arg6[%dma_start3A_56, %dma_start3A_57] : memref<63x80xi32, #tpu.memory_space<vmem>> -> memref<1x80xi32, #tpu.memory_space<vmem>>
    %dma_start3A_59 = tpu.memref_squeeze %dma_start3A_58 : memref<1x80xi32, #tpu.memory_space<vmem>> -> memref<80xi32, #tpu.memory_space<vmem>>
    %dma_start3A_60 = arith.constant 0 : i32
    %dma_start3A_61 = arith.constant 0 : i32
    %dma_start3A_62 = tpu.memref_slice %arg2[%dma_start3A_60, %dma_start3A_61] : memref<10000x128xf32, #tpu.memory_space<hbm>> -> memref<10000x128xf32, #tpu.memory_space<hbm>>
    tpu.enqueue_indirect_dma source(%dma_start3A_62 : memref<10000x128xf32, #tpu.memory_space<hbm>>) target(%arg10 : memref<80x128xf32, #tpu.memory_space<vmem>>) offsets(%dma_start3A_59 : memref<80xi32, #tpu.memory_space<vmem>>) semaphore(%arg15 : memref<!tpu.dma_semaphore, #tpu.memory_space<semaphore_mem>>)
    %dma_start3A_63 = arith.constant 3 : i32
    %dma_start3A_64 = arith.constant 0 : i32
    %dma_start3A_65 = tpu.memref_slice %arg6[%dma_start3A_63, %dma_start3A_64] : memref<63x80xi32, #tpu.memory_space<vmem>> -> memref<1x80xi32, #tpu.memory_space<vmem>>
    %dma_start3A_66 = tpu.memref_squeeze %dma_start3A_65 : memref<1x80xi32, #tpu.memory_space<vmem>> -> memref<80xi32, #tpu.memory_space<vmem>>
    %dma_start3A_67 = arith.constant 0 : i32
    %dma_start3A_68 = arith.constant 0 : i32
    %dma_start3A_69 = tpu.memref_slice %arg2[%dma_start3A_67, %dma_start3A_68] : memref<10000x128xf32, #tpu.memory_space<hbm>> -> memref<10000x128xf32, #tpu.memory_space<hbm>>
    tpu.enqueue_indirect_dma source(%dma_start3A_69 : memref<10000x128xf32, #tpu.memory_space<hbm>>) target(%arg11 : memref<80x128xf32, #tpu.memory_space<vmem>>) offsets(%dma_start3A_66 : memref<80xi32, #tpu.memory_space<vmem>>) semaphore(%arg16 : memref<!tpu.dma_semaphore, #tpu.memory_space<semaphore_mem>>)
    %scan3A_70 = arith.constant 0 : i32
    %scan3A_71 = arith.constant 0 : i32
    %scan3A_72 = arith.constant 15 : i32
    %scan3A_73 = arith.addi %scan3A_71, %scan3A_72 : i32
    %scan3A_74 = arith.constant 1 : i32
    scf.for %scan3A_191 = %scan3A_71 to %scan3A_73 step %scan3A_74  : i32 {
      %mul3A_192 = arith.constant 4 : i32
      %mul3A_193 = arith.muli %scan3A_191, %mul3A_192 : i32
      %add3A_194 = arith.constant 0 : i32
      %add3A_195 = arith.addi %mul3A_193, %add3A_194 : i32
      %dma_wait3A_196 = arith.constant 0 : i32
      %dma_wait3A_197 = tpu.memref_slice %arg6[%add3A_195, %dma_wait3A_196] : memref<63x80xi32, #tpu.memory_space<vmem>> -> memref<1x80xi32, #tpu.memory_space<vmem>>
      %dma_wait3A_198 = tpu.memref_squeeze %dma_wait3A_197 : memref<1x80xi32, #tpu.memory_space<vmem>> -> memref<80xi32, #tpu.memory_space<vmem>>
      %dma_wait3A_199 = arith.constant 0 : i32
      %dma_wait3A_200 = arith.constant 0 : i32
      %dma_wait3A_201 = tpu.memref_slice %arg2[%dma_wait3A_199, %dma_wait3A_200] : memref<10000x128xf32, #tpu.memory_space<hbm>> -> memref<10000x128xf32, #tpu.memory_space<hbm>>
      tpu.wait_indirect_dma semaphore(%arg13 : memref<!tpu.dma_semaphore, #tpu.memory_space<semaphore_mem>>) src(%dma_wait3A_201 : memref<10000x128xf32, #tpu.memory_space<hbm>>) dst(%arg8 : memref<80x128xf32, #tpu.memory_space<vmem>>)
      %add3A_202 = arith.constant 0 : i32
      %add3A_203 = arith.addi %mul3A_193, %add3A_202 : i32
      %dma_start3A_204 = arith.constant 0 : i32
      %dma_start3A_205 = tpu.memref_slice %arg7[%add3A_203, %dma_start3A_204] : memref<63x80xi32, #tpu.memory_space<vmem>> -> memref<1x80xi32, #tpu.memory_space<vmem>>
      %dma_start3A_206 = tpu.memref_squeeze %dma_start3A_205 : memref<1x80xi32, #tpu.memory_space<vmem>> -> memref<80xi32, #tpu.memory_space<vmem>>
      %dma_start3A_207 = arith.constant 0 : i32
      %dma_start3A_208 = arith.constant 0 : i32
      %dma_start3A_209 = tpu.memref_slice %arg12[%dma_start3A_207, %dma_start3A_208] : memref<10000x128xf32, #tpu.memory_space<vmem_shared>> -> memref<10000x128xf32, #tpu.memory_space<vmem_shared>>
      tpu.enqueue_indirect_dma source(%arg8 : memref<80x128xf32, #tpu.memory_space<vmem>>) target(%dma_start3A_209 : memref<10000x128xf32, #tpu.memory_space<vmem_shared>>) offsets(%dma_start3A_206 : memref<80xi32, #tpu.memory_space<vmem>>) semaphore(%arg17 : memref<!tpu.dma_semaphore, #tpu.memory_space<semaphore_mem>>) {add = true}
      %add3A_210 = arith.constant 1 : i32
      %add3A_211 = arith.addi %mul3A_193, %add3A_210 : i32
      %dma_wait3A_212 = arith.constant 0 : i32
      %dma_wait3A_213 = tpu.memref_slice %arg6[%add3A_211, %dma_wait3A_212] : memref<63x80xi32, #tpu.memory_space<vmem>> -> memref<1x80xi32, #tpu.memory_space<vmem>>
      %dma_wait3A_214 = tpu.memref_squeeze %dma_wait3A_213 : memref<1x80xi32, #tpu.memory_space<vmem>> -> memref<80xi32, #tpu.memory_space<vmem>>
      %dma_wait3A_215 = arith.constant 0 : i32
      %dma_wait3A_216 = arith.constant 0 : i32
      %dma_wait3A_217 = tpu.memref_slice %arg2[%dma_wait3A_215, %dma_wait3A_216] : memref<10000x128xf32, #tpu.memory_space<hbm>> -> memref<10000x128xf32, #tpu.memory_space<hbm>>
      tpu.wait_indirect_dma semaphore(%arg14 : memref<!tpu.dma_semaphore, #tpu.memory_space<semaphore_mem>>) src(%dma_wait3A_217 : memref<10000x128xf32, #tpu.memory_space<hbm>>) dst(%arg9 : memref<80x128xf32, #tpu.memory_space<vmem>>)
      %add3A_218 = arith.constant 1 : i32
      %add3A_219 = arith.addi %mul3A_193, %add3A_218 : i32
      %dma_start3A_220 = arith.constant 0 : i32
      %dma_start3A_221 = tpu.memref_slice %arg7[%add3A_219, %dma_start3A_220] : memref<63x80xi32, #tpu.memory_space<vmem>> -> memref<1x80xi32, #tpu.memory_space<vmem>>
      %dma_start3A_222 = tpu.memref_squeeze %dma_start3A_221 : memref<1x80xi32, #tpu.memory_space<vmem>> -> memref<80xi32, #tpu.memory_space<vmem>>
      %dma_start3A_223 = arith.constant 0 : i32
      %dma_start3A_224 = arith.constant 0 : i32
      %dma_start3A_225 = tpu.memref_slice %arg12[%dma_start3A_223, %dma_start3A_224] : memref<10000x128xf32, #tpu.memory_space<vmem_shared>> -> memref<10000x128xf32, #tpu.memory_space<vmem_shared>>
      tpu.enqueue_indirect_dma source(%arg9 : memref<80x128xf32, #tpu.memory_space<vmem>>) target(%dma_start3A_225 : memref<10000x128xf32, #tpu.memory_space<vmem_shared>>) offsets(%dma_start3A_222 : memref<80xi32, #tpu.memory_space<vmem>>) semaphore(%arg18 : memref<!tpu.dma_semaphore, #tpu.memory_space<semaphore_mem>>) {add = true}
      %add3A_226 = arith.constant 2 : i32
      %add3A_227 = arith.addi %mul3A_193, %add3A_226 : i32
      %dma_wait3A_228 = arith.constant 0 : i32
      %dma_wait3A_229 = tpu.memref_slice %arg6[%add3A_227, %dma_wait3A_228] : memref<63x80xi32, #tpu.memory_space<vmem>> -> memref<1x80xi32, #tpu.memory_space<vmem>>
      %dma_wait3A_230 = tpu.memref_squeeze %dma_wait3A_229 : memref<1x80xi32, #tpu.memory_space<vmem>> -> memref<80xi32, #tpu.memory_space<vmem>>
      %dma_wait3A_231 = arith.constant 0 : i32
      %dma_wait3A_232 = arith.constant 0 : i32
      %dma_wait3A_233 = tpu.memref_slice %arg2[%dma_wait3A_231, %dma_wait3A_232] : memref<10000x128xf32, #tpu.memory_space<hbm>> -> memref<10000x128xf32, #tpu.memory_space<hbm>>
      tpu.wait_indirect_dma semaphore(%arg15 : memref<!tpu.dma_semaphore, #tpu.memory_space<semaphore_mem>>) src(%dma_wait3A_233 : memref<10000x128xf32, #tpu.memory_space<hbm>>) dst(%arg10 : memref<80x128xf32, #tpu.memory_space<vmem>>)
      %add3A_234 = arith.constant 2 : i32
      %add3A_235 = arith.addi %mul3A_193, %add3A_234 : i32
      %dma_start3A_236 = arith.constant 0 : i32
      %dma_start3A_237 = tpu.memref_slice %arg7[%add3A_235, %dma_start3A_236] : memref<63x80xi32, #tpu.memory_space<vmem>> -> memref<1x80xi32, #tpu.memory_space<vmem>>
      %dma_start3A_238 = tpu.memref_squeeze %dma_start3A_237 : memref<1x80xi32, #tpu.memory_space<vmem>> -> memref<80xi32, #tpu.memory_space<vmem>>
      %dma_start3A_239 = arith.constant 0 : i32
      %dma_start3A_240 = arith.constant 0 : i32
      %dma_start3A_241 = tpu.memref_slice %arg12[%dma_start3A_239, %dma_start3A_240] : memref<10000x128xf32, #tpu.memory_space<vmem_shared>> -> memref<10000x128xf32, #tpu.memory_space<vmem_shared>>
      tpu.enqueue_indirect_dma source(%arg10 : memref<80x128xf32, #tpu.memory_space<vmem>>) target(%dma_start3A_241 : memref<10000x128xf32, #tpu.memory_space<vmem_shared>>) offsets(%dma_start3A_238 : memref<80xi32, #tpu.memory_space<vmem>>) semaphore(%arg19 : memref<!tpu.dma_semaphore, #tpu.memory_space<semaphore_mem>>) {add = true}
      %add3A_242 = arith.constant 3 : i32
      %add3A_243 = arith.addi %mul3A_193, %add3A_242 : i32
      %dma_wait3A_244 = arith.constant 0 : i32
      %dma_wait3A_245 = tpu.memref_slice %arg6[%add3A_243, %dma_wait3A_244] : memref<63x80xi32, #tpu.memory_space<vmem>> -> memref<1x80xi32, #tpu.memory_space<vmem>>
      %dma_wait3A_246 = tpu.memref_squeeze %dma_wait3A_245 : memref<1x80xi32, #tpu.memory_space<vmem>> -> memref<80xi32, #tpu.memory_space<vmem>>
      %dma_wait3A_247 = arith.constant 0 : i32
      %dma_wait3A_248 = arith.constant 0 : i32
      %dma_wait3A_249 = tpu.memref_slice %arg2[%dma_wait3A_247, %dma_wait3A_248] : memref<10000x128xf32, #tpu.memory_space<hbm>> -> memref<10000x128xf32, #tpu.memory_space<hbm>>
      tpu.wait_indirect_dma semaphore(%arg16 : memref<!tpu.dma_semaphore, #tpu.memory_space<semaphore_mem>>) src(%dma_wait3A_249 : memref<10000x128xf32, #tpu.memory_space<hbm>>) dst(%arg11 : memref<80x128xf32, #tpu.memory_space<vmem>>)
      %add3A_250 = arith.constant 3 : i32
      %add3A_251 = arith.addi %mul3A_193, %add3A_250 : i32
      %dma_start3A_252 = arith.constant 0 : i32
      %dma_start3A_253 = tpu.memref_slice %arg7[%add3A_251, %dma_start3A_252] : memref<63x80xi32, #tpu.memory_space<vmem>> -> memref<1x80xi32, #tpu.memory_space<vmem>>
      %dma_start3A_254 = tpu.memref_squeeze %dma_start3A_253 : memref<1x80xi32, #tpu.memory_space<vmem>> -> memref<80xi32, #tpu.memory_space<vmem>>
      %dma_start3A_255 = arith.constant 0 : i32
      %dma_start3A_256 = arith.constant 0 : i32
      %dma_start3A_257 = tpu.memref_slice %arg12[%dma_start3A_255, %dma_start3A_256] : memref<10000x128xf32, #tpu.memory_space<vmem_shared>> -> memref<10000x128xf32, #tpu.memory_space<vmem_shared>>
      tpu.enqueue_indirect_dma source(%arg11 : memref<80x128xf32, #tpu.memory_space<vmem>>) target(%dma_start3A_257 : memref<10000x128xf32, #tpu.memory_space<vmem_shared>>) offsets(%dma_start3A_254 : memref<80xi32, #tpu.memory_space<vmem>>) semaphore(%arg20 : memref<!tpu.dma_semaphore, #tpu.memory_space<semaphore_mem>>) {add = true}
      %dma_wait3A_258 = arith.constant 0 : i32
      %dma_wait3A_259 = tpu.memref_slice %arg7[%add3A_203, %dma_wait3A_258] : memref<63x80xi32, #tpu.memory_space<vmem>> -> memref<1x80xi32, #tpu.memory_space<vmem>>
      %dma_wait3A_260 = tpu.memref_squeeze %dma_wait3A_259 : memref<1x80xi32, #tpu.memory_space<vmem>> -> memref<80xi32, #tpu.memory_space<vmem>>
      %dma_wait3A_261 = arith.constant 0 : i32
      %dma_wait3A_262 = arith.constant 0 : i32
      %dma_wait3A_263 = tpu.memref_slice %arg12[%dma_wait3A_261, %dma_wait3A_262] : memref<10000x128xf32, #tpu.memory_space<vmem_shared>> -> memref<10000x128xf32, #tpu.memory_space<vmem_shared>>
      tpu.wait_indirect_dma semaphore(%arg17 : memref<!tpu.dma_semaphore, #tpu.memory_space<semaphore_mem>>) src(%arg8 : memref<80x128xf32, #tpu.memory_space<vmem>>) dst(%dma_wait3A_263 : memref<10000x128xf32, #tpu.memory_space<vmem_shared>>)
      %lt3A = arith.constant 14 : i32
      %lt3A_264 = arith.cmpi slt, %scan3A_191, %lt3A : i32
      %convert_element_type3A = arith.extui %lt3A_264 : i1 to i32
      %cond3A = arith.constant 0 : i32
      %cond3A_265 = arith.cmpi ne, %convert_element_type3A, %cond3A : i32
      scf.if %cond3A_265 {
        %add3A_299 = arith.constant 4 : i32
        %add3A_300 = arith.addi %mul3A_193, %add3A_299 : i32
        %add3A_301 = arith.constant 0 : i32
        %add3A_302 = arith.addi %add3A_300, %add3A_301 : i32
        %dma_start3A_303 = arith.constant 0 : i32
        %dma_start3A_304 = tpu.memref_slice %arg6[%add3A_302, %dma_start3A_303] : memref<63x80xi32, #tpu.memory_space<vmem>> -> memref<1x80xi32, #tpu.memory_space<vmem>>
        %dma_start3A_305 = tpu.memref_squeeze %dma_start3A_304 : memref<1x80xi32, #tpu.memory_space<vmem>> -> memref<80xi32, #tpu.memory_space<vmem>>
        %dma_start3A_306 = arith.constant 0 : i32
        %dma_start3A_307 = arith.constant 0 : i32
        %dma_start3A_308 = tpu.memref_slice %arg2[%dma_start3A_306, %dma_start3A_307] : memref<10000x128xf32, #tpu.memory_space<hbm>> -> memref<10000x128xf32, #tpu.memory_space<hbm>>
        tpu.enqueue_indirect_dma source(%dma_start3A_308 : memref<10000x128xf32, #tpu.memory_space<hbm>>) target(%arg8 : memref<80x128xf32, #tpu.memory_space<vmem>>) offsets(%dma_start3A_305 : memref<80xi32, #tpu.memory_space<vmem>>) semaphore(%arg13 : memref<!tpu.dma_semaphore, #tpu.memory_space<semaphore_mem>>)
      } else {
      }
      %dma_wait3A_266 = arith.constant 0 : i32
      %dma_wait3A_267 = tpu.memref_slice %arg7[%add3A_219, %dma_wait3A_266] : memref<63x80xi32, #tpu.memory_space<vmem>> -> memref<1x80xi32, #tpu.memory_space<vmem>>
      %dma_wait3A_268 = tpu.memref_squeeze %dma_wait3A_267 : memref<1x80xi32, #tpu.memory_space<vmem>> -> memref<80xi32, #tpu.memory_space<vmem>>
      %dma_wait3A_269 = arith.constant 0 : i32
      %dma_wait3A_270 = arith.constant 0 : i32
      %dma_wait3A_271 = tpu.memref_slice %arg12[%dma_wait3A_269, %dma_wait3A_270] : memref<10000x128xf32, #tpu.memory_space<vmem_shared>> -> memref<10000x128xf32, #tpu.memory_space<vmem_shared>>
      tpu.wait_indirect_dma semaphore(%arg18 : memref<!tpu.dma_semaphore, #tpu.memory_space<semaphore_mem>>) src(%arg9 : memref<80x128xf32, #tpu.memory_space<vmem>>) dst(%dma_wait3A_271 : memref<10000x128xf32, #tpu.memory_space<vmem_shared>>)
      %lt3A_272 = arith.constant 14 : i32
      %lt3A_273 = arith.cmpi slt, %scan3A_191, %lt3A_272 : i32
      %convert_element_type3A_274 = arith.extui %lt3A_273 : i1 to i32
      %cond3A_275 = arith.constant 0 : i32
      %cond3A_276 = arith.cmpi ne, %convert_element_type3A_274, %cond3A_275 : i32
      scf.if %cond3A_276 {
        %add3A_299 = arith.constant 4 : i32
        %add3A_300 = arith.addi %mul3A_193, %add3A_299 : i32
        %add3A_301 = arith.constant 1 : i32
        %add3A_302 = arith.addi %add3A_300, %add3A_301 : i32
        %dma_start3A_303 = arith.constant 0 : i32
        %dma_start3A_304 = tpu.memref_slice %arg6[%add3A_302, %dma_start3A_303] : memref<63x80xi32, #tpu.memory_space<vmem>> -> memref<1x80xi32, #tpu.memory_space<vmem>>
        %dma_start3A_305 = tpu.memref_squeeze %dma_start3A_304 : memref<1x80xi32, #tpu.memory_space<vmem>> -> memref<80xi32, #tpu.memory_space<vmem>>
        %dma_start3A_306 = arith.constant 0 : i32
        %dma_start3A_307 = arith.constant 0 : i32
        %dma_start3A_308 = tpu.memref_slice %arg2[%dma_start3A_306, %dma_start3A_307] : memref<10000x128xf32, #tpu.memory_space<hbm>> -> memref<10000x128xf32, #tpu.memory_space<hbm>>
        tpu.enqueue_indirect_dma source(%dma_start3A_308 : memref<10000x128xf32, #tpu.memory_space<hbm>>) target(%arg9 : memref<80x128xf32, #tpu.memory_space<vmem>>) offsets(%dma_start3A_305 : memref<80xi32, #tpu.memory_space<vmem>>) semaphore(%arg14 : memref<!tpu.dma_semaphore, #tpu.memory_space<semaphore_mem>>)
      } else {
      }
      %dma_wait3A_277 = arith.constant 0 : i32
      %dma_wait3A_278 = tpu.memref_slice %arg7[%add3A_235, %dma_wait3A_277] : memref<63x80xi32, #tpu.memory_space<vmem>> -> memref<1x80xi32, #tpu.memory_space<vmem>>
      %dma_wait3A_279 = tpu.memref_squeeze %dma_wait3A_278 : memref<1x80xi32, #tpu.memory_space<vmem>> -> memref<80xi32, #tpu.memory_space<vmem>>
      %dma_wait3A_280 = arith.constant 0 : i32
      %dma_wait3A_281 = arith.constant 0 : i32
      %dma_wait3A_282 = tpu.memref_slice %arg12[%dma_wait3A_280, %dma_wait3A_281] : memref<10000x128xf32, #tpu.memory_space<vmem_shared>> -> memref<10000x128xf32, #tpu.memory_space<vmem_shared>>
      tpu.wait_indirect_dma semaphore(%arg19 : memref<!tpu.dma_semaphore, #tpu.memory_space<semaphore_mem>>) src(%arg10 : memref<80x128xf32, #tpu.memory_space<vmem>>) dst(%dma_wait3A_282 : memref<10000x128xf32, #tpu.memory_space<vmem_shared>>)
      %lt3A_283 = arith.constant 14 : i32
      %lt3A_284 = arith.cmpi slt, %scan3A_191, %lt3A_283 : i32
      %convert_element_type3A_285 = arith.extui %lt3A_284 : i1 to i32
      %cond3A_286 = arith.constant 0 : i32
      %cond3A_287 = arith.cmpi ne, %convert_element_type3A_285, %cond3A_286 : i32
      scf.if %cond3A_287 {
        %add3A_299 = arith.constant 4 : i32
        %add3A_300 = arith.addi %mul3A_193, %add3A_299 : i32
        %add3A_301 = arith.constant 2 : i32
        %add3A_302 = arith.addi %add3A_300, %add3A_301 : i32
        %dma_start3A_303 = arith.constant 0 : i32
        %dma_start3A_304 = tpu.memref_slice %arg6[%add3A_302, %dma_start3A_303] : memref<63x80xi32, #tpu.memory_space<vmem>> -> memref<1x80xi32, #tpu.memory_space<vmem>>
        %dma_start3A_305 = tpu.memref_squeeze %dma_start3A_304 : memref<1x80xi32, #tpu.memory_space<vmem>> -> memref<80xi32, #tpu.memory_space<vmem>>
        %dma_start3A_306 = arith.constant 0 : i32
        %dma_start3A_307 = arith.constant 0 : i32
        %dma_start3A_308 = tpu.memref_slice %arg2[%dma_start3A_306, %dma_start3A_307] : memref<10000x128xf32, #tpu.memory_space<hbm>> -> memref<10000x128xf32, #tpu.memory_space<hbm>>
        tpu.enqueue_indirect_dma source(%dma_start3A_308 : memref<10000x128xf32, #tpu.memory_space<hbm>>) target(%arg10 : memref<80x128xf32, #tpu.memory_space<vmem>>) offsets(%dma_start3A_305 : memref<80xi32, #tpu.memory_space<vmem>>) semaphore(%arg15 : memref<!tpu.dma_semaphore, #tpu.memory_space<semaphore_mem>>)
      } else {
      }
      %dma_wait3A_288 = arith.constant 0 : i32
      %dma_wait3A_289 = tpu.memref_slice %arg7[%add3A_251, %dma_wait3A_288] : memref<63x80xi32, #tpu.memory_space<vmem>> -> memref<1x80xi32, #tpu.memory_space<vmem>>
      %dma_wait3A_290 = tpu.memref_squeeze %dma_wait3A_289 : memref<1x80xi32, #tpu.memory_space<vmem>> -> memref<80xi32, #tpu.memory_space<vmem>>
      %dma_wait3A_291 = arith.constant 0 : i32
      %dma_wait3A_292 = arith.constant 0 : i32
      %dma_wait3A_293 = tpu.memref_slice %arg12[%dma_wait3A_291, %dma_wait3A_292] : memref<10000x128xf32, #tpu.memory_space<vmem_shared>> -> memref<10000x128xf32, #tpu.memory_space<vmem_shared>>
      tpu.wait_indirect_dma semaphore(%arg20 : memref<!tpu.dma_semaphore, #tpu.memory_space<semaphore_mem>>) src(%arg11 : memref<80x128xf32, #tpu.memory_space<vmem>>) dst(%dma_wait3A_293 : memref<10000x128xf32, #tpu.memory_space<vmem_shared>>)
      %lt3A_294 = arith.constant 14 : i32
      %lt3A_295 = arith.cmpi slt, %scan3A_191, %lt3A_294 : i32
      %convert_element_type3A_296 = arith.extui %lt3A_295 : i1 to i32
      %cond3A_297 = arith.constant 0 : i32
      %cond3A_298 = arith.cmpi ne, %convert_element_type3A_296, %cond3A_297 : i32
      scf.if %cond3A_298 {
        %add3A_299 = arith.constant 4 : i32
        %add3A_300 = arith.addi %mul3A_193, %add3A_299 : i32
        %add3A_301 = arith.constant 3 : i32
        %add3A_302 = arith.addi %add3A_300, %add3A_301 : i32
        %dma_start3A_303 = arith.constant 0 : i32
        %dma_start3A_304 = tpu.memref_slice %arg6[%add3A_302, %dma_start3A_303] : memref<63x80xi32, #tpu.memory_space<vmem>> -> memref<1x80xi32, #tpu.memory_space<vmem>>
        %dma_start3A_305 = tpu.memref_squeeze %dma_start3A_304 : memref<1x80xi32, #tpu.memory_space<vmem>> -> memref<80xi32, #tpu.memory_space<vmem>>
        %dma_start3A_306 = arith.constant 0 : i32
        %dma_start3A_307 = arith.constant 0 : i32
        %dma_start3A_308 = tpu.memref_slice %arg2[%dma_start3A_306, %dma_start3A_307] : memref<10000x128xf32, #tpu.memory_space<hbm>> -> memref<10000x128xf32, #tpu.memory_space<hbm>>
        tpu.enqueue_indirect_dma source(%dma_start3A_308 : memref<10000x128xf32, #tpu.memory_space<hbm>>) target(%arg11 : memref<80x128xf32, #tpu.memory_space<vmem>>) offsets(%dma_start3A_305 : memref<80xi32, #tpu.memory_space<vmem>>) semaphore(%arg16 : memref<!tpu.dma_semaphore, #tpu.memory_space<semaphore_mem>>)
      } else {
      }
    }
    %scan3A_75 = arith.constant 15 : i32
    %dma_start3A_76 = arith.constant 60 : i32
    %dma_start3A_77 = arith.constant 0 : i32
    %dma_start3A_78 = tpu.memref_slice %arg6[%dma_start3A_76, %dma_start3A_77] : memref<63x80xi32, #tpu.memory_space<vmem>> -> memref<1x80xi32, #tpu.memory_space<vmem>>
    %dma_start3A_79 = tpu.memref_squeeze %dma_start3A_78 : memref<1x80xi32, #tpu.memory_space<vmem>> -> memref<80xi32, #tpu.memory_space<vmem>>
    %dma_start3A_80 = arith.constant 0 : i32
    %dma_start3A_81 = arith.constant 0 : i32
    %dma_start3A_82 = tpu.memref_slice %arg2[%dma_start3A_80, %dma_start3A_81] : memref<10000x128xf32, #tpu.memory_space<hbm>> -> memref<10000x128xf32, #tpu.memory_space<hbm>>
    tpu.enqueue_indirect_dma source(%dma_start3A_82 : memref<10000x128xf32, #tpu.memory_space<hbm>>) target(%arg8 : memref<80x128xf32, #tpu.memory_space<vmem>>) offsets(%dma_start3A_79 : memref<80xi32, #tpu.memory_space<vmem>>) semaphore(%arg13 : memref<!tpu.dma_semaphore, #tpu.memory_space<semaphore_mem>>)
    %dma_wait3A_83 = arith.constant 60 : i32
    %dma_wait3A_84 = arith.constant 0 : i32
    %dma_wait3A_85 = tpu.memref_slice %arg6[%dma_wait3A_83, %dma_wait3A_84] : memref<63x80xi32, #tpu.memory_space<vmem>> -> memref<1x80xi32, #tpu.memory_space<vmem>>
    %dma_wait3A_86 = tpu.memref_squeeze %dma_wait3A_85 : memref<1x80xi32, #tpu.memory_space<vmem>> -> memref<80xi32, #tpu.memory_space<vmem>>
    %dma_wait3A_87 = arith.constant 0 : i32
    %dma_wait3A_88 = arith.constant 0 : i32
    %dma_wait3A_89 = tpu.memref_slice %arg2[%dma_wait3A_87, %dma_wait3A_88] : memref<10000x128xf32, #tpu.memory_space<hbm>> -> memref<10000x128xf32, #tpu.memory_space<hbm>>
    tpu.wait_indirect_dma semaphore(%arg13 : memref<!tpu.dma_semaphore, #tpu.memory_space<semaphore_mem>>) src(%dma_wait3A_89 : memref<10000x128xf32, #tpu.memory_space<hbm>>) dst(%arg8 : memref<80x128xf32, #tpu.memory_space<vmem>>)
    %run_scoped3A = arith.constant 60 : i32
    "tpu.region"() ({
      %run_scoped3A_191 = tpu.sem_alloc : memref<!tpu.dma_semaphore, #tpu.memory_space<semaphore_mem>>
      %dma_start3A_192 = arith.constant 0 : i32
      %dma_start3A_193 = tpu.memref_slice %arg7[%run_scoped3A, %dma_start3A_192] : memref<63x80xi32, #tpu.memory_space<vmem>> -> memref<1x80xi32, #tpu.memory_space<vmem>>
      %dma_start3A_194 = tpu.memref_squeeze %dma_start3A_193 : memref<1x80xi32, #tpu.memory_space<vmem>> -> memref<80xi32, #tpu.memory_space<vmem>>
      %dma_start3A_195 = arith.constant 0 : i32
      %dma_start3A_196 = arith.constant 0 : i32
      %dma_start3A_197 = tpu.memref_slice %arg12[%dma_start3A_195, %dma_start3A_196] : memref<10000x128xf32, #tpu.memory_space<vmem_shared>> -> memref<10000x128xf32, #tpu.memory_space<vmem_shared>>
      tpu.enqueue_indirect_dma source(%arg8 : memref<80x128xf32, #tpu.memory_space<vmem>>) target(%dma_start3A_197 : memref<10000x128xf32, #tpu.memory_space<vmem_shared>>) offsets(%dma_start3A_194 : memref<80xi32, #tpu.memory_space<vmem>>) semaphore(%run_scoped3A_191 : memref<!tpu.dma_semaphore, #tpu.memory_space<semaphore_mem>>) {add = true}
      %dma_wait3A_198 = arith.constant 0 : i32
      %dma_wait3A_199 = tpu.memref_slice %arg7[%run_scoped3A, %dma_wait3A_198] : memref<63x80xi32, #tpu.memory_space<vmem>> -> memref<1x80xi32, #tpu.memory_space<vmem>>
      %dma_wait3A_200 = tpu.memref_squeeze %dma_wait3A_199 : memref<1x80xi32, #tpu.memory_space<vmem>> -> memref<80xi32, #tpu.memory_space<vmem>>
      %dma_wait3A_201 = arith.constant 0 : i32
      %dma_wait3A_202 = arith.constant 0 : i32
      %dma_wait3A_203 = tpu.memref_slice %arg12[%dma_wait3A_201, %dma_wait3A_202] : memref<10000x128xf32, #tpu.memory_space<vmem_shared>> -> memref<10000x128xf32, #tpu.memory_space<vmem_shared>>
      tpu.wait_indirect_dma semaphore(%run_scoped3A_191 : memref<!tpu.dma_semaphore, #tpu.memory_space<semaphore_mem>>) src(%arg8 : memref<80x128xf32, #tpu.memory_space<vmem>>) dst(%dma_wait3A_203 : memref<10000x128xf32, #tpu.memory_space<vmem_shared>>)
      tpu.yield
    }) : () -> ()
    %dma_start3A_90 = arith.constant 61 : i32
    %dma_start3A_91 = arith.constant 0 : i32
    %dma_start3A_92 = tpu.memref_slice %arg6[%dma_start3A_90, %dma_start3A_91] : memref<63x80xi32, #tpu.memory_space<vmem>> -> memref<1x80xi32, #tpu.memory_space<vmem>>
    %dma_start3A_93 = tpu.memref_squeeze %dma_start3A_92 : memref<1x80xi32, #tpu.memory_space<vmem>> -> memref<80xi32, #tpu.memory_space<vmem>>
    %dma_start3A_94 = arith.constant 0 : i32
    %dma_start3A_95 = arith.constant 0 : i32
    %dma_start3A_96 = tpu.memref_slice %arg2[%dma_start3A_94, %dma_start3A_95] : memref<10000x128xf32, #tpu.memory_space<hbm>> -> memref<10000x128xf32, #tpu.memory_space<hbm>>
    tpu.enqueue_indirect_dma source(%dma_start3A_96 : memref<10000x128xf32, #tpu.memory_space<hbm>>) target(%arg9 : memref<80x128xf32, #tpu.memory_space<vmem>>) offsets(%dma_start3A_93 : memref<80xi32, #tpu.memory_space<vmem>>) semaphore(%arg14 : memref<!tpu.dma_semaphore, #tpu.memory_space<semaphore_mem>>)
    %dma_wait3A_97 = arith.constant 61 : i32
    %dma_wait3A_98 = arith.constant 0 : i32
    %dma_wait3A_99 = tpu.memref_slice %arg6[%dma_wait3A_97, %dma_wait3A_98] : memref<63x80xi32, #tpu.memory_space<vmem>> -> memref<1x80xi32, #tpu.memory_space<vmem>>
    %dma_wait3A_100 = tpu.memref_squeeze %dma_wait3A_99 : memref<1x80xi32, #tpu.memory_space<vmem>> -> memref<80xi32, #tpu.memory_space<vmem>>
    %dma_wait3A_101 = arith.constant 0 : i32
    %dma_wait3A_102 = arith.constant 0 : i32
    %dma_wait3A_103 = tpu.memref_slice %arg2[%dma_wait3A_101, %dma_wait3A_102] : memref<10000x128xf32, #tpu.memory_space<hbm>> -> memref<10000x128xf32, #tpu.memory_space<hbm>>
    tpu.wait_indirect_dma semaphore(%arg14 : memref<!tpu.dma_semaphore, #tpu.memory_space<semaphore_mem>>) src(%dma_wait3A_103 : memref<10000x128xf32, #tpu.memory_space<hbm>>) dst(%arg9 : memref<80x128xf32, #tpu.memory_space<vmem>>)
    %run_scoped3A_104 = arith.constant 61 : i32
    "tpu.region"() ({
      %run_scoped3A_191 = tpu.sem_alloc : memref<!tpu.dma_semaphore, #tpu.memory_space<semaphore_mem>>
      %dma_start3A_192 = arith.constant 0 : i32
      %dma_start3A_193 = tpu.memref_slice %arg7[%run_scoped3A_104, %dma_start3A_192] : memref<63x80xi32, #tpu.memory_space<vmem>> -> memref<1x80xi32, #tpu.memory_space<vmem>>
      %dma_start3A_194 = tpu.memref_squeeze %dma_start3A_193 : memref<1x80xi32, #tpu.memory_space<vmem>> -> memref<80xi32, #tpu.memory_space<vmem>>
      %dma_start3A_195 = arith.constant 0 : i32
      %dma_start3A_196 = arith.constant 0 : i32
      %dma_start3A_197 = tpu.memref_slice %arg12[%dma_start3A_195, %dma_start3A_196] : memref<10000x128xf32, #tpu.memory_space<vmem_shared>> -> memref<10000x128xf32, #tpu.memory_space<vmem_shared>>
      tpu.enqueue_indirect_dma source(%arg9 : memref<80x128xf32, #tpu.memory_space<vmem>>) target(%dma_start3A_197 : memref<10000x128xf32, #tpu.memory_space<vmem_shared>>) offsets(%dma_start3A_194 : memref<80xi32, #tpu.memory_space<vmem>>) semaphore(%run_scoped3A_191 : memref<!tpu.dma_semaphore, #tpu.memory_space<semaphore_mem>>) {add = true}
      %dma_wait3A_198 = arith.constant 0 : i32
      %dma_wait3A_199 = tpu.memref_slice %arg7[%run_scoped3A_104, %dma_wait3A_198] : memref<63x80xi32, #tpu.memory_space<vmem>> -> memref<1x80xi32, #tpu.memory_space<vmem>>
      %dma_wait3A_200 = tpu.memref_squeeze %dma_wait3A_199 : memref<1x80xi32, #tpu.memory_space<vmem>> -> memref<80xi32, #tpu.memory_space<vmem>>
      %dma_wait3A_201 = arith.constant 0 : i32
      %dma_wait3A_202 = arith.constant 0 : i32
      %dma_wait3A_203 = tpu.memref_slice %arg12[%dma_wait3A_201, %dma_wait3A_202] : memref<10000x128xf32, #tpu.memory_space<vmem_shared>> -> memref<10000x128xf32, #tpu.memory_space<vmem_shared>>
      tpu.wait_indirect_dma semaphore(%run_scoped3A_191 : memref<!tpu.dma_semaphore, #tpu.memory_space<semaphore_mem>>) src(%arg9 : memref<80x128xf32, #tpu.memory_space<vmem>>) dst(%dma_wait3A_203 : memref<10000x128xf32, #tpu.memory_space<vmem_shared>>)
      tpu.yield
    }) : () -> ()
    %dma_start3A_105 = arith.constant 62 : i32
    %dma_start3A_106 = arith.constant 0 : i32
    %dma_start3A_107 = tpu.memref_slice %arg6[%dma_start3A_105, %dma_start3A_106] : memref<63x80xi32, #tpu.memory_space<vmem>> -> memref<1x80xi32, #tpu.memory_space<vmem>>
    %dma_start3A_108 = tpu.memref_squeeze %dma_start3A_107 : memref<1x80xi32, #tpu.memory_space<vmem>> -> memref<80xi32, #tpu.memory_space<vmem>>
    %dma_start3A_109 = arith.constant 0 : i32
    %dma_start3A_110 = arith.constant 0 : i32
    %dma_start3A_111 = tpu.memref_slice %arg2[%dma_start3A_109, %dma_start3A_110] : memref<10000x128xf32, #tpu.memory_space<hbm>> -> memref<10000x128xf32, #tpu.memory_space<hbm>>
    tpu.enqueue_indirect_dma source(%dma_start3A_111 : memref<10000x128xf32, #tpu.memory_space<hbm>>) target(%arg10 : memref<80x128xf32, #tpu.memory_space<vmem>>) offsets(%dma_start3A_108 : memref<80xi32, #tpu.memory_space<vmem>>) semaphore(%arg15 : memref<!tpu.dma_semaphore, #tpu.memory_space<semaphore_mem>>)
    %dma_wait3A_112 = arith.constant 62 : i32
    %dma_wait3A_113 = arith.constant 0 : i32
    %dma_wait3A_114 = tpu.memref_slice %arg6[%dma_wait3A_112, %dma_wait3A_113] : memref<63x80xi32, #tpu.memory_space<vmem>> -> memref<1x80xi32, #tpu.memory_space<vmem>>
    %dma_wait3A_115 = tpu.memref_squeeze %dma_wait3A_114 : memref<1x80xi32, #tpu.memory_space<vmem>> -> memref<80xi32, #tpu.memory_space<vmem>>
    %dma_wait3A_116 = arith.constant 0 : i32
    %dma_wait3A_117 = arith.constant 0 : i32
    %dma_wait3A_118 = tpu.memref_slice %arg2[%dma_wait3A_116, %dma_wait3A_117] : memref<10000x128xf32, #tpu.memory_space<hbm>> -> memref<10000x128xf32, #tpu.memory_space<hbm>>
    tpu.wait_indirect_dma semaphore(%arg15 : memref<!tpu.dma_semaphore, #tpu.memory_space<semaphore_mem>>) src(%dma_wait3A_118 : memref<10000x128xf32, #tpu.memory_space<hbm>>) dst(%arg10 : memref<80x128xf32, #tpu.memory_space<vmem>>)
    %run_scoped3A_119 = arith.constant 62 : i32
    "tpu.region"() ({
      %run_scoped3A_191 = tpu.sem_alloc : memref<!tpu.dma_semaphore, #tpu.memory_space<semaphore_mem>>
      %dma_start3A_192 = arith.constant 0 : i32
      %dma_start3A_193 = tpu.memref_slice %arg7[%run_scoped3A_119, %dma_start3A_192] : memref<63x80xi32, #tpu.memory_space<vmem>> -> memref<1x80xi32, #tpu.memory_space<vmem>>
      %dma_start3A_194 = tpu.memref_squeeze %dma_start3A_193 : memref<1x80xi32, #tpu.memory_space<vmem>> -> memref<80xi32, #tpu.memory_space<vmem>>
      %dma_start3A_195 = arith.constant 0 : i32
      %dma_start3A_196 = arith.constant 0 : i32
      %dma_start3A_197 = tpu.memref_slice %arg12[%dma_start3A_195, %dma_start3A_196] : memref<10000x128xf32, #tpu.memory_space<vmem_shared>> -> memref<10000x128xf32, #tpu.memory_space<vmem_shared>>
      tpu.enqueue_indirect_dma source(%arg10 : memref<80x128xf32, #tpu.memory_space<vmem>>) target(%dma_start3A_197 : memref<10000x128xf32, #tpu.memory_space<vmem_shared>>) offsets(%dma_start3A_194 : memref<80xi32, #tpu.memory_space<vmem>>) semaphore(%run_scoped3A_191 : memref<!tpu.dma_semaphore, #tpu.memory_space<semaphore_mem>>) {add = true}
      %dma_wait3A_198 = arith.constant 0 : i32
      %dma_wait3A_199 = tpu.memref_slice %arg7[%run_scoped3A_119, %dma_wait3A_198] : memref<63x80xi32, #tpu.memory_space<vmem>> -> memref<1x80xi32, #tpu.memory_space<vmem>>
      %dma_wait3A_200 = tpu.memref_squeeze %dma_wait3A_199 : memref<1x80xi32, #tpu.memory_space<vmem>> -> memref<80xi32, #tpu.memory_space<vmem>>
      %dma_wait3A_201 = arith.constant 0 : i32
      %dma_wait3A_202 = arith.constant 0 : i32
      %dma_wait3A_203 = tpu.memref_slice %arg12[%dma_wait3A_201, %dma_wait3A_202] : memref<10000x128xf32, #tpu.memory_space<vmem_shared>> -> memref<10000x128xf32, #tpu.memory_space<vmem_shared>>
      tpu.wait_indirect_dma semaphore(%run_scoped3A_191 : memref<!tpu.dma_semaphore, #tpu.memory_space<semaphore_mem>>) src(%arg10 : memref<80x128xf32, #tpu.memory_space<vmem>>) dst(%dma_wait3A_203 : memref<10000x128xf32, #tpu.memory_space<vmem_shared>>)
      tpu.yield
    }) : () -> ()
    "tpu.region"() ({
      %run_scoped3A_191 = tpu.sem_alloc : memref<!tpu.dma_semaphore, #tpu.memory_space<semaphore_mem>>
      %dma_start3A_192 = arith.constant 0 : i32
      %dma_start3A_193 = arith.constant 0 : i32
      %dma_start3A_194 = tpu.memref_slice %arg6[%dma_start3A_192, %dma_start3A_193] : memref<63x80xi32, #tpu.memory_space<vmem>> -> memref<62x80xi32, #tpu.memory_space<vmem>>
      %dma_start3A_195 = arith.constant 63 : i32
      %dma_start3A_196 = arith.constant 0 : i32
      %dma_start3A_197 = tpu.memref_slice %arg3[%add3A, %dma_start3A_195, %dma_start3A_196] : memref<32x125x80xi32, #tpu.memory_space<hbm>> -> memref<1x62x80xi32, #tpu.memory_space<hbm>>
      %dma_start3A_198 = tpu.memref_squeeze %dma_start3A_197 : memref<1x62x80xi32, #tpu.memory_space<hbm>> -> memref<62x80xi32, #tpu.memory_space<hbm>>
      %dma_start3A_199 = arith.constant 0 : i32
      %dma_start3A_200 = arith.constant 0 : i32
      %dma_start3A_201 = tpu.memref_slice %arg6[%dma_start3A_199, %dma_start3A_200] : memref<63x80xi32, #tpu.memory_space<vmem>> -> memref<62x80xi32, #tpu.memory_space<vmem>>
      %dma_start3A_202 = arith.constant 63 : i32
      %dma_start3A_203 = arith.constant 0 : i32
      %dma_start3A_204 = tpu.memref_slice %arg3[%add3A, %dma_start3A_202, %dma_start3A_203] : memref<32x125x80xi32, #tpu.memory_space<hbm>> -> memref<1x62x80xi32, #tpu.memory_space<hbm>>
      %dma_start3A_205 = tpu.memref_squeeze %dma_start3A_204 : memref<1x62x80xi32, #tpu.memory_space<hbm>> -> memref<62x80xi32, #tpu.memory_space<hbm>>
      tpu.enqueue_dma source(%dma_start3A_205 : memref<62x80xi32, #tpu.memory_space<hbm>>) target(%dma_start3A_201 : memref<62x80xi32, #tpu.memory_space<vmem>>) target_semaphore(%run_scoped3A_191 : memref<!tpu.dma_semaphore, #tpu.memory_space<semaphore_mem>>)
      %dma_wait3A_206 = arith.constant 0 : i32
      %dma_wait3A_207 = arith.constant 0 : i32
      %dma_wait3A_208 = tpu.memref_slice %arg6[%dma_wait3A_206, %dma_wait3A_207] : memref<63x80xi32, #tpu.memory_space<vmem>> -> memref<62x80xi32, #tpu.memory_space<vmem>>
      %dma_wait3A_209 = arith.constant 63 : i32
      %dma_wait3A_210 = arith.constant 0 : i32
      %dma_wait3A_211 = tpu.memref_slice %arg3[%add3A, %dma_wait3A_209, %dma_wait3A_210] : memref<32x125x80xi32, #tpu.memory_space<hbm>> -> memref<1x62x80xi32, #tpu.memory_space<hbm>>
      %dma_wait3A_212 = tpu.memref_squeeze %dma_wait3A_211 : memref<1x62x80xi32, #tpu.memory_space<hbm>> -> memref<62x80xi32, #tpu.memory_space<hbm>>
      %dma_wait3A_213 = arith.constant 0 : i32
      %dma_wait3A_214 = arith.constant 0 : i32
      %dma_wait3A_215 = tpu.memref_slice %arg6[%dma_wait3A_213, %dma_wait3A_214] : memref<63x80xi32, #tpu.memory_space<vmem>> -> memref<62x80xi32, #tpu.memory_space<vmem>>
      %dma_wait3A_216 = arith.constant 63 : i32
      %dma_wait3A_217 = arith.constant 0 : i32
      %dma_wait3A_218 = tpu.memref_slice %arg3[%add3A, %dma_wait3A_216, %dma_wait3A_217] : memref<32x125x80xi32, #tpu.memory_space<hbm>> -> memref<1x62x80xi32, #tpu.memory_space<hbm>>
      %dma_wait3A_219 = tpu.memref_squeeze %dma_wait3A_218 : memref<1x62x80xi32, #tpu.memory_space<hbm>> -> memref<62x80xi32, #tpu.memory_space<hbm>>
      tpu.wait_dma2 semaphore(%run_scoped3A_191 : memref<!tpu.dma_semaphore, #tpu.memory_space<semaphore_mem>>) src(%dma_wait3A_219 : memref<62x80xi32, #tpu.memory_space<hbm>>) dst(%dma_wait3A_215 : memref<62x80xi32, #tpu.memory_space<vmem>>)
      tpu.yield
    }) : () -> ()
    "tpu.region"() ({
      %run_scoped3A_191 = tpu.sem_alloc : memref<!tpu.dma_semaphore, #tpu.memory_space<semaphore_mem>>
      %dma_start3A_192 = arith.constant 0 : i32
      %dma_start3A_193 = arith.constant 0 : i32
      %dma_start3A_194 = tpu.memref_slice %arg7[%dma_start3A_192, %dma_start3A_193] : memref<63x80xi32, #tpu.memory_space<vmem>> -> memref<62x80xi32, #tpu.memory_space<vmem>>
      %dma_start3A_195 = arith.constant 63 : i32
      %dma_start3A_196 = arith.constant 0 : i32
      %dma_start3A_197 = tpu.memref_slice %arg4[%add3A, %dma_start3A_195, %dma_start3A_196] : memref<32x125x80xi32, #tpu.memory_space<hbm>> -> memref<1x62x80xi32, #tpu.memory_space<hbm>>
      %dma_start3A_198 = tpu.memref_squeeze %dma_start3A_197 : memref<1x62x80xi32, #tpu.memory_space<hbm>> -> memref<62x80xi32, #tpu.memory_space<hbm>>
      %dma_start3A_199 = arith.constant 0 : i32
      %dma_start3A_200 = arith.constant 0 : i32
      %dma_start3A_201 = tpu.memref_slice %arg7[%dma_start3A_199, %dma_start3A_200] : memref<63x80xi32, #tpu.memory_space<vmem>> -> memref<62x80xi32, #tpu.memory_space<vmem>>
      %dma_start3A_202 = arith.constant 63 : i32
      %dma_start3A_203 = arith.constant 0 : i32
      %dma_start3A_204 = tpu.memref_slice %arg4[%add3A, %dma_start3A_202, %dma_start3A_203] : memref<32x125x80xi32, #tpu.memory_space<hbm>> -> memref<1x62x80xi32, #tpu.memory_space<hbm>>
      %dma_start3A_205 = tpu.memref_squeeze %dma_start3A_204 : memref<1x62x80xi32, #tpu.memory_space<hbm>> -> memref<62x80xi32, #tpu.memory_space<hbm>>
      tpu.enqueue_dma source(%dma_start3A_205 : memref<62x80xi32, #tpu.memory_space<hbm>>) target(%dma_start3A_201 : memref<62x80xi32, #tpu.memory_space<vmem>>) target_semaphore(%run_scoped3A_191 : memref<!tpu.dma_semaphore, #tpu.memory_space<semaphore_mem>>)
      %dma_wait3A_206 = arith.constant 0 : i32
      %dma_wait3A_207 = arith.constant 0 : i32
      %dma_wait3A_208 = tpu.memref_slice %arg7[%dma_wait3A_206, %dma_wait3A_207] : memref<63x80xi32, #tpu.memory_space<vmem>> -> memref<62x80xi32, #tpu.memory_space<vmem>>
      %dma_wait3A_209 = arith.constant 63 : i32
      %dma_wait3A_210 = arith.constant 0 : i32
      %dma_wait3A_211 = tpu.memref_slice %arg4[%add3A, %dma_wait3A_209, %dma_wait3A_210] : memref<32x125x80xi32, #tpu.memory_space<hbm>> -> memref<1x62x80xi32, #tpu.memory_space<hbm>>
      %dma_wait3A_212 = tpu.memref_squeeze %dma_wait3A_211 : memref<1x62x80xi32, #tpu.memory_space<hbm>> -> memref<62x80xi32, #tpu.memory_space<hbm>>
      %dma_wait3A_213 = arith.constant 0 : i32
      %dma_wait3A_214 = arith.constant 0 : i32
      %dma_wait3A_215 = tpu.memref_slice %arg7[%dma_wait3A_213, %dma_wait3A_214] : memref<63x80xi32, #tpu.memory_space<vmem>> -> memref<62x80xi32, #tpu.memory_space<vmem>>
      %dma_wait3A_216 = arith.constant 63 : i32
      %dma_wait3A_217 = arith.constant 0 : i32
      %dma_wait3A_218 = tpu.memref_slice %arg4[%add3A, %dma_wait3A_216, %dma_wait3A_217] : memref<32x125x80xi32, #tpu.memory_space<hbm>> -> memref<1x62x80xi32, #tpu.memory_space<hbm>>
      %dma_wait3A_219 = tpu.memref_squeeze %dma_wait3A_218 : memref<1x62x80xi32, #tpu.memory_space<hbm>> -> memref<62x80xi32, #tpu.memory_space<hbm>>
      tpu.wait_dma2 semaphore(%run_scoped3A_191 : memref<!tpu.dma_semaphore, #tpu.memory_space<semaphore_mem>>) src(%dma_wait3A_219 : memref<62x80xi32, #tpu.memory_space<hbm>>) dst(%dma_wait3A_215 : memref<62x80xi32, #tpu.memory_space<vmem>>)
      tpu.yield
    }) : () -> ()
    %dma_start3A_120 = arith.constant 0 : i32
    %dma_start3A_121 = arith.constant 0 : i32
    %dma_start3A_122 = tpu.memref_slice %arg6[%dma_start3A_120, %dma_start3A_121] : memref<63x80xi32, #tpu.memory_space<vmem>> -> memref<1x80xi32, #tpu.memory_space<vmem>>
    %dma_start3A_123 = tpu.memref_squeeze %dma_start3A_122 : memref<1x80xi32, #tpu.memory_space<vmem>> -> memref<80xi32, #tpu.memory_space<vmem>>
    %dma_start3A_124 = arith.constant 0 : i32
    %dma_start3A_125 = arith.constant 0 : i32
    %dma_start3A_126 = tpu.memref_slice %arg2[%dma_start3A_124, %dma_start3A_125] : memref<10000x128xf32, #tpu.memory_space<hbm>> -> memref<10000x128xf32, #tpu.memory_space<hbm>>
    tpu.enqueue_indirect_dma source(%dma_start3A_126 : memref<10000x128xf32, #tpu.memory_space<hbm>>) target(%arg8 : memref<80x128xf32, #tpu.memory_space<vmem>>) offsets(%dma_start3A_123 : memref<80xi32, #tpu.memory_space<vmem>>) semaphore(%arg13 : memref<!tpu.dma_semaphore, #tpu.memory_space<semaphore_mem>>)
    %dma_start3A_127 = arith.constant 1 : i32
    %dma_start3A_128 = arith.constant 0 : i32
    %dma_start3A_129 = tpu.memref_slice %arg6[%dma_start3A_127, %dma_start3A_128] : memref<63x80xi32, #tpu.memory_space<vmem>> -> memref<1x80xi32, #tpu.memory_space<vmem>>
    %dma_start3A_130 = tpu.memref_squeeze %dma_start3A_129 : memref<1x80xi32, #tpu.memory_space<vmem>> -> memref<80xi32, #tpu.memory_space<vmem>>
    %dma_start3A_131 = arith.constant 0 : i32
    %dma_start3A_132 = arith.constant 0 : i32
    %dma_start3A_133 = tpu.memref_slice %arg2[%dma_start3A_131, %dma_start3A_132] : memref<10000x128xf32, #tpu.memory_space<hbm>> -> memref<10000x128xf32, #tpu.memory_space<hbm>>
    tpu.enqueue_indirect_dma source(%dma_start3A_133 : memref<10000x128xf32, #tpu.memory_space<hbm>>) target(%arg9 : memref<80x128xf32, #tpu.memory_space<vmem>>) offsets(%dma_start3A_130 : memref<80xi32, #tpu.memory_space<vmem>>) semaphore(%arg14 : memref<!tpu.dma_semaphore, #tpu.memory_space<semaphore_mem>>)
    %dma_start3A_134 = arith.constant 2 : i32
    %dma_start3A_135 = arith.constant 0 : i32
    %dma_start3A_136 = tpu.memref_slice %arg6[%dma_start3A_134, %dma_start3A_135] : memref<63x80xi32, #tpu.memory_space<vmem>> -> memref<1x80xi32, #tpu.memory_space<vmem>>
    %dma_start3A_137 = tpu.memref_squeeze %dma_start3A_136 : memref<1x80xi32, #tpu.memory_space<vmem>> -> memref<80xi32, #tpu.memory_space<vmem>>
    %dma_start3A_138 = arith.constant 0 : i32
    %dma_start3A_139 = arith.constant 0 : i32
    %dma_start3A_140 = tpu.memref_slice %arg2[%dma_start3A_138, %dma_start3A_139] : memref<10000x128xf32, #tpu.memory_space<hbm>> -> memref<10000x128xf32, #tpu.memory_space<hbm>>
    tpu.enqueue_indirect_dma source(%dma_start3A_140 : memref<10000x128xf32, #tpu.memory_space<hbm>>) target(%arg10 : memref<80x128xf32, #tpu.memory_space<vmem>>) offsets(%dma_start3A_137 : memref<80xi32, #tpu.memory_space<vmem>>) semaphore(%arg15 : memref<!tpu.dma_semaphore, #tpu.memory_space<semaphore_mem>>)
    %dma_start3A_141 = arith.constant 3 : i32
    %dma_start3A_142 = arith.constant 0 : i32
    %dma_start3A_143 = tpu.memref_slice %arg6[%dma_start3A_141, %dma_start3A_142] : memref<63x80xi32, #tpu.memory_space<vmem>> -> memref<1x80xi32, #tpu.memory_space<vmem>>
    %dma_start3A_144 = tpu.memref_squeeze %dma_start3A_143 : memref<1x80xi32, #tpu.memory_space<vmem>> -> memref<80xi32, #tpu.memory_space<vmem>>
    %dma_start3A_145 = arith.constant 0 : i32
    %dma_start3A_146 = arith.constant 0 : i32
    %dma_start3A_147 = tpu.memref_slice %arg2[%dma_start3A_145, %dma_start3A_146] : memref<10000x128xf32, #tpu.memory_space<hbm>> -> memref<10000x128xf32, #tpu.memory_space<hbm>>
    tpu.enqueue_indirect_dma source(%dma_start3A_147 : memref<10000x128xf32, #tpu.memory_space<hbm>>) target(%arg11 : memref<80x128xf32, #tpu.memory_space<vmem>>) offsets(%dma_start3A_144 : memref<80xi32, #tpu.memory_space<vmem>>) semaphore(%arg16 : memref<!tpu.dma_semaphore, #tpu.memory_space<semaphore_mem>>)
    %scan3A_148 = arith.constant 0 : i32
    %scan3A_149 = arith.constant 0 : i32
    %scan3A_150 = arith.constant 15 : i32
    %scan3A_151 = arith.addi %scan3A_149, %scan3A_150 : i32
    %scan3A_152 = arith.constant 1 : i32
    scf.for %scan3A_191 = %scan3A_149 to %scan3A_151 step %scan3A_152  : i32 {
      %mul3A_192 = arith.constant 4 : i32
      %mul3A_193 = arith.muli %scan3A_191, %mul3A_192 : i32
      %add3A_194 = arith.constant 0 : i32
      %add3A_195 = arith.addi %mul3A_193, %add3A_194 : i32
      %dma_wait3A_196 = arith.constant 0 : i32
      %dma_wait3A_197 = tpu.memref_slice %arg6[%add3A_195, %dma_wait3A_196] : memref<63x80xi32, #tpu.memory_space<vmem>> -> memref<1x80xi32, #tpu.memory_space<vmem>>
      %dma_wait3A_198 = tpu.memref_squeeze %dma_wait3A_197 : memref<1x80xi32, #tpu.memory_space<vmem>> -> memref<80xi32, #tpu.memory_space<vmem>>
      %dma_wait3A_199 = arith.constant 0 : i32
      %dma_wait3A_200 = arith.constant 0 : i32
      %dma_wait3A_201 = tpu.memref_slice %arg2[%dma_wait3A_199, %dma_wait3A_200] : memref<10000x128xf32, #tpu.memory_space<hbm>> -> memref<10000x128xf32, #tpu.memory_space<hbm>>
      tpu.wait_indirect_dma semaphore(%arg13 : memref<!tpu.dma_semaphore, #tpu.memory_space<semaphore_mem>>) src(%dma_wait3A_201 : memref<10000x128xf32, #tpu.memory_space<hbm>>) dst(%arg8 : memref<80x128xf32, #tpu.memory_space<vmem>>)
      %add3A_202 = arith.constant 0 : i32
      %add3A_203 = arith.addi %mul3A_193, %add3A_202 : i32
      %dma_start3A_204 = arith.constant 0 : i32
      %dma_start3A_205 = tpu.memref_slice %arg7[%add3A_203, %dma_start3A_204] : memref<63x80xi32, #tpu.memory_space<vmem>> -> memref<1x80xi32, #tpu.memory_space<vmem>>
      %dma_start3A_206 = tpu.memref_squeeze %dma_start3A_205 : memref<1x80xi32, #tpu.memory_space<vmem>> -> memref<80xi32, #tpu.memory_space<vmem>>
      %dma_start3A_207 = arith.constant 0 : i32
      %dma_start3A_208 = arith.constant 0 : i32
      %dma_start3A_209 = tpu.memref_slice %arg12[%dma_start3A_207, %dma_start3A_208] : memref<10000x128xf32, #tpu.memory_space<vmem_shared>> -> memref<10000x128xf32, #tpu.memory_space<vmem_shared>>
      tpu.enqueue_indirect_dma source(%arg8 : memref<80x128xf32, #tpu.memory_space<vmem>>) target(%dma_start3A_209 : memref<10000x128xf32, #tpu.memory_space<vmem_shared>>) offsets(%dma_start3A_206 : memref<80xi32, #tpu.memory_space<vmem>>) semaphore(%arg17 : memref<!tpu.dma_semaphore, #tpu.memory_space<semaphore_mem>>) {add = true}
      %add3A_210 = arith.constant 1 : i32
      %add3A_211 = arith.addi %mul3A_193, %add3A_210 : i32
      %dma_wait3A_212 = arith.constant 0 : i32
      %dma_wait3A_213 = tpu.memref_slice %arg6[%add3A_211, %dma_wait3A_212] : memref<63x80xi32, #tpu.memory_space<vmem>> -> memref<1x80xi32, #tpu.memory_space<vmem>>
      %dma_wait3A_214 = tpu.memref_squeeze %dma_wait3A_213 : memref<1x80xi32, #tpu.memory_space<vmem>> -> memref<80xi32, #tpu.memory_space<vmem>>
      %dma_wait3A_215 = arith.constant 0 : i32
      %dma_wait3A_216 = arith.constant 0 : i32
      %dma_wait3A_217 = tpu.memref_slice %arg2[%dma_wait3A_215, %dma_wait3A_216] : memref<10000x128xf32, #tpu.memory_space<hbm>> -> memref<10000x128xf32, #tpu.memory_space<hbm>>
      tpu.wait_indirect_dma semaphore(%arg14 : memref<!tpu.dma_semaphore, #tpu.memory_space<semaphore_mem>>) src(%dma_wait3A_217 : memref<10000x128xf32, #tpu.memory_space<hbm>>) dst(%arg9 : memref<80x128xf32, #tpu.memory_space<vmem>>)
      %add3A_218 = arith.constant 1 : i32
      %add3A_219 = arith.addi %mul3A_193, %add3A_218 : i32
      %dma_start3A_220 = arith.constant 0 : i32
      %dma_start3A_221 = tpu.memref_slice %arg7[%add3A_219, %dma_start3A_220] : memref<63x80xi32, #tpu.memory_space<vmem>> -> memref<1x80xi32, #tpu.memory_space<vmem>>
      %dma_start3A_222 = tpu.memref_squeeze %dma_start3A_221 : memref<1x80xi32, #tpu.memory_space<vmem>> -> memref<80xi32, #tpu.memory_space<vmem>>
      %dma_start3A_223 = arith.constant 0 : i32
      %dma_start3A_224 = arith.constant 0 : i32
      %dma_start3A_225 = tpu.memref_slice %arg12[%dma_start3A_223, %dma_start3A_224] : memref<10000x128xf32, #tpu.memory_space<vmem_shared>> -> memref<10000x128xf32, #tpu.memory_space<vmem_shared>>
      tpu.enqueue_indirect_dma source(%arg9 : memref<80x128xf32, #tpu.memory_space<vmem>>) target(%dma_start3A_225 : memref<10000x128xf32, #tpu.memory_space<vmem_shared>>) offsets(%dma_start3A_222 : memref<80xi32, #tpu.memory_space<vmem>>) semaphore(%arg18 : memref<!tpu.dma_semaphore, #tpu.memory_space<semaphore_mem>>) {add = true}
      %add3A_226 = arith.constant 2 : i32
      %add3A_227 = arith.addi %mul3A_193, %add3A_226 : i32
      %dma_wait3A_228 = arith.constant 0 : i32
      %dma_wait3A_229 = tpu.memref_slice %arg6[%add3A_227, %dma_wait3A_228] : memref<63x80xi32, #tpu.memory_space<vmem>> -> memref<1x80xi32, #tpu.memory_space<vmem>>
      %dma_wait3A_230 = tpu.memref_squeeze %dma_wait3A_229 : memref<1x80xi32, #tpu.memory_space<vmem>> -> memref<80xi32, #tpu.memory_space<vmem>>
      %dma_wait3A_231 = arith.constant 0 : i32
      %dma_wait3A_232 = arith.constant 0 : i32
      %dma_wait3A_233 = tpu.memref_slice %arg2[%dma_wait3A_231, %dma_wait3A_232] : memref<10000x128xf32, #tpu.memory_space<hbm>> -> memref<10000x128xf32, #tpu.memory_space<hbm>>
      tpu.wait_indirect_dma semaphore(%arg15 : memref<!tpu.dma_semaphore, #tpu.memory_space<semaphore_mem>>) src(%dma_wait3A_233 : memref<10000x128xf32, #tpu.memory_space<hbm>>) dst(%arg10 : memref<80x128xf32, #tpu.memory_space<vmem>>)
      %add3A_234 = arith.constant 2 : i32
      %add3A_235 = arith.addi %mul3A_193, %add3A_234 : i32
      %dma_start3A_236 = arith.constant 0 : i32
      %dma_start3A_237 = tpu.memref_slice %arg7[%add3A_235, %dma_start3A_236] : memref<63x80xi32, #tpu.memory_space<vmem>> -> memref<1x80xi32, #tpu.memory_space<vmem>>
      %dma_start3A_238 = tpu.memref_squeeze %dma_start3A_237 : memref<1x80xi32, #tpu.memory_space<vmem>> -> memref<80xi32, #tpu.memory_space<vmem>>
      %dma_start3A_239 = arith.constant 0 : i32
      %dma_start3A_240 = arith.constant 0 : i32
      %dma_start3A_241 = tpu.memref_slice %arg12[%dma_start3A_239, %dma_start3A_240] : memref<10000x128xf32, #tpu.memory_space<vmem_shared>> -> memref<10000x128xf32, #tpu.memory_space<vmem_shared>>
      tpu.enqueue_indirect_dma source(%arg10 : memref<80x128xf32, #tpu.memory_space<vmem>>) target(%dma_start3A_241 : memref<10000x128xf32, #tpu.memory_space<vmem_shared>>) offsets(%dma_start3A_238 : memref<80xi32, #tpu.memory_space<vmem>>) semaphore(%arg19 : memref<!tpu.dma_semaphore, #tpu.memory_space<semaphore_mem>>) {add = true}
      %add3A_242 = arith.constant 3 : i32
      %add3A_243 = arith.addi %mul3A_193, %add3A_242 : i32
      %dma_wait3A_244 = arith.constant 0 : i32
      %dma_wait3A_245 = tpu.memref_slice %arg6[%add3A_243, %dma_wait3A_244] : memref<63x80xi32, #tpu.memory_space<vmem>> -> memref<1x80xi32, #tpu.memory_space<vmem>>
      %dma_wait3A_246 = tpu.memref_squeeze %dma_wait3A_245 : memref<1x80xi32, #tpu.memory_space<vmem>> -> memref<80xi32, #tpu.memory_space<vmem>>
      %dma_wait3A_247 = arith.constant 0 : i32
      %dma_wait3A_248 = arith.constant 0 : i32
      %dma_wait3A_249 = tpu.memref_slice %arg2[%dma_wait3A_247, %dma_wait3A_248] : memref<10000x128xf32, #tpu.memory_space<hbm>> -> memref<10000x128xf32, #tpu.memory_space<hbm>>
      tpu.wait_indirect_dma semaphore(%arg16 : memref<!tpu.dma_semaphore, #tpu.memory_space<semaphore_mem>>) src(%dma_wait3A_249 : memref<10000x128xf32, #tpu.memory_space<hbm>>) dst(%arg11 : memref<80x128xf32, #tpu.memory_space<vmem>>)
      %add3A_250 = arith.constant 3 : i32
      %add3A_251 = arith.addi %mul3A_193, %add3A_250 : i32
      %dma_start3A_252 = arith.constant 0 : i32
      %dma_start3A_253 = tpu.memref_slice %arg7[%add3A_251, %dma_start3A_252] : memref<63x80xi32, #tpu.memory_space<vmem>> -> memref<1x80xi32, #tpu.memory_space<vmem>>
      %dma_start3A_254 = tpu.memref_squeeze %dma_start3A_253 : memref<1x80xi32, #tpu.memory_space<vmem>> -> memref<80xi32, #tpu.memory_space<vmem>>
      %dma_start3A_255 = arith.constant 0 : i32
      %dma_start3A_256 = arith.constant 0 : i32
      %dma_start3A_257 = tpu.memref_slice %arg12[%dma_start3A_255, %dma_start3A_256] : memref<10000x128xf32, #tpu.memory_space<vmem_shared>> -> memref<10000x128xf32, #tpu.memory_space<vmem_shared>>
      tpu.enqueue_indirect_dma source(%arg11 : memref<80x128xf32, #tpu.memory_space<vmem>>) target(%dma_start3A_257 : memref<10000x128xf32, #tpu.memory_space<vmem_shared>>) offsets(%dma_start3A_254 : memref<80xi32, #tpu.memory_space<vmem>>) semaphore(%arg20 : memref<!tpu.dma_semaphore, #tpu.memory_space<semaphore_mem>>) {add = true}
      %dma_wait3A_258 = arith.constant 0 : i32
      %dma_wait3A_259 = tpu.memref_slice %arg7[%add3A_203, %dma_wait3A_258] : memref<63x80xi32, #tpu.memory_space<vmem>> -> memref<1x80xi32, #tpu.memory_space<vmem>>
      %dma_wait3A_260 = tpu.memref_squeeze %dma_wait3A_259 : memref<1x80xi32, #tpu.memory_space<vmem>> -> memref<80xi32, #tpu.memory_space<vmem>>
      %dma_wait3A_261 = arith.constant 0 : i32
      %dma_wait3A_262 = arith.constant 0 : i32
      %dma_wait3A_263 = tpu.memref_slice %arg12[%dma_wait3A_261, %dma_wait3A_262] : memref<10000x128xf32, #tpu.memory_space<vmem_shared>> -> memref<10000x128xf32, #tpu.memory_space<vmem_shared>>
      tpu.wait_indirect_dma semaphore(%arg17 : memref<!tpu.dma_semaphore, #tpu.memory_space<semaphore_mem>>) src(%arg8 : memref<80x128xf32, #tpu.memory_space<vmem>>) dst(%dma_wait3A_263 : memref<10000x128xf32, #tpu.memory_space<vmem_shared>>)
      %lt3A = arith.constant 14 : i32
      %lt3A_264 = arith.cmpi slt, %scan3A_191, %lt3A : i32
      %convert_element_type3A = arith.extui %lt3A_264 : i1 to i32
      %cond3A = arith.constant 0 : i32
      %cond3A_265 = arith.cmpi ne, %convert_element_type3A, %cond3A : i32
      scf.if %cond3A_265 {
        %add3A_299 = arith.constant 4 : i32
        %add3A_300 = arith.addi %mul3A_193, %add3A_299 : i32
        %add3A_301 = arith.constant 0 : i32
        %add3A_302 = arith.addi %add3A_300, %add3A_301 : i32
        %dma_start3A_303 = arith.constant 0 : i32
        %dma_start3A_304 = tpu.memref_slice %arg6[%add3A_302, %dma_start3A_303] : memref<63x80xi32, #tpu.memory_space<vmem>> -> memref<1x80xi32, #tpu.memory_space<vmem>>
        %dma_start3A_305 = tpu.memref_squeeze %dma_start3A_304 : memref<1x80xi32, #tpu.memory_space<vmem>> -> memref<80xi32, #tpu.memory_space<vmem>>
        %dma_start3A_306 = arith.constant 0 : i32
        %dma_start3A_307 = arith.constant 0 : i32
        %dma_start3A_308 = tpu.memref_slice %arg2[%dma_start3A_306, %dma_start3A_307] : memref<10000x128xf32, #tpu.memory_space<hbm>> -> memref<10000x128xf32, #tpu.memory_space<hbm>>
        tpu.enqueue_indirect_dma source(%dma_start3A_308 : memref<10000x128xf32, #tpu.memory_space<hbm>>) target(%arg8 : memref<80x128xf32, #tpu.memory_space<vmem>>) offsets(%dma_start3A_305 : memref<80xi32, #tpu.memory_space<vmem>>) semaphore(%arg13 : memref<!tpu.dma_semaphore, #tpu.memory_space<semaphore_mem>>)
      } else {
      }
      %dma_wait3A_266 = arith.constant 0 : i32
      %dma_wait3A_267 = tpu.memref_slice %arg7[%add3A_219, %dma_wait3A_266] : memref<63x80xi32, #tpu.memory_space<vmem>> -> memref<1x80xi32, #tpu.memory_space<vmem>>
      %dma_wait3A_268 = tpu.memref_squeeze %dma_wait3A_267 : memref<1x80xi32, #tpu.memory_space<vmem>> -> memref<80xi32, #tpu.memory_space<vmem>>
      %dma_wait3A_269 = arith.constant 0 : i32
      %dma_wait3A_270 = arith.constant 0 : i32
      %dma_wait3A_271 = tpu.memref_slice %arg12[%dma_wait3A_269, %dma_wait3A_270] : memref<10000x128xf32, #tpu.memory_space<vmem_shared>> -> memref<10000x128xf32, #tpu.memory_space<vmem_shared>>
      tpu.wait_indirect_dma semaphore(%arg18 : memref<!tpu.dma_semaphore, #tpu.memory_space<semaphore_mem>>) src(%arg9 : memref<80x128xf32, #tpu.memory_space<vmem>>) dst(%dma_wait3A_271 : memref<10000x128xf32, #tpu.memory_space<vmem_shared>>)
      %lt3A_272 = arith.constant 14 : i32
      %lt3A_273 = arith.cmpi slt, %scan3A_191, %lt3A_272 : i32
      %convert_element_type3A_274 = arith.extui %lt3A_273 : i1 to i32
      %cond3A_275 = arith.constant 0 : i32
      %cond3A_276 = arith.cmpi ne, %convert_element_type3A_274, %cond3A_275 : i32
      scf.if %cond3A_276 {
        %add3A_299 = arith.constant 4 : i32
        %add3A_300 = arith.addi %mul3A_193, %add3A_299 : i32
        %add3A_301 = arith.constant 1 : i32
        %add3A_302 = arith.addi %add3A_300, %add3A_301 : i32
        %dma_start3A_303 = arith.constant 0 : i32
        %dma_start3A_304 = tpu.memref_slice %arg6[%add3A_302, %dma_start3A_303] : memref<63x80xi32, #tpu.memory_space<vmem>> -> memref<1x80xi32, #tpu.memory_space<vmem>>
        %dma_start3A_305 = tpu.memref_squeeze %dma_start3A_304 : memref<1x80xi32, #tpu.memory_space<vmem>> -> memref<80xi32, #tpu.memory_space<vmem>>
        %dma_start3A_306 = arith.constant 0 : i32
        %dma_start3A_307 = arith.constant 0 : i32
        %dma_start3A_308 = tpu.memref_slice %arg2[%dma_start3A_306, %dma_start3A_307] : memref<10000x128xf32, #tpu.memory_space<hbm>> -> memref<10000x128xf32, #tpu.memory_space<hbm>>
        tpu.enqueue_indirect_dma source(%dma_start3A_308 : memref<10000x128xf32, #tpu.memory_space<hbm>>) target(%arg9 : memref<80x128xf32, #tpu.memory_space<vmem>>) offsets(%dma_start3A_305 : memref<80xi32, #tpu.memory_space<vmem>>) semaphore(%arg14 : memref<!tpu.dma_semaphore, #tpu.memory_space<semaphore_mem>>)
      } else {
      }
      %dma_wait3A_277 = arith.constant 0 : i32
      %dma_wait3A_278 = tpu.memref_slice %arg7[%add3A_235, %dma_wait3A_277] : memref<63x80xi32, #tpu.memory_space<vmem>> -> memref<1x80xi32, #tpu.memory_space<vmem>>
      %dma_wait3A_279 = tpu.memref_squeeze %dma_wait3A_278 : memref<1x80xi32, #tpu.memory_space<vmem>> -> memref<80xi32, #tpu.memory_space<vmem>>
      %dma_wait3A_280 = arith.constant 0 : i32
      %dma_wait3A_281 = arith.constant 0 : i32
      %dma_wait3A_282 = tpu.memref_slice %arg12[%dma_wait3A_280, %dma_wait3A_281] : memref<10000x128xf32, #tpu.memory_space<vmem_shared>> -> memref<10000x128xf32, #tpu.memory_space<vmem_shared>>
      tpu.wait_indirect_dma semaphore(%arg19 : memref<!tpu.dma_semaphore, #tpu.memory_space<semaphore_mem>>) src(%arg10 : memref<80x128xf32, #tpu.memory_space<vmem>>) dst(%dma_wait3A_282 : memref<10000x128xf32, #tpu.memory_space<vmem_shared>>)
      %lt3A_283 = arith.constant 14 : i32
      %lt3A_284 = arith.cmpi slt, %scan3A_191, %lt3A_283 : i32
      %convert_element_type3A_285 = arith.extui %lt3A_284 : i1 to i32
      %cond3A_286 = arith.constant 0 : i32
      %cond3A_287 = arith.cmpi ne, %convert_element_type3A_285, %cond3A_286 : i32
      scf.if %cond3A_287 {
        %add3A_299 = arith.constant 4 : i32
        %add3A_300 = arith.addi %mul3A_193, %add3A_299 : i32
        %add3A_301 = arith.constant 2 : i32
        %add3A_302 = arith.addi %add3A_300, %add3A_301 : i32
        %dma_start3A_303 = arith.constant 0 : i32
        %dma_start3A_304 = tpu.memref_slice %arg6[%add3A_302, %dma_start3A_303] : memref<63x80xi32, #tpu.memory_space<vmem>> -> memref<1x80xi32, #tpu.memory_space<vmem>>
        %dma_start3A_305 = tpu.memref_squeeze %dma_start3A_304 : memref<1x80xi32, #tpu.memory_space<vmem>> -> memref<80xi32, #tpu.memory_space<vmem>>
        %dma_start3A_306 = arith.constant 0 : i32
        %dma_start3A_307 = arith.constant 0 : i32
        %dma_start3A_308 = tpu.memref_slice %arg2[%dma_start3A_306, %dma_start3A_307] : memref<10000x128xf32, #tpu.memory_space<hbm>> -> memref<10000x128xf32, #tpu.memory_space<hbm>>
        tpu.enqueue_indirect_dma source(%dma_start3A_308 : memref<10000x128xf32, #tpu.memory_space<hbm>>) target(%arg10 : memref<80x128xf32, #tpu.memory_space<vmem>>) offsets(%dma_start3A_305 : memref<80xi32, #tpu.memory_space<vmem>>) semaphore(%arg15 : memref<!tpu.dma_semaphore, #tpu.memory_space<semaphore_mem>>)
      } else {
      }
      %dma_wait3A_288 = arith.constant 0 : i32
      %dma_wait3A_289 = tpu.memref_slice %arg7[%add3A_251, %dma_wait3A_288] : memref<63x80xi32, #tpu.memory_space<vmem>> -> memref<1x80xi32, #tpu.memory_space<vmem>>
      %dma_wait3A_290 = tpu.memref_squeeze %dma_wait3A_289 : memref<1x80xi32, #tpu.memory_space<vmem>> -> memref<80xi32, #tpu.memory_space<vmem>>
      %dma_wait3A_291 = arith.constant 0 : i32
      %dma_wait3A_292 = arith.constant 0 : i32
      %dma_wait3A_293 = tpu.memref_slice %arg12[%dma_wait3A_291, %dma_wait3A_292] : memref<10000x128xf32, #tpu.memory_space<vmem_shared>> -> memref<10000x128xf32, #tpu.memory_space<vmem_shared>>
      tpu.wait_indirect_dma semaphore(%arg20 : memref<!tpu.dma_semaphore, #tpu.memory_space<semaphore_mem>>) src(%arg11 : memref<80x128xf32, #tpu.memory_space<vmem>>) dst(%dma_wait3A_293 : memref<10000x128xf32, #tpu.memory_space<vmem_shared>>)
      %lt3A_294 = arith.constant 14 : i32
      %lt3A_295 = arith.cmpi slt, %scan3A_191, %lt3A_294 : i32
      %convert_element_type3A_296 = arith.extui %lt3A_295 : i1 to i32
      %cond3A_297 = arith.constant 0 : i32
      %cond3A_298 = arith.cmpi ne, %convert_element_type3A_296, %cond3A_297 : i32
      scf.if %cond3A_298 {
        %add3A_299 = arith.constant 4 : i32
        %add3A_300 = arith.addi %mul3A_193, %add3A_299 : i32
        %add3A_301 = arith.constant 3 : i32
        %add3A_302 = arith.addi %add3A_300, %add3A_301 : i32
        %dma_start3A_303 = arith.constant 0 : i32
        %dma_start3A_304 = tpu.memref_slice %arg6[%add3A_302, %dma_start3A_303] : memref<63x80xi32, #tpu.memory_space<vmem>> -> memref<1x80xi32, #tpu.memory_space<vmem>>
        %dma_start3A_305 = tpu.memref_squeeze %dma_start3A_304 : memref<1x80xi32, #tpu.memory_space<vmem>> -> memref<80xi32, #tpu.memory_space<vmem>>
        %dma_start3A_306 = arith.constant 0 : i32
        %dma_start3A_307 = arith.constant 0 : i32
        %dma_start3A_308 = tpu.memref_slice %arg2[%dma_start3A_306, %dma_start3A_307] : memref<10000x128xf32, #tpu.memory_space<hbm>> -> memref<10000x128xf32, #tpu.memory_space<hbm>>
        tpu.enqueue_indirect_dma source(%dma_start3A_308 : memref<10000x128xf32, #tpu.memory_space<hbm>>) target(%arg11 : memref<80x128xf32, #tpu.memory_space<vmem>>) offsets(%dma_start3A_305 : memref<80xi32, #tpu.memory_space<vmem>>) semaphore(%arg16 : memref<!tpu.dma_semaphore, #tpu.memory_space<semaphore_mem>>)
      } else {
      }
    }
    %scan3A_153 = arith.constant 15 : i32
    %dma_start3A_154 = arith.constant 60 : i32
    %dma_start3A_155 = arith.constant 0 : i32
    %dma_start3A_156 = tpu.memref_slice %arg6[%dma_start3A_154, %dma_start3A_155] : memref<63x80xi32, #tpu.memory_space<vmem>> -> memref<1x80xi32, #tpu.memory_space<vmem>>
    %dma_start3A_157 = tpu.memref_squeeze %dma_start3A_156 : memref<1x80xi32, #tpu.memory_space<vmem>> -> memref<80xi32, #tpu.memory_space<vmem>>
    %dma_start3A_158 = arith.constant 0 : i32
    %dma_start3A_159 = arith.constant 0 : i32
    %dma_start3A_160 = tpu.memref_slice %arg2[%dma_start3A_158, %dma_start3A_159] : memref<10000x128xf32, #tpu.memory_space<hbm>> -> memref<10000x128xf32, #tpu.memory_space<hbm>>
    tpu.enqueue_indirect_dma source(%dma_start3A_160 : memref<10000x128xf32, #tpu.memory_space<hbm>>) target(%arg8 : memref<80x128xf32, #tpu.memory_space<vmem>>) offsets(%dma_start3A_157 : memref<80xi32, #tpu.memory_space<vmem>>) semaphore(%arg13 : memref<!tpu.dma_semaphore, #tpu.memory_space<semaphore_mem>>)
    %dma_wait3A_161 = arith.constant 60 : i32
    %dma_wait3A_162 = arith.constant 0 : i32
    %dma_wait3A_163 = tpu.memref_slice %arg6[%dma_wait3A_161, %dma_wait3A_162] : memref<63x80xi32, #tpu.memory_space<vmem>> -> memref<1x80xi32, #tpu.memory_space<vmem>>
    %dma_wait3A_164 = tpu.memref_squeeze %dma_wait3A_163 : memref<1x80xi32, #tpu.memory_space<vmem>> -> memref<80xi32, #tpu.memory_space<vmem>>
    %dma_wait3A_165 = arith.constant 0 : i32
    %dma_wait3A_166 = arith.constant 0 : i32
    %dma_wait3A_167 = tpu.memref_slice %arg2[%dma_wait3A_165, %dma_wait3A_166] : memref<10000x128xf32, #tpu.memory_space<hbm>> -> memref<10000x128xf32, #tpu.memory_space<hbm>>
    tpu.wait_indirect_dma semaphore(%arg13 : memref<!tpu.dma_semaphore, #tpu.memory_space<semaphore_mem>>) src(%dma_wait3A_167 : memref<10000x128xf32, #tpu.memory_space<hbm>>) dst(%arg8 : memref<80x128xf32, #tpu.memory_space<vmem>>)
    %run_scoped3A_168 = arith.constant 60 : i32
    "tpu.region"() ({
      %run_scoped3A_191 = tpu.sem_alloc : memref<!tpu.dma_semaphore, #tpu.memory_space<semaphore_mem>>
      %dma_start3A_192 = arith.constant 0 : i32
      %dma_start3A_193 = tpu.memref_slice %arg7[%run_scoped3A_168, %dma_start3A_192] : memref<63x80xi32, #tpu.memory_space<vmem>> -> memref<1x80xi32, #tpu.memory_space<vmem>>
      %dma_start3A_194 = tpu.memref_squeeze %dma_start3A_193 : memref<1x80xi32, #tpu.memory_space<vmem>> -> memref<80xi32, #tpu.memory_space<vmem>>
      %dma_start3A_195 = arith.constant 0 : i32
      %dma_start3A_196 = arith.constant 0 : i32
      %dma_start3A_197 = tpu.memref_slice %arg12[%dma_start3A_195, %dma_start3A_196] : memref<10000x128xf32, #tpu.memory_space<vmem_shared>> -> memref<10000x128xf32, #tpu.memory_space<vmem_shared>>
      tpu.enqueue_indirect_dma source(%arg8 : memref<80x128xf32, #tpu.memory_space<vmem>>) target(%dma_start3A_197 : memref<10000x128xf32, #tpu.memory_space<vmem_shared>>) offsets(%dma_start3A_194 : memref<80xi32, #tpu.memory_space<vmem>>) semaphore(%run_scoped3A_191 : memref<!tpu.dma_semaphore, #tpu.memory_space<semaphore_mem>>) {add = true}
      %dma_wait3A_198 = arith.constant 0 : i32
      %dma_wait3A_199 = tpu.memref_slice %arg7[%run_scoped3A_168, %dma_wait3A_198] : memref<63x80xi32, #tpu.memory_space<vmem>> -> memref<1x80xi32, #tpu.memory_space<vmem>>
      %dma_wait3A_200 = tpu.memref_squeeze %dma_wait3A_199 : memref<1x80xi32, #tpu.memory_space<vmem>> -> memref<80xi32, #tpu.memory_space<vmem>>
      %dma_wait3A_201 = arith.constant 0 : i32
      %dma_wait3A_202 = arith.constant 0 : i32
      %dma_wait3A_203 = tpu.memref_slice %arg12[%dma_wait3A_201, %dma_wait3A_202] : memref<10000x128xf32, #tpu.memory_space<vmem_shared>> -> memref<10000x128xf32, #tpu.memory_space<vmem_shared>>
      tpu.wait_indirect_dma semaphore(%run_scoped3A_191 : memref<!tpu.dma_semaphore, #tpu.memory_space<semaphore_mem>>) src(%arg8 : memref<80x128xf32, #tpu.memory_space<vmem>>) dst(%dma_wait3A_203 : memref<10000x128xf32, #tpu.memory_space<vmem_shared>>)
      tpu.yield
    }) : () -> ()
    %dma_start3A_169 = arith.constant 61 : i32
    %dma_start3A_170 = arith.constant 0 : i32
    %dma_start3A_171 = tpu.memref_slice %arg6[%dma_start3A_169, %dma_start3A_170] : memref<63x80xi32, #tpu.memory_space<vmem>> -> memref<1x80xi32, #tpu.memory_space<vmem>>
    %dma_start3A_172 = tpu.memref_squeeze %dma_start3A_171 : memref<1x80xi32, #tpu.memory_space<vmem>> -> memref<80xi32, #tpu.memory_space<vmem>>
    %dma_start3A_173 = arith.constant 0 : i32
    %dma_start3A_174 = arith.constant 0 : i32
    %dma_start3A_175 = tpu.memref_slice %arg2[%dma_start3A_173, %dma_start3A_174] : memref<10000x128xf32, #tpu.memory_space<hbm>> -> memref<10000x128xf32, #tpu.memory_space<hbm>>
    tpu.enqueue_indirect_dma source(%dma_start3A_175 : memref<10000x128xf32, #tpu.memory_space<hbm>>) target(%arg9 : memref<80x128xf32, #tpu.memory_space<vmem>>) offsets(%dma_start3A_172 : memref<80xi32, #tpu.memory_space<vmem>>) semaphore(%arg14 : memref<!tpu.dma_semaphore, #tpu.memory_space<semaphore_mem>>)
    %dma_wait3A_176 = arith.constant 61 : i32
    %dma_wait3A_177 = arith.constant 0 : i32
    %dma_wait3A_178 = tpu.memref_slice %arg6[%dma_wait3A_176, %dma_wait3A_177] : memref<63x80xi32, #tpu.memory_space<vmem>> -> memref<1x80xi32, #tpu.memory_space<vmem>>
    %dma_wait3A_179 = tpu.memref_squeeze %dma_wait3A_178 : memref<1x80xi32, #tpu.memory_space<vmem>> -> memref<80xi32, #tpu.memory_space<vmem>>
    %dma_wait3A_180 = arith.constant 0 : i32
    %dma_wait3A_181 = arith.constant 0 : i32
    %dma_wait3A_182 = tpu.memref_slice %arg2[%dma_wait3A_180, %dma_wait3A_181] : memref<10000x128xf32, #tpu.memory_space<hbm>> -> memref<10000x128xf32, #tpu.memory_space<hbm>>
    tpu.wait_indirect_dma semaphore(%arg14 : memref<!tpu.dma_semaphore, #tpu.memory_space<semaphore_mem>>) src(%dma_wait3A_182 : memref<10000x128xf32, #tpu.memory_space<hbm>>) dst(%arg9 : memref<80x128xf32, #tpu.memory_space<vmem>>)
    %run_scoped3A_183 = arith.constant 61 : i32
    "tpu.region"() ({
      %run_scoped3A_191 = tpu.sem_alloc : memref<!tpu.dma_semaphore, #tpu.memory_space<semaphore_mem>>
      %dma_start3A_192 = arith.constant 0 : i32
      %dma_start3A_193 = tpu.memref_slice %arg7[%run_scoped3A_183, %dma_start3A_192] : memref<63x80xi32, #tpu.memory_space<vmem>> -> memref<1x80xi32, #tpu.memory_space<vmem>>
      %dma_start3A_194 = tpu.memref_squeeze %dma_start3A_193 : memref<1x80xi32, #tpu.memory_space<vmem>> -> memref<80xi32, #tpu.memory_space<vmem>>
      %dma_start3A_195 = arith.constant 0 : i32
      %dma_start3A_196 = arith.constant 0 : i32
      %dma_start3A_197 = tpu.memref_slice %arg12[%dma_start3A_195, %dma_start3A_196] : memref<10000x128xf32, #tpu.memory_space<vmem_shared>> -> memref<10000x128xf32, #tpu.memory_space<vmem_shared>>
      tpu.enqueue_indirect_dma source(%arg9 : memref<80x128xf32, #tpu.memory_space<vmem>>) target(%dma_start3A_197 : memref<10000x128xf32, #tpu.memory_space<vmem_shared>>) offsets(%dma_start3A_194 : memref<80xi32, #tpu.memory_space<vmem>>) semaphore(%run_scoped3A_191 : memref<!tpu.dma_semaphore, #tpu.memory_space<semaphore_mem>>) {add = true}
      %dma_wait3A_198 = arith.constant 0 : i32
      %dma_wait3A_199 = tpu.memref_slice %arg7[%run_scoped3A_183, %dma_wait3A_198] : memref<63x80xi32, #tpu.memory_space<vmem>> -> memref<1x80xi32, #tpu.memory_space<vmem>>
      %dma_wait3A_200 = tpu.memref_squeeze %dma_wait3A_199 : memref<1x80xi32, #tpu.memory_space<vmem>> -> memref<80xi32, #tpu.memory_space<vmem>>
      %dma_wait3A_201 = arith.constant 0 : i32
      %dma_wait3A_202 = arith.constant 0 : i32
      %dma_wait3A_203 = tpu.memref_slice %arg12[%dma_wait3A_201, %dma_wait3A_202] : memref<10000x128xf32, #tpu.memory_space<vmem_shared>> -> memref<10000x128xf32, #tpu.memory_space<vmem_shared>>
      tpu.wait_indirect_dma semaphore(%run_scoped3A_191 : memref<!tpu.dma_semaphore, #tpu.memory_space<semaphore_mem>>) src(%arg9 : memref<80x128xf32, #tpu.memory_space<vmem>>) dst(%dma_wait3A_203 : memref<10000x128xf32, #tpu.memory_space<vmem_shared>>)
      tpu.yield
    }) : () -> ()
    %barrier3A_184 = arith.constant 0 : index
    tpu.barrier barrier_id(%barrier3A_184)
    %scan3A_185 = arith.constant 0 : i32
    %scan3A_186 = arith.constant 0 : i32
    %scan3A_187 = arith.constant 8 : i32
    %scan3A_188 = arith.addi %scan3A_186, %scan3A_187 : i32
    %scan3A_189 = arith.constant 1 : i32
    scf.for %scan3A_191 = %scan3A_186 to %scan3A_188 step %scan3A_189  : i32 {
      %mul3A_192 = arith.constant 16 : i32
      %mul3A_193 = arith.muli %scan3A_191, %mul3A_192 : i32
      %add3A_194 = arith.addi %arg1, %mul3A_193 : i32
      %lt3A = arith.constant 125 : i32
      %lt3A_195 = arith.cmpi slt, %add3A_194, %lt3A : i32
      %convert_element_type3A = arith.extui %lt3A_195 : i1 to i32
      %cond3A = arith.constant 0 : i32
      %cond3A_196 = arith.cmpi ne, %convert_element_type3A, %cond3A : i32
      scf.if %cond3A_196 {
        %mul3A_197 = arith.constant 80 : i32
        %mul3A_198 = arith.muli %add3A_194, %mul3A_197 : i32
        "tpu.region"() ({
          %run_scoped3A_199 = tpu.sem_alloc : memref<!tpu.dma_semaphore, #tpu.memory_space<semaphore_mem>>
          %dma_start3A_200 = arith.constant 0 : i32
          %dma_start3A_201 = tpu.memref_slice %arg5[%arg0, %mul3A_198, %dma_start3A_200] : memref<2x10000x128xf32, #tpu.memory_space<hbm>> -> memref<1x80x128xf32, #tpu.memory_space<hbm>>
          %dma_start3A_202 = tpu.memref_squeeze %dma_start3A_201 : memref<1x80x128xf32, #tpu.memory_space<hbm>> -> memref<80x128xf32, #tpu.memory_space<hbm>>
          %dma_start3A_203 = arith.constant 0 : i32
          %dma_start3A_204 = tpu.memref_slice %arg12[%mul3A_198, %dma_start3A_203] : memref<10000x128xf32, #tpu.memory_space<vmem_shared>> -> memref<80x128xf32, #tpu.memory_space<vmem_shared>>
          tpu.enqueue_dma source(%dma_start3A_204 : memref<80x128xf32, #tpu.memory_space<vmem_shared>>) target(%dma_start3A_202 : memref<80x128xf32, #tpu.memory_space<hbm>>) target_semaphore(%run_scoped3A_199 : memref<!tpu.dma_semaphore, #tpu.memory_space<semaphore_mem>>)
          %dma_wait3A_205 = arith.constant 0 : i32
          %dma_wait3A_206 = tpu.memref_slice %arg5[%arg0, %mul3A_198, %dma_wait3A_205] : memref<2x10000x128xf32, #tpu.memory_space<hbm>> -> memref<1x80x128xf32, #tpu.memory_space<hbm>>
          %dma_wait3A_207 = tpu.memref_squeeze %dma_wait3A_206 : memref<1x80x128xf32, #tpu.memory_space<hbm>> -> memref<80x128xf32, #tpu.memory_space<hbm>>
          %dma_wait3A_208 = arith.constant 0 : i32
          %dma_wait3A_209 = tpu.memref_slice %arg12[%mul3A_198, %dma_wait3A_208] : memref<10000x128xf32, #tpu.memory_space<vmem_shared>> -> memref<80x128xf32, #tpu.memory_space<vmem_shared>>
          tpu.wait_dma2 semaphore(%run_scoped3A_199 : memref<!tpu.dma_semaphore, #tpu.memory_space<semaphore_mem>>) src(%dma_wait3A_209 : memref<80x128xf32, #tpu.memory_space<vmem_shared>>) dst(%dma_wait3A_207 : memref<80x128xf32, #tpu.memory_space<hbm>>)
          tpu.yield
        }) : () -> ()
      } else {
      }
    }
    %scan3A_190 = arith.constant 8 : i32
    return
  }
}

#map = affine_map<(d0, d1) -> (0, 0)>
#map1 = affine_map<(d0, d1) -> (0, 0, 0)>
module attributes {stable_mosaic.version = 14 : i64} {
  func.func @prop_kernel(%arg0: i32, %arg1: i32, %arg2: memref<10000x128xf32, #tpu.memory_space<hbm>>, %arg3: memref<32x125x80xi32, #tpu.memory_space<hbm>>, %arg4: memref<32x125x80xi32, #tpu.memory_space<hbm>>, %arg5: memref<2x10000x128xf32, #tpu.memory_space<hbm>>, %arg6: memref<63x80xi32, #tpu.memory_space<vmem>>, %arg7: memref<63x80xi32, #tpu.memory_space<vmem>>, %arg8: memref<80x128xf32, #tpu.memory_space<vmem>>, %arg9: memref<80x128xf32, #tpu.memory_space<vmem>>, %arg10: memref<80x128xf32, #tpu.memory_space<vmem>>, %arg11: memref<80x128xf32, #tpu.memory_space<vmem>>, %arg12: memref<10000x128xf32, #tpu.memory_space<vmem_shared>>, %arg13: memref<!tpu.dma_semaphore, #tpu.memory_space<semaphore_mem>>, %arg14: memref<!tpu.dma_semaphore, #tpu.memory_space<semaphore_mem>>, %arg15: memref<!tpu.dma_semaphore, #tpu.memory_space<semaphore_mem>>, %arg16: memref<!tpu.dma_semaphore, #tpu.memory_space<semaphore_mem>>, %arg17: memref<!tpu.dma_semaphore, #tpu.memory_space<semaphore_mem>>, %arg18: memref<!tpu.dma_semaphore, #tpu.memory_space<semaphore_mem>>, %arg19: memref<!tpu.dma_semaphore, #tpu.memory_space<semaphore_mem>>, %arg20: memref<!tpu.dma_semaphore, #tpu.memory_space<semaphore_mem>>) attributes {dimension_semantics = [#tpu.dimension_semantics<core_parallel>, #tpu.dimension_semantics<subcore_parallel>], iteration_bounds = array<i64: 2, 16>, scalar_prefetch = 0 : i64, scratch_operands = 15 : i64, tpu.core_type = #tpu.core_type<sc_vector_subcore>, window_params = [{transform_indices = #map}, {transform_indices = #map1}, {transform_indices = #map1}, {transform_indices = #map1}]} {
    %mul3A = arith.constant 16 : i32
    %mul3A_0 = arith.muli %arg0, %mul3A : i32
    %add3A = arith.addi %mul3A_0, %arg1 : i32
    %dma_start3A = arith.constant 0 : i32
    %dma_start3A_1 = arith.constant 0 : i32
    %dma_start3A_2 = tpu.memref_slice %arg3[%add3A, %dma_start3A, %dma_start3A_1] : memref<32x125x80xi32, #tpu.memory_space<hbm>> -> memref<1x63x80xi32, #tpu.memory_space<hbm>>
    %dma_start3A_3 = tpu.memref_squeeze %dma_start3A_2 : memref<1x63x80xi32, #tpu.memory_space<hbm>> -> memref<63x80xi32, #tpu.memory_space<hbm>>
    %dma_start3A_4 = arith.constant 0 : i32
    %dma_start3A_5 = arith.constant 0 : i32
    %dma_start3A_6 = tpu.memref_slice %arg3[%add3A, %dma_start3A_4, %dma_start3A_5] : memref<32x125x80xi32, #tpu.memory_space<hbm>> -> memref<1x63x80xi32, #tpu.memory_space<hbm>>
    %dma_start3A_7 = tpu.memref_squeeze %dma_start3A_6 : memref<1x63x80xi32, #tpu.memory_space<hbm>> -> memref<63x80xi32, #tpu.memory_space<hbm>>
    tpu.enqueue_dma source(%dma_start3A_7 : memref<63x80xi32, #tpu.memory_space<hbm>>) target(%arg6 : memref<63x80xi32, #tpu.memory_space<vmem>>) target_semaphore(%arg13 : memref<!tpu.dma_semaphore, #tpu.memory_space<semaphore_mem>>)
    %dma_start3A_8 = arith.constant 0 : i32
    %dma_start3A_9 = arith.constant 0 : i32
    %dma_start3A_10 = tpu.memref_slice %arg4[%add3A, %dma_start3A_8, %dma_start3A_9] : memref<32x125x80xi32, #tpu.memory_space<hbm>> -> memref<1x63x80xi32, #tpu.memory_space<hbm>>
    %dma_start3A_11 = tpu.memref_squeeze %dma_start3A_10 : memref<1x63x80xi32, #tpu.memory_space<hbm>> -> memref<63x80xi32, #tpu.memory_space<hbm>>
    %dma_start3A_12 = arith.constant 0 : i32
    %dma_start3A_13 = arith.constant 0 : i32
    %dma_start3A_14 = tpu.memref_slice %arg4[%add3A, %dma_start3A_12, %dma_start3A_13] : memref<32x125x80xi32, #tpu.memory_space<hbm>> -> memref<1x63x80xi32, #tpu.memory_space<hbm>>
    %dma_start3A_15 = tpu.memref_squeeze %dma_start3A_14 : memref<1x63x80xi32, #tpu.memory_space<hbm>> -> memref<63x80xi32, #tpu.memory_space<hbm>>
    tpu.enqueue_dma source(%dma_start3A_15 : memref<63x80xi32, #tpu.memory_space<hbm>>) target(%arg7 : memref<63x80xi32, #tpu.memory_space<vmem>>) target_semaphore(%arg14 : memref<!tpu.dma_semaphore, #tpu.memory_space<semaphore_mem>>)
    %scan3A = arith.constant 0 : i32
    %scan3A_16 = arith.constant 0 : i32
    %scan3A_17 = arith.constant 80 : i32
    %scan3A_18 = arith.addi %scan3A_16, %scan3A_17 : i32
    %scan3A_19 = arith.constant 1 : i32
    scf.for %scan3A_191 = %scan3A_16 to %scan3A_18 step %scan3A_19  : i32 {
      %broadcast_in_dim3A = arith.constant 0.000000e+00 : f32
      %broadcast_in_dim3A_192 = vector.broadcast %broadcast_in_dim3A : f32 to vector<16xf32>
      %swap3A = arith.index_cast %scan3A_191 : i32 to index
      %swap3A_193 = arith.constant 0 : index
      %swap3A_194 = tpu.vector_load %arg8[%swap3A, %swap3A_193] {strides = array<i32>} : memref<80x128xf32, #tpu.memory_space<vmem>>, vector<1x16xf32>,
      %swap3A_195 = vector.shape_cast %swap3A_194 : vector<1x16xf32> to vector<16xf32>
      %swap3A_196 = vector.shape_cast %broadcast_in_dim3A_192 : vector<16xf32> to vector<1x16xf32>
      tpu.vector_store %arg8[%swap3A, %swap3A_193], %swap3A_196 {strides = array<i32>} : memref<80x128xf32, #tpu.memory_space<vmem>>, vector<1x16xf32>,
      %broadcast_in_dim3A_197 = arith.constant 0.000000e+00 : f32
      %broadcast_in_dim3A_198 = vector.broadcast %broadcast_in_dim3A_197 : f32 to vector<16xf32>
      %swap3A_199 = arith.index_cast %scan3A_191 : i32 to index
      %swap3A_200 = arith.constant 16 : index
      %swap3A_201 = tpu.vector_load %arg8[%swap3A_199, %swap3A_200] {strides = array<i32>} : memref<80x128xf32, #tpu.memory_space<vmem>>, vector<1x16xf32>,
      %swap3A_202 = vector.shape_cast %swap3A_201 : vector<1x16xf32> to vector<16xf32>
      %swap3A_203 = vector.shape_cast %broadcast_in_dim3A_198 : vector<16xf32> to vector<1x16xf32>
      tpu.vector_store %arg8[%swap3A_199, %swap3A_200], %swap3A_203 {strides = array<i32>} : memref<80x128xf32, #tpu.memory_space<vmem>>, vector<1x16xf32>,
      %broadcast_in_dim3A_204 = arith.constant 0.000000e+00 : f32
      %broadcast_in_dim3A_205 = vector.broadcast %broadcast_in_dim3A_204 : f32 to vector<16xf32>
      %swap3A_206 = arith.index_cast %scan3A_191 : i32 to index
      %swap3A_207 = arith.constant 32 : index
      %swap3A_208 = tpu.vector_load %arg8[%swap3A_206, %swap3A_207] {strides = array<i32>} : memref<80x128xf32, #tpu.memory_space<vmem>>, vector<1x16xf32>,
      %swap3A_209 = vector.shape_cast %swap3A_208 : vector<1x16xf32> to vector<16xf32>
      %swap3A_210 = vector.shape_cast %broadcast_in_dim3A_205 : vector<16xf32> to vector<1x16xf32>
      tpu.vector_store %arg8[%swap3A_206, %swap3A_207], %swap3A_210 {strides = array<i32>} : memref<80x128xf32, #tpu.memory_space<vmem>>, vector<1x16xf32>,
      %broadcast_in_dim3A_211 = arith.constant 0.000000e+00 : f32
      %broadcast_in_dim3A_212 = vector.broadcast %broadcast_in_dim3A_211 : f32 to vector<16xf32>
      %swap3A_213 = arith.index_cast %scan3A_191 : i32 to index
      %swap3A_214 = arith.constant 48 : index
      %swap3A_215 = tpu.vector_load %arg8[%swap3A_213, %swap3A_214] {strides = array<i32>} : memref<80x128xf32, #tpu.memory_space<vmem>>, vector<1x16xf32>,
      %swap3A_216 = vector.shape_cast %swap3A_215 : vector<1x16xf32> to vector<16xf32>
      %swap3A_217 = vector.shape_cast %broadcast_in_dim3A_212 : vector<16xf32> to vector<1x16xf32>
      tpu.vector_store %arg8[%swap3A_213, %swap3A_214], %swap3A_217 {strides = array<i32>} : memref<80x128xf32, #tpu.memory_space<vmem>>, vector<1x16xf32>,
      %broadcast_in_dim3A_218 = arith.constant 0.000000e+00 : f32
      %broadcast_in_dim3A_219 = vector.broadcast %broadcast_in_dim3A_218 : f32 to vector<16xf32>
      %swap3A_220 = arith.index_cast %scan3A_191 : i32 to index
      %swap3A_221 = arith.constant 64 : index
      %swap3A_222 = tpu.vector_load %arg8[%swap3A_220, %swap3A_221] {strides = array<i32>} : memref<80x128xf32, #tpu.memory_space<vmem>>, vector<1x16xf32>,
      %swap3A_223 = vector.shape_cast %swap3A_222 : vector<1x16xf32> to vector<16xf32>
      %swap3A_224 = vector.shape_cast %broadcast_in_dim3A_219 : vector<16xf32> to vector<1x16xf32>
      tpu.vector_store %arg8[%swap3A_220, %swap3A_221], %swap3A_224 {strides = array<i32>} : memref<80x128xf32, #tpu.memory_space<vmem>>, vector<1x16xf32>,
      %broadcast_in_dim3A_225 = arith.constant 0.000000e+00 : f32
      %broadcast_in_dim3A_226 = vector.broadcast %broadcast_in_dim3A_225 : f32 to vector<16xf32>
      %swap3A_227 = arith.index_cast %scan3A_191 : i32 to index
      %swap3A_228 = arith.constant 80 : index
      %swap3A_229 = tpu.vector_load %arg8[%swap3A_227, %swap3A_228] {strides = array<i32>} : memref<80x128xf32, #tpu.memory_space<vmem>>, vector<1x16xf32>,
      %swap3A_230 = vector.shape_cast %swap3A_229 : vector<1x16xf32> to vector<16xf32>
      %swap3A_231 = vector.shape_cast %broadcast_in_dim3A_226 : vector<16xf32> to vector<1x16xf32>
      tpu.vector_store %arg8[%swap3A_227, %swap3A_228], %swap3A_231 {strides = array<i32>} : memref<80x128xf32, #tpu.memory_space<vmem>>, vector<1x16xf32>,
      %broadcast_in_dim3A_232 = arith.constant 0.000000e+00 : f32
      %broadcast_in_dim3A_233 = vector.broadcast %broadcast_in_dim3A_232 : f32 to vector<16xf32>
      %swap3A_234 = arith.index_cast %scan3A_191 : i32 to index
      %swap3A_235 = arith.constant 96 : index
      %swap3A_236 = tpu.vector_load %arg8[%swap3A_234, %swap3A_235] {strides = array<i32>} : memref<80x128xf32, #tpu.memory_space<vmem>>, vector<1x16xf32>,
      %swap3A_237 = vector.shape_cast %swap3A_236 : vector<1x16xf32> to vector<16xf32>
      %swap3A_238 = vector.shape_cast %broadcast_in_dim3A_233 : vector<16xf32> to vector<1x16xf32>
      tpu.vector_store %arg8[%swap3A_234, %swap3A_235], %swap3A_238 {strides = array<i32>} : memref<80x128xf32, #tpu.memory_space<vmem>>, vector<1x16xf32>,
      %broadcast_in_dim3A_239 = arith.constant 0.000000e+00 : f32
      %broadcast_in_dim3A_240 = vector.broadcast %broadcast_in_dim3A_239 : f32 to vector<16xf32>
      %swap3A_241 = arith.index_cast %scan3A_191 : i32 to index
      %swap3A_242 = arith.constant 112 : index
      %swap3A_243 = tpu.vector_load %arg8[%swap3A_241, %swap3A_242] {strides = array<i32>} : memref<80x128xf32, #tpu.memory_space<vmem>>, vector<1x16xf32>,
      %swap3A_244 = vector.shape_cast %swap3A_243 : vector<1x16xf32> to vector<16xf32>
      %swap3A_245 = vector.shape_cast %broadcast_in_dim3A_240 : vector<16xf32> to vector<1x16xf32>
      tpu.vector_store %arg8[%swap3A_241, %swap3A_242], %swap3A_245 {strides = array<i32>} : memref<80x128xf32, #tpu.memory_space<vmem>>, vector<1x16xf32>,
    }
    %scan3A_20 = arith.constant 80 : i32
    %scan3A_21 = arith.constant 0 : i32
    %scan3A_22 = arith.constant 0 : i32
    %scan3A_23 = arith.constant 8 : i32
    %scan3A_24 = arith.addi %scan3A_22, %scan3A_23 : i32
    %scan3A_25 = arith.constant 1 : i32
    scf.for %scan3A_191 = %scan3A_22 to %scan3A_24 step %scan3A_25  : i32 {
      %mul3A_192 = arith.constant 16 : i32
      %mul3A_193 = arith.muli %scan3A_191, %mul3A_192 : i32
      %add3A_194 = arith.addi %arg1, %mul3A_193 : i32
      %lt3A = arith.constant 125 : i32
      %lt3A_195 = arith.cmpi slt, %add3A_194, %lt3A : i32
      %convert_element_type3A = arith.extui %lt3A_195 : i1 to i32
      %cond3A = arith.constant 0 : i32
      %cond3A_196 = arith.cmpi ne, %convert_element_type3A, %cond3A : i32
      scf.if %cond3A_196 {
        %mul3A_197 = arith.constant 80 : i32
        %mul3A_198 = arith.muli %add3A_194, %mul3A_197 : i32
        "tpu.region"() ({
          %run_scoped3A_199 = tpu.sem_alloc : memref<!tpu.dma_semaphore, #tpu.memory_space<semaphore_mem>>
          %dma_start3A_200 = arith.constant 0 : i32
          %dma_start3A_201 = tpu.memref_slice %arg12[%mul3A_198, %dma_start3A_200] : memref<10000x128xf32, #tpu.memory_space<vmem_shared>> -> memref<80x128xf32, #tpu.memory_space<vmem_shared>>
          %dma_start3A_202 = arith.constant 0 : i32
          %dma_start3A_203 = tpu.memref_slice %arg12[%mul3A_198, %dma_start3A_202] : memref<10000x128xf32, #tpu.memory_space<vmem_shared>> -> memref<80x128xf32, #tpu.memory_space<vmem_shared>>
          tpu.enqueue_dma source(%arg8 : memref<80x128xf32, #tpu.memory_space<vmem>>) target(%dma_start3A_203 : memref<80x128xf32, #tpu.memory_space<vmem_shared>>) target_semaphore(%run_scoped3A_199 : memref<!tpu.dma_semaphore, #tpu.memory_space<semaphore_mem>>)
          %dma_wait3A_204 = arith.constant 0 : i32
          %dma_wait3A_205 = tpu.memref_slice %arg12[%mul3A_198, %dma_wait3A_204] : memref<10000x128xf32, #tpu.memory_space<vmem_shared>> -> memref<80x128xf32, #tpu.memory_space<vmem_shared>>
          %dma_wait3A_206 = arith.constant 0 : i32
          %dma_wait3A_207 = tpu.memref_slice %arg12[%mul3A_198, %dma_wait3A_206] : memref<10000x128xf32, #tpu.memory_space<vmem_shared>> -> memref<80x128xf32, #tpu.memory_space<vmem_shared>>
          tpu.wait_dma2 semaphore(%run_scoped3A_199 : memref<!tpu.dma_semaphore, #tpu.memory_space<semaphore_mem>>) src(%arg8 : memref<80x128xf32, #tpu.memory_space<vmem>>) dst(%dma_wait3A_207 : memref<80x128xf32, #tpu.memory_space<vmem_shared>>)
          tpu.yield
        }) : () -> ()
      } else {
      }
    }
    %scan3A_26 = arith.constant 8 : i32
    %dma_wait3A = arith.constant 0 : i32
    %dma_wait3A_27 = arith.constant 0 : i32
    %dma_wait3A_28 = tpu.memref_slice %arg3[%add3A, %dma_wait3A, %dma_wait3A_27] : memref<32x125x80xi32, #tpu.memory_space<hbm>> -> memref<1x63x80xi32, #tpu.memory_space<hbm>>
    %dma_wait3A_29 = tpu.memref_squeeze %dma_wait3A_28 : memref<1x63x80xi32, #tpu.memory_space<hbm>> -> memref<63x80xi32, #tpu.memory_space<hbm>>
    %dma_wait3A_30 = arith.constant 0 : i32
    %dma_wait3A_31 = arith.constant 0 : i32
    %dma_wait3A_32 = tpu.memref_slice %arg3[%add3A, %dma_wait3A_30, %dma_wait3A_31] : memref<32x125x80xi32, #tpu.memory_space<hbm>> -> memref<1x63x80xi32, #tpu.memory_space<hbm>>
    %dma_wait3A_33 = tpu.memref_squeeze %dma_wait3A_32 : memref<1x63x80xi32, #tpu.memory_space<hbm>> -> memref<63x80xi32, #tpu.memory_space<hbm>>
    tpu.wait_dma2 semaphore(%arg13 : memref<!tpu.dma_semaphore, #tpu.memory_space<semaphore_mem>>) src(%dma_wait3A_33 : memref<63x80xi32, #tpu.memory_space<hbm>>) dst(%arg6 : memref<63x80xi32, #tpu.memory_space<vmem>>)
    %dma_wait3A_34 = arith.constant 0 : i32
    %dma_wait3A_35 = arith.constant 0 : i32
    %dma_wait3A_36 = tpu.memref_slice %arg4[%add3A, %dma_wait3A_34, %dma_wait3A_35] : memref<32x125x80xi32, #tpu.memory_space<hbm>> -> memref<1x63x80xi32, #tpu.memory_space<hbm>>
    %dma_wait3A_37 = tpu.memref_squeeze %dma_wait3A_36 : memref<1x63x80xi32, #tpu.memory_space<hbm>> -> memref<63x80xi32, #tpu.memory_space<hbm>>
    %dma_wait3A_38 = arith.constant 0 : i32
    %dma_wait3A_39 = arith.constant 0 : i32
    %dma_wait3A_40 = tpu.memref_slice %arg4[%add3A, %dma_wait3A_38, %dma_wait3A_39] : memref<32x125x80xi32, #tpu.memory_space<hbm>> -> memref<1x63x80xi32, #tpu.memory_space<hbm>>
    %dma_wait3A_41 = tpu.memref_squeeze %dma_wait3A_40 : memref<1x63x80xi32, #tpu.memory_space<hbm>> -> memref<63x80xi32, #tpu.memory_space<hbm>>
    tpu.wait_dma2 semaphore(%arg14 : memref<!tpu.dma_semaphore, #tpu.memory_space<semaphore_mem>>) src(%dma_wait3A_41 : memref<63x80xi32, #tpu.memory_space<hbm>>) dst(%arg7 : memref<63x80xi32, #tpu.memory_space<vmem>>)
    %barrier3A = arith.constant 0 : index
    tpu.barrier barrier_id(%barrier3A)
    %dma_start3A_42 = arith.constant 0 : i32
    %dma_start3A_43 = arith.constant 0 : i32
    %dma_start3A_44 = tpu.memref_slice %arg6[%dma_start3A_42, %dma_start3A_43] : memref<63x80xi32, #tpu.memory_space<vmem>> -> memref<1x80xi32, #tpu.memory_space<vmem>>
    %dma_start3A_45 = tpu.memref_squeeze %dma_start3A_44 : memref<1x80xi32, #tpu.memory_space<vmem>> -> memref<80xi32, #tpu.memory_space<vmem>>
    %dma_start3A_46 = arith.constant 0 : i32
    %dma_start3A_47 = arith.constant 0 : i32
    %dma_start3A_48 = tpu.memref_slice %arg2[%dma_start3A_46, %dma_start3A_47] : memref<10000x128xf32, #tpu.memory_space<hbm>> -> memref<10000x128xf32, #tpu.memory_space<hbm>>
    tpu.enqueue_indirect_dma source(%dma_start3A_48 : memref<10000x128xf32, #tpu.memory_space<hbm>>) target(%arg8 : memref<80x128xf32, #tpu.memory_space<vmem>>) offsets(%dma_start3A_45 : memref<80xi32, #tpu.memory_space<vmem>>) semaphore(%arg13 : memref<!tpu.dma_semaphore, #tpu.memory_space<semaphore_mem>>)
    %dma_start3A_49 = arith.constant 1 : i32
    %dma_start3A_50 = arith.constant 0 : i32
    %dma_start3A_51 = tpu.memref_slice %arg6[%dma_start3A_49, %dma_start3A_50] : memref<63x80xi32, #tpu.memory_space<vmem>> -> memref<1x80xi32, #tpu.memory_space<vmem>>
    %dma_start3A_52 = tpu.memref_squeeze %dma_start3A_51 : memref<1x80xi32, #tpu.memory_space<vmem>> -> memref<80xi32, #tpu.memory_space<vmem>>
    %dma_start3A_53 = arith.constant 0 : i32
    %dma_start3A_54 = arith.constant 0 : i32
    %dma_start3A_55 = tpu.memref_slice %arg2[%dma_start3A_53, %dma_start3A_54] : memref<10000x128xf32, #tpu.memory_space<hbm>> -> memref<10000x128xf32, #tpu.memory_space<hbm>>
    tpu.enqueue_indirect_dma source(%dma_start3A_55 : memref<10000x128xf32, #tpu.memory_space<hbm>>) target(%arg9 : memref<80x128xf32, #tpu.memory_space<vmem>>) offsets(%dma_start3A_52 : memref<80xi32, #tpu.memory_space<vmem>>) semaphore(%arg14 : memref<!tpu.dma_semaphore, #tpu.memory_space<semaphore_mem>>)
    %dma_start3A_56 = arith.constant 2 : i32
    %dma_start3A_57 = arith.constant 0 : i32
    %dma_start3A_58 = tpu.memref_slice %arg6[%dma_start3A_56, %dma_start3A_57] : memref<63x80xi32, #tpu.memory_space<vmem>> -> memref<1x80xi32, #tpu.memory_space<vmem>>
    %dma_start3A_59 = tpu.memref_squeeze %dma_start3A_58 : memref<1x80xi32, #tpu.memory_space<vmem>> -> memref<80xi32, #tpu.memory_space<vmem>>
    %dma_start3A_60 = arith.constant 0 : i32
    %dma_start3A_61 = arith.constant 0 : i32
    %dma_start3A_62 = tpu.memref_slice %arg2[%dma_start3A_60, %dma_start3A_61] : memref<10000x128xf32, #tpu.memory_space<hbm>> -> memref<10000x128xf32, #tpu.memory_space<hbm>>
    tpu.enqueue_indirect_dma source(%dma_start3A_62 : memref<10000x128xf32, #tpu.memory_space<hbm>>) target(%arg10 : memref<80x128xf32, #tpu.memory_space<vmem>>) offsets(%dma_start3A_59 : memref<80xi32, #tpu.memory_space<vmem>>) semaphore(%arg15 : memref<!tpu.dma_semaphore, #tpu.memory_space<semaphore_mem>>)
    %dma_start3A_63 = arith.constant 3 : i32
    %dma_start3A_64 = arith.constant 0 : i32
    %dma_start3A_65 = tpu.memref_slice %arg6[%dma_start3A_63, %dma_start3A_64] : memref<63x80xi32, #tpu.memory_space<vmem>> -> memref<1x80xi32, #tpu.memory_space<vmem>>
    %dma_start3A_66 = tpu.memref_squeeze %dma_start3A_65 : memref<1x80xi32, #tpu.memory_space<vmem>> -> memref<80xi32, #tpu.memory_space<vmem>>
    %dma_start3A_67 = arith.constant 0 : i32
    %dma_start3A_68 = arith.constant 0 : i32
    %dma_start3A_69 = tpu.memref_slice %arg2[%dma_start3A_67, %dma_start3A_68] : memref<10000x128xf32, #tpu.memory_space<hbm>> -> memref<10000x128xf32, #tpu.memory_space<hbm>>
    tpu.enqueue_indirect_dma source(%dma_start3A_69 : memref<10000x128xf32, #tpu.memory_space<hbm>>) target(%arg11 : memref<80x128xf32, #tpu.memory_space<vmem>>) offsets(%dma_start3A_66 : memref<80xi32, #tpu.memory_space<vmem>>) semaphore(%arg16 : memref<!tpu.dma_semaphore, #tpu.memory_space<semaphore_mem>>)
    %scan3A_70 = arith.constant 0 : i32
    %scan3A_71 = arith.constant 0 : i32
    %scan3A_72 = arith.constant 15 : i32
    %scan3A_73 = arith.addi %scan3A_71, %scan3A_72 : i32
    %scan3A_74 = arith.constant 1 : i32
    scf.for %scan3A_191 = %scan3A_71 to %scan3A_73 step %scan3A_74  : i32 {
      %mul3A_192 = arith.constant 4 : i32
      %mul3A_193 = arith.muli %scan3A_191, %mul3A_192 : i32
      %add3A_194 = arith.constant 0 : i32
      %add3A_195 = arith.addi %mul3A_193, %add3A_194 : i32
      %dma_wait3A_196 = arith.constant 0 : i32
      %dma_wait3A_197 = tpu.memref_slice %arg6[%add3A_195, %dma_wait3A_196] : memref<63x80xi32, #tpu.memory_space<vmem>> -> memref<1x80xi32, #tpu.memory_space<vmem>>
      %dma_wait3A_198 = tpu.memref_squeeze %dma_wait3A_197 : memref<1x80xi32, #tpu.memory_space<vmem>> -> memref<80xi32, #tpu.memory_space<vmem>>
      %dma_wait3A_199 = arith.constant 0 : i32
      %dma_wait3A_200 = arith.constant 0 : i32
      %dma_wait3A_201 = tpu.memref_slice %arg2[%dma_wait3A_199, %dma_wait3A_200] : memref<10000x128xf32, #tpu.memory_space<hbm>> -> memref<10000x128xf32, #tpu.memory_space<hbm>>
      tpu.wait_indirect_dma semaphore(%arg13 : memref<!tpu.dma_semaphore, #tpu.memory_space<semaphore_mem>>) src(%dma_wait3A_201 : memref<10000x128xf32, #tpu.memory_space<hbm>>) dst(%arg8 : memref<80x128xf32, #tpu.memory_space<vmem>>)
      %add3A_202 = arith.constant 0 : i32
      %add3A_203 = arith.addi %mul3A_193, %add3A_202 : i32
      %dma_start3A_204 = arith.constant 0 : i32
      %dma_start3A_205 = tpu.memref_slice %arg7[%add3A_203, %dma_start3A_204] : memref<63x80xi32, #tpu.memory_space<vmem>> -> memref<1x80xi32, #tpu.memory_space<vmem>>
      %dma_start3A_206 = tpu.memref_squeeze %dma_start3A_205 : memref<1x80xi32, #tpu.memory_space<vmem>> -> memref<80xi32, #tpu.memory_space<vmem>>
      %dma_start3A_207 = arith.constant 0 : i32
      %dma_start3A_208 = arith.constant 0 : i32
      %dma_start3A_209 = tpu.memref_slice %arg12[%dma_start3A_207, %dma_start3A_208] : memref<10000x128xf32, #tpu.memory_space<vmem_shared>> -> memref<10000x128xf32, #tpu.memory_space<vmem_shared>>
      tpu.enqueue_indirect_dma source(%arg8 : memref<80x128xf32, #tpu.memory_space<vmem>>) target(%dma_start3A_209 : memref<10000x128xf32, #tpu.memory_space<vmem_shared>>) offsets(%dma_start3A_206 : memref<80xi32, #tpu.memory_space<vmem>>) semaphore(%arg17 : memref<!tpu.dma_semaphore, #tpu.memory_space<semaphore_mem>>) {add = true}
      %add3A_210 = arith.constant 1 : i32
      %add3A_211 = arith.addi %mul3A_193, %add3A_210 : i32
      %dma_wait3A_212 = arith.constant 0 : i32
      %dma_wait3A_213 = tpu.memref_slice %arg6[%add3A_211, %dma_wait3A_212] : memref<63x80xi32, #tpu.memory_space<vmem>> -> memref<1x80xi32, #tpu.memory_space<vmem>>
      %dma_wait3A_214 = tpu.memref_squeeze %dma_wait3A_213 : memref<1x80xi32, #tpu.memory_space<vmem>> -> memref<80xi32, #tpu.memory_space<vmem>>
      %dma_wait3A_215 = arith.constant 0 : i32
      %dma_wait3A_216 = arith.constant 0 : i32
      %dma_wait3A_217 = tpu.memref_slice %arg2[%dma_wait3A_215, %dma_wait3A_216] : memref<10000x128xf32, #tpu.memory_space<hbm>> -> memref<10000x128xf32, #tpu.memory_space<hbm>>
      tpu.wait_indirect_dma semaphore(%arg14 : memref<!tpu.dma_semaphore, #tpu.memory_space<semaphore_mem>>) src(%dma_wait3A_217 : memref<10000x128xf32, #tpu.memory_space<hbm>>) dst(%arg9 : memref<80x128xf32, #tpu.memory_space<vmem>>)
      %add3A_218 = arith.constant 1 : i32
      %add3A_219 = arith.addi %mul3A_193, %add3A_218 : i32
      %dma_start3A_220 = arith.constant 0 : i32
      %dma_start3A_221 = tpu.memref_slice %arg7[%add3A_219, %dma_start3A_220] : memref<63x80xi32, #tpu.memory_space<vmem>> -> memref<1x80xi32, #tpu.memory_space<vmem>>
      %dma_start3A_222 = tpu.memref_squeeze %dma_start3A_221 : memref<1x80xi32, #tpu.memory_space<vmem>> -> memref<80xi32, #tpu.memory_space<vmem>>
      %dma_start3A_223 = arith.constant 0 : i32
      %dma_start3A_224 = arith.constant 0 : i32
      %dma_start3A_225 = tpu.memref_slice %arg12[%dma_start3A_223, %dma_start3A_224] : memref<10000x128xf32, #tpu.memory_space<vmem_shared>> -> memref<10000x128xf32, #tpu.memory_space<vmem_shared>>
      tpu.enqueue_indirect_dma source(%arg9 : memref<80x128xf32, #tpu.memory_space<vmem>>) target(%dma_start3A_225 : memref<10000x128xf32, #tpu.memory_space<vmem_shared>>) offsets(%dma_start3A_222 : memref<80xi32, #tpu.memory_space<vmem>>) semaphore(%arg18 : memref<!tpu.dma_semaphore, #tpu.memory_space<semaphore_mem>>) {add = true}
      %add3A_226 = arith.constant 2 : i32
      %add3A_227 = arith.addi %mul3A_193, %add3A_226 : i32
      %dma_wait3A_228 = arith.constant 0 : i32
      %dma_wait3A_229 = tpu.memref_slice %arg6[%add3A_227, %dma_wait3A_228] : memref<63x80xi32, #tpu.memory_space<vmem>> -> memref<1x80xi32, #tpu.memory_space<vmem>>
      %dma_wait3A_230 = tpu.memref_squeeze %dma_wait3A_229 : memref<1x80xi32, #tpu.memory_space<vmem>> -> memref<80xi32, #tpu.memory_space<vmem>>
      %dma_wait3A_231 = arith.constant 0 : i32
      %dma_wait3A_232 = arith.constant 0 : i32
      %dma_wait3A_233 = tpu.memref_slice %arg2[%dma_wait3A_231, %dma_wait3A_232] : memref<10000x128xf32, #tpu.memory_space<hbm>> -> memref<10000x128xf32, #tpu.memory_space<hbm>>
      tpu.wait_indirect_dma semaphore(%arg15 : memref<!tpu.dma_semaphore, #tpu.memory_space<semaphore_mem>>) src(%dma_wait3A_233 : memref<10000x128xf32, #tpu.memory_space<hbm>>) dst(%arg10 : memref<80x128xf32, #tpu.memory_space<vmem>>)
      %add3A_234 = arith.constant 2 : i32
      %add3A_235 = arith.addi %mul3A_193, %add3A_234 : i32
      %dma_start3A_236 = arith.constant 0 : i32
      %dma_start3A_237 = tpu.memref_slice %arg7[%add3A_235, %dma_start3A_236] : memref<63x80xi32, #tpu.memory_space<vmem>> -> memref<1x80xi32, #tpu.memory_space<vmem>>
      %dma_start3A_238 = tpu.memref_squeeze %dma_start3A_237 : memref<1x80xi32, #tpu.memory_space<vmem>> -> memref<80xi32, #tpu.memory_space<vmem>>
      %dma_start3A_239 = arith.constant 0 : i32
      %dma_start3A_240 = arith.constant 0 : i32
      %dma_start3A_241 = tpu.memref_slice %arg12[%dma_start3A_239, %dma_start3A_240] : memref<10000x128xf32, #tpu.memory_space<vmem_shared>> -> memref<10000x128xf32, #tpu.memory_space<vmem_shared>>
      tpu.enqueue_indirect_dma source(%arg10 : memref<80x128xf32, #tpu.memory_space<vmem>>) target(%dma_start3A_241 : memref<10000x128xf32, #tpu.memory_space<vmem_shared>>) offsets(%dma_start3A_238 : memref<80xi32, #tpu.memory_space<vmem>>) semaphore(%arg19 : memref<!tpu.dma_semaphore, #tpu.memory_space<semaphore_mem>>) {add = true}
      %add3A_242 = arith.constant 3 : i32
      %add3A_243 = arith.addi %mul3A_193, %add3A_242 : i32
      %dma_wait3A_244 = arith.constant 0 : i32
      %dma_wait3A_245 = tpu.memref_slice %arg6[%add3A_243, %dma_wait3A_244] : memref<63x80xi32, #tpu.memory_space<vmem>> -> memref<1x80xi32, #tpu.memory_space<vmem>>
      %dma_wait3A_246 = tpu.memref_squeeze %dma_wait3A_245 : memref<1x80xi32, #tpu.memory_space<vmem>> -> memref<80xi32, #tpu.memory_space<vmem>>
      %dma_wait3A_247 = arith.constant 0 : i32
      %dma_wait3A_248 = arith.constant 0 : i32
      %dma_wait3A_249 = tpu.memref_slice %arg2[%dma_wait3A_247, %dma_wait3A_248] : memref<10000x128xf32, #tpu.memory_space<hbm>> -> memref<10000x128xf32, #tpu.memory_space<hbm>>
      tpu.wait_indirect_dma semaphore(%arg16 : memref<!tpu.dma_semaphore, #tpu.memory_space<semaphore_mem>>) src(%dma_wait3A_249 : memref<10000x128xf32, #tpu.memory_space<hbm>>) dst(%arg11 : memref<80x128xf32, #tpu.memory_space<vmem>>)
      %add3A_250 = arith.constant 3 : i32
      %add3A_251 = arith.addi %mul3A_193, %add3A_250 : i32
      %dma_start3A_252 = arith.constant 0 : i32
      %dma_start3A_253 = tpu.memref_slice %arg7[%add3A_251, %dma_start3A_252] : memref<63x80xi32, #tpu.memory_space<vmem>> -> memref<1x80xi32, #tpu.memory_space<vmem>>
      %dma_start3A_254 = tpu.memref_squeeze %dma_start3A_253 : memref<1x80xi32, #tpu.memory_space<vmem>> -> memref<80xi32, #tpu.memory_space<vmem>>
      %dma_start3A_255 = arith.constant 0 : i32
      %dma_start3A_256 = arith.constant 0 : i32
      %dma_start3A_257 = tpu.memref_slice %arg12[%dma_start3A_255, %dma_start3A_256] : memref<10000x128xf32, #tpu.memory_space<vmem_shared>> -> memref<10000x128xf32, #tpu.memory_space<vmem_shared>>
      tpu.enqueue_indirect_dma source(%arg11 : memref<80x128xf32, #tpu.memory_space<vmem>>) target(%dma_start3A_257 : memref<10000x128xf32, #tpu.memory_space<vmem_shared>>) offsets(%dma_start3A_254 : memref<80xi32, #tpu.memory_space<vmem>>) semaphore(%arg20 : memref<!tpu.dma_semaphore, #tpu.memory_space<semaphore_mem>>) {add = true}
      %dma_wait3A_258 = arith.constant 0 : i32
      %dma_wait3A_259 = tpu.memref_slice %arg7[%add3A_203, %dma_wait3A_258] : memref<63x80xi32, #tpu.memory_space<vmem>> -> memref<1x80xi32, #tpu.memory_space<vmem>>
      %dma_wait3A_260 = tpu.memref_squeeze %dma_wait3A_259 : memref<1x80xi32, #tpu.memory_space<vmem>> -> memref<80xi32, #tpu.memory_space<vmem>>
      %dma_wait3A_261 = arith.constant 0 : i32
      %dma_wait3A_262 = arith.constant 0 : i32
      %dma_wait3A_263 = tpu.memref_slice %arg12[%dma_wait3A_261, %dma_wait3A_262] : memref<10000x128xf32, #tpu.memory_space<vmem_shared>> -> memref<10000x128xf32, #tpu.memory_space<vmem_shared>>
      tpu.wait_indirect_dma semaphore(%arg17 : memref<!tpu.dma_semaphore, #tpu.memory_space<semaphore_mem>>) src(%arg8 : memref<80x128xf32, #tpu.memory_space<vmem>>) dst(%dma_wait3A_263 : memref<10000x128xf32, #tpu.memory_space<vmem_shared>>)
      %lt3A = arith.constant 14 : i32
      %lt3A_264 = arith.cmpi slt, %scan3A_191, %lt3A : i32
      %convert_element_type3A = arith.extui %lt3A_264 : i1 to i32
      %cond3A = arith.constant 0 : i32
      %cond3A_265 = arith.cmpi ne, %convert_element_type3A, %cond3A : i32
      scf.if %cond3A_265 {
        %add3A_299 = arith.constant 4 : i32
        %add3A_300 = arith.addi %mul3A_193, %add3A_299 : i32
        %add3A_301 = arith.constant 0 : i32
        %add3A_302 = arith.addi %add3A_300, %add3A_301 : i32
        %dma_start3A_303 = arith.constant 0 : i32
        %dma_start3A_304 = tpu.memref_slice %arg6[%add3A_302, %dma_start3A_303] : memref<63x80xi32, #tpu.memory_space<vmem>> -> memref<1x80xi32, #tpu.memory_space<vmem>>
        %dma_start3A_305 = tpu.memref_squeeze %dma_start3A_304 : memref<1x80xi32, #tpu.memory_space<vmem>> -> memref<80xi32, #tpu.memory_space<vmem>>
        %dma_start3A_306 = arith.constant 0 : i32
        %dma_start3A_307 = arith.constant 0 : i32
        %dma_start3A_308 = tpu.memref_slice %arg2[%dma_start3A_306, %dma_start3A_307] : memref<10000x128xf32, #tpu.memory_space<hbm>> -> memref<10000x128xf32, #tpu.memory_space<hbm>>
        tpu.enqueue_indirect_dma source(%dma_start3A_308 : memref<10000x128xf32, #tpu.memory_space<hbm>>) target(%arg8 : memref<80x128xf32, #tpu.memory_space<vmem>>) offsets(%dma_start3A_305 : memref<80xi32, #tpu.memory_space<vmem>>) semaphore(%arg13 : memref<!tpu.dma_semaphore, #tpu.memory_space<semaphore_mem>>)
      } else {
      }
      %dma_wait3A_266 = arith.constant 0 : i32
      %dma_wait3A_267 = tpu.memref_slice %arg7[%add3A_219, %dma_wait3A_266] : memref<63x80xi32, #tpu.memory_space<vmem>> -> memref<1x80xi32, #tpu.memory_space<vmem>>
      %dma_wait3A_268 = tpu.memref_squeeze %dma_wait3A_267 : memref<1x80xi32, #tpu.memory_space<vmem>> -> memref<80xi32, #tpu.memory_space<vmem>>
      %dma_wait3A_269 = arith.constant 0 : i32
      %dma_wait3A_270 = arith.constant 0 : i32
      %dma_wait3A_271 = tpu.memref_slice %arg12[%dma_wait3A_269, %dma_wait3A_270] : memref<10000x128xf32, #tpu.memory_space<vmem_shared>> -> memref<10000x128xf32, #tpu.memory_space<vmem_shared>>
      tpu.wait_indirect_dma semaphore(%arg18 : memref<!tpu.dma_semaphore, #tpu.memory_space<semaphore_mem>>) src(%arg9 : memref<80x128xf32, #tpu.memory_space<vmem>>) dst(%dma_wait3A_271 : memref<10000x128xf32, #tpu.memory_space<vmem_shared>>)
      %lt3A_272 = arith.constant 14 : i32
      %lt3A_273 = arith.cmpi slt, %scan3A_191, %lt3A_272 : i32
      %convert_element_type3A_274 = arith.extui %lt3A_273 : i1 to i32
      %cond3A_275 = arith.constant 0 : i32
      %cond3A_276 = arith.cmpi ne, %convert_element_type3A_274, %cond3A_275 : i32
      scf.if %cond3A_276 {
        %add3A_299 = arith.constant 4 : i32
        %add3A_300 = arith.addi %mul3A_193, %add3A_299 : i32
        %add3A_301 = arith.constant 1 : i32
        %add3A_302 = arith.addi %add3A_300, %add3A_301 : i32
        %dma_start3A_303 = arith.constant 0 : i32
        %dma_start3A_304 = tpu.memref_slice %arg6[%add3A_302, %dma_start3A_303] : memref<63x80xi32, #tpu.memory_space<vmem>> -> memref<1x80xi32, #tpu.memory_space<vmem>>
        %dma_start3A_305 = tpu.memref_squeeze %dma_start3A_304 : memref<1x80xi32, #tpu.memory_space<vmem>> -> memref<80xi32, #tpu.memory_space<vmem>>
        %dma_start3A_306 = arith.constant 0 : i32
        %dma_start3A_307 = arith.constant 0 : i32
        %dma_start3A_308 = tpu.memref_slice %arg2[%dma_start3A_306, %dma_start3A_307] : memref<10000x128xf32, #tpu.memory_space<hbm>> -> memref<10000x128xf32, #tpu.memory_space<hbm>>
        tpu.enqueue_indirect_dma source(%dma_start3A_308 : memref<10000x128xf32, #tpu.memory_space<hbm>>) target(%arg9 : memref<80x128xf32, #tpu.memory_space<vmem>>) offsets(%dma_start3A_305 : memref<80xi32, #tpu.memory_space<vmem>>) semaphore(%arg14 : memref<!tpu.dma_semaphore, #tpu.memory_space<semaphore_mem>>)
      } else {
      }
      %dma_wait3A_277 = arith.constant 0 : i32
      %dma_wait3A_278 = tpu.memref_slice %arg7[%add3A_235, %dma_wait3A_277] : memref<63x80xi32, #tpu.memory_space<vmem>> -> memref<1x80xi32, #tpu.memory_space<vmem>>
      %dma_wait3A_279 = tpu.memref_squeeze %dma_wait3A_278 : memref<1x80xi32, #tpu.memory_space<vmem>> -> memref<80xi32, #tpu.memory_space<vmem>>
      %dma_wait3A_280 = arith.constant 0 : i32
      %dma_wait3A_281 = arith.constant 0 : i32
      %dma_wait3A_282 = tpu.memref_slice %arg12[%dma_wait3A_280, %dma_wait3A_281] : memref<10000x128xf32, #tpu.memory_space<vmem_shared>> -> memref<10000x128xf32, #tpu.memory_space<vmem_shared>>
      tpu.wait_indirect_dma semaphore(%arg19 : memref<!tpu.dma_semaphore, #tpu.memory_space<semaphore_mem>>) src(%arg10 : memref<80x128xf32, #tpu.memory_space<vmem>>) dst(%dma_wait3A_282 : memref<10000x128xf32, #tpu.memory_space<vmem_shared>>)
      %lt3A_283 = arith.constant 14 : i32
      %lt3A_284 = arith.cmpi slt, %scan3A_191, %lt3A_283 : i32
      %convert_element_type3A_285 = arith.extui %lt3A_284 : i1 to i32
      %cond3A_286 = arith.constant 0 : i32
      %cond3A_287 = arith.cmpi ne, %convert_element_type3A_285, %cond3A_286 : i32
      scf.if %cond3A_287 {
        %add3A_299 = arith.constant 4 : i32
        %add3A_300 = arith.addi %mul3A_193, %add3A_299 : i32
        %add3A_301 = arith.constant 2 : i32
        %add3A_302 = arith.addi %add3A_300, %add3A_301 : i32
        %dma_start3A_303 = arith.constant 0 : i32
        %dma_start3A_304 = tpu.memref_slice %arg6[%add3A_302, %dma_start3A_303] : memref<63x80xi32, #tpu.memory_space<vmem>> -> memref<1x80xi32, #tpu.memory_space<vmem>>
        %dma_start3A_305 = tpu.memref_squeeze %dma_start3A_304 : memref<1x80xi32, #tpu.memory_space<vmem>> -> memref<80xi32, #tpu.memory_space<vmem>>
        %dma_start3A_306 = arith.constant 0 : i32
        %dma_start3A_307 = arith.constant 0 : i32
        %dma_start3A_308 = tpu.memref_slice %arg2[%dma_start3A_306, %dma_start3A_307] : memref<10000x128xf32, #tpu.memory_space<hbm>> -> memref<10000x128xf32, #tpu.memory_space<hbm>>
        tpu.enqueue_indirect_dma source(%dma_start3A_308 : memref<10000x128xf32, #tpu.memory_space<hbm>>) target(%arg10 : memref<80x128xf32, #tpu.memory_space<vmem>>) offsets(%dma_start3A_305 : memref<80xi32, #tpu.memory_space<vmem>>) semaphore(%arg15 : memref<!tpu.dma_semaphore, #tpu.memory_space<semaphore_mem>>)
      } else {
      }
      %dma_wait3A_288 = arith.constant 0 : i32
      %dma_wait3A_289 = tpu.memref_slice %arg7[%add3A_251, %dma_wait3A_288] : memref<63x80xi32, #tpu.memory_space<vmem>> -> memref<1x80xi32, #tpu.memory_space<vmem>>
      %dma_wait3A_290 = tpu.memref_squeeze %dma_wait3A_289 : memref<1x80xi32, #tpu.memory_space<vmem>> -> memref<80xi32, #tpu.memory_space<vmem>>
      %dma_wait3A_291 = arith.constant 0 : i32
      %dma_wait3A_292 = arith.constant 0 : i32
      %dma_wait3A_293 = tpu.memref_slice %arg12[%dma_wait3A_291, %dma_wait3A_292] : memref<10000x128xf32, #tpu.memory_space<vmem_shared>> -> memref<10000x128xf32, #tpu.memory_space<vmem_shared>>
      tpu.wait_indirect_dma semaphore(%arg20 : memref<!tpu.dma_semaphore, #tpu.memory_space<semaphore_mem>>) src(%arg11 : memref<80x128xf32, #tpu.memory_space<vmem>>) dst(%dma_wait3A_293 : memref<10000x128xf32, #tpu.memory_space<vmem_shared>>)
      %lt3A_294 = arith.constant 14 : i32
      %lt3A_295 = arith.cmpi slt, %scan3A_191, %lt3A_294 : i32
      %convert_element_type3A_296 = arith.extui %lt3A_295 : i1 to i32
      %cond3A_297 = arith.constant 0 : i32
      %cond3A_298 = arith.cmpi ne, %convert_element_type3A_296, %cond3A_297 : i32
      scf.if %cond3A_298 {
        %add3A_299 = arith.constant 4 : i32
        %add3A_300 = arith.addi %mul3A_193, %add3A_299 : i32
        %add3A_301 = arith.constant 3 : i32
        %add3A_302 = arith.addi %add3A_300, %add3A_301 : i32
        %dma_start3A_303 = arith.constant 0 : i32
        %dma_start3A_304 = tpu.memref_slice %arg6[%add3A_302, %dma_start3A_303] : memref<63x80xi32, #tpu.memory_space<vmem>> -> memref<1x80xi32, #tpu.memory_space<vmem>>
        %dma_start3A_305 = tpu.memref_squeeze %dma_start3A_304 : memref<1x80xi32, #tpu.memory_space<vmem>> -> memref<80xi32, #tpu.memory_space<vmem>>
        %dma_start3A_306 = arith.constant 0 : i32
        %dma_start3A_307 = arith.constant 0 : i32
        %dma_start3A_308 = tpu.memref_slice %arg2[%dma_start3A_306, %dma_start3A_307] : memref<10000x128xf32, #tpu.memory_space<hbm>> -> memref<10000x128xf32, #tpu.memory_space<hbm>>
        tpu.enqueue_indirect_dma source(%dma_start3A_308 : memref<10000x128xf32, #tpu.memory_space<hbm>>) target(%arg11 : memref<80x128xf32, #tpu.memory_space<vmem>>) offsets(%dma_start3A_305 : memref<80xi32, #tpu.memory_space<vmem>>) semaphore(%arg16 : memref<!tpu.dma_semaphore, #tpu.memory_space<semaphore_mem>>)
      } else {
      }
    }
    %scan3A_75 = arith.constant 15 : i32
    %dma_start3A_76 = arith.constant 60 : i32
    %dma_start3A_77 = arith.constant 0 : i32
    %dma_start3A_78 = tpu.memref_slice %arg6[%dma_start3A_76, %dma_start3A_77] : memref<63x80xi32, #tpu.memory_space<vmem>> -> memref<1x80xi32, #tpu.memory_space<vmem>>
    %dma_start3A_79 = tpu.memref_squeeze %dma_start3A_78 : memref<1x80xi32, #tpu.memory_space<vmem>> -> memref<80xi32, #tpu.memory_space<vmem>>
    %dma_start3A_80 = arith.constant 0 : i32
    %dma_start3A_81 = arith.constant 0 : i32
    %dma_start3A_82 = tpu.memref_slice %arg2[%dma_start3A_80, %dma_start3A_81] : memref<10000x128xf32, #tpu.memory_space<hbm>> -> memref<10000x128xf32, #tpu.memory_space<hbm>>
    tpu.enqueue_indirect_dma source(%dma_start3A_82 : memref<10000x128xf32, #tpu.memory_space<hbm>>) target(%arg8 : memref<80x128xf32, #tpu.memory_space<vmem>>) offsets(%dma_start3A_79 : memref<80xi32, #tpu.memory_space<vmem>>) semaphore(%arg13 : memref<!tpu.dma_semaphore, #tpu.memory_space<semaphore_mem>>)
    %dma_wait3A_83 = arith.constant 60 : i32
    %dma_wait3A_84 = arith.constant 0 : i32
    %dma_wait3A_85 = tpu.memref_slice %arg6[%dma_wait3A_83, %dma_wait3A_84] : memref<63x80xi32, #tpu.memory_space<vmem>> -> memref<1x80xi32, #tpu.memory_space<vmem>>
    %dma_wait3A_86 = tpu.memref_squeeze %dma_wait3A_85 : memref<1x80xi32, #tpu.memory_space<vmem>> -> memref<80xi32, #tpu.memory_space<vmem>>
    %dma_wait3A_87 = arith.constant 0 : i32
    %dma_wait3A_88 = arith.constant 0 : i32
    %dma_wait3A_89 = tpu.memref_slice %arg2[%dma_wait3A_87, %dma_wait3A_88] : memref<10000x128xf32, #tpu.memory_space<hbm>> -> memref<10000x128xf32, #tpu.memory_space<hbm>>
    tpu.wait_indirect_dma semaphore(%arg13 : memref<!tpu.dma_semaphore, #tpu.memory_space<semaphore_mem>>) src(%dma_wait3A_89 : memref<10000x128xf32, #tpu.memory_space<hbm>>) dst(%arg8 : memref<80x128xf32, #tpu.memory_space<vmem>>)
    %run_scoped3A = arith.constant 60 : i32
    "tpu.region"() ({
      %run_scoped3A_191 = tpu.sem_alloc : memref<!tpu.dma_semaphore, #tpu.memory_space<semaphore_mem>>
      %dma_start3A_192 = arith.constant 0 : i32
      %dma_start3A_193 = tpu.memref_slice %arg7[%run_scoped3A, %dma_start3A_192] : memref<63x80xi32, #tpu.memory_space<vmem>> -> memref<1x80xi32, #tpu.memory_space<vmem>>
      %dma_start3A_194 = tpu.memref_squeeze %dma_start3A_193 : memref<1x80xi32, #tpu.memory_space<vmem>> -> memref<80xi32, #tpu.memory_space<vmem>>
      %dma_start3A_195 = arith.constant 0 : i32
      %dma_start3A_196 = arith.constant 0 : i32
      %dma_start3A_197 = tpu.memref_slice %arg12[%dma_start3A_195, %dma_start3A_196] : memref<10000x128xf32, #tpu.memory_space<vmem_shared>> -> memref<10000x128xf32, #tpu.memory_space<vmem_shared>>
      tpu.enqueue_indirect_dma source(%arg8 : memref<80x128xf32, #tpu.memory_space<vmem>>) target(%dma_start3A_197 : memref<10000x128xf32, #tpu.memory_space<vmem_shared>>) offsets(%dma_start3A_194 : memref<80xi32, #tpu.memory_space<vmem>>) semaphore(%run_scoped3A_191 : memref<!tpu.dma_semaphore, #tpu.memory_space<semaphore_mem>>) {add = true}
      %dma_wait3A_198 = arith.constant 0 : i32
      %dma_wait3A_199 = tpu.memref_slice %arg7[%run_scoped3A, %dma_wait3A_198] : memref<63x80xi32, #tpu.memory_space<vmem>> -> memref<1x80xi32, #tpu.memory_space<vmem>>
      %dma_wait3A_200 = tpu.memref_squeeze %dma_wait3A_199 : memref<1x80xi32, #tpu.memory_space<vmem>> -> memref<80xi32, #tpu.memory_space<vmem>>
      %dma_wait3A_201 = arith.constant 0 : i32
      %dma_wait3A_202 = arith.constant 0 : i32
      %dma_wait3A_203 = tpu.memref_slice %arg12[%dma_wait3A_201, %dma_wait3A_202] : memref<10000x128xf32, #tpu.memory_space<vmem_shared>> -> memref<10000x128xf32, #tpu.memory_space<vmem_shared>>
      tpu.wait_indirect_dma semaphore(%run_scoped3A_191 : memref<!tpu.dma_semaphore, #tpu.memory_space<semaphore_mem>>) src(%arg8 : memref<80x128xf32, #tpu.memory_space<vmem>>) dst(%dma_wait3A_203 : memref<10000x128xf32, #tpu.memory_space<vmem_shared>>)
      tpu.yield
    }) : () -> ()
    %dma_start3A_90 = arith.constant 61 : i32
    %dma_start3A_91 = arith.constant 0 : i32
    %dma_start3A_92 = tpu.memref_slice %arg6[%dma_start3A_90, %dma_start3A_91] : memref<63x80xi32, #tpu.memory_space<vmem>> -> memref<1x80xi32, #tpu.memory_space<vmem>>
    %dma_start3A_93 = tpu.memref_squeeze %dma_start3A_92 : memref<1x80xi32, #tpu.memory_space<vmem>> -> memref<80xi32, #tpu.memory_space<vmem>>
    %dma_start3A_94 = arith.constant 0 : i32
    %dma_start3A_95 = arith.constant 0 : i32
    %dma_start3A_96 = tpu.memref_slice %arg2[%dma_start3A_94, %dma_start3A_95] : memref<10000x128xf32, #tpu.memory_space<hbm>> -> memref<10000x128xf32, #tpu.memory_space<hbm>>
    tpu.enqueue_indirect_dma source(%dma_start3A_96 : memref<10000x128xf32, #tpu.memory_space<hbm>>) target(%arg9 : memref<80x128xf32, #tpu.memory_space<vmem>>) offsets(%dma_start3A_93 : memref<80xi32, #tpu.memory_space<vmem>>) semaphore(%arg14 : memref<!tpu.dma_semaphore, #tpu.memory_space<semaphore_mem>>)
    %dma_wait3A_97 = arith.constant 61 : i32
    %dma_wait3A_98 = arith.constant 0 : i32
    %dma_wait3A_99 = tpu.memref_slice %arg6[%dma_wait3A_97, %dma_wait3A_98] : memref<63x80xi32, #tpu.memory_space<vmem>> -> memref<1x80xi32, #tpu.memory_space<vmem>>
    %dma_wait3A_100 = tpu.memref_squeeze %dma_wait3A_99 : memref<1x80xi32, #tpu.memory_space<vmem>> -> memref<80xi32, #tpu.memory_space<vmem>>
    %dma_wait3A_101 = arith.constant 0 : i32
    %dma_wait3A_102 = arith.constant 0 : i32
    %dma_wait3A_103 = tpu.memref_slice %arg2[%dma_wait3A_101, %dma_wait3A_102] : memref<10000x128xf32, #tpu.memory_space<hbm>> -> memref<10000x128xf32, #tpu.memory_space<hbm>>
    tpu.wait_indirect_dma semaphore(%arg14 : memref<!tpu.dma_semaphore, #tpu.memory_space<semaphore_mem>>) src(%dma_wait3A_103 : memref<10000x128xf32, #tpu.memory_space<hbm>>) dst(%arg9 : memref<80x128xf32, #tpu.memory_space<vmem>>)
    %run_scoped3A_104 = arith.constant 61 : i32
    "tpu.region"() ({
      %run_scoped3A_191 = tpu.sem_alloc : memref<!tpu.dma_semaphore, #tpu.memory_space<semaphore_mem>>
      %dma_start3A_192 = arith.constant 0 : i32
      %dma_start3A_193 = tpu.memref_slice %arg7[%run_scoped3A_104, %dma_start3A_192] : memref<63x80xi32, #tpu.memory_space<vmem>> -> memref<1x80xi32, #tpu.memory_space<vmem>>
      %dma_start3A_194 = tpu.memref_squeeze %dma_start3A_193 : memref<1x80xi32, #tpu.memory_space<vmem>> -> memref<80xi32, #tpu.memory_space<vmem>>
      %dma_start3A_195 = arith.constant 0 : i32
      %dma_start3A_196 = arith.constant 0 : i32
      %dma_start3A_197 = tpu.memref_slice %arg12[%dma_start3A_195, %dma_start3A_196] : memref<10000x128xf32, #tpu.memory_space<vmem_shared>> -> memref<10000x128xf32, #tpu.memory_space<vmem_shared>>
      tpu.enqueue_indirect_dma source(%arg9 : memref<80x128xf32, #tpu.memory_space<vmem>>) target(%dma_start3A_197 : memref<10000x128xf32, #tpu.memory_space<vmem_shared>>) offsets(%dma_start3A_194 : memref<80xi32, #tpu.memory_space<vmem>>) semaphore(%run_scoped3A_191 : memref<!tpu.dma_semaphore, #tpu.memory_space<semaphore_mem>>) {add = true}
      %dma_wait3A_198 = arith.constant 0 : i32
      %dma_wait3A_199 = tpu.memref_slice %arg7[%run_scoped3A_104, %dma_wait3A_198] : memref<63x80xi32, #tpu.memory_space<vmem>> -> memref<1x80xi32, #tpu.memory_space<vmem>>
      %dma_wait3A_200 = tpu.memref_squeeze %dma_wait3A_199 : memref<1x80xi32, #tpu.memory_space<vmem>> -> memref<80xi32, #tpu.memory_space<vmem>>
      %dma_wait3A_201 = arith.constant 0 : i32
      %dma_wait3A_202 = arith.constant 0 : i32
      %dma_wait3A_203 = tpu.memref_slice %arg12[%dma_wait3A_201, %dma_wait3A_202] : memref<10000x128xf32, #tpu.memory_space<vmem_shared>> -> memref<10000x128xf32, #tpu.memory_space<vmem_shared>>
      tpu.wait_indirect_dma semaphore(%run_scoped3A_191 : memref<!tpu.dma_semaphore, #tpu.memory_space<semaphore_mem>>) src(%arg9 : memref<80x128xf32, #tpu.memory_space<vmem>>) dst(%dma_wait3A_203 : memref<10000x128xf32, #tpu.memory_space<vmem_shared>>)
      tpu.yield
    }) : () -> ()
    %dma_start3A_105 = arith.constant 62 : i32
    %dma_start3A_106 = arith.constant 0 : i32
    %dma_start3A_107 = tpu.memref_slice %arg6[%dma_start3A_105, %dma_start3A_106] : memref<63x80xi32, #tpu.memory_space<vmem>> -> memref<1x80xi32, #tpu.memory_space<vmem>>
    %dma_start3A_108 = tpu.memref_squeeze %dma_start3A_107 : memref<1x80xi32, #tpu.memory_space<vmem>> -> memref<80xi32, #tpu.memory_space<vmem>>
    %dma_start3A_109 = arith.constant 0 : i32
    %dma_start3A_110 = arith.constant 0 : i32
    %dma_start3A_111 = tpu.memref_slice %arg2[%dma_start3A_109, %dma_start3A_110] : memref<10000x128xf32, #tpu.memory_space<hbm>> -> memref<10000x128xf32, #tpu.memory_space<hbm>>
    tpu.enqueue_indirect_dma source(%dma_start3A_111 : memref<10000x128xf32, #tpu.memory_space<hbm>>) target(%arg10 : memref<80x128xf32, #tpu.memory_space<vmem>>) offsets(%dma_start3A_108 : memref<80xi32, #tpu.memory_space<vmem>>) semaphore(%arg15 : memref<!tpu.dma_semaphore, #tpu.memory_space<semaphore_mem>>)
    %dma_wait3A_112 = arith.constant 62 : i32
    %dma_wait3A_113 = arith.constant 0 : i32
    %dma_wait3A_114 = tpu.memref_slice %arg6[%dma_wait3A_112, %dma_wait3A_113] : memref<63x80xi32, #tpu.memory_space<vmem>> -> memref<1x80xi32, #tpu.memory_space<vmem>>
    %dma_wait3A_115 = tpu.memref_squeeze %dma_wait3A_114 : memref<1x80xi32, #tpu.memory_space<vmem>> -> memref<80xi32, #tpu.memory_space<vmem>>
    %dma_wait3A_116 = arith.constant 0 : i32
    %dma_wait3A_117 = arith.constant 0 : i32
    %dma_wait3A_118 = tpu.memref_slice %arg2[%dma_wait3A_116, %dma_wait3A_117] : memref<10000x128xf32, #tpu.memory_space<hbm>> -> memref<10000x128xf32, #tpu.memory_space<hbm>>
    tpu.wait_indirect_dma semaphore(%arg15 : memref<!tpu.dma_semaphore, #tpu.memory_space<semaphore_mem>>) src(%dma_wait3A_118 : memref<10000x128xf32, #tpu.memory_space<hbm>>) dst(%arg10 : memref<80x128xf32, #tpu.memory_space<vmem>>)
    %run_scoped3A_119 = arith.constant 62 : i32
    "tpu.region"() ({
      %run_scoped3A_191 = tpu.sem_alloc : memref<!tpu.dma_semaphore, #tpu.memory_space<semaphore_mem>>
      %dma_start3A_192 = arith.constant 0 : i32
      %dma_start3A_193 = tpu.memref_slice %arg7[%run_scoped3A_119, %dma_start3A_192] : memref<63x80xi32, #tpu.memory_space<vmem>> -> memref<1x80xi32, #tpu.memory_space<vmem>>
      %dma_start3A_194 = tpu.memref_squeeze %dma_start3A_193 : memref<1x80xi32, #tpu.memory_space<vmem>> -> memref<80xi32, #tpu.memory_space<vmem>>
      %dma_start3A_195 = arith.constant 0 : i32
      %dma_start3A_196 = arith.constant 0 : i32
      %dma_start3A_197 = tpu.memref_slice %arg12[%dma_start3A_195, %dma_start3A_196] : memref<10000x128xf32, #tpu.memory_space<vmem_shared>> -> memref<10000x128xf32, #tpu.memory_space<vmem_shared>>
      tpu.enqueue_indirect_dma source(%arg10 : memref<80x128xf32, #tpu.memory_space<vmem>>) target(%dma_start3A_197 : memref<10000x128xf32, #tpu.memory_space<vmem_shared>>) offsets(%dma_start3A_194 : memref<80xi32, #tpu.memory_space<vmem>>) semaphore(%run_scoped3A_191 : memref<!tpu.dma_semaphore, #tpu.memory_space<semaphore_mem>>) {add = true}
      %dma_wait3A_198 = arith.constant 0 : i32
      %dma_wait3A_199 = tpu.memref_slice %arg7[%run_scoped3A_119, %dma_wait3A_198] : memref<63x80xi32, #tpu.memory_space<vmem>> -> memref<1x80xi32, #tpu.memory_space<vmem>>
      %dma_wait3A_200 = tpu.memref_squeeze %dma_wait3A_199 : memref<1x80xi32, #tpu.memory_space<vmem>> -> memref<80xi32, #tpu.memory_space<vmem>>
      %dma_wait3A_201 = arith.constant 0 : i32
      %dma_wait3A_202 = arith.constant 0 : i32
      %dma_wait3A_203 = tpu.memref_slice %arg12[%dma_wait3A_201, %dma_wait3A_202] : memref<10000x128xf32, #tpu.memory_space<vmem_shared>> -> memref<10000x128xf32, #tpu.memory_space<vmem_shared>>
      tpu.wait_indirect_dma semaphore(%run_scoped3A_191 : memref<!tpu.dma_semaphore, #tpu.memory_space<semaphore_mem>>) src(%arg10 : memref<80x128xf32, #tpu.memory_space<vmem>>) dst(%dma_wait3A_203 : memref<10000x128xf32, #tpu.memory_space<vmem_shared>>)
      tpu.yield
    }) : () -> ()
    "tpu.region"() ({
      %run_scoped3A_191 = tpu.sem_alloc : memref<!tpu.dma_semaphore, #tpu.memory_space<semaphore_mem>>
      %dma_start3A_192 = arith.constant 0 : i32
      %dma_start3A_193 = arith.constant 0 : i32
      %dma_start3A_194 = tpu.memref_slice %arg6[%dma_start3A_192, %dma_start3A_193] : memref<63x80xi32, #tpu.memory_space<vmem>> -> memref<62x80xi32, #tpu.memory_space<vmem>>
      %dma_start3A_195 = arith.constant 63 : i32
      %dma_start3A_196 = arith.constant 0 : i32
      %dma_start3A_197 = tpu.memref_slice %arg3[%add3A, %dma_start3A_195, %dma_start3A_196] : memref<32x125x80xi32, #tpu.memory_space<hbm>> -> memref<1x62x80xi32, #tpu.memory_space<hbm>>
      %dma_start3A_198 = tpu.memref_squeeze %dma_start3A_197 : memref<1x62x80xi32, #tpu.memory_space<hbm>> -> memref<62x80xi32, #tpu.memory_space<hbm>>
      %dma_start3A_199 = arith.constant 0 : i32
      %dma_start3A_200 = arith.constant 0 : i32
      %dma_start3A_201 = tpu.memref_slice %arg6[%dma_start3A_199, %dma_start3A_200] : memref<63x80xi32, #tpu.memory_space<vmem>> -> memref<62x80xi32, #tpu.memory_space<vmem>>
      %dma_start3A_202 = arith.constant 63 : i32
      %dma_start3A_203 = arith.constant 0 : i32
      %dma_start3A_204 = tpu.memref_slice %arg3[%add3A, %dma_start3A_202, %dma_start3A_203] : memref<32x125x80xi32, #tpu.memory_space<hbm>> -> memref<1x62x80xi32, #tpu.memory_space<hbm>>
      %dma_start3A_205 = tpu.memref_squeeze %dma_start3A_204 : memref<1x62x80xi32, #tpu.memory_space<hbm>> -> memref<62x80xi32, #tpu.memory_space<hbm>>
      tpu.enqueue_dma source(%dma_start3A_205 : memref<62x80xi32, #tpu.memory_space<hbm>>) target(%dma_start3A_201 : memref<62x80xi32, #tpu.memory_space<vmem>>) target_semaphore(%run_scoped3A_191 : memref<!tpu.dma_semaphore, #tpu.memory_space<semaphore_mem>>)
      %dma_wait3A_206 = arith.constant 0 : i32
      %dma_wait3A_207 = arith.constant 0 : i32
      %dma_wait3A_208 = tpu.memref_slice %arg6[%dma_wait3A_206, %dma_wait3A_207] : memref<63x80xi32, #tpu.memory_space<vmem>> -> memref<62x80xi32, #tpu.memory_space<vmem>>
      %dma_wait3A_209 = arith.constant 63 : i32
      %dma_wait3A_210 = arith.constant 0 : i32
      %dma_wait3A_211 = tpu.memref_slice %arg3[%add3A, %dma_wait3A_209, %dma_wait3A_210] : memref<32x125x80xi32, #tpu.memory_space<hbm>> -> memref<1x62x80xi32, #tpu.memory_space<hbm>>
      %dma_wait3A_212 = tpu.memref_squeeze %dma_wait3A_211 : memref<1x62x80xi32, #tpu.memory_space<hbm>> -> memref<62x80xi32, #tpu.memory_space<hbm>>
      %dma_wait3A_213 = arith.constant 0 : i32
      %dma_wait3A_214 = arith.constant 0 : i32
      %dma_wait3A_215 = tpu.memref_slice %arg6[%dma_wait3A_213, %dma_wait3A_214] : memref<63x80xi32, #tpu.memory_space<vmem>> -> memref<62x80xi32, #tpu.memory_space<vmem>>
      %dma_wait3A_216 = arith.constant 63 : i32
      %dma_wait3A_217 = arith.constant 0 : i32
      %dma_wait3A_218 = tpu.memref_slice %arg3[%add3A, %dma_wait3A_216, %dma_wait3A_217] : memref<32x125x80xi32, #tpu.memory_space<hbm>> -> memref<1x62x80xi32, #tpu.memory_space<hbm>>
      %dma_wait3A_219 = tpu.memref_squeeze %dma_wait3A_218 : memref<1x62x80xi32, #tpu.memory_space<hbm>> -> memref<62x80xi32, #tpu.memory_space<hbm>>
      tpu.wait_dma2 semaphore(%run_scoped3A_191 : memref<!tpu.dma_semaphore, #tpu.memory_space<semaphore_mem>>) src(%dma_wait3A_219 : memref<62x80xi32, #tpu.memory_space<hbm>>) dst(%dma_wait3A_215 : memref<62x80xi32, #tpu.memory_space<vmem>>)
      tpu.yield
    }) : () -> ()
    "tpu.region"() ({
      %run_scoped3A_191 = tpu.sem_alloc : memref<!tpu.dma_semaphore, #tpu.memory_space<semaphore_mem>>
      %dma_start3A_192 = arith.constant 0 : i32
      %dma_start3A_193 = arith.constant 0 : i32
      %dma_start3A_194 = tpu.memref_slice %arg7[%dma_start3A_192, %dma_start3A_193] : memref<63x80xi32, #tpu.memory_space<vmem>> -> memref<62x80xi32, #tpu.memory_space<vmem>>
      %dma_start3A_195 = arith.constant 63 : i32
      %dma_start3A_196 = arith.constant 0 : i32
      %dma_start3A_197 = tpu.memref_slice %arg4[%add3A, %dma_start3A_195, %dma_start3A_196] : memref<32x125x80xi32, #tpu.memory_space<hbm>> -> memref<1x62x80xi32, #tpu.memory_space<hbm>>
      %dma_start3A_198 = tpu.memref_squeeze %dma_start3A_197 : memref<1x62x80xi32, #tpu.memory_space<hbm>> -> memref<62x80xi32, #tpu.memory_space<hbm>>
      %dma_start3A_199 = arith.constant 0 : i32
      %dma_start3A_200 = arith.constant 0 : i32
      %dma_start3A_201 = tpu.memref_slice %arg7[%dma_start3A_199, %dma_start3A_200] : memref<63x80xi32, #tpu.memory_space<vmem>> -> memref<62x80xi32, #tpu.memory_space<vmem>>
      %dma_start3A_202 = arith.constant 63 : i32
      %dma_start3A_203 = arith.constant 0 : i32
      %dma_start3A_204 = tpu.memref_slice %arg4[%add3A, %dma_start3A_202, %dma_start3A_203] : memref<32x125x80xi32, #tpu.memory_space<hbm>> -> memref<1x62x80xi32, #tpu.memory_space<hbm>>
      %dma_start3A_205 = tpu.memref_squeeze %dma_start3A_204 : memref<1x62x80xi32, #tpu.memory_space<hbm>> -> memref<62x80xi32, #tpu.memory_space<hbm>>
      tpu.enqueue_dma source(%dma_start3A_205 : memref<62x80xi32, #tpu.memory_space<hbm>>) target(%dma_start3A_201 : memref<62x80xi32, #tpu.memory_space<vmem>>) target_semaphore(%run_scoped3A_191 : memref<!tpu.dma_semaphore, #tpu.memory_space<semaphore_mem>>)
      %dma_wait3A_206 = arith.constant 0 : i32
      %dma_wait3A_207 = arith.constant 0 : i32
      %dma_wait3A_208 = tpu.memref_slice %arg7[%dma_wait3A_206, %dma_wait3A_207] : memref<63x80xi32, #tpu.memory_space<vmem>> -> memref<62x80xi32, #tpu.memory_space<vmem>>
      %dma_wait3A_209 = arith.constant 63 : i32
      %dma_wait3A_210 = arith.constant 0 : i32
      %dma_wait3A_211 = tpu.memref_slice %arg4[%add3A, %dma_wait3A_209, %dma_wait3A_210] : memref<32x125x80xi32, #tpu.memory_space<hbm>> -> memref<1x62x80xi32, #tpu.memory_space<hbm>>
      %dma_wait3A_212 = tpu.memref_squeeze %dma_wait3A_211 : memref<1x62x80xi32, #tpu.memory_space<hbm>> -> memref<62x80xi32, #tpu.memory_space<hbm>>
      %dma_wait3A_213 = arith.constant 0 : i32
      %dma_wait3A_214 = arith.constant 0 : i32
      %dma_wait3A_215 = tpu.memref_slice %arg7[%dma_wait3A_213, %dma_wait3A_214] : memref<63x80xi32, #tpu.memory_space<vmem>> -> memref<62x80xi32, #tpu.memory_space<vmem>>
      %dma_wait3A_216 = arith.constant 63 : i32
      %dma_wait3A_217 = arith.constant 0 : i32
      %dma_wait3A_218 = tpu.memref_slice %arg4[%add3A, %dma_wait3A_216, %dma_wait3A_217] : memref<32x125x80xi32, #tpu.memory_space<hbm>> -> memref<1x62x80xi32, #tpu.memory_space<hbm>>
      %dma_wait3A_219 = tpu.memref_squeeze %dma_wait3A_218 : memref<1x62x80xi32, #tpu.memory_space<hbm>> -> memref<62x80xi32, #tpu.memory_space<hbm>>
      tpu.wait_dma2 semaphore(%run_scoped3A_191 : memref<!tpu.dma_semaphore, #tpu.memory_space<semaphore_mem>>) src(%dma_wait3A_219 : memref<62x80xi32, #tpu.memory_space<hbm>>) dst(%dma_wait3A_215 : memref<62x80xi32, #tpu.memory_space<vmem>>)
      tpu.yield
    }) : () -> ()
    %dma_start3A_120 = arith.constant 0 : i32
    %dma_start3A_121 = arith.constant 0 : i32
    %dma_start3A_122 = tpu.memref_slice %arg6[%dma_start3A_120, %dma_start3A_121] : memref<63x80xi32, #tpu.memory_space<vmem>> -> memref<1x80xi32, #tpu.memory_space<vmem>>
    %dma_start3A_123 = tpu.memref_squeeze %dma_start3A_122 : memref<1x80xi32, #tpu.memory_space<vmem>> -> memref<80xi32, #tpu.memory_space<vmem>>
    %dma_start3A_124 = arith.constant 0 : i32
    %dma_start3A_125 = arith.constant 0 : i32
    %dma_start3A_126 = tpu.memref_slice %arg2[%dma_start3A_124, %dma_start3A_125] : memref<10000x128xf32, #tpu.memory_space<hbm>> -> memref<10000x128xf32, #tpu.memory_space<hbm>>
    tpu.enqueue_indirect_dma source(%dma_start3A_126 : memref<10000x128xf32, #tpu.memory_space<hbm>>) target(%arg8 : memref<80x128xf32, #tpu.memory_space<vmem>>) offsets(%dma_start3A_123 : memref<80xi32, #tpu.memory_space<vmem>>) semaphore(%arg13 : memref<!tpu.dma_semaphore, #tpu.memory_space<semaphore_mem>>)
    %dma_start3A_127 = arith.constant 1 : i32
    %dma_start3A_128 = arith.constant 0 : i32
    %dma_start3A_129 = tpu.memref_slice %arg6[%dma_start3A_127, %dma_start3A_128] : memref<63x80xi32, #tpu.memory_space<vmem>> -> memref<1x80xi32, #tpu.memory_space<vmem>>
    %dma_start3A_130 = tpu.memref_squeeze %dma_start3A_129 : memref<1x80xi32, #tpu.memory_space<vmem>> -> memref<80xi32, #tpu.memory_space<vmem>>
    %dma_start3A_131 = arith.constant 0 : i32
    %dma_start3A_132 = arith.constant 0 : i32
    %dma_start3A_133 = tpu.memref_slice %arg2[%dma_start3A_131, %dma_start3A_132] : memref<10000x128xf32, #tpu.memory_space<hbm>> -> memref<10000x128xf32, #tpu.memory_space<hbm>>
    tpu.enqueue_indirect_dma source(%dma_start3A_133 : memref<10000x128xf32, #tpu.memory_space<hbm>>) target(%arg9 : memref<80x128xf32, #tpu.memory_space<vmem>>) offsets(%dma_start3A_130 : memref<80xi32, #tpu.memory_space<vmem>>) semaphore(%arg14 : memref<!tpu.dma_semaphore, #tpu.memory_space<semaphore_mem>>)
    %dma_start3A_134 = arith.constant 2 : i32
    %dma_start3A_135 = arith.constant 0 : i32
    %dma_start3A_136 = tpu.memref_slice %arg6[%dma_start3A_134, %dma_start3A_135] : memref<63x80xi32, #tpu.memory_space<vmem>> -> memref<1x80xi32, #tpu.memory_space<vmem>>
    %dma_start3A_137 = tpu.memref_squeeze %dma_start3A_136 : memref<1x80xi32, #tpu.memory_space<vmem>> -> memref<80xi32, #tpu.memory_space<vmem>>
    %dma_start3A_138 = arith.constant 0 : i32
    %dma_start3A_139 = arith.constant 0 : i32
    %dma_start3A_140 = tpu.memref_slice %arg2[%dma_start3A_138, %dma_start3A_139] : memref<10000x128xf32, #tpu.memory_space<hbm>> -> memref<10000x128xf32, #tpu.memory_space<hbm>>
    tpu.enqueue_indirect_dma source(%dma_start3A_140 : memref<10000x128xf32, #tpu.memory_space<hbm>>) target(%arg10 : memref<80x128xf32, #tpu.memory_space<vmem>>) offsets(%dma_start3A_137 : memref<80xi32, #tpu.memory_space<vmem>>) semaphore(%arg15 : memref<!tpu.dma_semaphore, #tpu.memory_space<semaphore_mem>>)
    %dma_start3A_141 = arith.constant 3 : i32
    %dma_start3A_142 = arith.constant 0 : i32
    %dma_start3A_143 = tpu.memref_slice %arg6[%dma_start3A_141, %dma_start3A_142] : memref<63x80xi32, #tpu.memory_space<vmem>> -> memref<1x80xi32, #tpu.memory_space<vmem>>
    %dma_start3A_144 = tpu.memref_squeeze %dma_start3A_143 : memref<1x80xi32, #tpu.memory_space<vmem>> -> memref<80xi32, #tpu.memory_space<vmem>>
    %dma_start3A_145 = arith.constant 0 : i32
    %dma_start3A_146 = arith.constant 0 : i32
    %dma_start3A_147 = tpu.memref_slice %arg2[%dma_start3A_145, %dma_start3A_146] : memref<10000x128xf32, #tpu.memory_space<hbm>> -> memref<10000x128xf32, #tpu.memory_space<hbm>>
    tpu.enqueue_indirect_dma source(%dma_start3A_147 : memref<10000x128xf32, #tpu.memory_space<hbm>>) target(%arg11 : memref<80x128xf32, #tpu.memory_space<vmem>>) offsets(%dma_start3A_144 : memref<80xi32, #tpu.memory_space<vmem>>) semaphore(%arg16 : memref<!tpu.dma_semaphore, #tpu.memory_space<semaphore_mem>>)
    %scan3A_148 = arith.constant 0 : i32
    %scan3A_149 = arith.constant 0 : i32
    %scan3A_150 = arith.constant 15 : i32
    %scan3A_151 = arith.addi %scan3A_149, %scan3A_150 : i32
    %scan3A_152 = arith.constant 1 : i32
    scf.for %scan3A_191 = %scan3A_149 to %scan3A_151 step %scan3A_152  : i32 {
      %mul3A_192 = arith.constant 4 : i32
      %mul3A_193 = arith.muli %scan3A_191, %mul3A_192 : i32
      %add3A_194 = arith.constant 0 : i32
      %add3A_195 = arith.addi %mul3A_193, %add3A_194 : i32
      %dma_wait3A_196 = arith.constant 0 : i32
      %dma_wait3A_197 = tpu.memref_slice %arg6[%add3A_195, %dma_wait3A_196] : memref<63x80xi32, #tpu.memory_space<vmem>> -> memref<1x80xi32, #tpu.memory_space<vmem>>
      %dma_wait3A_198 = tpu.memref_squeeze %dma_wait3A_197 : memref<1x80xi32, #tpu.memory_space<vmem>> -> memref<80xi32, #tpu.memory_space<vmem>>
      %dma_wait3A_199 = arith.constant 0 : i32
      %dma_wait3A_200 = arith.constant 0 : i32
      %dma_wait3A_201 = tpu.memref_slice %arg2[%dma_wait3A_199, %dma_wait3A_200] : memref<10000x128xf32, #tpu.memory_space<hbm>> -> memref<10000x128xf32, #tpu.memory_space<hbm>>
      tpu.wait_indirect_dma semaphore(%arg13 : memref<!tpu.dma_semaphore, #tpu.memory_space<semaphore_mem>>) src(%dma_wait3A_201 : memref<10000x128xf32, #tpu.memory_space<hbm>>) dst(%arg8 : memref<80x128xf32, #tpu.memory_space<vmem>>)
      %add3A_202 = arith.constant 0 : i32
      %add3A_203 = arith.addi %mul3A_193, %add3A_202 : i32
      %dma_start3A_204 = arith.constant 0 : i32
      %dma_start3A_205 = tpu.memref_slice %arg7[%add3A_203, %dma_start3A_204] : memref<63x80xi32, #tpu.memory_space<vmem>> -> memref<1x80xi32, #tpu.memory_space<vmem>>
      %dma_start3A_206 = tpu.memref_squeeze %dma_start3A_205 : memref<1x80xi32, #tpu.memory_space<vmem>> -> memref<80xi32, #tpu.memory_space<vmem>>
      %dma_start3A_207 = arith.constant 0 : i32
      %dma_start3A_208 = arith.constant 0 : i32
      %dma_start3A_209 = tpu.memref_slice %arg12[%dma_start3A_207, %dma_start3A_208] : memref<10000x128xf32, #tpu.memory_space<vmem_shared>> -> memref<10000x128xf32, #tpu.memory_space<vmem_shared>>
      tpu.enqueue_indirect_dma source(%arg8 : memref<80x128xf32, #tpu.memory_space<vmem>>) target(%dma_start3A_209 : memref<10000x128xf32, #tpu.memory_space<vmem_shared>>) offsets(%dma_start3A_206 : memref<80xi32, #tpu.memory_space<vmem>>) semaphore(%arg17 : memref<!tpu.dma_semaphore, #tpu.memory_space<semaphore_mem>>) {add = true}
      %add3A_210 = arith.constant 1 : i32
      %add3A_211 = arith.addi %mul3A_193, %add3A_210 : i32
      %dma_wait3A_212 = arith.constant 0 : i32
      %dma_wait3A_213 = tpu.memref_slice %arg6[%add3A_211, %dma_wait3A_212] : memref<63x80xi32, #tpu.memory_space<vmem>> -> memref<1x80xi32, #tpu.memory_space<vmem>>
      %dma_wait3A_214 = tpu.memref_squeeze %dma_wait3A_213 : memref<1x80xi32, #tpu.memory_space<vmem>> -> memref<80xi32, #tpu.memory_space<vmem>>
      %dma_wait3A_215 = arith.constant 0 : i32
      %dma_wait3A_216 = arith.constant 0 : i32
      %dma_wait3A_217 = tpu.memref_slice %arg2[%dma_wait3A_215, %dma_wait3A_216] : memref<10000x128xf32, #tpu.memory_space<hbm>> -> memref<10000x128xf32, #tpu.memory_space<hbm>>
      tpu.wait_indirect_dma semaphore(%arg14 : memref<!tpu.dma_semaphore, #tpu.memory_space<semaphore_mem>>) src(%dma_wait3A_217 : memref<10000x128xf32, #tpu.memory_space<hbm>>) dst(%arg9 : memref<80x128xf32, #tpu.memory_space<vmem>>)
      %add3A_218 = arith.constant 1 : i32
      %add3A_219 = arith.addi %mul3A_193, %add3A_218 : i32
      %dma_start3A_220 = arith.constant 0 : i32
      %dma_start3A_221 = tpu.memref_slice %arg7[%add3A_219, %dma_start3A_220] : memref<63x80xi32, #tpu.memory_space<vmem>> -> memref<1x80xi32, #tpu.memory_space<vmem>>
      %dma_start3A_222 = tpu.memref_squeeze %dma_start3A_221 : memref<1x80xi32, #tpu.memory_space<vmem>> -> memref<80xi32, #tpu.memory_space<vmem>>
      %dma_start3A_223 = arith.constant 0 : i32
      %dma_start3A_224 = arith.constant 0 : i32
      %dma_start3A_225 = tpu.memref_slice %arg12[%dma_start3A_223, %dma_start3A_224] : memref<10000x128xf32, #tpu.memory_space<vmem_shared>> -> memref<10000x128xf32, #tpu.memory_space<vmem_shared>>
      tpu.enqueue_indirect_dma source(%arg9 : memref<80x128xf32, #tpu.memory_space<vmem>>) target(%dma_start3A_225 : memref<10000x128xf32, #tpu.memory_space<vmem_shared>>) offsets(%dma_start3A_222 : memref<80xi32, #tpu.memory_space<vmem>>) semaphore(%arg18 : memref<!tpu.dma_semaphore, #tpu.memory_space<semaphore_mem>>) {add = true}
      %add3A_226 = arith.constant 2 : i32
      %add3A_227 = arith.addi %mul3A_193, %add3A_226 : i32
      %dma_wait3A_228 = arith.constant 0 : i32
      %dma_wait3A_229 = tpu.memref_slice %arg6[%add3A_227, %dma_wait3A_228] : memref<63x80xi32, #tpu.memory_space<vmem>> -> memref<1x80xi32, #tpu.memory_space<vmem>>
      %dma_wait3A_230 = tpu.memref_squeeze %dma_wait3A_229 : memref<1x80xi32, #tpu.memory_space<vmem>> -> memref<80xi32, #tpu.memory_space<vmem>>
      %dma_wait3A_231 = arith.constant 0 : i32
      %dma_wait3A_232 = arith.constant 0 : i32
      %dma_wait3A_233 = tpu.memref_slice %arg2[%dma_wait3A_231, %dma_wait3A_232] : memref<10000x128xf32, #tpu.memory_space<hbm>> -> memref<10000x128xf32, #tpu.memory_space<hbm>>
      tpu.wait_indirect_dma semaphore(%arg15 : memref<!tpu.dma_semaphore, #tpu.memory_space<semaphore_mem>>) src(%dma_wait3A_233 : memref<10000x128xf32, #tpu.memory_space<hbm>>) dst(%arg10 : memref<80x128xf32, #tpu.memory_space<vmem>>)
      %add3A_234 = arith.constant 2 : i32
      %add3A_235 = arith.addi %mul3A_193, %add3A_234 : i32
      %dma_start3A_236 = arith.constant 0 : i32
      %dma_start3A_237 = tpu.memref_slice %arg7[%add3A_235, %dma_start3A_236] : memref<63x80xi32, #tpu.memory_space<vmem>> -> memref<1x80xi32, #tpu.memory_space<vmem>>
      %dma_start3A_238 = tpu.memref_squeeze %dma_start3A_237 : memref<1x80xi32, #tpu.memory_space<vmem>> -> memref<80xi32, #tpu.memory_space<vmem>>
      %dma_start3A_239 = arith.constant 0 : i32
      %dma_start3A_240 = arith.constant 0 : i32
      %dma_start3A_241 = tpu.memref_slice %arg12[%dma_start3A_239, %dma_start3A_240] : memref<10000x128xf32, #tpu.memory_space<vmem_shared>> -> memref<10000x128xf32, #tpu.memory_space<vmem_shared>>
      tpu.enqueue_indirect_dma source(%arg10 : memref<80x128xf32, #tpu.memory_space<vmem>>) target(%dma_start3A_241 : memref<10000x128xf32, #tpu.memory_space<vmem_shared>>) offsets(%dma_start3A_238 : memref<80xi32, #tpu.memory_space<vmem>>) semaphore(%arg19 : memref<!tpu.dma_semaphore, #tpu.memory_space<semaphore_mem>>) {add = true}
      %add3A_242 = arith.constant 3 : i32
      %add3A_243 = arith.addi %mul3A_193, %add3A_242 : i32
      %dma_wait3A_244 = arith.constant 0 : i32
      %dma_wait3A_245 = tpu.memref_slice %arg6[%add3A_243, %dma_wait3A_244] : memref<63x80xi32, #tpu.memory_space<vmem>> -> memref<1x80xi32, #tpu.memory_space<vmem>>
      %dma_wait3A_246 = tpu.memref_squeeze %dma_wait3A_245 : memref<1x80xi32, #tpu.memory_space<vmem>> -> memref<80xi32, #tpu.memory_space<vmem>>
      %dma_wait3A_247 = arith.constant 0 : i32
      %dma_wait3A_248 = arith.constant 0 : i32
      %dma_wait3A_249 = tpu.memref_slice %arg2[%dma_wait3A_247, %dma_wait3A_248] : memref<10000x128xf32, #tpu.memory_space<hbm>> -> memref<10000x128xf32, #tpu.memory_space<hbm>>
      tpu.wait_indirect_dma semaphore(%arg16 : memref<!tpu.dma_semaphore, #tpu.memory_space<semaphore_mem>>) src(%dma_wait3A_249 : memref<10000x128xf32, #tpu.memory_space<hbm>>) dst(%arg11 : memref<80x128xf32, #tpu.memory_space<vmem>>)
      %add3A_250 = arith.constant 3 : i32
      %add3A_251 = arith.addi %mul3A_193, %add3A_250 : i32
      %dma_start3A_252 = arith.constant 0 : i32
      %dma_start3A_253 = tpu.memref_slice %arg7[%add3A_251, %dma_start3A_252] : memref<63x80xi32, #tpu.memory_space<vmem>> -> memref<1x80xi32, #tpu.memory_space<vmem>>
      %dma_start3A_254 = tpu.memref_squeeze %dma_start3A_253 : memref<1x80xi32, #tpu.memory_space<vmem>> -> memref<80xi32, #tpu.memory_space<vmem>>
      %dma_start3A_255 = arith.constant 0 : i32
      %dma_start3A_256 = arith.constant 0 : i32
      %dma_start3A_257 = tpu.memref_slice %arg12[%dma_start3A_255, %dma_start3A_256] : memref<10000x128xf32, #tpu.memory_space<vmem_shared>> -> memref<10000x128xf32, #tpu.memory_space<vmem_shared>>
      tpu.enqueue_indirect_dma source(%arg11 : memref<80x128xf32, #tpu.memory_space<vmem>>) target(%dma_start3A_257 : memref<10000x128xf32, #tpu.memory_space<vmem_shared>>) offsets(%dma_start3A_254 : memref<80xi32, #tpu.memory_space<vmem>>) semaphore(%arg20 : memref<!tpu.dma_semaphore, #tpu.memory_space<semaphore_mem>>) {add = true}
      %dma_wait3A_258 = arith.constant 0 : i32
      %dma_wait3A_259 = tpu.memref_slice %arg7[%add3A_203, %dma_wait3A_258] : memref<63x80xi32, #tpu.memory_space<vmem>> -> memref<1x80xi32, #tpu.memory_space<vmem>>
      %dma_wait3A_260 = tpu.memref_squeeze %dma_wait3A_259 : memref<1x80xi32, #tpu.memory_space<vmem>> -> memref<80xi32, #tpu.memory_space<vmem>>
      %dma_wait3A_261 = arith.constant 0 : i32
      %dma_wait3A_262 = arith.constant 0 : i32
      %dma_wait3A_263 = tpu.memref_slice %arg12[%dma_wait3A_261, %dma_wait3A_262] : memref<10000x128xf32, #tpu.memory_space<vmem_shared>> -> memref<10000x128xf32, #tpu.memory_space<vmem_shared>>
      tpu.wait_indirect_dma semaphore(%arg17 : memref<!tpu.dma_semaphore, #tpu.memory_space<semaphore_mem>>) src(%arg8 : memref<80x128xf32, #tpu.memory_space<vmem>>) dst(%dma_wait3A_263 : memref<10000x128xf32, #tpu.memory_space<vmem_shared>>)
      %lt3A = arith.constant 14 : i32
      %lt3A_264 = arith.cmpi slt, %scan3A_191, %lt3A : i32
      %convert_element_type3A = arith.extui %lt3A_264 : i1 to i32
      %cond3A = arith.constant 0 : i32
      %cond3A_265 = arith.cmpi ne, %convert_element_type3A, %cond3A : i32
      scf.if %cond3A_265 {
        %add3A_299 = arith.constant 4 : i32
        %add3A_300 = arith.addi %mul3A_193, %add3A_299 : i32
        %add3A_301 = arith.constant 0 : i32
        %add3A_302 = arith.addi %add3A_300, %add3A_301 : i32
        %dma_start3A_303 = arith.constant 0 : i32
        %dma_start3A_304 = tpu.memref_slice %arg6[%add3A_302, %dma_start3A_303] : memref<63x80xi32, #tpu.memory_space<vmem>> -> memref<1x80xi32, #tpu.memory_space<vmem>>
        %dma_start3A_305 = tpu.memref_squeeze %dma_start3A_304 : memref<1x80xi32, #tpu.memory_space<vmem>> -> memref<80xi32, #tpu.memory_space<vmem>>
        %dma_start3A_306 = arith.constant 0 : i32
        %dma_start3A_307 = arith.constant 0 : i32
        %dma_start3A_308 = tpu.memref_slice %arg2[%dma_start3A_306, %dma_start3A_307] : memref<10000x128xf32, #tpu.memory_space<hbm>> -> memref<10000x128xf32, #tpu.memory_space<hbm>>
        tpu.enqueue_indirect_dma source(%dma_start3A_308 : memref<10000x128xf32, #tpu.memory_space<hbm>>) target(%arg8 : memref<80x128xf32, #tpu.memory_space<vmem>>) offsets(%dma_start3A_305 : memref<80xi32, #tpu.memory_space<vmem>>) semaphore(%arg13 : memref<!tpu.dma_semaphore, #tpu.memory_space<semaphore_mem>>)
      } else {
      }
      %dma_wait3A_266 = arith.constant 0 : i32
      %dma_wait3A_267 = tpu.memref_slice %arg7[%add3A_219, %dma_wait3A_266] : memref<63x80xi32, #tpu.memory_space<vmem>> -> memref<1x80xi32, #tpu.memory_space<vmem>>
      %dma_wait3A_268 = tpu.memref_squeeze %dma_wait3A_267 : memref<1x80xi32, #tpu.memory_space<vmem>> -> memref<80xi32, #tpu.memory_space<vmem>>
      %dma_wait3A_269 = arith.constant 0 : i32
      %dma_wait3A_270 = arith.constant 0 : i32
      %dma_wait3A_271 = tpu.memref_slice %arg12[%dma_wait3A_269, %dma_wait3A_270] : memref<10000x128xf32, #tpu.memory_space<vmem_shared>> -> memref<10000x128xf32, #tpu.memory_space<vmem_shared>>
      tpu.wait_indirect_dma semaphore(%arg18 : memref<!tpu.dma_semaphore, #tpu.memory_space<semaphore_mem>>) src(%arg9 : memref<80x128xf32, #tpu.memory_space<vmem>>) dst(%dma_wait3A_271 : memref<10000x128xf32, #tpu.memory_space<vmem_shared>>)
      %lt3A_272 = arith.constant 14 : i32
      %lt3A_273 = arith.cmpi slt, %scan3A_191, %lt3A_272 : i32
      %convert_element_type3A_274 = arith.extui %lt3A_273 : i1 to i32
      %cond3A_275 = arith.constant 0 : i32
      %cond3A_276 = arith.cmpi ne, %convert_element_type3A_274, %cond3A_275 : i32
      scf.if %cond3A_276 {
        %add3A_299 = arith.constant 4 : i32
        %add3A_300 = arith.addi %mul3A_193, %add3A_299 : i32
        %add3A_301 = arith.constant 1 : i32
        %add3A_302 = arith.addi %add3A_300, %add3A_301 : i32
        %dma_start3A_303 = arith.constant 0 : i32
        %dma_start3A_304 = tpu.memref_slice %arg6[%add3A_302, %dma_start3A_303] : memref<63x80xi32, #tpu.memory_space<vmem>> -> memref<1x80xi32, #tpu.memory_space<vmem>>
        %dma_start3A_305 = tpu.memref_squeeze %dma_start3A_304 : memref<1x80xi32, #tpu.memory_space<vmem>> -> memref<80xi32, #tpu.memory_space<vmem>>
        %dma_start3A_306 = arith.constant 0 : i32
        %dma_start3A_307 = arith.constant 0 : i32
        %dma_start3A_308 = tpu.memref_slice %arg2[%dma_start3A_306, %dma_start3A_307] : memref<10000x128xf32, #tpu.memory_space<hbm>> -> memref<10000x128xf32, #tpu.memory_space<hbm>>
        tpu.enqueue_indirect_dma source(%dma_start3A_308 : memref<10000x128xf32, #tpu.memory_space<hbm>>) target(%arg9 : memref<80x128xf32, #tpu.memory_space<vmem>>) offsets(%dma_start3A_305 : memref<80xi32, #tpu.memory_space<vmem>>) semaphore(%arg14 : memref<!tpu.dma_semaphore, #tpu.memory_space<semaphore_mem>>)
      } else {
      }
      %dma_wait3A_277 = arith.constant 0 : i32
      %dma_wait3A_278 = tpu.memref_slice %arg7[%add3A_235, %dma_wait3A_277] : memref<63x80xi32, #tpu.memory_space<vmem>> -> memref<1x80xi32, #tpu.memory_space<vmem>>
      %dma_wait3A_279 = tpu.memref_squeeze %dma_wait3A_278 : memref<1x80xi32, #tpu.memory_space<vmem>> -> memref<80xi32, #tpu.memory_space<vmem>>
      %dma_wait3A_280 = arith.constant 0 : i32
      %dma_wait3A_281 = arith.constant 0 : i32
      %dma_wait3A_282 = tpu.memref_slice %arg12[%dma_wait3A_280, %dma_wait3A_281] : memref<10000x128xf32, #tpu.memory_space<vmem_shared>> -> memref<10000x128xf32, #tpu.memory_space<vmem_shared>>
      tpu.wait_indirect_dma semaphore(%arg19 : memref<!tpu.dma_semaphore, #tpu.memory_space<semaphore_mem>>) src(%arg10 : memref<80x128xf32, #tpu.memory_space<vmem>>) dst(%dma_wait3A_282 : memref<10000x128xf32, #tpu.memory_space<vmem_shared>>)
      %lt3A_283 = arith.constant 14 : i32
      %lt3A_284 = arith.cmpi slt, %scan3A_191, %lt3A_283 : i32
      %convert_element_type3A_285 = arith.extui %lt3A_284 : i1 to i32
      %cond3A_286 = arith.constant 0 : i32
      %cond3A_287 = arith.cmpi ne, %convert_element_type3A_285, %cond3A_286 : i32
      scf.if %cond3A_287 {
        %add3A_299 = arith.constant 4 : i32
        %add3A_300 = arith.addi %mul3A_193, %add3A_299 : i32
        %add3A_301 = arith.constant 2 : i32
        %add3A_302 = arith.addi %add3A_300, %add3A_301 : i32
        %dma_start3A_303 = arith.constant 0 : i32
        %dma_start3A_304 = tpu.memref_slice %arg6[%add3A_302, %dma_start3A_303] : memref<63x80xi32, #tpu.memory_space<vmem>> -> memref<1x80xi32, #tpu.memory_space<vmem>>
        %dma_start3A_305 = tpu.memref_squeeze %dma_start3A_304 : memref<1x80xi32, #tpu.memory_space<vmem>> -> memref<80xi32, #tpu.memory_space<vmem>>
        %dma_start3A_306 = arith.constant 0 : i32
        %dma_start3A_307 = arith.constant 0 : i32
        %dma_start3A_308 = tpu.memref_slice %arg2[%dma_start3A_306, %dma_start3A_307] : memref<10000x128xf32, #tpu.memory_space<hbm>> -> memref<10000x128xf32, #tpu.memory_space<hbm>>
        tpu.enqueue_indirect_dma source(%dma_start3A_308 : memref<10000x128xf32, #tpu.memory_space<hbm>>) target(%arg10 : memref<80x128xf32, #tpu.memory_space<vmem>>) offsets(%dma_start3A_305 : memref<80xi32, #tpu.memory_space<vmem>>) semaphore(%arg15 : memref<!tpu.dma_semaphore, #tpu.memory_space<semaphore_mem>>)
      } else {
      }
      %dma_wait3A_288 = arith.constant 0 : i32
      %dma_wait3A_289 = tpu.memref_slice %arg7[%add3A_251, %dma_wait3A_288] : memref<63x80xi32, #tpu.memory_space<vmem>> -> memref<1x80xi32, #tpu.memory_space<vmem>>
      %dma_wait3A_290 = tpu.memref_squeeze %dma_wait3A_289 : memref<1x80xi32, #tpu.memory_space<vmem>> -> memref<80xi32, #tpu.memory_space<vmem>>
      %dma_wait3A_291 = arith.constant 0 : i32
      %dma_wait3A_292 = arith.constant 0 : i32
      %dma_wait3A_293 = tpu.memref_slice %arg12[%dma_wait3A_291, %dma_wait3A_292] : memref<10000x128xf32, #tpu.memory_space<vmem_shared>> -> memref<10000x128xf32, #tpu.memory_space<vmem_shared>>
      tpu.wait_indirect_dma semaphore(%arg20 : memref<!tpu.dma_semaphore, #tpu.memory_space<semaphore_mem>>) src(%arg11 : memref<80x128xf32, #tpu.memory_space<vmem>>) dst(%dma_wait3A_293 : memref<10000x128xf32, #tpu.memory_space<vmem_shared>>)
      %lt3A_294 = arith.constant 14 : i32
      %lt3A_295 = arith.cmpi slt, %scan3A_191, %lt3A_294 : i32
      %convert_element_type3A_296 = arith.extui %lt3A_295 : i1 to i32
      %cond3A_297 = arith.constant 0 : i32
      %cond3A_298 = arith.cmpi ne, %convert_element_type3A_296, %cond3A_297 : i32
      scf.if %cond3A_298 {
        %add3A_299 = arith.constant 4 : i32
        %add3A_300 = arith.addi %mul3A_193, %add3A_299 : i32
        %add3A_301 = arith.constant 3 : i32
        %add3A_302 = arith.addi %add3A_300, %add3A_301 : i32
        %dma_start3A_303 = arith.constant 0 : i32
        %dma_start3A_304 = tpu.memref_slice %arg6[%add3A_302, %dma_start3A_303] : memref<63x80xi32, #tpu.memory_space<vmem>> -> memref<1x80xi32, #tpu.memory_space<vmem>>
        %dma_start3A_305 = tpu.memref_squeeze %dma_start3A_304 : memref<1x80xi32, #tpu.memory_space<vmem>> -> memref<80xi32, #tpu.memory_space<vmem>>
        %dma_start3A_306 = arith.constant 0 : i32
        %dma_start3A_307 = arith.constant 0 : i32
        %dma_start3A_308 = tpu.memref_slice %arg2[%dma_start3A_306, %dma_start3A_307] : memref<10000x128xf32, #tpu.memory_space<hbm>> -> memref<10000x128xf32, #tpu.memory_space<hbm>>
        tpu.enqueue_indirect_dma source(%dma_start3A_308 : memref<10000x128xf32, #tpu.memory_space<hbm>>) target(%arg11 : memref<80x128xf32, #tpu.memory_space<vmem>>) offsets(%dma_start3A_305 : memref<80xi32, #tpu.memory_space<vmem>>) semaphore(%arg16 : memref<!tpu.dma_semaphore, #tpu.memory_space<semaphore_mem>>)
      } else {
      }
    }
    %scan3A_153 = arith.constant 15 : i32
    %dma_start3A_154 = arith.constant 60 : i32
    %dma_start3A_155 = arith.constant 0 : i32
    %dma_start3A_156 = tpu.memref_slice %arg6[%dma_start3A_154, %dma_start3A_155] : memref<63x80xi32, #tpu.memory_space<vmem>> -> memref<1x80xi32, #tpu.memory_space<vmem>>
    %dma_start3A_157 = tpu.memref_squeeze %dma_start3A_156 : memref<1x80xi32, #tpu.memory_space<vmem>> -> memref<80xi32, #tpu.memory_space<vmem>>
    %dma_start3A_158 = arith.constant 0 : i32
    %dma_start3A_159 = arith.constant 0 : i32
    %dma_start3A_160 = tpu.memref_slice %arg2[%dma_start3A_158, %dma_start3A_159] : memref<10000x128xf32, #tpu.memory_space<hbm>> -> memref<10000x128xf32, #tpu.memory_space<hbm>>
    tpu.enqueue_indirect_dma source(%dma_start3A_160 : memref<10000x128xf32, #tpu.memory_space<hbm>>) target(%arg8 : memref<80x128xf32, #tpu.memory_space<vmem>>) offsets(%dma_start3A_157 : memref<80xi32, #tpu.memory_space<vmem>>) semaphore(%arg13 : memref<!tpu.dma_semaphore, #tpu.memory_space<semaphore_mem>>)
    %dma_wait3A_161 = arith.constant 60 : i32
    %dma_wait3A_162 = arith.constant 0 : i32
    %dma_wait3A_163 = tpu.memref_slice %arg6[%dma_wait3A_161, %dma_wait3A_162] : memref<63x80xi32, #tpu.memory_space<vmem>> -> memref<1x80xi32, #tpu.memory_space<vmem>>
    %dma_wait3A_164 = tpu.memref_squeeze %dma_wait3A_163 : memref<1x80xi32, #tpu.memory_space<vmem>> -> memref<80xi32, #tpu.memory_space<vmem>>
    %dma_wait3A_165 = arith.constant 0 : i32
    %dma_wait3A_166 = arith.constant 0 : i32
    %dma_wait3A_167 = tpu.memref_slice %arg2[%dma_wait3A_165, %dma_wait3A_166] : memref<10000x128xf32, #tpu.memory_space<hbm>> -> memref<10000x128xf32, #tpu.memory_space<hbm>>
    tpu.wait_indirect_dma semaphore(%arg13 : memref<!tpu.dma_semaphore, #tpu.memory_space<semaphore_mem>>) src(%dma_wait3A_167 : memref<10000x128xf32, #tpu.memory_space<hbm>>) dst(%arg8 : memref<80x128xf32, #tpu.memory_space<vmem>>)
    %run_scoped3A_168 = arith.constant 60 : i32
    "tpu.region"() ({
      %run_scoped3A_191 = tpu.sem_alloc : memref<!tpu.dma_semaphore, #tpu.memory_space<semaphore_mem>>
      %dma_start3A_192 = arith.constant 0 : i32
      %dma_start3A_193 = tpu.memref_slice %arg7[%run_scoped3A_168, %dma_start3A_192] : memref<63x80xi32, #tpu.memory_space<vmem>> -> memref<1x80xi32, #tpu.memory_space<vmem>>
      %dma_start3A_194 = tpu.memref_squeeze %dma_start3A_193 : memref<1x80xi32, #tpu.memory_space<vmem>> -> memref<80xi32, #tpu.memory_space<vmem>>
      %dma_start3A_195 = arith.constant 0 : i32
      %dma_start3A_196 = arith.constant 0 : i32
      %dma_start3A_197 = tpu.memref_slice %arg12[%dma_start3A_195, %dma_start3A_196] : memref<10000x128xf32, #tpu.memory_space<vmem_shared>> -> memref<10000x128xf32, #tpu.memory_space<vmem_shared>>
      tpu.enqueue_indirect_dma source(%arg8 : memref<80x128xf32, #tpu.memory_space<vmem>>) target(%dma_start3A_197 : memref<10000x128xf32, #tpu.memory_space<vmem_shared>>) offsets(%dma_start3A_194 : memref<80xi32, #tpu.memory_space<vmem>>) semaphore(%run_scoped3A_191 : memref<!tpu.dma_semaphore, #tpu.memory_space<semaphore_mem>>) {add = true}
      %dma_wait3A_198 = arith.constant 0 : i32
      %dma_wait3A_199 = tpu.memref_slice %arg7[%run_scoped3A_168, %dma_wait3A_198] : memref<63x80xi32, #tpu.memory_space<vmem>> -> memref<1x80xi32, #tpu.memory_space<vmem>>
      %dma_wait3A_200 = tpu.memref_squeeze %dma_wait3A_199 : memref<1x80xi32, #tpu.memory_space<vmem>> -> memref<80xi32, #tpu.memory_space<vmem>>
      %dma_wait3A_201 = arith.constant 0 : i32
      %dma_wait3A_202 = arith.constant 0 : i32
      %dma_wait3A_203 = tpu.memref_slice %arg12[%dma_wait3A_201, %dma_wait3A_202] : memref<10000x128xf32, #tpu.memory_space<vmem_shared>> -> memref<10000x128xf32, #tpu.memory_space<vmem_shared>>
      tpu.wait_indirect_dma semaphore(%run_scoped3A_191 : memref<!tpu.dma_semaphore, #tpu.memory_space<semaphore_mem>>) src(%arg8 : memref<80x128xf32, #tpu.memory_space<vmem>>) dst(%dma_wait3A_203 : memref<10000x128xf32, #tpu.memory_space<vmem_shared>>)
      tpu.yield
    }) : () -> ()
    %dma_start3A_169 = arith.constant 61 : i32
    %dma_start3A_170 = arith.constant 0 : i32
    %dma_start3A_171 = tpu.memref_slice %arg6[%dma_start3A_169, %dma_start3A_170] : memref<63x80xi32, #tpu.memory_space<vmem>> -> memref<1x80xi32, #tpu.memory_space<vmem>>
    %dma_start3A_172 = tpu.memref_squeeze %dma_start3A_171 : memref<1x80xi32, #tpu.memory_space<vmem>> -> memref<80xi32, #tpu.memory_space<vmem>>
    %dma_start3A_173 = arith.constant 0 : i32
    %dma_start3A_174 = arith.constant 0 : i32
    %dma_start3A_175 = tpu.memref_slice %arg2[%dma_start3A_173, %dma_start3A_174] : memref<10000x128xf32, #tpu.memory_space<hbm>> -> memref<10000x128xf32, #tpu.memory_space<hbm>>
    tpu.enqueue_indirect_dma source(%dma_start3A_175 : memref<10000x128xf32, #tpu.memory_space<hbm>>) target(%arg9 : memref<80x128xf32, #tpu.memory_space<vmem>>) offsets(%dma_start3A_172 : memref<80xi32, #tpu.memory_space<vmem>>) semaphore(%arg14 : memref<!tpu.dma_semaphore, #tpu.memory_space<semaphore_mem>>)
    %dma_wait3A_176 = arith.constant 61 : i32
    %dma_wait3A_177 = arith.constant 0 : i32
    %dma_wait3A_178 = tpu.memref_slice %arg6[%dma_wait3A_176, %dma_wait3A_177] : memref<63x80xi32, #tpu.memory_space<vmem>> -> memref<1x80xi32, #tpu.memory_space<vmem>>
    %dma_wait3A_179 = tpu.memref_squeeze %dma_wait3A_178 : memref<1x80xi32, #tpu.memory_space<vmem>> -> memref<80xi32, #tpu.memory_space<vmem>>
    %dma_wait3A_180 = arith.constant 0 : i32
    %dma_wait3A_181 = arith.constant 0 : i32
    %dma_wait3A_182 = tpu.memref_slice %arg2[%dma_wait3A_180, %dma_wait3A_181] : memref<10000x128xf32, #tpu.memory_space<hbm>> -> memref<10000x128xf32, #tpu.memory_space<hbm>>
    tpu.wait_indirect_dma semaphore(%arg14 : memref<!tpu.dma_semaphore, #tpu.memory_space<semaphore_mem>>) src(%dma_wait3A_182 : memref<10000x128xf32, #tpu.memory_space<hbm>>) dst(%arg9 : memref<80x128xf32, #tpu.memory_space<vmem>>)
    %run_scoped3A_183 = arith.constant 61 : i32
    "tpu.region"() ({
      %run_scoped3A_191 = tpu.sem_alloc : memref<!tpu.dma_semaphore, #tpu.memory_space<semaphore_mem>>
      %dma_start3A_192 = arith.constant 0 : i32
      %dma_start3A_193 = tpu.memref_slice %arg7[%run_scoped3A_183, %dma_start3A_192] : memref<63x80xi32, #tpu.memory_space<vmem>> -> memref<1x80xi32, #tpu.memory_space<vmem>>
      %dma_start3A_194 = tpu.memref_squeeze %dma_start3A_193 : memref<1x80xi32, #tpu.memory_space<vmem>> -> memref<80xi32, #tpu.memory_space<vmem>>
      %dma_start3A_195 = arith.constant 0 : i32
      %dma_start3A_196 = arith.constant 0 : i32
      %dma_start3A_197 = tpu.memref_slice %arg12[%dma_start3A_195, %dma_start3A_196] : memref<10000x128xf32, #tpu.memory_space<vmem_shared>> -> memref<10000x128xf32, #tpu.memory_space<vmem_shared>>
      tpu.enqueue_indirect_dma source(%arg9 : memref<80x128xf32, #tpu.memory_space<vmem>>) target(%dma_start3A_197 : memref<10000x128xf32, #tpu.memory_space<vmem_shared>>) offsets(%dma_start3A_194 : memref<80xi32, #tpu.memory_space<vmem>>) semaphore(%run_scoped3A_191 : memref<!tpu.dma_semaphore, #tpu.memory_space<semaphore_mem>>) {add = true}
      %dma_wait3A_198 = arith.constant 0 : i32
      %dma_wait3A_199 = tpu.memref_slice %arg7[%run_scoped3A_183, %dma_wait3A_198] : memref<63x80xi32, #tpu.memory_space<vmem>> -> memref<1x80xi32, #tpu.memory_space<vmem>>
      %dma_wait3A_200 = tpu.memref_squeeze %dma_wait3A_199 : memref<1x80xi32, #tpu.memory_space<vmem>> -> memref<80xi32, #tpu.memory_space<vmem>>
      %dma_wait3A_201 = arith.constant 0 : i32
      %dma_wait3A_202 = arith.constant 0 : i32
      %dma_wait3A_203 = tpu.memref_slice %arg12[%dma_wait3A_201, %dma_wait3A_202] : memref<10000x128xf32, #tpu.memory_space<vmem_shared>> -> memref<10000x128xf32, #tpu.memory_space<vmem_shared>>
      tpu.wait_indirect_dma semaphore(%run_scoped3A_191 : memref<!tpu.dma_semaphore, #tpu.memory_space<semaphore_mem>>) src(%arg9 : memref<80x128xf32, #tpu.memory_space<vmem>>) dst(%dma_wait3A_203 : memref<10000x128xf32, #tpu.memory_space<vmem_shared>>)
      tpu.yield
    }) : () -> ()
    %barrier3A_184 = arith.constant 0 : index
    tpu.barrier barrier_id(%barrier3A_184)
    %scan3A_185 = arith.constant 0 : i32
    %scan3A_186 = arith.constant 0 : i32
    %scan3A_187 = arith.constant 8 : i32
    %scan3A_188 = arith.addi %scan3A_186, %scan3A_187 : i32
    %scan3A_189 = arith.constant 1 : i32
    scf.for %scan3A_191 = %scan3A_186 to %scan3A_188 step %scan3A_189  : i32 {
      %mul3A_192 = arith.constant 16 : i32
      %mul3A_193 = arith.muli %scan3A_191, %mul3A_192 : i32
      %add3A_194 = arith.addi %arg1, %mul3A_193 : i32
      %lt3A = arith.constant 125 : i32
      %lt3A_195 = arith.cmpi slt, %add3A_194, %lt3A : i32
      %convert_element_type3A = arith.extui %lt3A_195 : i1 to i32
      %cond3A = arith.constant 0 : i32
      %cond3A_196 = arith.cmpi ne, %convert_element_type3A, %cond3A : i32
      scf.if %cond3A_196 {
        %mul3A_197 = arith.constant 80 : i32
        %mul3A_198 = arith.muli %add3A_194, %mul3A_197 : i32
        "tpu.region"() ({
          %run_scoped3A_199 = tpu.sem_alloc : memref<!tpu.dma_semaphore, #tpu.memory_space<semaphore_mem>>
          %dma_start3A_200 = arith.constant 0 : i32
          %dma_start3A_201 = tpu.memref_slice %arg5[%arg0, %mul3A_198, %dma_start3A_200] : memref<2x10000x128xf32, #tpu.memory_space<hbm>> -> memref<1x80x128xf32, #tpu.memory_space<hbm>>
          %dma_start3A_202 = tpu.memref_squeeze %dma_start3A_201 : memref<1x80x128xf32, #tpu.memory_space<hbm>> -> memref<80x128xf32, #tpu.memory_space<hbm>>
          %dma_start3A_203 = arith.constant 0 : i32
          %dma_start3A_204 = tpu.memref_slice %arg12[%mul3A_198, %dma_start3A_203] : memref<10000x128xf32, #tpu.memory_space<vmem_shared>> -> memref<80x128xf32, #tpu.memory_space<vmem_shared>>
          tpu.enqueue_dma source(%dma_start3A_204 : memref<80x128xf32, #tpu.memory_space<vmem_shared>>) target(%dma_start3A_202 : memref<80x128xf32, #tpu.memory_space<hbm>>) target_semaphore(%run_scoped3A_199 : memref<!tpu.dma_semaphore, #tpu.memory_space<semaphore_mem>>)
          %dma_wait3A_205 = arith.constant 0 : i32
          %dma_wait3A_206 = tpu.memref_slice %arg5[%arg0, %mul3A_198, %dma_wait3A_205] : memref<2x10000x128xf32, #tpu.memory_space<hbm>> -> memref<1x80x128xf32, #tpu.memory_space<hbm>>
          %dma_wait3A_207 = tpu.memref_squeeze %dma_wait3A_206 : memref<1x80x128xf32, #tpu.memory_space<hbm>> -> memref<80x128xf32, #tpu.memory_space<hbm>>
          %dma_wait3A_208 = arith.constant 0 : i32
          %dma_wait3A_209 = tpu.memref_slice %arg12[%mul3A_198, %dma_wait3A_208] : memref<10000x128xf32, #tpu.memory_space<vmem_shared>> -> memref<80x128xf32, #tpu.memory_space<vmem_shared>>
          tpu.wait_dma2 semaphore(%run_scoped3A_199 : memref<!tpu.dma_semaphore, #tpu.memory_space<semaphore_mem>>) src(%dma_wait3A_209 : memref<80x128xf32, #tpu.memory_space<vmem_shared>>) dst(%dma_wait3A_207 : memref<80x128xf32, #tpu.memory_space<hbm>>)
          tpu.yield
        }) : () -> ()
      } else {
      }
    }
    %scan3A_190 = arith.constant 8 : i32
    return
  }
}

module attributes {stable_mosaic.version = 14 : i64} {
  func.func @body(%arg0: i32, %arg1: memref<2x1000x128xf32, #tpu.memory_space<vmem>>, %arg2: memref<1000x128xf32, #tpu.memory_space<vmem>>, %arg3: memref<1000x128xf32, #tpu.memory_space<vmem>>, %arg4: memref<1x128xf32, #tpu.memory_space<vmem>>, %arg5: memref<128x128xf32, #tpu.memory_space<vmem>>, %arg6: memref<1000x128xf32, #tpu.memory_space<vmem>>, %arg7: memref<1000x128xf32, #tpu.memory_space<vmem>>) attributes {dimension_semantics = [#tpu.dimension_semantics<arbitrary>], iteration_bounds = array<i64: 10>, scalar_prefetch = 0 : i64, scratch_operands = 0 : i64, tpu.core_type = #tpu.core_type<tc>, window_params = [{transform_indices = @transform_0, window_bounds = array<i64: 2, 1000, 128>}, {transform_indices = @transform_1, window_bounds = array<i64: 1000, 128>}, {transform_indices = @transform_2, window_bounds = array<i64: 1000, 128>}, {pipeline_mode = #tpu.pipeline_mode<synchronous>, transform_indices = @transform_3, window_bounds = array<i64: 1, 128>}, {pipeline_mode = #tpu.pipeline_mode<synchronous>, transform_indices = @transform_4, window_bounds = array<i64: 128, 128>}, {transform_indices = @transform_5, window_bounds = array<i64: 1000, 128>}, {transform_indices = @transform_6, window_bounds = array<i64: 1000, 128>}]} {
    %get3A = arith.constant 0 : index
    %get3A_0 = arith.constant 0 : index
    %get3A_1 = arith.constant 0 : index
    %get3A_2 = vector.load %arg1[%get3A, %get3A_0, %get3A_1] : memref<2x1000x128xf32, #tpu.memory_space<vmem>>, vector<1x1000x128xf32>
    %get3A_3 = vector.shape_cast %get3A_2 : vector<1x1000x128xf32> to vector<1000x128xf32>
    %get3A_4 = arith.constant 1 : index
    %get3A_5 = arith.constant 0 : index
    %get3A_6 = arith.constant 0 : index
    %get3A_7 = vector.load %arg1[%get3A_4, %get3A_5, %get3A_6] : memref<2x1000x128xf32, #tpu.memory_space<vmem>>, vector<1x1000x128xf32>
    %get3A_8 = vector.shape_cast %get3A_7 : vector<1x1000x128xf32> to vector<1000x128xf32>
    %add3A = arith.addf %get3A_3, %get3A_8 : vector<1000x128xf32>
    %get3A_9 = arith.constant 0 : index
    %get3A_10 = arith.constant 0 : index
    %get3A_11 = vector.load %arg2[%get3A_9, %get3A_10] : memref<1000x128xf32, #tpu.memory_space<vmem>>, vector<1000x128xf32>
    %add3A_12 = arith.addf %add3A, %get3A_11 : vector<1000x128xf32>
    %get3A_13 = arith.constant 0 : index
    %get3A_14 = arith.constant 0 : index
    %get3A_15 = vector.load %arg3[%get3A_13, %get3A_14] : memref<1000x128xf32, #tpu.memory_space<vmem>>, vector<1000x128xf32>
    %mul3A = arith.mulf %add3A_12, %get3A_15 : vector<1000x128xf32>
    %get3A_16 = arith.constant 0 : index
    %get3A_17 = arith.constant 0 : index
    %get3A_18 = vector.load %arg4[%get3A_16, %get3A_17] : memref<1x128xf32, #tpu.memory_space<vmem>>, vector<1x128xf32>
    %add3A_19 = vector.broadcast %get3A_18 : vector<1x128xf32> to vector<1000x128xf32>
    %add3A_20 = arith.addf %mul3A, %add3A_19 : vector<1000x128xf32>
    %max3A = arith.constant 0.000000e+00 : f32
    %max3A_21 = vector.broadcast %max3A : f32 to vector<1000x128xf32>
    %max3A_22 = arith.maximumf %add3A_20, %max3A_21 : vector<1000x128xf32>
    %swap3A = arith.constant 0 : index
    %swap3A_23 = arith.constant 0 : index
    %swap3A_24 = vector.load %arg6[%swap3A, %swap3A_23] : memref<1000x128xf32, #tpu.memory_space<vmem>>, vector<1000x128xf32>
    tpu.vector_store %arg6[%swap3A, %swap3A_23], %max3A_22 {strides = array<i32>} : memref<1000x128xf32, #tpu.memory_space<vmem>>, vector<1000x128xf32>,
    %get3A_25 = arith.constant 0 : index
    %get3A_26 = arith.constant 0 : index
    %get3A_27 = vector.load %arg5[%get3A_25, %get3A_26] : memref<128x128xf32, #tpu.memory_space<vmem>>, vector<128x128xf32>
    %dot_general3A = arith.constant dense<0.000000e+00> : vector<1000x128xf32>
    %dot_general3A_28 = tpu.matmul %max3A_22, %get3A_27, %dot_general3A {dimension_numbers = #tpu.dot_dimension_numbers<[1], [0], [0], [1], [0, 0, 1, 1], [], []>, transpose_lhs_hint = false} : vector<1000x128xf32>, vector<128x128xf32>, vector<1000x128xf32> -> vector<1000x128xf32>
    %get3A_29 = arith.constant 0 : index
    %get3A_30 = arith.constant 0 : index
    %get3A_31 = vector.load %arg3[%get3A_29, %get3A_30] : memref<1000x128xf32, #tpu.memory_space<vmem>>, vector<1000x128xf32>
    %mul3A_32 = arith.mulf %dot_general3A_28, %get3A_31 : vector<1000x128xf32>
    %swap3A_33 = arith.constant 0 : index
    %swap3A_34 = arith.constant 0 : index
    %swap3A_35 = vector.load %arg7[%swap3A_33, %swap3A_34] : memref<1000x128xf32, #tpu.memory_space<vmem>>, vector<1000x128xf32>
    tpu.vector_store %arg7[%swap3A_33, %swap3A_34], %mul3A_32 {strides = array<i32>} : memref<1000x128xf32, #tpu.memory_space<vmem>>, vector<1000x128xf32>,
    return
  }
  func.func @transform_0(%arg0: i32) -> (i32, i32, i32) {
    %c0_i32 = arith.constant 0 : i32
    %c0_i32_0 = arith.constant 0 : i32
    %c0_i32_1 = arith.constant 0 : i32
    return %c0_i32, %arg0, %c0_i32_0 : i32, i32, i32
  }
  func.func @transform_1(%arg0: i32) -> (i32, i32) {
    %c0_i32 = arith.constant 0 : i32
    %c0_i32_0 = arith.constant 0 : i32
    return %arg0, %c0_i32 : i32, i32
  }
  func.func @transform_2(%arg0: i32) -> (i32, i32) {
    %c0_i32 = arith.constant 0 : i32
    %c0_i32_0 = arith.constant 0 : i32
    return %arg0, %c0_i32 : i32, i32
  }
  func.func @transform_3(%arg0: i32) -> (i32, i32) {
    %c0_i32 = arith.constant 0 : i32
    %c0_i32_0 = arith.constant 0 : i32
    %c0_i32_1 = arith.constant 0 : i32
    return %c0_i32, %c0_i32_0 : i32, i32
  }
  func.func @transform_4(%arg0: i32) -> (i32, i32) {
    %c0_i32 = arith.constant 0 : i32
    %c0_i32_0 = arith.constant 0 : i32
    %c0_i32_1 = arith.constant 0 : i32
    return %c0_i32, %c0_i32_0 : i32, i32
  }
  func.func @transform_5(%arg0: i32) -> (i32, i32) {
    %c0_i32 = arith.constant 0 : i32
    %c0_i32_0 = arith.constant 0 : i32
    return %arg0, %c0_i32 : i32, i32
  }
  func.func @transform_6(%arg0: i32) -> (i32, i32) {
    %c0_i32 = arith.constant 0 : i32
    %c0_i32_0 = arith.constant 0 : i32
    return %arg0, %c0_i32 : i32, i32
  }
}

module attributes {stable_mosaic.version = 14 : i64} {
  func.func @body(%arg0: i32, %arg1: memref<2x1000x16xf32, #tpu.memory_space<vmem>>, %arg2: memref<1000x128xf32, #tpu.memory_space<vmem>>, %arg3: memref<128x128xf32, #tpu.memory_space<vmem>>, %arg4: memref<1000x128xf32, #tpu.memory_space<vmem>>, %arg5: memref<1000x128xf32, #tpu.memory_space<vmem>>) attributes {dimension_semantics = [#tpu.dimension_semantics<arbitrary>], iteration_bounds = array<i64: 10>, scalar_prefetch = 0 : i64, scratch_operands = 0 : i64, tpu.core_type = #tpu.core_type<tc>, window_params = [{transform_indices = @transform_0, window_bounds = array<i64: 2, 1000, 16>}, {transform_indices = @transform_1, window_bounds = array<i64: 1000, 128>}, {pipeline_mode = #tpu.pipeline_mode<synchronous>, transform_indices = @transform_2, window_bounds = array<i64: 128, 128>}, {transform_indices = @transform_3, window_bounds = array<i64: 1000, 128>}, {transform_indices = @transform_4, window_bounds = array<i64: 1000, 128>}]} {
    %get3A = arith.constant 0 : index
    %get3A_0 = arith.constant 0 : index
    %get3A_1 = arith.constant 0 : index
    %get3A_2 = vector.load %arg1[%get3A, %get3A_0, %get3A_1] : memref<2x1000x16xf32, #tpu.memory_space<vmem>>, vector<1x1000x1xf32>
    %get3A_3 = vector.shape_cast %get3A_2 : vector<1x1000x1xf32> to vector<1000x1xf32>
    %get3A_4 = arith.constant 1 : index
    %get3A_5 = arith.constant 0 : index
    %get3A_6 = arith.constant 0 : index
    %get3A_7 = vector.load %arg1[%get3A_4, %get3A_5, %get3A_6] : memref<2x1000x16xf32, #tpu.memory_space<vmem>>, vector<1x1000x1xf32>
    %get3A_8 = vector.shape_cast %get3A_7 : vector<1x1000x1xf32> to vector<1000x1xf32>
    %add3A = arith.addf %get3A_3, %get3A_8 : vector<1000x1xf32>
    %add3A_9 = arith.constant 1.000000e+00 : f32
    %add3A_10 = vector.broadcast %add3A_9 : f32 to vector<1000x1xf32>
    %add3A_11 = arith.addf %add3A, %add3A_10 : vector<1000x1xf32>
    %max3A = arith.constant 1.000000e+00 : f32
    %max3A_12 = vector.broadcast %max3A : f32 to vector<1000x1xf32>
    %max3A_13 = arith.maximumf %add3A_11, %max3A_12 : vector<1000x1xf32>
    %rsqrt3A = math.rsqrt %max3A_13 : vector<1000x1xf32>
    %broadcast_in_dim3A = vector.shape_cast %rsqrt3A : vector<1000x1xf32> to vector<1000x1xf32>
    %broadcast_in_dim3A_14 = vector.broadcast %broadcast_in_dim3A : vector<1000x1xf32> to vector<1000x128xf32>
    %swap3A = arith.constant 0 : index
    %swap3A_15 = arith.constant 0 : index
    %swap3A_16 = vector.load %arg4[%swap3A, %swap3A_15] : memref<1000x128xf32, #tpu.memory_space<vmem>>, vector<1000x128xf32>
    tpu.vector_store %arg4[%swap3A, %swap3A_15], %broadcast_in_dim3A_14 {strides = array<i32>} : memref<1000x128xf32, #tpu.memory_space<vmem>>, vector<1000x128xf32>,
    %get3A_17 = arith.constant 0 : index
    %get3A_18 = arith.constant 0 : index
    %get3A_19 = vector.load %arg2[%get3A_17, %get3A_18] : memref<1000x128xf32, #tpu.memory_space<vmem>>, vector<1000x128xf32>
    %get3A_20 = arith.constant 0 : index
    %get3A_21 = arith.constant 0 : index
    %get3A_22 = vector.load %arg3[%get3A_20, %get3A_21] : memref<128x128xf32, #tpu.memory_space<vmem>>, vector<128x128xf32>
    %dot_general3A = arith.constant dense<0.000000e+00> : vector<1000x128xf32>
    %dot_general3A_23 = tpu.matmul %get3A_19, %get3A_22, %dot_general3A {dimension_numbers = #tpu.dot_dimension_numbers<[1], [0], [0], [1], [0, 0, 1, 1], [], []>, transpose_lhs_hint = false} : vector<1000x128xf32>, vector<128x128xf32>, vector<1000x128xf32> -> vector<1000x128xf32>
    %mul3A = arith.mulf %dot_general3A_23, %broadcast_in_dim3A_14 : vector<1000x128xf32>
    %swap3A_24 = arith.constant 0 : index
    %swap3A_25 = arith.constant 0 : index
    %swap3A_26 = vector.load %arg5[%swap3A_24, %swap3A_25] : memref<1000x128xf32, #tpu.memory_space<vmem>>, vector<1000x128xf32>
    tpu.vector_store %arg5[%swap3A_24, %swap3A_25], %mul3A {strides = array<i32>} : memref<1000x128xf32, #tpu.memory_space<vmem>>, vector<1000x128xf32>,
    return
  }
  func.func @transform_0(%arg0: i32) -> (i32, i32, i32) {
    %c0_i32 = arith.constant 0 : i32
    %c0_i32_0 = arith.constant 0 : i32
    %c0_i32_1 = arith.constant 0 : i32
    return %c0_i32, %arg0, %c0_i32_0 : i32, i32, i32
  }
  func.func @transform_1(%arg0: i32) -> (i32, i32) {
    %c0_i32 = arith.constant 0 : i32
    %c0_i32_0 = arith.constant 0 : i32
    return %arg0, %c0_i32 : i32, i32
  }
  func.func @transform_2(%arg0: i32) -> (i32, i32) {
    %c0_i32 = arith.constant 0 : i32
    %c0_i32_0 = arith.constant 0 : i32
    %c0_i32_1 = arith.constant 0 : i32
    return %c0_i32, %c0_i32_0 : i32, i32
  }
  func.func @transform_3(%arg0: i32) -> (i32, i32) {
    %c0_i32 = arith.constant 0 : i32
    %c0_i32_0 = arith.constant 0 : i32
    return %arg0, %c0_i32 : i32, i32
  }
  func.func @transform_4(%arg0: i32) -> (i32, i32) {
    %c0_i32 = arith.constant 0 : i32
    %c0_i32_0 = arith.constant 0 : i32
    return %arg0, %c0_i32 : i32, i32
  }
}

module attributes {stable_mosaic.version = 14 : i64} {
  func.func @body(%arg0: i32, %arg1: memref<2x1000x128xf32, #tpu.memory_space<vmem>>, %arg2: memref<1000x128xf32, #tpu.memory_space<vmem>>, %arg3: memref<1000x128xf32, #tpu.memory_space<vmem>>, %arg4: memref<1x128xf32, #tpu.memory_space<vmem>>, %arg5: memref<1000x128xf32, #tpu.memory_space<vmem>>, %arg6: memref<1000x128xf32, #tpu.memory_space<vmem>>, %arg7: memref<384x64xf32, #tpu.memory_space<vmem>>, %arg8: memref<1x64xf32, #tpu.memory_space<vmem>>, %arg9: memref<1000x64xf32, #tpu.memory_space<vmem>>) attributes {dimension_semantics = [#tpu.dimension_semantics<arbitrary>], iteration_bounds = array<i64: 10>, scalar_prefetch = 0 : i64, scratch_operands = 0 : i64, tpu.core_type = #tpu.core_type<tc>, window_params = [{transform_indices = @transform_0, window_bounds = array<i64: 2, 1000, 128>}, {transform_indices = @transform_1, window_bounds = array<i64: 1000, 128>}, {transform_indices = @transform_2, window_bounds = array<i64: 1000, 128>}, {pipeline_mode = #tpu.pipeline_mode<synchronous>, transform_indices = @transform_3, window_bounds = array<i64: 1, 128>}, {transform_indices = @transform_4, window_bounds = array<i64: 1000, 128>}, {transform_indices = @transform_5, window_bounds = array<i64: 1000, 128>}, {pipeline_mode = #tpu.pipeline_mode<synchronous>, transform_indices = @transform_6, window_bounds = array<i64: 384, 64>}, {pipeline_mode = #tpu.pipeline_mode<synchronous>, transform_indices = @transform_7, window_bounds = array<i64: 1, 64>}, {transform_indices = @transform_8, window_bounds = array<i64: 1000, 64>}]} {
    %get3A = arith.constant 0 : index
    %get3A_0 = arith.constant 0 : index
    %get3A_1 = arith.constant 0 : index
    %get3A_2 = vector.load %arg1[%get3A, %get3A_0, %get3A_1] : memref<2x1000x128xf32, #tpu.memory_space<vmem>>, vector<1x1000x128xf32>
    %get3A_3 = vector.shape_cast %get3A_2 : vector<1x1000x128xf32> to vector<1000x128xf32>
    %get3A_4 = arith.constant 1 : index
    %get3A_5 = arith.constant 0 : index
    %get3A_6 = arith.constant 0 : index
    %get3A_7 = vector.load %arg1[%get3A_4, %get3A_5, %get3A_6] : memref<2x1000x128xf32, #tpu.memory_space<vmem>>, vector<1x1000x128xf32>
    %get3A_8 = vector.shape_cast %get3A_7 : vector<1x1000x128xf32> to vector<1000x128xf32>
    %add3A = arith.addf %get3A_3, %get3A_8 : vector<1000x128xf32>
    %get3A_9 = arith.constant 0 : index
    %get3A_10 = arith.constant 0 : index
    %get3A_11 = vector.load %arg2[%get3A_9, %get3A_10] : memref<1000x128xf32, #tpu.memory_space<vmem>>, vector<1000x128xf32>
    %add3A_12 = arith.addf %add3A, %get3A_11 : vector<1000x128xf32>
    %get3A_13 = arith.constant 0 : index
    %get3A_14 = arith.constant 0 : index
    %get3A_15 = vector.load %arg3[%get3A_13, %get3A_14] : memref<1000x128xf32, #tpu.memory_space<vmem>>, vector<1000x128xf32>
    %mul3A = arith.mulf %add3A_12, %get3A_15 : vector<1000x128xf32>
    %get3A_16 = arith.constant 0 : index
    %get3A_17 = arith.constant 0 : index
    %get3A_18 = vector.load %arg4[%get3A_16, %get3A_17] : memref<1x128xf32, #tpu.memory_space<vmem>>, vector<1x128xf32>
    %add3A_19 = vector.broadcast %get3A_18 : vector<1x128xf32> to vector<1000x128xf32>
    %add3A_20 = arith.addf %mul3A, %add3A_19 : vector<1000x128xf32>
    %max3A = arith.constant 0.000000e+00 : f32
    %max3A_21 = vector.broadcast %max3A : f32 to vector<1000x128xf32>
    %max3A_22 = arith.maximumf %add3A_20, %max3A_21 : vector<1000x128xf32>
    %get3A_23 = arith.constant 0 : index
    %get3A_24 = arith.constant 0 : index
    %get3A_25 = vector.load %arg5[%get3A_23, %get3A_24] : memref<1000x128xf32, #tpu.memory_space<vmem>>, vector<1000x128xf32>
    %get3A_26 = arith.constant 0 : index
    %get3A_27 = arith.constant 0 : index
    %get3A_28 = vector.load %arg7[%get3A_26, %get3A_27] : memref<384x64xf32, #tpu.memory_space<vmem>>, vector<128x64xf32>
    %dot_general3A = arith.constant dense<0.000000e+00> : vector<1000x64xf32>
    %dot_general3A_29 = tpu.matmul %get3A_25, %get3A_28, %dot_general3A {dimension_numbers = #tpu.dot_dimension_numbers<[1], [0], [0], [1], [0, 0, 1, 1], [], []>, transpose_lhs_hint = false} : vector<1000x128xf32>, vector<128x64xf32>, vector<1000x64xf32> -> vector<1000x64xf32>
    %get3A_30 = arith.constant 0 : index
    %get3A_31 = arith.constant 0 : index
    %get3A_32 = vector.load %arg6[%get3A_30, %get3A_31] : memref<1000x128xf32, #tpu.memory_space<vmem>>, vector<1000x128xf32>
    %get3A_33 = arith.constant 128 : index
    %get3A_34 = arith.constant 0 : index
    %get3A_35 = vector.load %arg7[%get3A_33, %get3A_34] : memref<384x64xf32, #tpu.memory_space<vmem>>, vector<128x64xf32>
    %dot_general3A_36 = arith.constant dense<0.000000e+00> : vector<1000x64xf32>
    %dot_general3A_37 = tpu.matmul %get3A_32, %get3A_35, %dot_general3A_36 {dimension_numbers = #tpu.dot_dimension_numbers<[1], [0], [0], [1], [0, 0, 1, 1], [], []>, transpose_lhs_hint = false} : vector<1000x128xf32>, vector<128x64xf32>, vector<1000x64xf32> -> vector<1000x64xf32>
    %add3A_38 = arith.addf %dot_general3A_29, %dot_general3A_37 : vector<1000x64xf32>
    %get3A_39 = arith.constant 256 : index
    %get3A_40 = arith.constant 0 : index
    %get3A_41 = vector.load %arg7[%get3A_39, %get3A_40] : memref<384x64xf32, #tpu.memory_space<vmem>>, vector<128x64xf32>
    %dot_general3A_42 = arith.constant dense<0.000000e+00> : vector<1000x64xf32>
    %dot_general3A_43 = tpu.matmul %max3A_22, %get3A_41, %dot_general3A_42 {dimension_numbers = #tpu.dot_dimension_numbers<[1], [0], [0], [1], [0, 0, 1, 1], [], []>, transpose_lhs_hint = false} : vector<1000x128xf32>, vector<128x64xf32>, vector<1000x64xf32> -> vector<1000x64xf32>
    %add3A_44 = arith.addf %add3A_38, %dot_general3A_43 : vector<1000x64xf32>
    %get3A_45 = arith.constant 0 : index
    %get3A_46 = arith.constant 0 : index
    %get3A_47 = vector.load %arg8[%get3A_45, %get3A_46] : memref<1x64xf32, #tpu.memory_space<vmem>>, vector<1x64xf32>
    %add3A_48 = vector.broadcast %get3A_47 : vector<1x64xf32> to vector<1000x64xf32>
    %add3A_49 = arith.addf %add3A_44, %add3A_48 : vector<1000x64xf32>
    %swap3A = arith.constant 0 : index
    %swap3A_50 = arith.constant 0 : index
    %swap3A_51 = vector.load %arg9[%swap3A, %swap3A_50] : memref<1000x64xf32, #tpu.memory_space<vmem>>, vector<1000x64xf32>
    tpu.vector_store %arg9[%swap3A, %swap3A_50], %add3A_49 {strides = array<i32>} : memref<1000x64xf32, #tpu.memory_space<vmem>>, vector<1000x64xf32>,
    return
  }
  func.func @transform_0(%arg0: i32) -> (i32, i32, i32) {
    %c0_i32 = arith.constant 0 : i32
    %c0_i32_0 = arith.constant 0 : i32
    %c0_i32_1 = arith.constant 0 : i32
    return %c0_i32, %arg0, %c0_i32_0 : i32, i32, i32
  }
  func.func @transform_1(%arg0: i32) -> (i32, i32) {
    %c0_i32 = arith.constant 0 : i32
    %c0_i32_0 = arith.constant 0 : i32
    return %arg0, %c0_i32 : i32, i32
  }
  func.func @transform_2(%arg0: i32) -> (i32, i32) {
    %c0_i32 = arith.constant 0 : i32
    %c0_i32_0 = arith.constant 0 : i32
    return %arg0, %c0_i32 : i32, i32
  }
  func.func @transform_3(%arg0: i32) -> (i32, i32) {
    %c0_i32 = arith.constant 0 : i32
    %c0_i32_0 = arith.constant 0 : i32
    %c0_i32_1 = arith.constant 0 : i32
    return %c0_i32, %c0_i32_0 : i32, i32
  }
  func.func @transform_4(%arg0: i32) -> (i32, i32) {
    %c0_i32 = arith.constant 0 : i32
    %c0_i32_0 = arith.constant 0 : i32
    return %arg0, %c0_i32 : i32, i32
  }
  func.func @transform_5(%arg0: i32) -> (i32, i32) {
    %c0_i32 = arith.constant 0 : i32
    %c0_i32_0 = arith.constant 0 : i32
    return %arg0, %c0_i32 : i32, i32
  }
  func.func @transform_6(%arg0: i32) -> (i32, i32) {
    %c0_i32 = arith.constant 0 : i32
    %c0_i32_0 = arith.constant 0 : i32
    %c0_i32_1 = arith.constant 0 : i32
    return %c0_i32, %c0_i32_0 : i32, i32
  }
  func.func @transform_7(%arg0: i32) -> (i32, i32) {
    %c0_i32 = arith.constant 0 : i32
    %c0_i32_0 = arith.constant 0 : i32
    %c0_i32_1 = arith.constant 0 : i32
    return %c0_i32, %c0_i32_0 : i32, i32
  }
  func.func @transform_8(%arg0: i32) -> (i32, i32) {
    %c0_i32 = arith.constant 0 : i32
    %c0_i32_0 = arith.constant 0 : i32
    return %arg0, %c0_i32 : i32, i32
  }
}

</mosaic_0001>

<sc_bundles>
// kernel: kernel.10.cloned.1.call-start
scs
__scs_entry_jumppad:
0x0: {  	(pc) =	sbr.rel $0x88, $3  }
0x1: {  	(tag) =	ssettag $0x0;
	lr =	simm.s32 $0x1  }
0x2: {  	[smem:$0x3F97] =	sst lr;
	_ =	strace $0xD0000000  }
0x3: {  	_ = 	snop  }
0x4: {  	_ = 	snop  }
0x5: {  	_ = 	snop  }
0x6: {  	_ = 	snop  }
0x7: {  	_ = 	snop  }
__scs_overlays_trampoline_lowered:
0x8: {  	[smem:$0x3FA6] =	sst s0  }
0x9: {  	[smem:$0x3FA7] =	sst s1  }
0xa: {  	[smem:$0x3FA8] =	sst s2  }
0xb: {  	[smem:$0x3FA9] =	sst s3  }
0xc: {  	[smem:$0x3FAA] =	sst s4  }
0xd: {  	[smem:$0x3FAB] =	sst s5  }
0xe: {  	[smem:$0x3FAC] =	sst s6  }
0xf: {  	[smem:$0x3FAD] =	sst s7  }
0x10: {  	[smem:$0x3FAE] =	sst s8  }
0x11: {  	[smem:$0x3FAF] =	sst s9;
	s0 =	simm.s32 @!p0 $0x0  }
0x12: {  	s1 =	sld [smem:$0x3F95];
	s0 =	simm.s32 @p0 $0x1  }
0x13: {  	[smem:$0x3FB0] =	sst s0;
	s0 =	simm.s32 @!p1 $0x0  }
0x14: {  	s2 =	sld [smem:$0x3F94];
	s0 =	simm.s32 @p1 $0x1  }
0x15: {  	[smem:$0x3FB1] =	sst s0;
	s0 =	simm.s32 @!p2 $0x0  }
0x16: {  	s3 =	sld [smem:$0x3FDB];
	s0 =	simm.s32 @p2 $0x1  }
0x17: {  	s4 =	simm.s32 $0x1BF5;
	[smem:$0x3FB3] =	sst s0  }
0x18: {  	s0 =	sld [smem:$0x3F96];
	_ =	swait.ge [sflag:s4], $0x0  }
0x19: {  	s7 =	sld [smem:$0x3F97]  }
0x1a: {  	s8 =	sadd.s32 $0xFFFFE003, lr  }
0x1b: {  	s9 =	sadd.s32 $0xFFFFFEF7, lr;
	s5 =	simm.s32 $0xFFFFFFFF;
	p2 =	slt.u32 s8, $0xFFFFF086  }
0x1c: {  	p1 =	slt.u32 s9, $0xF7A;
	s5 =	simm.s32 @!p2 $0x0  }
0x1d: {  	s5 =	simm.s32 @p1 $0x1;
	p0 =	seq.s32 s7, s2  }
0x1e: {  	s7 =	smul.u32 @!p0 $0xF7A, s2;
	p2 =	seq.s32 @!p0 s5, $0x0  }
0x1f: {  	s9 =	smul.u32 $0xF7A, s1;
	s8 =	simm.s32 @!p0 $0x1BF5;
	p2 =	por !p2, p0  }
0x20: {  	[sflag:s8] =	ssyncset.s32 @!p0 $0xFFFFF086;
	s6 =	sadd.s32 @!p0 s3, s7;
	s7 =	simm.s32 @!p0 $0x108  }
0x21: {  	s3 =	sadd.s32 s3, s9;
	s6 =	sadd.s32 @!p0 $0x88, s6;
	s7 =	simm.s32 @p2 $0x1082  }
0x22: {  	[simem:s7], [sflag:s8] =	dma.local @!p0 [hbm:s6], $0xF7A  }
0x23: {  	s9 =	sor.u32 $0xD0000000, s2;
	s6 =	simm.s32 $0x108;
	_ =	swait.ge @!p0 [sflag:s8], $0x0  }
0x24: {  	s3 =	sadd.s32 $0x88, s3;
	s6 =	simm.s32 @!p1 $0x1082;
	[sflag:s4] =	ssyncset.s32 $0xFFFFF086  }
0x25: {  	[simem:s6], [sflag:s4] =	dma.local [hbm:s3], $0xF7A  }
0x26: {  	[smem:$0x3F97] =	sst s1;
	(tag) =	ssettag s2;
	_ =	strace s9  }
0x27: {  	s1 =	sld [smem:$0x3FA7]  }
0x28: {  	s2 =	sld [smem:$0x3FA8]  }
0x29: {  	s4 =	sld [smem:$0x3FAA]  }
0x2a: {  	p0 =	seq.s32 s5, $0x0;
	s5 =	sld [smem:$0x3FAB]  }
0x2b: {  	s6 =	sld [smem:$0x3FAC]  }
0x2c: {  	s7 =	sld [smem:$0x3FAD]  }
0x2d: {  	s3 =	simm.s32 $0x108;
	s8 =	sld [smem:$0x3FAE]  }
0x2e: {  	s3 =	simm.s32 @!p0 $0x1082;
	s9 =	sld [smem:$0x3FAF]  }
0x2f: {  	lr =	sadd.s32 s0, s3;
	s0 =	sld [smem:$0x3FA6]  }
0x30: {  	s3 =	sld [smem:$0x3FA9]  }
0x31: {  	[smem:$0x3FB2] =	sst s10  }
0x32: {  	s10 =	sld [smem:$0x3FB0];
	_ =	sdelay $0x3  }
0x33: {  	p0 =	seq.s32 s10, $0x1;
	s10 =	sld [smem:$0x3FB2];
	_ =	sdelay $0x3  }
0x34: {  	[smem:$0x3FB2] =	sst s10  }
0x35: {  	s10 =	sld [smem:$0x3FB1];
	_ =	sdelay $0x3  }
0x36: {  	p1 =	seq.s32 s10, $0x1;
	s10 =	sld [smem:$0x3FB2];
	_ =	sdelay $0x3  }
0x37: {  	[smem:$0x3FB2] =	sst s10  }
0x38: {  	s10 =	sld [smem:$0x3FB3]  }
0x39: {  	_ = 	snop;
	(pc) =	sbr.ind lr, $3  }
0x3a: {  	_ = 	snop  }
0x3b: {  	_ = 	snop  }
0x3c: {  	p2 =	seq.s32 s10, $0x1;
	s10 =	sld [smem:$0x3FB2]  }
0x3d: {  	_ =	shalt  }
0x3e: {  	_ =	shalt  }
0x3f: {  	_ =	shalt  }
0x40: {  	_ =	shalt  }
0x41: {  	_ =	shalt  }
0x42: {  	_ =	shalt  }
0x43: {  	_ =	shalt  }
0x44: {  	_ =	shalt  }
0x45: {  	_ =	shalt  }
0x46: {  	_ =	shalt  }
0x47: {  	_ =	shalt  }
0x48: {  	_ =	shalt  }
0x49: {  	_ =	shalt  }
0x4a: {  	_ =	shalt  }
0x4b: {  	_ =	shalt  }
0x4c: {  	_ =	shalt  }
0x4d: {  	_ =	shalt  }
0x4e: {  	_ =	shalt  }
0x4f: {  	_ =	shalt  }
0x50: {  	_ =	shalt  }
0x51: {  	_ =	shalt  }
0x52: {  	_ =	shalt  }
0x53: {  	_ =	shalt  }
0x54: {  	_ =	shalt  }
0x55: {  	_ =	shalt  }
0x56: {  	_ =	shalt  }
0x57: {  	_ =	shalt  }
0x58: {  	_ =	shalt  }
0x59: {  	_ =	shalt  }
0x5a: {  	_ =	shalt  }
0x5b: {  	_ =	shalt  }
0x5c: {  	_ =	shalt  }
0x5d: {  	_ =	shalt  }
0x5e: {  	_ =	shalt  }
0x5f: {  	_ =	shalt  }
0x60: {  	_ =	shalt  }
0x61: {  	_ =	shalt  }
0x62: {  	_ =	shalt  }
0x63: {  	_ =	shalt  }
0x64: {  	_ =	shalt  }
0x65: {  	_ =	shalt  }
0x66: {  	_ =	shalt  }
0x67: {  	_ =	shalt  }
0x68: {  	_ =	shalt  }
0x69: {  	_ =	shalt  }
0x6a: {  	_ =	shalt  }
0x6b: {  	_ =	shalt  }
0x6c: {  	_ =	shalt  }
0x6d: {  	_ =	shalt  }
0x6e: {  	_ =	shalt  }
0x6f: {  	_ =	shalt  }
0x70: {  	_ =	shalt  }
0x71: {  	_ =	shalt  }
0x72: {  	_ =	shalt  }
0x73: {  	_ =	shalt  }
0x74: {  	_ =	shalt  }
0x75: {  	_ =	shalt  }
0x76: {  	_ =	shalt  }
0x77: {  	_ =	shalt  }
0x78: {  	_ =	shalt  }
0x79: {  	_ =	shalt  }
0x7a: {  	_ =	shalt  }
0x7b: {  	_ =	shalt  }
0x7c: {  	_ =	shalt  }
0x7d: {  	_ =	shalt  }
0x7e: {  	_ =	shalt  }
0x7f: {  	_ =	shalt  }
0x80: {  	_ =	shalt  }
0x81: {  	_ =	shalt  }
0x82: {  	_ =	shalt  }
0x83: {  	_ =	shalt  }
0x84: {  	_ =	shalt  }
0x85: {  	_ =	shalt  }
0x86: {  	_ =	shalt  }
0x87: {  	_ =	shalt  }
.Lfunc_end0:
.L_simem_size_0:
called_computation_lowered:
.L_overlay_start_0:
0x88: {  	s2 =	sld [smem:$0x3FD9]  }
0x89: {  	s3 =	sld [smem:$0x3FFE];
	_ =	sdelay $0x1  }
0x8a: {  	s1 =	srdreg.scid  }
0x8b: {  	s0 =	sand.u32 $0x1, s1  }
0x8c: {  	s16 =	sshll.u32 s0, $0xA;
	s2 =	sadd.s32 s3, s2  }
0x8d: {  	s2 =	sadd.s32 s2, s16  }
0x8e: {  	[smem:$0x3FBE] =	sst s2  }
0x8f: {  	_ = 	snop  }
0x90: {  	(tm) =	ssettm $0x1  }
0x91: {  	s17 =	sld [smem:$0x3FFB];
	_ =	sdelay $0x3  }
0x92: {  	_ =	strace s17  }
0x93: {  	s2 =	sld [smem:$0x3FFC];
	_ =	sdelay $0x3  }
0x94: {  	_ =	strace s2  }
0x95: {  	s2 =	sld [smem:$0x3FFD];
	_ =	sdelay $0x3  }
0x96: {  	_ =	strace s2  }
0x97: {  	_ =	strace $0x8FFFFFFF  }
0x98: {  	s18 =	sld [smem:$0x3FDB];
	_ =	sdelay $0x1  }
0x99: {  	s19 =	simm.s32 $_scs_section_size  }
0x9a: {  	s4 =	simm.s32 $_size__tile_overlayer_lowered;
	s5 =	simm.s32 $_tile_overlayer_lowered  }
0x9b: {  	s22 =	simm.s32 $0x1BFF;
	s21 =	sshll.u32 s5, $0x1;
	s2 =	sadd.s32 s19, s18  }
0x9c: {  	s6 =	simm.s32 $0x0;
	s20 =	sshll.u32 s4, $0x1;
	s4 =	sadd.s32 s21, s2  }
0x9d: {  	[timem:s6], [sflag:s22] =	dma.local [hbm:s4], s20  }
0x9e: {  	_ =	swait.ge [sflag:s22], s20  }
0x9f: {  	s3 =	ssub.s32 $0x0, s20;
	[sflag:s22] =	ssyncset.done $0x0  }
0xa0: {  	[sflag:s22] =	ssyncadd.s32 s3;
	_ =	sdelay $0x1  }
0xa1: {  	s23 =	simm.s32 $0x1B8B  }
0xa2: {  	_ =	swait.ge [sflag:s23], $0x1  }
0xa3: {  	[sflag:s23] =	ssyncset.done $0x0  }
0xa4: {  	s25 =	simm.s32 $0x1B8E;
	s24 =	sld [smem:$0x3FFE];
	[sflag:s23] =	ssyncadd.s32 $0xFFFFFFFF  }
0xa5: {  	s26 =	simm.s32 $execute0_lowered;
	[smem:$0x3FD2] =	sst s25  }
0xa6: {  	s4 =	sshll.u32 s26, $0x1;
	_ =	strace $0x80000046;
	[dreg:$0x1] =	wrdreg $0xFFFFFFFF  }
0xa7: {  	s28 =	simm.s32 $_size_execute0_lowered;
	s2 =	sadd.s32 s2, s4;
	[dreg:$0x0] =	wrdreg $0x0  }
0xa8: {  	s4 =	sshll.u32 s28, $0x1;
	[dreg:$0x2] =	wrdreg s2  }
0xa9: {  	[dreg:$0x3] =	wrdreg s4  }
0xaa: {  	[dreg:$0x4] =	wrdreg $0xC0  }
0xab: {  	_ =	task [dreg:s6], $0x5FFFF  }
0xac: {  	[dreg:$0x1] =	wrdreg $0xFFFFFFFF  }
0xad: {  	[dreg:$0x0] =	wrdreg $0x60  }
0xae: {  	[dreg:$0x2] =	wrdreg s24  }
0xaf: {  	[dreg:$0x3] =	wrdreg $0x31100  }
0xb0: {  	[dreg:$0x4] =	wrdreg $0x9  }
0xb1: {  	_ =	task.clear_ibuf [dreg:s6], $0x5FFFF;
	_ =	strace $0x90000046  }
0xb2: {  	s29 =	simm.s32 $0x9;
	_ =	strace $0x80000048  }
0xb3: {  	_ =	swait.ge [sflag:s29], $0x1  }
0xb4: {  	[sflag:s29] =	ssyncadd.s32 $0xFFFFFFFF  }
0xb5: {  	_ =	strace $0x90000048  }
0xb6: {  	_ =	sfence  }
0xb7: {  	s30 =	sld [smem:$0x0];
	_ =	sdelay $0x2  }
0xb8: {  	s31 =	sshll.u32 s1, $0xD;
	s1 =	sshrl.u32 s1, $0x2  }
0xb9: {  	s3 =	sand.u32 $0x4000, s31;
	s1 =	sadd.s32 s1, s30  }
0xba: {  	s0 =	sor.u32 s3, s0;
	s1 =	sshll.u32 s1, $0x11  }
0xbb: {  	s0 =	sor.u32 s1, s0  }
0xbc: {  	s0 =	sadd.s32 $0x8F2B, s0  }
0xbd: {  	[sflag:s0] =	ssyncadd.remote.s32 $0x1  }
0xbe: {  	_ =	sfence.sel $0xFFFF  }
0xbf: {  	[dreg:$0x0] =	wrdreg $0xFFFFFFFF;
	(pc) =	sbr.abs _section_cstart, $3  }
0xc0: {  	[dreg:$0x1] =	wrdreg $0xFFFFFFFF  }
0xc1: {  	_ =	task.clear_ibuf [dreg:s6], $0x2FFFF;
	_ =	strace $0x9FFFFFFF  }
0xc2: {  	(tm) =	ssettm $0x7FFFFFFF  }
0xc3: {  	_ =	shalt  }
tec
execute0_lowered:
.L_overlay_start_1:
0x0: {  	(tag) =	ssettag $0x1  }
0x1: {  	s0 =	srdreg.scid;
	s12 =	stileid.u32  }
0x2: {  	s0 =	sand.u32 $0x1, s0;
	s21 =	smul.u32 $0x1400, s12  }
0x3: {  	s2 =	rddreg [dreg:$0x0];
	s5 =	sor.u32 $0x10, s12;
	s4 =	smul.u32 $0x27100, s0  }
0x4: {  	s3 =	simm.s32 $0x0;
	s14 =	sor.u32 $0x20, s12;
	s8 =	smul.u32 $0x1400, s5  }
0x5: {  	s1 =	sshll.u32 s0, $0x4;
	s26 =	ssub.s32 $0x2, s0;
	s0 =	smul.u32 $0x500, s12  }
0x6: {  	s31 =	simm.s32 $0x2C10;
	s15 =	sor.u32 $0x30, s12;
	s22 =	smul.u32 $0x500, s14  }
0x7: {  	[smem:$0x7FF] =	sst s3;
	s16 =	sor.u32 $0x40, s12;
	s23 =	smul.u32 $0x500, s15  }
0x8: {  	s17 =	sor.u32 $0x60, s12;
	s18 =	sor.u32 $0x70, s12;
	s24 =	smul.u32 $0x500, s16  }
0x9: {  	s28 =	smul.u32 $0x500, s18;
	s1 =	sor.u32 s12, s1;
	s6 =	sshrl.u32 s26, $0x1  }
0xa: {  	p0 =	sgt.u32 s18, $0x7C;
	s1 =	smul.u32 $0x4E2, s1;
	s13 =	ssub.s32 s26, s6  }
0xb: {  	s6 =	sadd.s32 s4, s0;
	s9 =	sadd.s32 s4, s22;
	s10 =	sadd.s32 s4, s23  }
0xc: {  	s19 =	sadd.s32 s4, s24;
	s26 =	smul.u32 $0x500, s17;
	s6 =	sshrl.u32 s6, $0x3  }
0xd: {  	s11 =	sshrl.u32 s10, $0x3;
	s10 =	rddreg [dreg:$0x1];
	s13 =	smax.u32 s13, $0x1  }
0xe: {  	s3 =	sadd.s32 s1, s2;
	s2 =	sadd.s32 $0xD200, s2;
	s1 =	smul.u32 $0x500, s5  }
0xf: {  	s5 =	sor.u32 $0x50, s12;
	s0 =	sadd.s32 s0, s10;
	s30 =	sadd.s32 s28, s10  }
0x10: {  	s6 =	sadd.s32 s2, s6;
	s25 =	smul.u32 $0x500, s5;
	s12 =	sadd.s32 $0x3400, s3  }
0x11: {  	s3 =	smul.u32 $0x1400, s5;
	s30 =	sshrl.u32 @!p0 s30, $0x3;
	s7 =	sadd.s32 s4, s1  }
0x12: {  	[dreg:$0x3] =	wrdreg s6;
	s6 =	sshrl.u32 s9, $0x3;
	s9 =	sadd.s32 s4, s26  }
0x13: {  	s1 =	sadd.s32 s1, s10;
	s7 =	sshrl.u32 s7, $0x3;
	s6 =	sadd.s32 s2, s6  }
0x14: {  	s20 =	sadd.s32 s4, s25;
	s9 =	sshrl.u32 s9, $0x3;
	s4 =	sadd.s32 s4, s28  }
0x15: {  	s5 =	sadd.s32 s25, s10;
	s7 =	sadd.s32 s2, s7;
	[dreg:$0x5] =	wrdreg s6  }
0x16: {  	s6 =	sadd.s32 s2, s11;
	s9 =	sadd.s32 s2, s9;
	[dreg:$0x4] =	wrdreg s7  }
0x17: {  	s4 =	sshrl.u32 s4, $0x3;
	s28 =	sshrl.u32 s5, $0x3;
	[dreg:$0x6] =	wrdreg s6  }
0x18: {  	s6 =	sshrl.u32 s19, $0x3;
	s11 =	sadd.s32 s2, s4;
	s4 =	smul.u32 $0x1400, s14  }
0x19: {  	s7 =	sshrl.u32 s20, $0x3;
	s19 =	smul.u32 $0x1400, s15;
	s20 =	sshrl.u32 s8, $0x2  }
0x1a: {  	s8 =	sadd.s32 s26, s10;
	s6 =	sadd.s32 s2, s6;
	s7 =	sadd.s32 s2, s7  }
0x1b: {  	_ =	strace $0x80000047;
	s2 =	sshrl.u32 s21, $0x2;
	s21 =	smul.u32 $0x1400, s16  }
0x1c: {  	s15 =	sadd.s32 s20, s10;
	s29 =	sshrl.u32 s8, $0x3;
	s8 =	simm.s32 $0x2  }
0x1d: {  	s14 =	sadd.s32 s2, s10;
	s16 =	sshrl.u32 s4, $0x2;
	s19 =	sshrl.u32 s19, $0x2  }
0x1e: {  	s4 =	smul.u32 $0x1400, s17;
	s2 =	sadd.s32 s22, s10;
	s22 =	sshrl.u32 s0, $0x3  }
0x1f: {  	s0 =	simm.s32 $0x50;
	s16 =	sadd.s32 s16, s10;
	s20 =	sshrl.u32 s21, $0x2  }
0x20: {  	s21 =	smul.u32 $0x1400, s18;
	s17 =	sadd.s32 s19, s10;
	s19 =	sshrl.u32 s3, $0x2  }
0x21: {  	s3 =	sadd.s32 s23, s10;
	s23 =	sshrl.u32 s1, $0x3;
	s1 =	simm.s32 $0x1  }
0x22: {  	s18 =	sadd.s32 s20, s10;
	s19 =	sadd.s32 s19, s10;
	s20 =	sshrl.u32 s4, $0x2  }
0x23: {  	s4 =	sadd.s32 s24, s10;
	s24 =	sshrl.u32 s2, $0x3;
	s25 =	sshrl.u32 s3, $0x3  }
0x24: {  	s2 =	simm.s32 $0x2710;
	s3 =	simm.s32 $0x0;
	s21 =	sshrl.u32 s21, $0x2  }
0x25: {  	v0 =	vimm.f32 $1.000000000e+00;
	v1 =	vimm.f32 $0.0e+00;
	s20 =	sadd.s32 s20, s10;
	s26 =	sshrl.u32 s4, $0x3;
	s21 =	sadd.s32 s21, s10  }
.LBB2_1:
0x26: {  	s4 =	simm.s32 $0x0  }
0x27: {  	[tilespmem:s4], [sflag:$0x1] =	stream.linear.gather [hbm4b:s12+s4], $0x2710, $0x38;
	[tilespmem:$0x5820] =	vst v63  }
0x28: {  	s4 =	simm.s32 $0x0  }
.LBB2_2:
0x29: {  	p1 =	sne.s32 s4, $0x13C0  }
.Ltmp0:
0x2a: {  	_ = 	snop;
	(pc) =	sbr.rel @p1 .LBB2_2-.Ltmp0, $3  }
0x2b: {  	_ =	sdelay $0x1  }
0x2c: {  	s5 =	sshra.s32 s4, $0x2  }
0x2d: {  	s4 =	sadd.s32 $0x40, s4;
	[tilespmem:s5+$0x2710] =	vst v0  }
0x2e: {  	s4 =	simm.s32 $0x40;
	s5 =	simm.s32 $0x0  }
.LBB2_4:
0x2f: {  	p1 =	sne.s32 s4, $0x13C0;
	[tilespmem:s5+$0x2C10] =	vst v1;
	s5 =	smov.u32 s4;
	s4 =	sadd.s32 $0x40, s4  }
.Ltmp1:
0x30: {  	(pc) =	sbr.rel @p1 .LBB2_4-.Ltmp1, $2  }
0x31: {  	_ =	sdelay $0x2  }
0x32: {  	s5 =	sshra.s32 s5, $0x2  }
0x33: {  	[tilespmem:s5+$0x2C10] =	vst v1  }
0x34: {  	[spmem:s14] =	stream.linear.scatter [tilespmem:s31], [sflag:$0x2], $0x500, $0x38;
	[tilespmem:$0x5820] =	vst v63  }
0x35: {  	_ =	swait.ge [sflag:s8], $0x500  }
0x36: {  	[sflag:s8] =	ssyncset.done $0x0  }
0x37: {  	[sflag:s8] =	ssyncadd.s32 $0xFFFFFB00  }
0x38: {  	[spmem:s15] =	stream.linear.scatter [tilespmem:s31], [sflag:$0x2], $0x500, $0x38;
	[tilespmem:$0x5820] =	vst v63  }
0x39: {  	_ =	swait.ge [sflag:s8], $0x500  }
0x3a: {  	[sflag:s8] =	ssyncset.done $0x0  }
0x3b: {  	[sflag:s8] =	ssyncadd.s32 $0xFFFFFB00  }
0x3c: {  	[spmem:s16] =	stream.linear.scatter [tilespmem:s31], [sflag:$0x2], $0x500, $0x38;
	[tilespmem:$0x5820] =	vst v63  }
0x3d: {  	_ =	swait.ge [sflag:s8], $0x500  }
0x3e: {  	[sflag:s8] =	ssyncset.done $0x0  }
0x3f: {  	[sflag:s8] =	ssyncadd.s32 $0xFFFFFB00  }
0x40: {  	[spmem:s17] =	stream.linear.scatter [tilespmem:s31], [sflag:$0x2], $0x500, $0x38;
	[tilespmem:$0x5820] =	vst v63  }
0x41: {  	_ =	swait.ge [sflag:s8], $0x500  }
0x42: {  	[sflag:s8] =	ssyncset.done $0x0  }
0x43: {  	[sflag:s8] =	ssyncadd.s32 $0xFFFFFB00  }
0x44: {  	[spmem:s18] =	stream.linear.scatter [tilespmem:s31], [sflag:$0x2], $0x500, $0x38;
	[tilespmem:$0x5820] =	vst v63  }
0x45: {  	_ =	swait.ge [sflag:s8], $0x500  }
0x46: {  	[sflag:s8] =	ssyncset.done $0x0  }
0x47: {  	[sflag:s8] =	ssyncadd.s32 $0xFFFFFB00  }
0x48: {  	[spmem:s19] =	stream.linear.scatter [tilespmem:s31], [sflag:$0x2], $0x500, $0x38;
	[tilespmem:$0x5820] =	vst v63  }
0x49: {  	_ =	swait.ge [sflag:s8], $0x500  }
0x4a: {  	[sflag:s8] =	ssyncset.done $0x0  }
0x4b: {  	[sflag:s8] =	ssyncadd.s32 $0xFFFFFB00  }
0x4c: {  	[spmem:s20] =	stream.linear.scatter [tilespmem:s31], [sflag:$0x2], $0x500, $0x38;
	[tilespmem:$0x5820] =	vst v63  }
0x4d: {  	_ =	swait.ge [sflag:s8], $0x500  }
0x4e: {  	[sflag:s8] =	ssyncset.done $0x0  }
0x4f: {  	s4 =	simm.s32 @!p0 $0x2C10;
	[sflag:s8] =	ssyncadd.s32 $0xFFFFFB00  }
0x50: {  	[spmem:s21] =	stream.linear.scatter @!p0 [tilespmem:s4], [sflag:$0x2], $0x500, $0x38;
	[tilespmem:$0x5820] =	vst v63  }
0x51: {  	s4 =	simm.s32 @!p0 $0x2  }
0x52: {  	_ =	swait.ge @!p0 [sflag:s4], $0x500  }
0x53: {  	[sflag:s4] =	ssyncset.done @!p0 $0x0  }
0x54: {  	[sflag:s4] =	ssyncadd.s32 @!p0 $0xFFFFFB00  }
0x55: {  	_ =	swait.ge [sflag:s1], $0x2710  }
0x56: {  	[sflag:s1] =	ssyncset.done $0x0  }
0x57: {  	[sflag:s1] =	ssyncadd.s32 $0xFFFFD8F0  }
0x58: {  	s5 =	simm.s32 $0x0;
	[bflag:$0x0] =	sbarrier.arrive $0xFFFF  }
0x59: {  	[spmem:s10] =	stream.indirect.scatter.add.f32 [tilespmem:s2], [sflag:$0x2], $0x10, s5, s0, $0xb8;
	[tilespmem:$0x5820] =	vst v63  }
0x5a: {  	_ =	swait.ge [sflag:s8], $0x500  }
0x5b: {  	s4 =	simm.s32 $0x140;
	[sflag:s8] =	ssyncset.done $0x0  }
.LBB2_6:
0x5c: {  	s5 =	sshra.s32 s4, $0x2;
	[sflag:s8] =	ssyncadd.s32 $0xFFFFFB00;
	p1 =	sne.s32 s4, $0x9B00  }
0x5d: {  	[spmem:s10] =	stream.indirect.scatter.add.f32 [tilespmem:s2], [sflag:$0x2], $0x10, s5, s0, $0xb8;
	[tilespmem:$0x5820] =	vst v63  }
.Ltmp2:
0x5e: {  	_ = 	snop;
	(pc) =	sbr.rel @p1 .LBB2_6-.Ltmp2, $4  }
0x5f: {  	_ = 	snop  }
0x60: {  	s4 =	sadd.s32 $0x140, s4  }
0x61: {  	_ =	swait.ge [sflag:s8], $0x500  }
0x62: {  	[sflag:s8] =	ssyncset.done $0x0  }
0x63: {  	[sflag:s8] =	ssyncadd.s32 $0xFFFFFB00;
	s4 =	stileid.u32  }
0x64: {  	s4 =	sshll.u32 s4, $0x6;
	[bflag:$0x0] =	sbarrier.arrive $0xFFFF  }
0x65: {  	s4 =	sor.u32 $0x1C02, s4;
	s5 =	rddreg [dreg:$0x3]  }
0x66: {  	[hbm:s5], [sflag:s4] =	dma.local [spmem:s22], $0xA0  }
0x67: {  	_ =	swait.ge [sflag:s8], $0xA0  }
0x68: {  	[sflag:s8] =	ssyncset.done $0x0  }
0x69: {  	s5 =	rddreg [dreg:$0x4];
	[sflag:s8] =	ssyncadd.s32 $0xFFFFFF60  }
0x6a: {  	[hbm:s5], [sflag:s4] =	dma.local [spmem:s23], $0xA0  }
0x6b: {  	_ =	swait.ge [sflag:s8], $0xA0  }
0x6c: {  	[sflag:s8] =	ssyncset.done $0x0  }
0x6d: {  	s5 =	rddreg [dreg:$0x5];
	[sflag:s8] =	ssyncadd.s32 $0xFFFFFF60  }
0x6e: {  	[hbm:s5], [sflag:s4] =	dma.local [spmem:s24], $0xA0  }
0x6f: {  	_ =	swait.ge [sflag:s8], $0xA0  }
0x70: {  	[sflag:s8] =	ssyncset.done $0x0  }
0x71: {  	s5 =	rddreg [dreg:$0x6];
	[sflag:s8] =	ssyncadd.s32 $0xFFFFFF60  }
0x72: {  	[hbm:s5], [sflag:s4] =	dma.local [spmem:s25], $0xA0  }
0x73: {  	_ =	swait.ge [sflag:s8], $0xA0  }
0x74: {  	[sflag:s8] =	ssyncset.done $0x0  }
0x75: {  	[sflag:s8] =	ssyncadd.s32 $0xFFFFFF60  }
0x76: {  	[hbm:s6], [sflag:s4] =	dma.local [spmem:s26], $0xA0  }
0x77: {  	_ =	swait.ge [sflag:s8], $0xA0  }
0x78: {  	[sflag:s8] =	ssyncset.done $0x0  }
0x79: {  	[sflag:s8] =	ssyncadd.s32 $0xFFFFFF60  }
0x7a: {  	[hbm:s7], [sflag:s4] =	dma.local [spmem:s28], $0xA0  }
0x7b: {  	_ =	swait.ge [sflag:s8], $0xA0  }
0x7c: {  	[sflag:s8] =	ssyncset.done $0x0  }
0x7d: {  	[sflag:s8] =	ssyncadd.s32 $0xFFFFFF60  }
0x7e: {  	[hbm:s9], [sflag:s4] =	dma.local [spmem:s29], $0xA0  }
0x7f: {  	_ =	swait.ge [sflag:s8], $0xA0  }
0x80: {  	s3 =	sadd.s32 $0x1, s3;
	[sflag:s8] =	ssyncset.done $0x0  }
0x81: {  	p1 =	sne.s32 s3, s13;
	[sflag:s8] =	ssyncadd.s32 $0xFFFFFF60  }
0x82: {  	[hbm:s11], [sflag:s4] =	dma.local @!p0 [spmem:s30], $0xA0  }
.Ltmp3:
0x83: {  	_ = 	snop;
	(pc) =	sbr.rel @p1 .LBB2_1-.Ltmp3, $4  }
0x84: {  	s4 =	simm.s32 @!p0 $0x2  }
0x85: {  	_ =	swait.ge @!p0 [sflag:s4], $0xA0  }
0x86: {  	[sflag:s4] =	ssyncset.done @!p0 $0x0  }
0x87: {  	[sflag:s4] =	ssyncadd.s32 @!p0 $0xFFFFFF60  }
0x88: {  	_ =	sfence.sel $0x180000  }
0x89: {  	[bflag:$0x0] =	sbarrier.arrive $0xFFFF  }
0x8a: {  	_ =	strace $0x90000047  }
0x8b: {  	s0 =	stileid.u32;
	[bflag:$0x2] =	sbarrier.arrive $0xFFFF  }
0x8c: {  	p0 =	sne.s32 s0, $0x0;
	s0 =	rddreg [dreg:$0x2]  }
0x8d: {  	s0 =	sadd.s32 @!p0 $0x100000, s0  }
0x8e: {  	[sflag:s0] =	ssyncadd.tile.s32 @!p0 $0x1;
	_ =	shalt  }
.Lfunc_end2:
_tile_overlayer_lowered:
.L_overlay_start_2:
0x8f: {  	(tag) =	ssettag $0x2  }
0x90: {  	s0 =	rddreg [dreg:$0x0];
	s2 =	stileid.u32  }
0x91: {  	s1 =	rddreg [dreg:$0x1];
	p0 =	sne.s32 s2, $0x0  }
0x92: {  	s3 =	rddreg [dreg:$0x2];
	[bflag:$0x3] =	sbarrier.arrive $0xFFFF;
	s2 =	simm.s32 @!p0 $0x1C02  }
0x93: {  	[timem:s3], [sflag:s2] =	dma.local @!p0 [hbm:s0], s1  }
0x94: {  	s0 =	simm.s32 @!p0 $0x2  }
0x95: {  	_ =	swait.ge @!p0 [sflag:s0], s1  }
0x96: {  	s1 =	ssub.s32 @!p0 $0x0, s1;
	[sflag:s0] =	ssyncset.done @!p0 $0x0  }
0x97: {  	[sflag:s0] =	ssyncadd.s32 @!p0 s1  }
0x98: {  	[bflag:$0x3] =	sbarrier.arrive $0xFFFF  }
0x99: {  	_ =	shalt  }

// kernel: kernel.13.cloned.1.call-start
scs
__scs_entry_jumppad:
0x0: {  	(pc) =	sbr.rel $0x88, $3  }
0x1: {  	(tag) =	ssettag $0x0;
	lr =	simm.s32 $0x1  }
0x2: {  	[smem:$0x3F97] =	sst lr;
	_ =	strace $0xD0000000  }
0x3: {  	_ = 	snop  }
0x4: {  	_ = 	snop  }
0x5: {  	_ = 	snop  }
0x6: {  	_ = 	snop  }
0x7: {  	_ = 	snop  }
__scs_overlays_trampoline_lowered:
0x8: {  	[smem:$0x3FA6] =	sst s0  }
0x9: {  	[smem:$0x3FA7] =	sst s1  }
0xa: {  	[smem:$0x3FA8] =	sst s2  }
0xb: {  	[smem:$0x3FA9] =	sst s3  }
0xc: {  	[smem:$0x3FAA] =	sst s4  }
0xd: {  	[smem:$0x3FAB] =	sst s5  }
0xe: {  	[smem:$0x3FAC] =	sst s6  }
0xf: {  	[smem:$0x3FAD] =	sst s7  }
0x10: {  	[smem:$0x3FAE] =	sst s8  }
0x11: {  	[smem:$0x3FAF] =	sst s9;
	s0 =	simm.s32 @!p0 $0x0  }
0x12: {  	s1 =	sld [smem:$0x3F95];
	s0 =	simm.s32 @p0 $0x1  }
0x13: {  	[smem:$0x3FB0] =	sst s0;
	s0 =	simm.s32 @!p1 $0x0  }
0x14: {  	s2 =	sld [smem:$0x3F94];
	s0 =	simm.s32 @p1 $0x1  }
0x15: {  	[smem:$0x3FB1] =	sst s0;
	s0 =	simm.s32 @!p2 $0x0  }
0x16: {  	s3 =	sld [smem:$0x3FDB];
	s0 =	simm.s32 @p2 $0x1  }
0x17: {  	s4 =	simm.s32 $0x1BF5;
	[smem:$0x3FB3] =	sst s0  }
0x18: {  	s0 =	sld [smem:$0x3F96];
	_ =	swait.ge [sflag:s4], $0x0  }
0x19: {  	s7 =	sld [smem:$0x3F97]  }
0x1a: {  	s8 =	sadd.s32 $0xFFFFE003, lr  }
0x1b: {  	s9 =	sadd.s32 $0xFFFFFEF7, lr;
	s5 =	simm.s32 $0xFFFFFFFF;
	p2 =	slt.u32 s8, $0xFFFFF086  }
0x1c: {  	p1 =	slt.u32 s9, $0xF7A;
	s5 =	simm.s32 @!p2 $0x0  }
0x1d: {  	s5 =	simm.s32 @p1 $0x1;
	p0 =	seq.s32 s7, s2  }
0x1e: {  	s7 =	smul.u32 @!p0 $0xF7A, s2;
	p2 =	seq.s32 @!p0 s5, $0x0  }
0x1f: {  	s9 =	smul.u32 $0xF7A, s1;
	s8 =	simm.s32 @!p0 $0x1BF5;
	p2 =	por !p2, p0  }
0x20: {  	[sflag:s8] =	ssyncset.s32 @!p0 $0xFFFFF086;
	s6 =	sadd.s32 @!p0 s3, s7;
	s7 =	simm.s32 @!p0 $0x108  }
0x21: {  	s3 =	sadd.s32 s3, s9;
	s6 =	sadd.s32 @!p0 $0x88, s6;
	s7 =	simm.s32 @p2 $0x1082  }
0x22: {  	[simem:s7], [sflag:s8] =	dma.local @!p0 [hbm:s6], $0xF7A  }
0x23: {  	s9 =	sor.u32 $0xD0000000, s2;
	s6 =	simm.s32 $0x108;
	_ =	swait.ge @!p0 [sflag:s8], $0x0  }
0x24: {  	s3 =	sadd.s32 $0x88, s3;
	s6 =	simm.s32 @!p1 $0x1082;
	[sflag:s4] =	ssyncset.s32 $0xFFFFF086  }
0x25: {  	[simem:s6], [sflag:s4] =	dma.local [hbm:s3], $0xF7A  }
0x26: {  	[smem:$0x3F97] =	sst s1;
	(tag) =	ssettag s2;
	_ =	strace s9  }
0x27: {  	s1 =	sld [smem:$0x3FA7]  }
0x28: {  	s2 =	sld [smem:$0x3FA8]  }
0x29: {  	s4 =	sld [smem:$0x3FAA]  }
0x2a: {  	p0 =	seq.s32 s5, $0x0;
	s5 =	sld [smem:$0x3FAB]  }
0x2b: {  	s6 =	sld [smem:$0x3FAC]  }
0x2c: {  	s7 =	sld [smem:$0x3FAD]  }
0x2d: {  	s3 =	simm.s32 $0x108;
	s8 =	sld [smem:$0x3FAE]  }
0x2e: {  	s3 =	simm.s32 @!p0 $0x1082;
	s9 =	sld [smem:$0x3FAF]  }
0x2f: {  	lr =	sadd.s32 s0, s3;
	s0 =	sld [smem:$0x3FA6]  }
0x30: {  	s3 =	sld [smem:$0x3FA9]  }
0x31: {  	[smem:$0x3FB2] =	sst s10  }
0x32: {  	s10 =	sld [smem:$0x3FB0];
	_ =	sdelay $0x3  }
0x33: {  	p0 =	seq.s32 s10, $0x1;
	s10 =	sld [smem:$0x3FB2];
	_ =	sdelay $0x3  }
0x34: {  	[smem:$0x3FB2] =	sst s10  }
0x35: {  	s10 =	sld [smem:$0x3FB1];
	_ =	sdelay $0x3  }
0x36: {  	p1 =	seq.s32 s10, $0x1;
	s10 =	sld [smem:$0x3FB2];
	_ =	sdelay $0x3  }
0x37: {  	[smem:$0x3FB2] =	sst s10  }
0x38: {  	s10 =	sld [smem:$0x3FB3]  }
0x39: {  	_ = 	snop;
	(pc) =	sbr.ind lr, $3  }
0x3a: {  	_ = 	snop  }
0x3b: {  	_ = 	snop  }
0x3c: {  	p2 =	seq.s32 s10, $0x1;
	s10 =	sld [smem:$0x3FB2]  }
0x3d: {  	_ =	shalt  }
0x3e: {  	_ =	shalt  }
0x3f: {  	_ =	shalt  }
0x40: {  	_ =	shalt  }
0x41: {  	_ =	shalt  }
0x42: {  	_ =	shalt  }
0x43: {  	_ =	shalt  }
0x44: {  	_ =	shalt  }
0x45: {  	_ =	shalt  }
0x46: {  	_ =	shalt  }
0x47: {  	_ =	shalt  }
0x48: {  	_ =	shalt  }
0x49: {  	_ =	shalt  }
0x4a: {  	_ =	shalt  }
0x4b: {  	_ =	shalt  }
0x4c: {  	_ =	shalt  }
0x4d: {  	_ =	shalt  }
0x4e: {  	_ =	shalt  }
0x4f: {  	_ =	shalt  }
0x50: {  	_ =	shalt  }
0x51: {  	_ =	shalt  }
0x52: {  	_ =	shalt  }
0x53: {  	_ =	shalt  }
0x54: {  	_ =	shalt  }
0x55: {  	_ =	shalt  }
0x56: {  	_ =	shalt  }
0x57: {  	_ =	shalt  }
0x58: {  	_ =	shalt  }
0x59: {  	_ =	shalt  }
0x5a: {  	_ =	shalt  }
0x5b: {  	_ =	shalt  }
0x5c: {  	_ =	shalt  }
0x5d: {  	_ =	shalt  }
0x5e: {  	_ =	shalt  }
0x5f: {  	_ =	shalt  }
0x60: {  	_ =	shalt  }
0x61: {  	_ =	shalt  }
0x62: {  	_ =	shalt  }
0x63: {  	_ =	shalt  }
0x64: {  	_ =	shalt  }
0x65: {  	_ =	shalt  }
0x66: {  	_ =	shalt  }
0x67: {  	_ =	shalt  }
0x68: {  	_ =	shalt  }
0x69: {  	_ =	shalt  }
0x6a: {  	_ =	shalt  }
0x6b: {  	_ =	shalt  }
0x6c: {  	_ =	shalt  }
0x6d: {  	_ =	shalt  }
0x6e: {  	_ =	shalt  }
0x6f: {  	_ =	shalt  }
0x70: {  	_ =	shalt  }
0x71: {  	_ =	shalt  }
0x72: {  	_ =	shalt  }
0x73: {  	_ =	shalt  }
0x74: {  	_ =	shalt  }
0x75: {  	_ =	shalt  }
0x76: {  	_ =	shalt  }
0x77: {  	_ =	shalt  }
0x78: {  	_ =	shalt  }
0x79: {  	_ =	shalt  }
0x7a: {  	_ =	shalt  }
0x7b: {  	_ =	shalt  }
0x7c: {  	_ =	shalt  }
0x7d: {  	_ =	shalt  }
0x7e: {  	_ =	shalt  }
0x7f: {  	_ =	shalt  }
0x80: {  	_ =	shalt  }
0x81: {  	_ =	shalt  }
0x82: {  	_ =	shalt  }
0x83: {  	_ =	shalt  }
0x84: {  	_ =	shalt  }
0x85: {  	_ =	shalt  }
0x86: {  	_ =	shalt  }
0x87: {  	_ =	shalt  }
.Lfunc_end0:
.L_simem_size_0:
called_computation.1_lowered:
.L_overlay_start_0:
0x88: {  	s2 =	sld [smem:$0x3FD9]  }
0x89: {  	s3 =	sld [smem:$0x3FFE];
	_ =	sdelay $0x1  }
0x8a: {  	s1 =	srdreg.scid  }
0x8b: {  	s0 =	sand.u32 $0x1, s1  }
0x8c: {  	s17 =	sshll.u32 s0, $0xA;
	s2 =	sadd.s32 s3, s2  }
0x8d: {  	s2 =	sadd.s32 s2, s17  }
0x8e: {  	[smem:$0x3FBE] =	sst s2  }
0x8f: {  	_ = 	snop  }
0x90: {  	s2 =	sld [smem:$0x3FD0];
	(tm) =	ssettm $0x1  }
0x91: {  	s18 =	sld [smem:$0x3FFB];
	_ =	sdelay $0x3  }
0x92: {  	_ =	strace s18  }
0x93: {  	s3 =	sld [smem:$0x3FFC];
	_ =	sdelay $0x3  }
0x94: {  	_ =	strace s3  }
0x95: {  	s3 =	sld [smem:$0x3FFD];
	_ =	sdelay $0x3  }
0x96: {  	_ =	strace s3  }
0x97: {  	_ =	strace $0x8FFFFFFF  }
0x98: {  	s19 =	sld [smem:$0x3FDB];
	_ =	sdelay $0x1  }
0x99: {  	s4 =	simm.s32 $_scs_section_size  }
0x9a: {  	s5 =	simm.s32 $_size__tile_overlayer_lowered;
	s6 =	simm.s32 $_tile_overlayer_lowered  }
0x9b: {  	s22 =	simm.s32 $0x1BFF;
	s21 =	sshll.u32 s6, $0x1;
	s3 =	sadd.s32 s4, s19  }
0x9c: {  	s7 =	simm.s32 $0x0;
	s20 =	sshll.u32 s5, $0x1;
	s5 =	sadd.s32 s21, s3  }
0x9d: {  	[timem:s7], [sflag:s22] =	dma.local [hbm:s5], s20  }
0x9e: {  	_ =	swait.ge [sflag:s22], s20  }
0x9f: {  	s4 =	ssub.s32 $0x0, s20;
	[sflag:s22] =	ssyncset.done $0x0  }
0xa0: {  	[sflag:s22] =	ssyncadd.s32 s4;
	_ =	sdelay $0x1  }
0xa1: {  	s23 =	simm.s32 $0x1B8B  }
0xa2: {  	_ =	swait.ge [sflag:s23], $0x1  }
0xa3: {  	[sflag:s23] =	ssyncset.done $0x0  }
0xa4: {  	s25 =	simm.s32 $0x1B8E;
	s24 =	sld [smem:$0x3FFE];
	[sflag:s23] =	ssyncadd.s32 $0xFFFFFFFF  }
0xa5: {  	s26 =	simm.s32 $execute0_lowered;
	[smem:$0x3FD2] =	sst s25  }
0xa6: {  	s5 =	sshll.u32 s26, $0x1;
	_ =	strace $0x80000049;
	[dreg:$0x1] =	wrdreg $0xFFFFFFFF  }
0xa7: {  	s28 =	simm.s32 $_size_execute0_lowered;
	s3 =	sadd.s32 s3, s5;
	[dreg:$0x0] =	wrdreg $0x0  }
0xa8: {  	s5 =	sshll.u32 s28, $0x1;
	[dreg:$0x2] =	wrdreg s3  }
0xa9: {  	[dreg:$0x3] =	wrdreg s5  }
0xaa: {  	[dreg:$0x4] =	wrdreg $0xC0  }
0xab: {  	_ =	task [dreg:s7], $0x5FFFF  }
0xac: {  	[dreg:$0x1] =	wrdreg $0xFFFFFFFF  }
0xad: {  	[dreg:$0x0] =	wrdreg $0x60  }
0xae: {  	[dreg:$0x2] =	wrdreg s24  }
0xaf: {  	[dreg:$0x3] =	wrdreg s2  }
0xb0: {  	[dreg:$0x4] =	wrdreg $0xC7600  }
0xb1: {  	[dreg:$0x5] =	wrdreg $0x9  }
0xb2: {  	_ =	task.clear_ibuf [dreg:s7], $0x6FFFF;
	_ =	strace $0x90000049  }
0xb3: {  	s29 =	simm.s32 $0x9;
	_ =	strace $0x8000004B  }
0xb4: {  	_ =	swait.ge [sflag:s29], $0x1  }
0xb5: {  	[sflag:s29] =	ssyncadd.s32 $0xFFFFFFFF  }
0xb6: {  	_ =	strace $0x9000004B  }
0xb7: {  	_ =	sfence  }
0xb8: {  	s30 =	sld [smem:$0x0];
	_ =	sdelay $0x2  }
0xb9: {  	s31 =	sshll.u32 s1, $0xD;
	s1 =	sshrl.u32 s1, $0x2  }
0xba: {  	s3 =	sand.u32 $0x4000, s31;
	s1 =	sadd.s32 s1, s30  }
0xbb: {  	s0 =	sor.u32 s3, s0;
	s1 =	sshll.u32 s1, $0x11  }
0xbc: {  	s0 =	sor.u32 s1, s0  }
0xbd: {  	s0 =	sadd.s32 $0x8F2B, s0  }
0xbe: {  	[sflag:s0] =	ssyncadd.remote.s32 $0x1  }
0xbf: {  	_ =	sfence.sel $0xFFFF  }
0xc0: {  	[dreg:$0x0] =	wrdreg $0xFFFFFFFF;
	(pc) =	sbr.abs _section_cstart, $3  }
0xc1: {  	[dreg:$0x1] =	wrdreg $0xFFFFFFFF  }
0xc2: {  	_ =	task.clear_ibuf [dreg:s7], $0x2FFFF;
	_ =	strace $0x9FFFFFFF  }
0xc3: {  	(tm) =	ssettm $0x7FFFFFFF  }
tec
execute0_lowered:
.L_overlay_start_1:
0x0: {  	(tag) =	ssettag $0x1  }
0x1: {  	s2 =	rddreg [dreg:$0x0]  }
0x2: {  	s0 =	srdreg.scid;
	s1 =	rddreg [dreg:$0x1]  }
0x3: {  	s16 =	stileid.u32;
	s5 =	simm.s32 $0x0;
	s28 =	simm.s32 $0x1310  }
0x4: {  	s29 =	simm.s32 $0x26C0;
	s30 =	simm.s32 $0x0;
	s0 =	sand.u32 $0x1, s0  }
0x5: {  	[smem:$0x7FF] =	sst s5;
	s3 =	sshll.u32 s0, $0x4;
	s5 =	smul.u32 $0x138800, s0  }
0x6: {  	s4 =	ssub.s32 $0x2, s0;
	s0 =	smul.u32 $0x2800, s16;
	s3 =	sor.u32 s16, s3  }
0x7: {  	s6 =	sadd.s32 $0x3400, s2;
	s8 =	sor.u32 $0x10, s16;
	s3 =	smul.u32 $0x2710, s3  }
0x8: {  	s7 =	sadd.s32 $0x34400, s2;
	s10 =	smul.u32 $0xA000, s8;
	s11 =	sadd.s32 s5, s0  }
0x9: {  	s15 =	sshrl.u32 s4, $0x1;
	s11 =	sshrl.u32 s11, $0x3;
	s3 =	sshrl.u32 s3, $0x3  }
0xa: {  	s4 =	ssub.s32 s4, s15;
	s11 =	sadd.s32 s7, s11;
	s17 =	sadd.s32 s1, s3  }
0xb: {  	s9 =	sadd.s32 $0x276, s3;
	s18 =	sadd.s32 s6, s3;
	s3 =	sor.u32 $0x20, s16  }
0xc: {  	[dreg:$0x8] =	wrdreg s11;
	s19 =	sadd.s32 s1, s9;
	s1 =	smul.u32 $0x2800, s8  }
0xd: {  	s20 =	sadd.s32 s6, s9;
	s6 =	sor.u32 $0x30, s16;
	s14 =	smul.u32 $0x2800, s3  }
0xe: {  	[dreg:$0x4] =	wrdreg s17;
	s8 =	sor.u32 $0x40, s16;
	s15 =	smul.u32 $0x2800, s6  }
0xf: {  	[dreg:$0x5] =	wrdreg s18;
	s9 =	sor.u32 $0x50, s16;
	s18 =	smul.u32 $0x2800, s8  }
0x10: {  	s17 =	sor.u32 $0x60, s16;
	[dreg:$0x6] =	wrdreg s19;
	s19 =	smul.u32 $0x2800, s9  }
0x11: {  	[dreg:$0x7] =	wrdreg s20;
	s20 =	smul.u32 $0x2800, s17;
	s12 =	sadd.s32 s5, s1  }
0x12: {  	s22 =	sadd.s32 s5, s14;
	s12 =	sshrl.u32 s12, $0x3;
	s23 =	sadd.s32 s5, s15  }
0x13: {  	s11 =	sshrl.u32 s22, $0x3;
	s25 =	sadd.s32 s5, s18;
	s13 =	sadd.s32 s5, s19  }
0x14: {  	s31 =	sadd.s32 s5, s20;
	s22 =	smul.u32 $0xA000, s3;
	s21 =	sadd.s32 s7, s12  }
0x15: {  	s12 =	sshrl.u32 s23, $0x3;
	s11 =	sadd.s32 s7, s11;
	[dreg:$0x9] =	wrdreg s21  }
0x16: {  	s13 =	sshrl.u32 s13, $0x3;
	[dreg:$0xa] =	wrdreg s11;
	s24 =	sadd.s32 s7, s12  }
0x17: {  	s11 =	sor.u32 $0x70, s16;
	s26 =	sadd.s32 s7, s13;
	s13 =	rddreg [dreg:$0x2]  }
0x18: {  	s12 =	sshrl.u32 s25, $0x3;
	s25 =	smul.u32 $0xA000, s6;
	[dreg:$0xb] =	wrdreg s24  }
0x19: {  	s21 =	smul.u32 $0x2800, s11;
	s12 =	sadd.s32 s7, s12;
	[dreg:$0xd] =	wrdreg s26  }
0x1a: {  	s24 =	sshrl.u32 s10, $0x2;
	p0 =	sgt.u32 s11, $0x7C;
	s10 =	smul.u32 $0xA000, s11  }
0x1b: {  	s0 =	sadd.s32 s0, s13;
	s1 =	sadd.s32 s1, s13;
	s14 =	sadd.s32 s14, s13  }
0x1c: {  	s18 =	sadd.s32 s18, s13;
	s19 =	sadd.s32 s19, s13;
	s20 =	sadd.s32 s20, s13  }
0x1d: {  	[dreg:$0xc] =	wrdreg s12;
	s12 =	sshrl.u32 s31, $0x3;
	s26 =	sadd.s32 s24, s13  }
0x1e: {  	s31 =	smul.u32 $0xA000, s8;
	s6 =	sshrl.u32 s25, $0x2;
	s0 =	sshrl.u32 s0, $0x3  }
0x1f: {  	s25 =	sshrl.u32 s18, $0x3;
	s18 =	simm.s32 $0x5;
	s5 =	sadd.s32 s5, s21  }
0x20: {  	s12 =	sadd.s32 s7, s12;
	s8 =	sadd.s32 s6, s13;
	s5 =	sshrl.u32 s5, $0x3  }
0x21: {  	[dreg:$0xe] =	wrdreg s12;
	s12 =	smax.u32 s4, $0x1;
	s5 =	sadd.s32 s7, s5  }
0x22: {  	s7 =	smul.u32 $0xA000, s16;
	s16 =	sadd.s32 $0xD200, s2;
	[dreg:$0xf] =	wrdreg s5  }
0x23: {  	s2 =	sshrl.u32 s22, $0x2;
	_ =	strace $0x8000004A;
	[dreg:$0x10] =	wrdreg s12  }
0x24: {  	s6 =	simm.s32 $0x2;
	s2 =	sadd.s32 s2, s13;
	[dreg:$0x12] =	wrdreg s26  }
0x25: {  	s4 =	simm.s32 $0x9;
	s22 =	sshrl.u32 s1, $0x3;
	[dreg:$0x13] =	wrdreg s2  }
0x26: {  	s23 =	sshrl.u32 s7, $0x2;
	s7 =	smul.u32 $0xA000, s9;
	[dreg:$0x14] =	wrdreg s8  }
0x27: {  	s5 =	simm.s32 $0x1;
	s9 =	smul.u32 $0xA000, s17;
	[dreg:$0x19] =	wrdreg s0  }
0x28: {  	s12 =	sshrl.u32 s10, $0x2;
	s17 =	sadd.s32 s15, s13;
	[dreg:$0x1a] =	wrdreg s22  }
0x29: {  	[dreg:$0x1d] =	wrdreg s25;
	s26 =	sshrl.u32 s19, $0x3;
	s8 =	simm.s32 $0x4F60  }
0x2a: {  	s10 =	simm.s32 $0x7760;
	s15 =	simm.s32 $0x3;
	s19 =	simm.s32 $0x6  }
0x2b: {  	s22 =	simm.s32 $0x2530;
	s25 =	simm.s32 $0x2620;
	s3 =	sadd.s32 s23, s13  }
0x2c: {  	s23 =	sshrl.u32 s14, $0x3;
	s24 =	sshrl.u32 s17, $0x3;
	[dreg:$0x1e] =	wrdreg s26  }
0x2d: {  	s14 =	simm.s32 $0x9F60;
	s17 =	simm.s32 $0x4;
	s26 =	simm.s32 $0x2670  }
0x2e: {  	[dreg:$0x11] =	wrdreg s3;
	s3 =	sshrl.u32 s31, $0x2;
	s11 =	sshrl.u32 s7, $0x2  }
0x2f: {  	s2 =	sshrl.u32 s9, $0x2;
	s7 =	sadd.s32 s21, s13;
	[dreg:$0x1b] =	wrdreg s23  }
0x30: {  	[dreg:$0x1c] =	wrdreg s24;
	s31 =	sshrl.u32 s20, $0x3;
	s9 =	simm.s32 $0xA0  }
0x31: {  	s20 =	simm.s32 $0x7;
	s21 =	simm.s32 $0x8;
	s23 =	simm.s32 $0x2580  }
0x32: {  	s24 =	simm.s32 $0x25D0;
	s3 =	sadd.s32 s3, s13;
	[dreg:$0x1f] =	wrdreg s31  }
0x33: {  	s2 =	sadd.s32 s2, s13;
	s1 =	sshrl.u32 @!p0 s7, $0x3;
	[dreg:$0x15] =	wrdreg s3  }
0x34: {  	s7 =	simm.s32 $0x50;
	s3 =	sadd.s32 s11, s13;
	[dreg:$0x17] =	wrdreg s2  }
0x35: {  	s2 =	sadd.s32 s12, s13;
	s11 =	simm.s32 $0xF0;
	[dreg:$0x16] =	wrdreg s3  }
0x36: {  	v0 =	vimm.f32 $0.0e+00;
	[dreg:$0x18] =	wrdreg s2;
	s3 =	simm.s32 $0x2760;
	s2 =	simm.s32 $0x12C0  }
.LBB2_1:
0x37: {  	s0 =	simm.s32 $0x0;
	s12 =	rddreg [dreg:$0x4]  }
0x38: {  	[tilespmem:s0], [sflag:$0x1] =	stream.linear.gather [hbm4b:s12+s0], $0x13B0, $0x38;
	v63 =	vld [tilespmem:$0x0]  }
0x39: {  	s31 =	simm.s32 $0x13B0;
	s12 =	rddreg [dreg:$0x5]  }
0x3a: {  	[tilespmem:s31], [sflag:$0x2] =	stream.linear.gather [hbm4b:s12+s0], $0x13B0, $0x38;
	v63 =	vld [tilespmem:$0x0]  }
0x3b: {  	s12 =	simm.s32 $0x0;
	s31 =	simm.s32 $0x200  }
.LBB2_2:
0x3c: {  	p1 =	sne.s32 s31, $0x9E00;
	[tilespmem:s12+$0x27D0] =	vst v0  }
0x3d: {  	[tilespmem:s12+$0x2760] =	vst v0  }
0x3e: {  	[tilespmem:s12+$0x2770] =	vst v0  }
.Ltmp0:
0x3f: {  	[tilespmem:s12+$0x2780] =	vst v0;
	(pc) =	sbr.rel @p1 .LBB2_2-.Ltmp0, $4  }
0x40: {  	[tilespmem:s12+$0x2790] =	vst v0  }
0x41: {  	[tilespmem:s12+$0x27A0] =	vst v0  }
0x42: {  	[tilespmem:s12+$0x27B0] =	vst v0  }
0x43: {  	[tilespmem:s12+$0x27C0] =	vst v0;
	s12 =	sshra.s32 s31, $0x2;
	s31 =	sadd.s32 $0x200, s31  }
0x44: {  	[tilespmem:s12+$0x27D0] =	vst v0  }
0x45: {  	[tilespmem:s12+$0x2760] =	vst v0  }
0x46: {  	[tilespmem:s12+$0x2770] =	vst v0  }
0x47: {  	[tilespmem:s12+$0x2780] =	vst v0  }
0x48: {  	[tilespmem:s12+$0x2790] =	vst v0  }
0x49: {  	[tilespmem:s12+$0x27A0] =	vst v0  }
0x4a: {  	[tilespmem:s12+$0x27B0] =	vst v0  }
0x4b: {  	[tilespmem:s12+$0x27C0] =	vst v0;
	s0 =	rddreg [dreg:$0x11]  }
0x4c: {  	[spmem:s0] =	stream.linear.scatter [tilespmem:s3], [sflag:$0x9], $0x2800, $0x38;
	v63 =	vld [tilespmem:$0x0]  }
0x4d: {  	_ =	swait.ge [sflag:s4], $0x2800  }
0x4e: {  	[sflag:s4] =	ssyncset.done $0x0  }
0x4f: {  	s12 =	rddreg [dreg:$0x12];
	[sflag:s4] =	ssyncadd.s32 $0xFFFFD800  }
0x50: {  	[spmem:s12] =	stream.linear.scatter [tilespmem:s3], [sflag:$0x9], $0x2800, $0x38;
	v63 =	vld [tilespmem:$0x0]  }
0x51: {  	_ =	swait.ge [sflag:s4], $0x2800  }
0x52: {  	[sflag:s4] =	ssyncset.done $0x0  }
0x53: {  	s12 =	rddreg [dreg:$0x13];
	[sflag:s4] =	ssyncadd.s32 $0xFFFFD800  }
0x54: {  	[spmem:s12] =	stream.linear.scatter [tilespmem:s3], [sflag:$0x9], $0x2800, $0x38;
	v63 =	vld [tilespmem:$0x0]  }
0x55: {  	_ =	swait.ge [sflag:s4], $0x2800  }
0x56: {  	[sflag:s4] =	ssyncset.done $0x0  }
0x57: {  	s12 =	rddreg [dreg:$0x14];
	[sflag:s4] =	ssyncadd.s32 $0xFFFFD800  }
0x58: {  	[spmem:s12] =	stream.linear.scatter [tilespmem:s3], [sflag:$0x9], $0x2800, $0x38;
	v63 =	vld [tilespmem:$0x0]  }
0x59: {  	_ =	swait.ge [sflag:s4], $0x2800  }
0x5a: {  	[sflag:s4] =	ssyncset.done $0x0  }
0x5b: {  	s12 =	rddreg [dreg:$0x15];
	[sflag:s4] =	ssyncadd.s32 $0xFFFFD800  }
0x5c: {  	[spmem:s12] =	stream.linear.scatter [tilespmem:s3], [sflag:$0x9], $0x2800, $0x38;
	v63 =	vld [tilespmem:$0x0]  }
0x5d: {  	_ =	swait.ge [sflag:s4], $0x2800  }
0x5e: {  	[sflag:s4] =	ssyncset.done $0x0  }
0x5f: {  	s12 =	rddreg [dreg:$0x16];
	[sflag:s4] =	ssyncadd.s32 $0xFFFFD800  }
0x60: {  	[spmem:s12] =	stream.linear.scatter [tilespmem:s3], [sflag:$0x9], $0x2800, $0x38;
	v63 =	vld [tilespmem:$0x0]  }
0x61: {  	_ =	swait.ge [sflag:s4], $0x2800  }
0x62: {  	[sflag:s4] =	ssyncset.done $0x0  }
0x63: {  	s12 =	rddreg [dreg:$0x17];
	[sflag:s4] =	ssyncadd.s32 $0xFFFFD800  }
0x64: {  	[spmem:s12] =	stream.linear.scatter [tilespmem:s3], [sflag:$0x9], $0x2800, $0x38;
	v63 =	vld [tilespmem:$0x0]  }
0x65: {  	_ =	swait.ge [sflag:s4], $0x2800  }
0x66: {  	[sflag:s4] =	ssyncset.done $0x0  }
0x67: {  	s12 =	simm.s32 @!p0 $0x2760;
	s0 =	rddreg [dreg:$0x18];
	[sflag:s4] =	ssyncadd.s32 $0xFFFFD800  }
0x68: {  	[spmem:s0] =	stream.linear.scatter @!p0 [tilespmem:s12], [sflag:$0x9], $0x2800, $0x38;
	v63 =	vld [tilespmem:$0x0]  }
0x69: {  	s12 =	simm.s32 @!p0 $0x9  }
0x6a: {  	_ =	swait.ge @!p0 [sflag:s12], $0x2800  }
0x6b: {  	[sflag:s12] =	ssyncset.done @!p0 $0x0  }
0x6c: {  	[sflag:s12] =	ssyncadd.s32 @!p0 $0xFFFFD800  }
0x6d: {  	_ =	swait.ge [sflag:s5], $0x13B0  }
0x6e: {  	[sflag:s5] =	ssyncset.done $0x0  }
0x6f: {  	[sflag:s5] =	ssyncadd.s32 $0xFFFFEC50  }
0x70: {  	_ =	swait.ge [sflag:s6], $0x13B0  }
0x71: {  	[sflag:s6] =	ssyncset.done $0x0  }
0x72: {  	[sflag:s6] =	ssyncadd.s32 $0xFFFFEC50  }
0x73: {  	s0 =	simm.s32 $0x0;
	[bflag:$0x0] =	sbarrier.arrive $0xFFFF  }
0x74: {  	[tilespmem:s3], [sflag:$0x1] =	stream.indirect.gather [hbm4b:s16+s7], $0x80, s0, s7, $0xb8;
	v63 =	vld [tilespmem:$0x0]  }
0x75: {  	_ = 	snop  }
0x76: {  	[tilespmem:s8], [sflag:$0x2] =	stream.indirect.gather [hbm4b:s16+s7], $0x80, s7, s7, $0xb8;
	v63 =	vld [tilespmem:$0x0]  }
0x77: {  	_ = 	snop  }
0x78: {  	[tilespmem:s10], [sflag:$0x3] =	stream.indirect.gather [hbm4b:s16+s7], $0x80, s9, s7, $0xb8;
	v63 =	vld [tilespmem:$0x0]  }
0x79: {  	_ = 	snop  }
0x7a: {  	[tilespmem:s14], [sflag:$0x4] =	stream.indirect.gather [hbm4b:s16+s7], $0x80, s11, s7, $0xb8;
	v63 =	vld [tilespmem:$0x0]  }
0x7b: {  	_ =	swait.ge [sflag:s5], $0x2800  }
0x7c: {  	[sflag:s5] =	ssyncset.done $0x0  }
0x7d: {  	s0 =	simm.s32 $0x13B0;
	[sflag:s5] =	ssyncadd.s32 $0xFFFFD800  }
0x7e: {  	[spmem:s13] =	stream.indirect.scatter.add.f32 [tilespmem:s3], [sflag:$0x5], $0x80, s0, s7, $0xb8;
	v63 =	vld [tilespmem:$0x0]  }
0x7f: {  	_ =	swait.ge [sflag:s6], $0x2800  }
0x80: {  	[sflag:s6] =	ssyncset.done $0x0  }
0x81: {  	s0 =	simm.s32 $0x1400;
	[sflag:s6] =	ssyncadd.s32 $0xFFFFD800  }
0x82: {  	[spmem:s13] =	stream.indirect.scatter.add.f32 [tilespmem:s8], [sflag:$0x6], $0x80, s0, s7, $0xb8;
	v63 =	vld [tilespmem:$0x0]  }
0x83: {  	_ =	swait.ge [sflag:s15], $0x2800  }
0x84: {  	[sflag:s15] =	ssyncset.done $0x0  }
0x85: {  	s0 =	simm.s32 $0x1450;
	[sflag:s15] =	ssyncadd.s32 $0xFFFFD800  }
0x86: {  	[spmem:s13] =	stream.indirect.scatter.add.f32 [tilespmem:s10], [sflag:$0x7], $0x80, s0, s7, $0xb8;
	v63 =	vld [tilespmem:$0x0]  }
0x87: {  	_ =	swait.ge [sflag:s17], $0x2800  }
0x88: {  	[sflag:s17] =	ssyncset.done $0x0  }
0x89: {  	s0 =	simm.s32 $0x14A0;
	[sflag:s17] =	ssyncadd.s32 $0xFFFFD800  }
0x8a: {  	[spmem:s13] =	stream.indirect.scatter.add.f32 [tilespmem:s14], [sflag:$0x8], $0x80, s0, s7, $0xb8;
	v63 =	vld [tilespmem:$0x0]  }
0x8b: {  	_ =	swait.ge [sflag:s18], $0x2800  }
0x8c: {  	[sflag:s18] =	ssyncset.done $0x0  }
0x8d: {  	s0 =	simm.s32 $0x140;
	[sflag:s18] =	ssyncadd.s32 $0xFFFFD800  }
0x8e: {  	[tilespmem:s3], [sflag:$0x1] =	stream.indirect.gather [hbm4b:s16+s7], $0x80, s0, s7, $0xb8;
	v63 =	vld [tilespmem:$0x0]  }
0x8f: {  	_ =	swait.ge [sflag:s19], $0x2800  }
0x90: {  	[sflag:s19] =	ssyncset.done $0x0  }
0x91: {  	s0 =	simm.s32 $0x190;
	[sflag:s19] =	ssyncadd.s32 $0xFFFFD800  }
0x92: {  	[tilespmem:s8], [sflag:$0x2] =	stream.indirect.gather [hbm4b:s16+s7], $0x80, s0, s7, $0xb8;
	v63 =	vld [tilespmem:$0x0]  }
0x93: {  	_ =	swait.ge [sflag:s20], $0x2800  }
0x94: {  	[sflag:s20] =	ssyncset.done $0x0  }
0x95: {  	s0 =	simm.s32 $0x1E0;
	[sflag:s20] =	ssyncadd.s32 $0xFFFFD800  }
0x96: {  	[tilespmem:s10], [sflag:$0x3] =	stream.indirect.gather [hbm4b:s16+s7], $0x80, s0, s7, $0xb8;
	v63 =	vld [tilespmem:$0x0]  }
0x97: {  	_ =	swait.ge [sflag:s21], $0x2800  }
0x98: {  	[sflag:s21] =	ssyncset.done $0x0  }
0x99: {  	s31 =	simm.s32 $0x500;
	s12 =	simm.s32 $0x230;
	[sflag:s21] =	ssyncadd.s32 $0xFFFFD800  }
.LBB2_4:
0x9a: {  	[tilespmem:s14], [sflag:$0x4] =	stream.indirect.gather [hbm4b:s16+s7], $0x80, s12, s7, $0xb8;
	v63 =	vld [tilespmem:$0x0]  }
0x9b: {  	s12 =	smov.u32 s31  }
0x9c: {  	p1 =	sne.s32 s31, $0x4100;
	s31 =	sadd.s32 $0x500, s31;
	_ =	swait.ge [sflag:s5], $0x2800  }
0x9d: {  	s12 =	sshra.s32 s12, $0x2;
	[sflag:s5] =	ssyncset.done $0x0  }
0x9e: {  	s0 =	sadd.s32 $0x13B0, s12;
	[sflag:s5] =	ssyncadd.s32 $0xFFFFD800  }
0x9f: {  	[spmem:s13] =	stream.indirect.scatter.add.f32 [tilespmem:s3], [sflag:$0x5], $0x80, s0, s7, $0xb8;
	v63 =	vld [tilespmem:$0x0]  }
0xa0: {  	_ =	swait.ge [sflag:s6], $0x2800  }
0xa1: {  	[sflag:s6] =	ssyncset.done $0x0  }
0xa2: {  	s0 =	sadd.s32 $0x1400, s12;
	[sflag:s6] =	ssyncadd.s32 $0xFFFFD800  }
0xa3: {  	[spmem:s13] =	stream.indirect.scatter.add.f32 [tilespmem:s8], [sflag:$0x6], $0x80, s0, s7, $0xb8;
	v63 =	vld [tilespmem:$0x0]  }
0xa4: {  	_ =	swait.ge [sflag:s15], $0x2800  }
0xa5: {  	[sflag:s15] =	ssyncset.done $0x0  }
0xa6: {  	s0 =	sadd.s32 $0x1450, s12;
	[sflag:s15] =	ssyncadd.s32 $0xFFFFD800  }
0xa7: {  	[spmem:s13] =	stream.indirect.scatter.add.f32 [tilespmem:s10], [sflag:$0x7], $0x80, s0, s7, $0xb8;
	v63 =	vld [tilespmem:$0x0]  }
0xa8: {  	_ =	swait.ge [sflag:s17], $0x2800  }
0xa9: {  	[sflag:s17] =	ssyncset.done $0x0  }
0xaa: {  	s0 =	sadd.s32 $0x14A0, s12;
	[sflag:s17] =	ssyncadd.s32 $0xFFFFD800  }
0xab: {  	[spmem:s13] =	stream.indirect.scatter.add.f32 [tilespmem:s14], [sflag:$0x8], $0x80, s0, s7, $0xb8;
	v63 =	vld [tilespmem:$0x0]  }
0xac: {  	_ =	swait.ge [sflag:s18], $0x2800  }
0xad: {  	[sflag:s18] =	ssyncset.done $0x0  }
0xae: {  	s0 =	sadd.s32 $0x140, s12;
	[sflag:s18] =	ssyncadd.s32 $0xFFFFD800  }
0xaf: {  	[tilespmem:s3], [sflag:$0x1] =	stream.indirect.gather [hbm4b:s16+s7], $0x80, s0, s7, $0xb8;
	v63 =	vld [tilespmem:$0x0]  }
0xb0: {  	_ =	swait.ge [sflag:s19], $0x2800  }
0xb1: {  	[sflag:s19] =	ssyncset.done $0x0  }
0xb2: {  	s0 =	sadd.s32 $0x190, s12;
	[sflag:s19] =	ssyncadd.s32 $0xFFFFD800  }
0xb3: {  	[tilespmem:s8], [sflag:$0x2] =	stream.indirect.gather [hbm4b:s16+s7], $0x80, s0, s7, $0xb8;
	v63 =	vld [tilespmem:$0x0]  }
0xb4: {  	_ =	swait.ge [sflag:s20], $0x2800  }
0xb5: {  	[sflag:s20] =	ssyncset.done $0x0  }
.Ltmp1:
0xb6: {  	s0 =	sadd.s32 $0x1E0, s12;
	[sflag:s20] =	ssyncadd.s32 $0xFFFFD800;
	(pc) =	sbr.rel @p1 .LBB2_4-.Ltmp1, $4  }
0xb7: {  	[tilespmem:s10], [sflag:$0x3] =	stream.indirect.gather [hbm4b:s16+s7], $0x80, s0, s7, $0xb8;
	v63 =	vld [tilespmem:$0x0]  }
0xb8: {  	_ =	swait.ge [sflag:s21], $0x2800  }
0xb9: {  	[sflag:s21] =	ssyncset.done $0x0  }
0xba: {  	s12 =	sadd.s32 $0x230, s12;
	[sflag:s21] =	ssyncadd.s32 $0xFFFFD800  }
0xbb: {  	[tilespmem:s14], [sflag:$0x4] =	stream.indirect.gather [hbm4b:s16+s7], $0x80, s12, s7, $0xb8;
	v63 =	vld [tilespmem:$0x0]  }
0xbc: {  	_ =	swait.ge [sflag:s5], $0x2800  }
0xbd: {  	[sflag:s5] =	ssyncset.done $0x0  }
0xbe: {  	[sflag:s5] =	ssyncadd.s32 $0xFFFFD800  }
0xbf: {  	[spmem:s13] =	stream.indirect.scatter.add.f32 [tilespmem:s3], [sflag:$0x5], $0x80, s22, s7, $0xb8;
	v63 =	vld [tilespmem:$0x0]  }
0xc0: {  	_ =	swait.ge [sflag:s6], $0x2800  }
0xc1: {  	[sflag:s6] =	ssyncset.done $0x0  }
0xc2: {  	[sflag:s6] =	ssyncadd.s32 $0xFFFFD800  }
0xc3: {  	[spmem:s13] =	stream.indirect.scatter.add.f32 [tilespmem:s8], [sflag:$0x6], $0x80, s23, s7, $0xb8;
	v63 =	vld [tilespmem:$0x0]  }
0xc4: {  	_ =	swait.ge [sflag:s15], $0x2800  }
0xc5: {  	[sflag:s15] =	ssyncset.done $0x0  }
0xc6: {  	[sflag:s15] =	ssyncadd.s32 $0xFFFFD800  }
0xc7: {  	[spmem:s13] =	stream.indirect.scatter.add.f32 [tilespmem:s10], [sflag:$0x7], $0x80, s24, s7, $0xb8;
	v63 =	vld [tilespmem:$0x0]  }
0xc8: {  	_ =	swait.ge [sflag:s17], $0x2800  }
0xc9: {  	[sflag:s17] =	ssyncset.done $0x0  }
0xca: {  	[sflag:s17] =	ssyncadd.s32 $0xFFFFD800  }
0xcb: {  	[spmem:s13] =	stream.indirect.scatter.add.f32 [tilespmem:s14], [sflag:$0x8], $0x80, s25, s7, $0xb8;
	v63 =	vld [tilespmem:$0x0]  }
0xcc: {  	_ =	swait.ge [sflag:s18], $0x2800  }
0xcd: {  	[sflag:s18] =	ssyncset.done $0x0  }
0xce: {  	[sflag:s18] =	ssyncadd.s32 $0xFFFFD800  }
0xcf: {  	_ =	swait.ge [sflag:s19], $0x2800  }
0xd0: {  	[sflag:s19] =	ssyncset.done $0x0  }
0xd1: {  	[sflag:s19] =	ssyncadd.s32 $0xFFFFD800  }
0xd2: {  	_ =	swait.ge [sflag:s20], $0x2800  }
0xd3: {  	[sflag:s20] =	ssyncset.done $0x0  }
0xd4: {  	[sflag:s20] =	ssyncadd.s32 $0xFFFFD800  }
0xd5: {  	_ =	swait.ge [sflag:s21], $0x2800  }
0xd6: {  	[sflag:s21] =	ssyncset.done $0x0  }
0xd7: {  	[sflag:s21] =	ssyncadd.s32 $0xFFFFD800  }
0xd8: {  	[tilespmem:s3], [sflag:$0x1] =	stream.indirect.gather [hbm4b:s16+s7], $0x80, s2, s7, $0xb8;
	v63 =	vld [tilespmem:$0x0]  }
0xd9: {  	_ =	swait.ge [sflag:s5], $0x2800  }
0xda: {  	[sflag:s5] =	ssyncset.done $0x0  }
0xdb: {  	[sflag:s5] =	ssyncadd.s32 $0xFFFFD800  }
0xdc: {  	[spmem:s13] =	stream.indirect.scatter.add.f32 [tilespmem:s3], [sflag:$0x9], $0x80, s26, s7, $0xb8;
	v63 =	vld [tilespmem:$0x0]  }
0xdd: {  	_ =	swait.ge [sflag:s4], $0x2800  }
0xde: {  	[sflag:s4] =	ssyncset.done $0x0  }
0xdf: {  	[sflag:s4] =	ssyncadd.s32 $0xFFFFD800  }
0xe0: {  	[tilespmem:s8], [sflag:$0x2] =	stream.indirect.gather [hbm4b:s16+s7], $0x80, s28, s7, $0xb8;
	v63 =	vld [tilespmem:$0x0]  }
0xe1: {  	_ =	swait.ge [sflag:s6], $0x2800  }
0xe2: {  	[sflag:s6] =	ssyncset.done $0x0  }
0xe3: {  	[sflag:s6] =	ssyncadd.s32 $0xFFFFD800  }
0xe4: {  	[spmem:s13] =	stream.indirect.scatter.add.f32 [tilespmem:s8], [sflag:$0x9], $0x80, s29, s7, $0xb8;
	v63 =	vld [tilespmem:$0x0]  }
0xe5: {  	_ =	swait.ge [sflag:s4], $0x2800  }
0xe6: {  	[sflag:s4] =	ssyncset.done $0x0  }
0xe7: {  	s0 =	simm.s32 $0x1360;
	[sflag:s4] =	ssyncadd.s32 $0xFFFFD800  }
0xe8: {  	[tilespmem:s10], [sflag:$0x3] =	stream.indirect.gather [hbm4b:s16+s7], $0x80, s0, s7, $0xb8;
	v63 =	vld [tilespmem:$0x0]  }
0xe9: {  	_ =	swait.ge [sflag:s15], $0x2800  }
0xea: {  	[sflag:s15] =	ssyncset.done $0x0  }
0xeb: {  	s12 =	simm.s32 $0x2710;
	[sflag:s15] =	ssyncadd.s32 $0xFFFFD800  }
0xec: {  	[spmem:s13] =	stream.indirect.scatter.add.f32 [tilespmem:s10], [sflag:$0x9], $0x80, s12, s7, $0xb8;
	v63 =	vld [tilespmem:$0x0]  }
0xed: {  	_ =	swait.ge [sflag:s4], $0x2800  }
0xee: {  	[sflag:s4] =	ssyncset.done $0x0  }
0xef: {  	s0 =	simm.s32 $0x0;
	s12 =	rddreg [dreg:$0x6];
	[sflag:s4] =	ssyncadd.s32 $0xFFFFD800  }
0xf0: {  	[tilespmem:s0], [sflag:$0x9] =	stream.linear.gather [hbm4b:s12+s0], $0x1360, $0x38;
	v63 =	vld [tilespmem:$0x0]  }
0xf1: {  	_ =	swait.ge [sflag:s4], $0x1360  }
0xf2: {  	[sflag:s4] =	ssyncset.done $0x0  }
0xf3: {  	s31 =	simm.s32 $0x13B0;
	s12 =	rddreg [dreg:$0x7];
	[sflag:s4] =	ssyncadd.s32 $0xFFFFECA0  }
0xf4: {  	[tilespmem:s31], [sflag:$0x9] =	stream.linear.gather [hbm4b:s12+s0], $0x1360, $0x38;
	v63 =	vld [tilespmem:$0x0]  }
0xf5: {  	_ =	swait.ge [sflag:s4], $0x1360  }
0xf6: {  	[sflag:s4] =	ssyncset.done $0x0  }
0xf7: {  	[sflag:s4] =	ssyncadd.s32 $0xFFFFECA0  }
0xf8: {  	[tilespmem:s3], [sflag:$0x1] =	stream.indirect.gather [hbm4b:s16+s7], $0x80, s0, s7, $0xb8;
	v63 =	vld [tilespmem:$0x0]  }
0xf9: {  	_ = 	snop  }
0xfa: {  	[tilespmem:s8], [sflag:$0x2] =	stream.indirect.gather [hbm4b:s16+s7], $0x80, s7, s7, $0xb8;
	v63 =	vld [tilespmem:$0x0]  }
0xfb: {  	_ = 	snop  }
0xfc: {  	[tilespmem:s10], [sflag:$0x3] =	stream.indirect.gather [hbm4b:s16+s7], $0x80, s9, s7, $0xb8;
	v63 =	vld [tilespmem:$0x0]  }
0xfd: {  	_ = 	snop  }
0xfe: {  	[tilespmem:s14], [sflag:$0x4] =	stream.indirect.gather [hbm4b:s16+s7], $0x80, s11, s7, $0xb8;
	v63 =	vld [tilespmem:$0x0]  }
0xff: {  	_ =	swait.ge [sflag:s5], $0x2800  }
0x100: {  	[sflag:s5] =	ssyncset.done $0x0  }
0x101: {  	s12 =	simm.s32 $0x13B0;
	[sflag:s5] =	ssyncadd.s32 $0xFFFFD800  }
0x102: {  	[spmem:s13] =	stream.indirect.scatter.add.f32 [tilespmem:s3], [sflag:$0x5], $0x80, s12, s7, $0xb8;
	v63 =	vld [tilespmem:$0x0]  }
0x103: {  	_ =	swait.ge [sflag:s6], $0x2800  }
0x104: {  	[sflag:s6] =	ssyncset.done $0x0  }
0x105: {  	s12 =	simm.s32 $0x1400;
	[sflag:s6] =	ssyncadd.s32 $0xFFFFD800  }
0x106: {  	[spmem:s13] =	stream.indirect.scatter.add.f32 [tilespmem:s8], [sflag:$0x6], $0x80, s12, s7, $0xb8;
	v63 =	vld [tilespmem:$0x0]  }
0x107: {  	_ =	swait.ge [sflag:s15], $0x2800  }
0x108: {  	[sflag:s15] =	ssyncset.done $0x0  }
0x109: {  	s12 =	simm.s32 $0x1450;
	[sflag:s15] =	ssyncadd.s32 $0xFFFFD800  }
0x10a: {  	[spmem:s13] =	stream.indirect.scatter.add.f32 [tilespmem:s10], [sflag:$0x7], $0x80, s12, s7, $0xb8;
	v63 =	vld [tilespmem:$0x0]  }
0x10b: {  	_ =	swait.ge [sflag:s17], $0x2800  }
0x10c: {  	[sflag:s17] =	ssyncset.done $0x0  }
0x10d: {  	s12 =	simm.s32 $0x14A0;
	[sflag:s17] =	ssyncadd.s32 $0xFFFFD800  }
0x10e: {  	[spmem:s13] =	stream.indirect.scatter.add.f32 [tilespmem:s14], [sflag:$0x8], $0x80, s12, s7, $0xb8;
	v63 =	vld [tilespmem:$0x0]  }
0x10f: {  	_ =	swait.ge [sflag:s18], $0x2800  }
0x110: {  	[sflag:s18] =	ssyncset.done $0x0  }
0x111: {  	s12 =	simm.s32 $0x140;
	[sflag:s18] =	ssyncadd.s32 $0xFFFFD800  }
0x112: {  	[tilespmem:s3], [sflag:$0x1] =	stream.indirect.gather [hbm4b:s16+s7], $0x80, s12, s7, $0xb8;
	v63 =	vld [tilespmem:$0x0]  }
0x113: {  	_ =	swait.ge [sflag:s19], $0x2800  }
0x114: {  	[sflag:s19] =	ssyncset.done $0x0  }
0x115: {  	s12 =	simm.s32 $0x190;
	[sflag:s19] =	ssyncadd.s32 $0xFFFFD800  }
0x116: {  	[tilespmem:s8], [sflag:$0x2] =	stream.indirect.gather [hbm4b:s16+s7], $0x80, s12, s7, $0xb8;
	v63 =	vld [tilespmem:$0x0]  }
0x117: {  	_ =	swait.ge [sflag:s20], $0x2800  }
0x118: {  	[sflag:s20] =	ssyncset.done $0x0  }
0x119: {  	s12 =	simm.s32 $0x1E0;
	[sflag:s20] =	ssyncadd.s32 $0xFFFFD800  }
0x11a: {  	[tilespmem:s10], [sflag:$0x3] =	stream.indirect.gather [hbm4b:s16+s7], $0x80, s12, s7, $0xb8;
	v63 =	vld [tilespmem:$0x0]  }
0x11b: {  	_ =	swait.ge [sflag:s21], $0x2800  }
0x11c: {  	[sflag:s21] =	ssyncset.done $0x0  }
0x11d: {  	s31 =	simm.s32 $0x500;
	s12 =	simm.s32 $0x230;
	[sflag:s21] =	ssyncadd.s32 $0xFFFFD800  }
.LBB2_6:
0x11e: {  	[tilespmem:s14], [sflag:$0x4] =	stream.indirect.gather [hbm4b:s16+s7], $0x80, s12, s7, $0xb8;
	v63 =	vld [tilespmem:$0x0]  }
0x11f: {  	s0 =	smov.u32 s31  }
0x120: {  	p1 =	sne.s32 s31, $0x4100;
	s31 =	sadd.s32 $0x500, s31;
	_ =	swait.ge [sflag:s5], $0x2800  }
0x121: {  	s12 =	sshra.s32 s0, $0x2;
	[sflag:s5] =	ssyncset.done $0x0  }
0x122: {  	s0 =	sadd.s32 $0x13B0, s12;
	[sflag:s5] =	ssyncadd.s32 $0xFFFFD800  }
0x123: {  	[spmem:s13] =	stream.indirect.scatter.add.f32 [tilespmem:s3], [sflag:$0x5], $0x80, s0, s7, $0xb8;
	v63 =	vld [tilespmem:$0x0]  }
0x124: {  	_ =	swait.ge [sflag:s6], $0x2800  }
0x125: {  	[sflag:s6] =	ssyncset.done $0x0  }
0x126: {  	s0 =	sadd.s32 $0x1400, s12;
	[sflag:s6] =	ssyncadd.s32 $0xFFFFD800  }
0x127: {  	[spmem:s13] =	stream.indirect.scatter.add.f32 [tilespmem:s8], [sflag:$0x6], $0x80, s0, s7, $0xb8;
	v63 =	vld [tilespmem:$0x0]  }
0x128: {  	_ =	swait.ge [sflag:s15], $0x2800  }
0x129: {  	[sflag:s15] =	ssyncset.done $0x0  }
0x12a: {  	s0 =	sadd.s32 $0x1450, s12;
	[sflag:s15] =	ssyncadd.s32 $0xFFFFD800  }
0x12b: {  	[spmem:s13] =	stream.indirect.scatter.add.f32 [tilespmem:s10], [sflag:$0x7], $0x80, s0, s7, $0xb8;
	v63 =	vld [tilespmem:$0x0]  }
0x12c: {  	_ =	swait.ge [sflag:s17], $0x2800  }
0x12d: {  	[sflag:s17] =	ssyncset.done $0x0  }
0x12e: {  	s0 =	sadd.s32 $0x14A0, s12;
	[sflag:s17] =	ssyncadd.s32 $0xFFFFD800  }
0x12f: {  	[spmem:s13] =	stream.indirect.scatter.add.f32 [tilespmem:s14], [sflag:$0x8], $0x80, s0, s7, $0xb8;
	v63 =	vld [tilespmem:$0x0]  }
0x130: {  	_ =	swait.ge [sflag:s18], $0x2800  }
0x131: {  	[sflag:s18] =	ssyncset.done $0x0  }
0x132: {  	s0 =	sadd.s32 $0x140, s12;
	[sflag:s18] =	ssyncadd.s32 $0xFFFFD800  }
0x133: {  	[tilespmem:s3], [sflag:$0x1] =	stream.indirect.gather [hbm4b:s16+s7], $0x80, s0, s7, $0xb8;
	v63 =	vld [tilespmem:$0x0]  }
0x134: {  	_ =	swait.ge [sflag:s19], $0x2800  }
0x135: {  	[sflag:s19] =	ssyncset.done $0x0  }
0x136: {  	s0 =	sadd.s32 $0x190, s12;
	[sflag:s19] =	ssyncadd.s32 $0xFFFFD800  }
0x137: {  	[tilespmem:s8], [sflag:$0x2] =	stream.indirect.gather [hbm4b:s16+s7], $0x80, s0, s7, $0xb8;
	v63 =	vld [tilespmem:$0x0]  }
0x138: {  	_ =	swait.ge [sflag:s20], $0x2800  }
0x139: {  	[sflag:s20] =	ssyncset.done $0x0  }
.Ltmp2:
0x13a: {  	s0 =	sadd.s32 $0x1E0, s12;
	[sflag:s20] =	ssyncadd.s32 $0xFFFFD800;
	(pc) =	sbr.rel @p1 .LBB2_6-.Ltmp2, $4  }
0x13b: {  	[tilespmem:s10], [sflag:$0x3] =	stream.indirect.gather [hbm4b:s16+s7], $0x80, s0, s7, $0xb8;
	v63 =	vld [tilespmem:$0x0]  }
0x13c: {  	_ =	swait.ge [sflag:s21], $0x2800  }
0x13d: {  	[sflag:s21] =	ssyncset.done $0x0  }
0x13e: {  	s12 =	sadd.s32 $0x230, s12;
	[sflag:s21] =	ssyncadd.s32 $0xFFFFD800  }
0x13f: {  	[tilespmem:s14], [sflag:$0x4] =	stream.indirect.gather [hbm4b:s16+s7], $0x80, s12, s7, $0xb8;
	v63 =	vld [tilespmem:$0x0]  }
0x140: {  	_ =	swait.ge [sflag:s5], $0x2800  }
0x141: {  	[sflag:s5] =	ssyncset.done $0x0  }
0x142: {  	[sflag:s5] =	ssyncadd.s32 $0xFFFFD800  }
0x143: {  	[spmem:s13] =	stream.indirect.scatter.add.f32 [tilespmem:s3], [sflag:$0x5], $0x80, s22, s7, $0xb8;
	v63 =	vld [tilespmem:$0x0]  }
0x144: {  	_ =	swait.ge [sflag:s6], $0x2800  }
0x145: {  	[sflag:s6] =	ssyncset.done $0x0  }
0x146: {  	[sflag:s6] =	ssyncadd.s32 $0xFFFFD800  }
0x147: {  	[spmem:s13] =	stream.indirect.scatter.add.f32 [tilespmem:s8], [sflag:$0x6], $0x80, s23, s7, $0xb8;
	v63 =	vld [tilespmem:$0x0]  }
0x148: {  	_ =	swait.ge [sflag:s15], $0x2800  }
0x149: {  	[sflag:s15] =	ssyncset.done $0x0  }
0x14a: {  	[sflag:s15] =	ssyncadd.s32 $0xFFFFD800  }
0x14b: {  	[spmem:s13] =	stream.indirect.scatter.add.f32 [tilespmem:s10], [sflag:$0x7], $0x80, s24, s7, $0xb8;
	v63 =	vld [tilespmem:$0x0]  }
0x14c: {  	_ =	swait.ge [sflag:s17], $0x2800  }
0x14d: {  	[sflag:s17] =	ssyncset.done $0x0  }
0x14e: {  	[sflag:s17] =	ssyncadd.s32 $0xFFFFD800  }
0x14f: {  	[spmem:s13] =	stream.indirect.scatter.add.f32 [tilespmem:s14], [sflag:$0x8], $0x80, s25, s7, $0xb8;
	v63 =	vld [tilespmem:$0x0]  }
0x150: {  	_ =	swait.ge [sflag:s18], $0x2800  }
0x151: {  	[sflag:s18] =	ssyncset.done $0x0  }
0x152: {  	[sflag:s18] =	ssyncadd.s32 $0xFFFFD800  }
0x153: {  	_ =	swait.ge [sflag:s19], $0x2800  }
0x154: {  	[sflag:s19] =	ssyncset.done $0x0  }
0x155: {  	[sflag:s19] =	ssyncadd.s32 $0xFFFFD800  }
0x156: {  	_ =	swait.ge [sflag:s20], $0x2800  }
0x157: {  	[sflag:s20] =	ssyncset.done $0x0  }
0x158: {  	[sflag:s20] =	ssyncadd.s32 $0xFFFFD800  }
0x159: {  	_ =	swait.ge [sflag:s21], $0x2800  }
0x15a: {  	[sflag:s21] =	ssyncset.done $0x0  }
0x15b: {  	[sflag:s21] =	ssyncadd.s32 $0xFFFFD800  }
0x15c: {  	[tilespmem:s3], [sflag:$0x1] =	stream.indirect.gather [hbm4b:s16+s7], $0x80, s2, s7, $0xb8;
	v63 =	vld [tilespmem:$0x0]  }
0x15d: {  	_ =	swait.ge [sflag:s5], $0x2800  }
0x15e: {  	[sflag:s5] =	ssyncset.done $0x0  }
0x15f: {  	[sflag:s5] =	ssyncadd.s32 $0xFFFFD800  }
0x160: {  	[spmem:s13] =	stream.indirect.scatter.add.f32 [tilespmem:s3], [sflag:$0x9], $0x80, s26, s7, $0xb8;
	v63 =	vld [tilespmem:$0x0]  }
0x161: {  	_ =	swait.ge [sflag:s4], $0x2800  }
0x162: {  	[sflag:s4] =	ssyncset.done $0x0  }
0x163: {  	[sflag:s4] =	ssyncadd.s32 $0xFFFFD800  }
0x164: {  	[tilespmem:s8], [sflag:$0x2] =	stream.indirect.gather [hbm4b:s16+s7], $0x80, s28, s7, $0xb8;
	v63 =	vld [tilespmem:$0x0]  }
0x165: {  	_ =	swait.ge [sflag:s6], $0x2800  }
0x166: {  	[sflag:s6] =	ssyncset.done $0x0  }
0x167: {  	[sflag:s6] =	ssyncadd.s32 $0xFFFFD800  }
0x168: {  	[spmem:s13] =	stream.indirect.scatter.add.f32 [tilespmem:s8], [sflag:$0x9], $0x80, s29, s7, $0xb8;
	v63 =	vld [tilespmem:$0x0]  }
0x169: {  	_ =	swait.ge [sflag:s4], $0x2800  }
0x16a: {  	[sflag:s4] =	ssyncset.done $0x0  }
0x16b: {  	[sflag:s4] =	ssyncadd.s32 $0xFFFFD800  }
0x16c: {  	s0 =	stileid.u32;
	[bflag:$0x0] =	sbarrier.arrive $0xFFFF  }
0x16d: {  	s0 =	sshll.u32 s0, $0x6;
	s12 =	rddreg [dreg:$0x8]  }
0x16e: {  	s0 =	sor.u32 $0x1C09, s0;
	s31 =	rddreg [dreg:$0x19]  }
0x16f: {  	[hbm:s12], [sflag:s0] =	dma.local [spmem:s31], $0x500  }
0x170: {  	_ =	swait.ge [sflag:s4], $0x500  }
0x171: {  	[sflag:s4] =	ssyncset.done $0x0;
	s12 =	rddreg [dreg:$0x9]  }
0x172: {  	s31 =	rddreg [dreg:$0x1a];
	[sflag:s4] =	ssyncadd.s32 $0xFFFFFB00  }
0x173: {  	[hbm:s12], [sflag:s0] =	dma.local [spmem:s31], $0x500  }
0x174: {  	_ =	swait.ge [sflag:s4], $0x500  }
0x175: {  	[sflag:s4] =	ssyncset.done $0x0;
	s12 =	rddreg [dreg:$0xa]  }
0x176: {  	s31 =	rddreg [dreg:$0x1b];
	[sflag:s4] =	ssyncadd.s32 $0xFFFFFB00  }
0x177: {  	[hbm:s12], [sflag:s0] =	dma.local [spmem:s31], $0x500  }
0x178: {  	_ =	swait.ge [sflag:s4], $0x500  }
0x179: {  	[sflag:s4] =	ssyncset.done $0x0;
	s12 =	rddreg [dreg:$0xb]  }
0x17a: {  	s31 =	rddreg [dreg:$0x1c];
	[sflag:s4] =	ssyncadd.s32 $0xFFFFFB00  }
0x17b: {  	[hbm:s12], [sflag:s0] =	dma.local [spmem:s31], $0x500  }
0x17c: {  	_ =	swait.ge [sflag:s4], $0x500  }
0x17d: {  	[sflag:s4] =	ssyncset.done $0x0;
	s12 =	rddreg [dreg:$0xc]  }
0x17e: {  	s31 =	rddreg [dreg:$0x1d];
	[sflag:s4] =	ssyncadd.s32 $0xFFFFFB00  }
0x17f: {  	[hbm:s12], [sflag:s0] =	dma.local [spmem:s31], $0x500  }
0x180: {  	_ =	swait.ge [sflag:s4], $0x500  }
0x181: {  	[sflag:s4] =	ssyncset.done $0x0;
	s12 =	rddreg [dreg:$0xd]  }
0x182: {  	s31 =	rddreg [dreg:$0x1e];
	[sflag:s4] =	ssyncadd.s32 $0xFFFFFB00  }
0x183: {  	[hbm:s12], [sflag:s0] =	dma.local [spmem:s31], $0x500  }
0x184: {  	_ =	swait.ge [sflag:s4], $0x500  }
0x185: {  	[sflag:s4] =	ssyncset.done $0x0;
	s12 =	rddreg [dreg:$0xe]  }
0x186: {  	s31 =	rddreg [dreg:$0x1f];
	[sflag:s4] =	ssyncadd.s32 $0xFFFFFB00  }
0x187: {  	[hbm:s12], [sflag:s0] =	dma.local [spmem:s31], $0x500  }
0x188: {  	_ =	swait.ge [sflag:s4], $0x500  }
0x189: {  	[sflag:s4] =	ssyncset.done $0x0  }
0x18a: {  	s12 =	rddreg [dreg:$0xf];
	[sflag:s4] =	ssyncadd.s32 $0xFFFFFB00  }
0x18b: {  	[hbm:s12], [sflag:s0] =	dma.local @!p0 [spmem:s1], $0x500  }
0x18c: {  	s0 =	simm.s32 @!p0 $0x9  }
0x18d: {  	_ =	swait.ge @!p0 [sflag:s0], $0x500  }
0x18e: {  	s30 =	sadd.s32 $0x1, s30;
	s31 =	rddreg [dreg:$0x10]  }
0x18f: {  	p1 =	sne.s32 s30, s31  }
.Ltmp3:
0x190: {  	_ = 	snop;
	(pc) =	sbr.rel @p1 .LBB2_1-.Ltmp3, $3  }
0x191: {  	_ =	sdelay $0x1  }
0x192: {  	[sflag:s0] =	ssyncset.done @!p0 $0x0  }
0x193: {  	[sflag:s0] =	ssyncadd.s32 @!p0 $0xFFFFFB00  }
0x194: {  	_ =	sfence.sel $0x180000  }
0x195: {  	[bflag:$0x0] =	sbarrier.arrive $0xFFFF  }
0x196: {  	_ =	strace $0x9000004A  }
0x197: {  	s0 =	stileid.u32;
	[bflag:$0x2] =	sbarrier.arrive $0xFFFF  }
0x198: {  	p0 =	sne.s32 s0, $0x0;
	s0 =	rddreg [dreg:$0x3]  }
0x199: {  	s0 =	sadd.s32 @!p0 $0x100000, s0  }
0x19a: {  	[sflag:s0] =	ssyncadd.tile.s32 @!p0 $0x1;
	_ =	shalt  }
.Lfunc_end2:
_tile_overlayer_lowered:
.L_overlay_start_2:
0x19b: {  	(tag) =	ssettag $0x2  }
0x19c: {  	s0 =	rddreg [dreg:$0x0];
	s2 =	stileid.u32  }
0x19d: {  	s1 =	rddreg [dreg:$0x1];
	p0 =	sne.s32 s2, $0x0  }
0x19e: {  	s3 =	rddreg [dreg:$0x2];
	[bflag:$0x3] =	sbarrier.arrive $0xFFFF;
	s2 =	simm.s32 @!p0 $0x1C09  }
0x19f: {  	[timem:s3], [sflag:s2] =	dma.local @!p0 [hbm:s0], s1  }
0x1a0: {  	s0 =	simm.s32 @!p0 $0x9  }
0x1a1: {  	_ =	swait.ge @!p0 [sflag:s0], s1  }
0x1a2: {  	s1 =	ssub.s32 @!p0 $0x0, s1;
	[sflag:s0] =	ssyncset.done @!p0 $0x0  }
0x1a3: {  	[sflag:s0] =	ssyncadd.s32 @!p0 s1  }
0x1a4: {  	[bflag:$0x3] =	sbarrier.arrive $0xFFFF  }
0x1a5: {  	_ =	shalt  }

// kernel: kernel.16.cloned.1.call-start
scs
__scs_entry_jumppad:
0x0: {  	(pc) =	sbr.rel $0x88, $3  }
0x1: {  	(tag) =	ssettag $0x0;
	lr =	simm.s32 $0x1  }
0x2: {  	[smem:$0x3F97] =	sst lr;
	_ =	strace $0xD0000000  }
0x3: {  	_ = 	snop  }
0x4: {  	_ = 	snop  }
0x5: {  	_ = 	snop  }
0x6: {  	_ = 	snop  }
0x7: {  	_ = 	snop  }
__scs_overlays_trampoline_lowered:
0x8: {  	[smem:$0x3FA6] =	sst s0  }
0x9: {  	[smem:$0x3FA7] =	sst s1  }
0xa: {  	[smem:$0x3FA8] =	sst s2  }
0xb: {  	[smem:$0x3FA9] =	sst s3  }
0xc: {  	[smem:$0x3FAA] =	sst s4  }
0xd: {  	[smem:$0x3FAB] =	sst s5  }
0xe: {  	[smem:$0x3FAC] =	sst s6  }
0xf: {  	[smem:$0x3FAD] =	sst s7  }
0x10: {  	[smem:$0x3FAE] =	sst s8  }
0x11: {  	[smem:$0x3FAF] =	sst s9;
	s0 =	simm.s32 @!p0 $0x0  }
0x12: {  	s1 =	sld [smem:$0x3F95];
	s0 =	simm.s32 @p0 $0x1  }
0x13: {  	[smem:$0x3FB0] =	sst s0;
	s0 =	simm.s32 @!p1 $0x0  }
0x14: {  	s2 =	sld [smem:$0x3F94];
	s0 =	simm.s32 @p1 $0x1  }
0x15: {  	[smem:$0x3FB1] =	sst s0;
	s0 =	simm.s32 @!p2 $0x0  }
0x16: {  	s3 =	sld [smem:$0x3FDB];
	s0 =	simm.s32 @p2 $0x1  }
0x17: {  	s4 =	simm.s32 $0x1BF5;
	[smem:$0x3FB3] =	sst s0  }
0x18: {  	s0 =	sld [smem:$0x3F96];
	_ =	swait.ge [sflag:s4], $0x0  }
0x19: {  	s7 =	sld [smem:$0x3F97]  }
0x1a: {  	s8 =	sadd.s32 $0xFFFFE003, lr  }
0x1b: {  	s9 =	sadd.s32 $0xFFFFFEF7, lr;
	s5 =	simm.s32 $0xFFFFFFFF;
	p2 =	slt.u32 s8, $0xFFFFF086  }
0x1c: {  	p1 =	slt.u32 s9, $0xF7A;
	s5 =	simm.s32 @!p2 $0x0  }
0x1d: {  	s5 =	simm.s32 @p1 $0x1;
	p0 =	seq.s32 s7, s2  }
0x1e: {  	s7 =	smul.u32 @!p0 $0xF7A, s2;
	p2 =	seq.s32 @!p0 s5, $0x0  }
0x1f: {  	s9 =	smul.u32 $0xF7A, s1;
	s8 =	simm.s32 @!p0 $0x1BF5;
	p2 =	por !p2, p0  }
0x20: {  	[sflag:s8] =	ssyncset.s32 @!p0 $0xFFFFF086;
	s6 =	sadd.s32 @!p0 s3, s7;
	s7 =	simm.s32 @!p0 $0x108  }
0x21: {  	s3 =	sadd.s32 s3, s9;
	s6 =	sadd.s32 @!p0 $0x88, s6;
	s7 =	simm.s32 @p2 $0x1082  }
0x22: {  	[simem:s7], [sflag:s8] =	dma.local @!p0 [hbm:s6], $0xF7A  }
0x23: {  	s9 =	sor.u32 $0xD0000000, s2;
	s6 =	simm.s32 $0x108;
	_ =	swait.ge @!p0 [sflag:s8], $0x0  }
0x24: {  	s3 =	sadd.s32 $0x88, s3;
	s6 =	simm.s32 @!p1 $0x1082;
	[sflag:s4] =	ssyncset.s32 $0xFFFFF086  }
0x25: {  	[simem:s6], [sflag:s4] =	dma.local [hbm:s3], $0xF7A  }
0x26: {  	[smem:$0x3F97] =	sst s1;
	(tag) =	ssettag s2;
	_ =	strace s9  }
0x27: {  	s1 =	sld [smem:$0x3FA7]  }
0x28: {  	s2 =	sld [smem:$0x3FA8]  }
0x29: {  	s4 =	sld [smem:$0x3FAA]  }
0x2a: {  	p0 =	seq.s32 s5, $0x0;
	s5 =	sld [smem:$0x3FAB]  }
0x2b: {  	s6 =	sld [smem:$0x3FAC]  }
0x2c: {  	s7 =	sld [smem:$0x3FAD]  }
0x2d: {  	s3 =	simm.s32 $0x108;
	s8 =	sld [smem:$0x3FAE]  }
0x2e: {  	s3 =	simm.s32 @!p0 $0x1082;
	s9 =	sld [smem:$0x3FAF]  }
0x2f: {  	lr =	sadd.s32 s0, s3;
	s0 =	sld [smem:$0x3FA6]  }
0x30: {  	s3 =	sld [smem:$0x3FA9]  }
0x31: {  	[smem:$0x3FB2] =	sst s10  }
0x32: {  	s10 =	sld [smem:$0x3FB0];
	_ =	sdelay $0x3  }
0x33: {  	p0 =	seq.s32 s10, $0x1;
	s10 =	sld [smem:$0x3FB2];
	_ =	sdelay $0x3  }
0x34: {  	[smem:$0x3FB2] =	sst s10  }
0x35: {  	s10 =	sld [smem:$0x3FB1];
	_ =	sdelay $0x3  }
0x36: {  	p1 =	seq.s32 s10, $0x1;
	s10 =	sld [smem:$0x3FB2];
	_ =	sdelay $0x3  }
0x37: {  	[smem:$0x3FB2] =	sst s10  }
0x38: {  	s10 =	sld [smem:$0x3FB3]  }
0x39: {  	_ = 	snop;
	(pc) =	sbr.ind lr, $3  }
0x3a: {  	_ = 	snop  }
0x3b: {  	_ = 	snop  }
0x3c: {  	p2 =	seq.s32 s10, $0x1;
	s10 =	sld [smem:$0x3FB2]  }
0x3d: {  	_ =	shalt  }
0x3e: {  	_ =	shalt  }
0x3f: {  	_ =	shalt  }
0x40: {  	_ =	shalt  }
0x41: {  	_ =	shalt  }
0x42: {  	_ =	shalt  }
0x43: {  	_ =	shalt  }
0x44: {  	_ =	shalt  }
0x45: {  	_ =	shalt  }
0x46: {  	_ =	shalt  }
0x47: {  	_ =	shalt  }
0x48: {  	_ =	shalt  }
0x49: {  	_ =	shalt  }
0x4a: {  	_ =	shalt  }
0x4b: {  	_ =	shalt  }
0x4c: {  	_ =	shalt  }
0x4d: {  	_ =	shalt  }
0x4e: {  	_ =	shalt  }
0x4f: {  	_ =	shalt  }
0x50: {  	_ =	shalt  }
0x51: {  	_ =	shalt  }
0x52: {  	_ =	shalt  }
0x53: {  	_ =	shalt  }
0x54: {  	_ =	shalt  }
0x55: {  	_ =	shalt  }
0x56: {  	_ =	shalt  }
0x57: {  	_ =	shalt  }
0x58: {  	_ =	shalt  }
0x59: {  	_ =	shalt  }
0x5a: {  	_ =	shalt  }
0x5b: {  	_ =	shalt  }
0x5c: {  	_ =	shalt  }
0x5d: {  	_ =	shalt  }
0x5e: {  	_ =	shalt  }
0x5f: {  	_ =	shalt  }
0x60: {  	_ =	shalt  }
0x61: {  	_ =	shalt  }
0x62: {  	_ =	shalt  }
0x63: {  	_ =	shalt  }
0x64: {  	_ =	shalt  }
0x65: {  	_ =	shalt  }
0x66: {  	_ =	shalt  }
0x67: {  	_ =	shalt  }
0x68: {  	_ =	shalt  }
0x69: {  	_ =	shalt  }
0x6a: {  	_ =	shalt  }
0x6b: {  	_ =	shalt  }
0x6c: {  	_ =	shalt  }
0x6d: {  	_ =	shalt  }
0x6e: {  	_ =	shalt  }
0x6f: {  	_ =	shalt  }
0x70: {  	_ =	shalt  }
0x71: {  	_ =	shalt  }
0x72: {  	_ =	shalt  }
0x73: {  	_ =	shalt  }
0x74: {  	_ =	shalt  }
0x75: {  	_ =	shalt  }
0x76: {  	_ =	shalt  }
0x77: {  	_ =	shalt  }
0x78: {  	_ =	shalt  }
0x79: {  	_ =	shalt  }
0x7a: {  	_ =	shalt  }
0x7b: {  	_ =	shalt  }
0x7c: {  	_ =	shalt  }
0x7d: {  	_ =	shalt  }
0x7e: {  	_ =	shalt  }
0x7f: {  	_ =	shalt  }
0x80: {  	_ =	shalt  }
0x81: {  	_ =	shalt  }
0x82: {  	_ =	shalt  }
0x83: {  	_ =	shalt  }
0x84: {  	_ =	shalt  }
0x85: {  	_ =	shalt  }
0x86: {  	_ =	shalt  }
0x87: {  	_ =	shalt  }
.Lfunc_end0:
.L_simem_size_0:
called_computation.2_lowered:
.L_overlay_start_0:
0x88: {  	s2 =	sld [smem:$0x3FD9]  }
0x89: {  	s3 =	sld [smem:$0x3FFE];
	_ =	sdelay $0x1  }
0x8a: {  	s1 =	srdreg.scid  }
0x8b: {  	s0 =	sand.u32 $0x1, s1  }
0x8c: {  	s17 =	sshll.u32 s0, $0xA;
	s2 =	sadd.s32 s3, s2  }
0x8d: {  	s2 =	sadd.s32 s2, s17  }
0x8e: {  	[smem:$0x3FBE] =	sst s2  }
0x8f: {  	_ = 	snop  }
0x90: {  	s2 =	sld [smem:$0x3FD0];
	(tm) =	ssettm $0x1  }
0x91: {  	s18 =	sld [smem:$0x3FFB];
	_ =	sdelay $0x3  }
0x92: {  	_ =	strace s18  }
0x93: {  	s3 =	sld [smem:$0x3FFC];
	_ =	sdelay $0x3  }
0x94: {  	_ =	strace s3  }
0x95: {  	s3 =	sld [smem:$0x3FFD];
	_ =	sdelay $0x3  }
0x96: {  	_ =	strace s3  }
0x97: {  	_ =	strace $0x8FFFFFFF  }
0x98: {  	s19 =	sld [smem:$0x3FDB];
	_ =	sdelay $0x1  }
0x99: {  	s4 =	simm.s32 $_scs_section_size  }
0x9a: {  	s5 =	simm.s32 $_size__tile_overlayer_lowered;
	s6 =	simm.s32 $_tile_overlayer_lowered  }
0x9b: {  	s22 =	simm.s32 $0x1BFF;
	s21 =	sshll.u32 s6, $0x1;
	s3 =	sadd.s32 s4, s19  }
0x9c: {  	s7 =	simm.s32 $0x0;
	s20 =	sshll.u32 s5, $0x1;
	s5 =	sadd.s32 s21, s3  }
0x9d: {  	[timem:s7], [sflag:s22] =	dma.local [hbm:s5], s20  }
0x9e: {  	_ =	swait.ge [sflag:s22], s20  }
0x9f: {  	s4 =	ssub.s32 $0x0, s20;
	[sflag:s22] =	ssyncset.done $0x0  }
0xa0: {  	[sflag:s22] =	ssyncadd.s32 s4;
	_ =	sdelay $0x1  }
0xa1: {  	s23 =	simm.s32 $0x1B8B  }
0xa2: {  	_ =	swait.ge [sflag:s23], $0x1  }
0xa3: {  	[sflag:s23] =	ssyncset.done $0x0  }
0xa4: {  	s25 =	simm.s32 $0x1B8E;
	s24 =	sld [smem:$0x3FFE];
	[sflag:s23] =	ssyncadd.s32 $0xFFFFFFFF  }
0xa5: {  	s26 =	simm.s32 $execute0_lowered;
	[smem:$0x3FD2] =	sst s25  }
0xa6: {  	s5 =	sshll.u32 s26, $0x1;
	_ =	strace $0x8000004C;
	[dreg:$0x1] =	wrdreg $0xFFFFFFFF  }
0xa7: {  	s28 =	simm.s32 $_size_execute0_lowered;
	s3 =	sadd.s32 s3, s5;
	[dreg:$0x0] =	wrdreg $0x0  }
0xa8: {  	s5 =	sshll.u32 s28, $0x1;
	[dreg:$0x2] =	wrdreg s3  }
0xa9: {  	[dreg:$0x3] =	wrdreg s5  }
0xaa: {  	[dreg:$0x4] =	wrdreg $0xC0  }
0xab: {  	_ =	task [dreg:s7], $0x5FFFF  }
0xac: {  	[dreg:$0x1] =	wrdreg $0xFFFFFFFF  }
0xad: {  	[dreg:$0x0] =	wrdreg $0x60  }
0xae: {  	[dreg:$0x2] =	wrdreg s24  }
0xaf: {  	[dreg:$0x3] =	wrdreg s2  }
0xb0: {  	[dreg:$0x4] =	wrdreg $0xC7600  }
0xb1: {  	[dreg:$0x5] =	wrdreg $0x9  }
0xb2: {  	_ =	task.clear_ibuf [dreg:s7], $0x6FFFF;
	_ =	strace $0x9000004C  }
0xb3: {  	s29 =	simm.s32 $0x9;
	_ =	strace $0x8000004E  }
0xb4: {  	_ =	swait.ge [sflag:s29], $0x1  }
0xb5: {  	[sflag:s29] =	ssyncadd.s32 $0xFFFFFFFF  }
0xb6: {  	_ =	strace $0x9000004E  }
0xb7: {  	_ =	sfence  }
0xb8: {  	s30 =	sld [smem:$0x0];
	_ =	sdelay $0x2  }
0xb9: {  	s31 =	sshll.u32 s1, $0xD;
	s1 =	sshrl.u32 s1, $0x2  }
0xba: {  	s3 =	sand.u32 $0x4000, s31;
	s1 =	sadd.s32 s1, s30  }
0xbb: {  	s0 =	sor.u32 s3, s0;
	s1 =	sshll.u32 s1, $0x11  }
0xbc: {  	s0 =	sor.u32 s1, s0  }
0xbd: {  	s0 =	sadd.s32 $0x8F2B, s0  }
0xbe: {  	[sflag:s0] =	ssyncadd.remote.s32 $0x1  }
0xbf: {  	_ =	sfence.sel $0xFFFF  }
0xc0: {  	[dreg:$0x0] =	wrdreg $0xFFFFFFFF;
	(pc) =	sbr.abs _section_cstart, $3  }
0xc1: {  	[dreg:$0x1] =	wrdreg $0xFFFFFFFF  }
0xc2: {  	_ =	task.clear_ibuf [dreg:s7], $0x2FFFF;
	_ =	strace $0x9FFFFFFF  }
0xc3: {  	(tm) =	ssettm $0x7FFFFFFF  }
tec
execute0_lowered:
.L_overlay_start_1:
0x0: {  	(tag) =	ssettag $0x1  }
0x1: {  	s2 =	rddreg [dreg:$0x0]  }
0x2: {  	s0 =	srdreg.scid;
	s1 =	rddreg [dreg:$0x1]  }
0x3: {  	s16 =	stileid.u32;
	s5 =	simm.s32 $0x0;
	s28 =	simm.s32 $0x1310  }
0x4: {  	s29 =	simm.s32 $0x26C0;
	s30 =	simm.s32 $0x0;
	s0 =	sand.u32 $0x1, s0  }
0x5: {  	[smem:$0x7FF] =	sst s5;
	s3 =	sshll.u32 s0, $0x4;
	s5 =	smul.u32 $0x138800, s0  }
0x6: {  	s4 =	ssub.s32 $0x2, s0;
	s0 =	smul.u32 $0x2800, s16;
	s3 =	sor.u32 s16, s3  }
0x7: {  	s6 =	sadd.s32 $0x3400, s2;
	s8 =	sor.u32 $0x10, s16;
	s3 =	smul.u32 $0x2710, s3  }
0x8: {  	s7 =	sadd.s32 $0x34400, s2;
	s10 =	smul.u32 $0xA000, s8;
	s11 =	sadd.s32 s5, s0  }
0x9: {  	s15 =	sshrl.u32 s4, $0x1;
	s11 =	sshrl.u32 s11, $0x3;
	s3 =	sshrl.u32 s3, $0x3  }
0xa: {  	s4 =	ssub.s32 s4, s15;
	s11 =	sadd.s32 s7, s11;
	s17 =	sadd.s32 s1, s3  }
0xb: {  	s9 =	sadd.s32 $0x276, s3;
	s18 =	sadd.s32 s6, s3;
	s3 =	sor.u32 $0x20, s16  }
0xc: {  	[dreg:$0x8] =	wrdreg s11;
	s19 =	sadd.s32 s1, s9;
	s1 =	smul.u32 $0x2800, s8  }
0xd: {  	s20 =	sadd.s32 s6, s9;
	s6 =	sor.u32 $0x30, s16;
	s14 =	smul.u32 $0x2800, s3  }
0xe: {  	[dreg:$0x4] =	wrdreg s17;
	s8 =	sor.u32 $0x40, s16;
	s15 =	smul.u32 $0x2800, s6  }
0xf: {  	[dreg:$0x5] =	wrdreg s18;
	s9 =	sor.u32 $0x50, s16;
	s18 =	smul.u32 $0x2800, s8  }
0x10: {  	s17 =	sor.u32 $0x60, s16;
	[dreg:$0x6] =	wrdreg s19;
	s19 =	smul.u32 $0x2800, s9  }
0x11: {  	[dreg:$0x7] =	wrdreg s20;
	s20 =	smul.u32 $0x2800, s17;
	s12 =	sadd.s32 s5, s1  }
0x12: {  	s22 =	sadd.s32 s5, s14;
	s12 =	sshrl.u32 s12, $0x3;
	s23 =	sadd.s32 s5, s15  }
0x13: {  	s11 =	sshrl.u32 s22, $0x3;
	s25 =	sadd.s32 s5, s18;
	s13 =	sadd.s32 s5, s19  }
0x14: {  	s31 =	sadd.s32 s5, s20;
	s22 =	smul.u32 $0xA000, s3;
	s21 =	sadd.s32 s7, s12  }
0x15: {  	s12 =	sshrl.u32 s23, $0x3;
	s11 =	sadd.s32 s7, s11;
	[dreg:$0x9] =	wrdreg s21  }
0x16: {  	s13 =	sshrl.u32 s13, $0x3;
	[dreg:$0xa] =	wrdreg s11;
	s24 =	sadd.s32 s7, s12  }
0x17: {  	s11 =	sor.u32 $0x70, s16;
	s26 =	sadd.s32 s7, s13;
	s13 =	rddreg [dreg:$0x2]  }
0x18: {  	s12 =	sshrl.u32 s25, $0x3;
	s25 =	smul.u32 $0xA000, s6;
	[dreg:$0xb] =	wrdreg s24  }
0x19: {  	s21 =	smul.u32 $0x2800, s11;
	s12 =	sadd.s32 s7, s12;
	[dreg:$0xd] =	wrdreg s26  }
0x1a: {  	s24 =	sshrl.u32 s10, $0x2;
	p0 =	sgt.u32 s11, $0x7C;
	s10 =	smul.u32 $0xA000, s11  }
0x1b: {  	s0 =	sadd.s32 s0, s13;
	s1 =	sadd.s32 s1, s13;
	s14 =	sadd.s32 s14, s13  }
0x1c: {  	s18 =	sadd.s32 s18, s13;
	s19 =	sadd.s32 s19, s13;
	s20 =	sadd.s32 s20, s13  }
0x1d: {  	[dreg:$0xc] =	wrdreg s12;
	s12 =	sshrl.u32 s31, $0x3;
	s26 =	sadd.s32 s24, s13  }
0x1e: {  	s31 =	smul.u32 $0xA000, s8;
	s6 =	sshrl.u32 s25, $0x2;
	s0 =	sshrl.u32 s0, $0x3  }
0x1f: {  	s25 =	sshrl.u32 s18, $0x3;
	s18 =	simm.s32 $0x5;
	s5 =	sadd.s32 s5, s21  }
0x20: {  	s12 =	sadd.s32 s7, s12;
	s8 =	sadd.s32 s6, s13;
	s5 =	sshrl.u32 s5, $0x3  }
0x21: {  	[dreg:$0xe] =	wrdreg s12;
	s12 =	smax.u32 s4, $0x1;
	s5 =	sadd.s32 s7, s5  }
0x22: {  	s7 =	smul.u32 $0xA000, s16;
	s16 =	sadd.s32 $0xD200, s2;
	[dreg:$0xf] =	wrdreg s5  }
0x23: {  	s2 =	sshrl.u32 s22, $0x2;
	_ =	strace $0x8000004D;
	[dreg:$0x10] =	wrdreg s12  }
0x24: {  	s6 =	simm.s32 $0x2;
	s2 =	sadd.s32 s2, s13;
	[dreg:$0x12] =	wrdreg s26  }
0x25: {  	s4 =	simm.s32 $0x9;
	s22 =	sshrl.u32 s1, $0x3;
	[dreg:$0x13] =	wrdreg s2  }
0x26: {  	s23 =	sshrl.u32 s7, $0x2;
	s7 =	smul.u32 $0xA000, s9;
	[dreg:$0x14] =	wrdreg s8  }
0x27: {  	s5 =	simm.s32 $0x1;
	s9 =	smul.u32 $0xA000, s17;
	[dreg:$0x19] =	wrdreg s0  }
0x28: {  	s12 =	sshrl.u32 s10, $0x2;
	s17 =	sadd.s32 s15, s13;
	[dreg:$0x1a] =	wrdreg s22  }
0x29: {  	[dreg:$0x1d] =	wrdreg s25;
	s26 =	sshrl.u32 s19, $0x3;
	s8 =	simm.s32 $0x4F60  }
0x2a: {  	s10 =	simm.s32 $0x7760;
	s15 =	simm.s32 $0x3;
	s19 =	simm.s32 $0x6  }
0x2b: {  	s22 =	simm.s32 $0x2530;
	s25 =	simm.s32 $0x2620;
	s3 =	sadd.s32 s23, s13  }
0x2c: {  	s23 =	sshrl.u32 s14, $0x3;
	s24 =	sshrl.u32 s17, $0x3;
	[dreg:$0x1e] =	wrdreg s26  }
0x2d: {  	s14 =	simm.s32 $0x9F60;
	s17 =	simm.s32 $0x4;
	s26 =	simm.s32 $0x2670  }
0x2e: {  	[dreg:$0x11] =	wrdreg s3;
	s3 =	sshrl.u32 s31, $0x2;
	s11 =	sshrl.u32 s7, $0x2  }
0x2f: {  	s2 =	sshrl.u32 s9, $0x2;
	s7 =	sadd.s32 s21, s13;
	[dreg:$0x1b] =	wrdreg s23  }
0x30: {  	[dreg:$0x1c] =	wrdreg s24;
	s31 =	sshrl.u32 s20, $0x3;
	s9 =	simm.s32 $0xA0  }
0x31: {  	s20 =	simm.s32 $0x7;
	s21 =	simm.s32 $0x8;
	s23 =	simm.s32 $0x2580  }
0x32: {  	s24 =	simm.s32 $0x25D0;
	s3 =	sadd.s32 s3, s13;
	[dreg:$0x1f] =	wrdreg s31  }
0x33: {  	s2 =	sadd.s32 s2, s13;
	s1 =	sshrl.u32 @!p0 s7, $0x3;
	[dreg:$0x15] =	wrdreg s3  }
0x34: {  	s7 =	simm.s32 $0x50;
	s3 =	sadd.s32 s11, s13;
	[dreg:$0x17] =	wrdreg s2  }
0x35: {  	s2 =	sadd.s32 s12, s13;
	s11 =	simm.s32 $0xF0;
	[dreg:$0x16] =	wrdreg s3  }
0x36: {  	v0 =	vimm.f32 $0.0e+00;
	[dreg:$0x18] =	wrdreg s2;
	s3 =	simm.s32 $0x2760;
	s2 =	simm.s32 $0x12C0  }
.LBB2_1:
0x37: {  	s0 =	simm.s32 $0x0;
	s12 =	rddreg [dreg:$0x4]  }
0x38: {  	[tilespmem:s0], [sflag:$0x1] =	stream.linear.gather [hbm4b:s12+s0], $0x13B0, $0x38;
	v63 =	vld [tilespmem:$0x0]  }
0x39: {  	s31 =	simm.s32 $0x13B0;
	s12 =	rddreg [dreg:$0x5]  }
0x3a: {  	[tilespmem:s31], [sflag:$0x2] =	stream.linear.gather [hbm4b:s12+s0], $0x13B0, $0x38;
	v63 =	vld [tilespmem:$0x0]  }
0x3b: {  	s12 =	simm.s32 $0x0;
	s31 =	simm.s32 $0x200  }
.LBB2_2:
0x3c: {  	p1 =	sne.s32 s31, $0x9E00;
	[tilespmem:s12+$0x27D0] =	vst v0  }
0x3d: {  	[tilespmem:s12+$0x2760] =	vst v0  }
0x3e: {  	[tilespmem:s12+$0x2770] =	vst v0  }
.Ltmp0:
0x3f: {  	[tilespmem:s12+$0x2780] =	vst v0;
	(pc) =	sbr.rel @p1 .LBB2_2-.Ltmp0, $4  }
0x40: {  	[tilespmem:s12+$0x2790] =	vst v0  }
0x41: {  	[tilespmem:s12+$0x27A0] =	vst v0  }
0x42: {  	[tilespmem:s12+$0x27B0] =	vst v0  }
0x43: {  	[tilespmem:s12+$0x27C0] =	vst v0;
	s12 =	sshra.s32 s31, $0x2;
	s31 =	sadd.s32 $0x200, s31  }
0x44: {  	[tilespmem:s12+$0x27D0] =	vst v0  }
0x45: {  	[tilespmem:s12+$0x2760] =	vst v0  }
0x46: {  	[tilespmem:s12+$0x2770] =	vst v0  }
0x47: {  	[tilespmem:s12+$0x2780] =	vst v0  }
0x48: {  	[tilespmem:s12+$0x2790] =	vst v0  }
0x49: {  	[tilespmem:s12+$0x27A0] =	vst v0  }
0x4a: {  	[tilespmem:s12+$0x27B0] =	vst v0  }
0x4b: {  	[tilespmem:s12+$0x27C0] =	vst v0;
	s0 =	rddreg [dreg:$0x11]  }
0x4c: {  	[spmem:s0] =	stream.linear.scatter [tilespmem:s3], [sflag:$0x9], $0x2800, $0x38;
	v63 =	vld [tilespmem:$0x0]  }
0x4d: {  	_ =	swait.ge [sflag:s4], $0x2800  }
0x4e: {  	[sflag:s4] =	ssyncset.done $0x0  }
0x4f: {  	s12 =	rddreg [dreg:$0x12];
	[sflag:s4] =	ssyncadd.s32 $0xFFFFD800  }
0x50: {  	[spmem:s12] =	stream.linear.scatter [tilespmem:s3], [sflag:$0x9], $0x2800, $0x38;
	v63 =	vld [tilespmem:$0x0]  }
0x51: {  	_ =	swait.ge [sflag:s4], $0x2800  }
0x52: {  	[sflag:s4] =	ssyncset.done $0x0  }
0x53: {  	s12 =	rddreg [dreg:$0x13];
	[sflag:s4] =	ssyncadd.s32 $0xFFFFD800  }
0x54: {  	[spmem:s12] =	stream.linear.scatter [tilespmem:s3], [sflag:$0x9], $0x2800, $0x38;
	v63 =	vld [tilespmem:$0x0]  }
0x55: {  	_ =	swait.ge [sflag:s4], $0x2800  }
0x56: {  	[sflag:s4] =	ssyncset.done $0x0  }
0x57: {  	s12 =	rddreg [dreg:$0x14];
	[sflag:s4] =	ssyncadd.s32 $0xFFFFD800  }
0x58: {  	[spmem:s12] =	stream.linear.scatter [tilespmem:s3], [sflag:$0x9], $0x2800, $0x38;
	v63 =	vld [tilespmem:$0x0]  }
0x59: {  	_ =	swait.ge [sflag:s4], $0x2800  }
0x5a: {  	[sflag:s4] =	ssyncset.done $0x0  }
0x5b: {  	s12 =	rddreg [dreg:$0x15];
	[sflag:s4] =	ssyncadd.s32 $0xFFFFD800  }
0x5c: {  	[spmem:s12] =	stream.linear.scatter [tilespmem:s3], [sflag:$0x9], $0x2800, $0x38;
	v63 =	vld [tilespmem:$0x0]  }
0x5d: {  	_ =	swait.ge [sflag:s4], $0x2800  }
0x5e: {  	[sflag:s4] =	ssyncset.done $0x0  }
0x5f: {  	s12 =	rddreg [dreg:$0x16];
	[sflag:s4] =	ssyncadd.s32 $0xFFFFD800  }
0x60: {  	[spmem:s12] =	stream.linear.scatter [tilespmem:s3], [sflag:$0x9], $0x2800, $0x38;
	v63 =	vld [tilespmem:$0x0]  }
0x61: {  	_ =	swait.ge [sflag:s4], $0x2800  }
0x62: {  	[sflag:s4] =	ssyncset.done $0x0  }
0x63: {  	s12 =	rddreg [dreg:$0x17];
	[sflag:s4] =	ssyncadd.s32 $0xFFFFD800  }
0x64: {  	[spmem:s12] =	stream.linear.scatter [tilespmem:s3], [sflag:$0x9], $0x2800, $0x38;
	v63 =	vld [tilespmem:$0x0]  }
0x65: {  	_ =	swait.ge [sflag:s4], $0x2800  }
0x66: {  	[sflag:s4] =	ssyncset.done $0x0  }
0x67: {  	s12 =	simm.s32 @!p0 $0x2760;
	s0 =	rddreg [dreg:$0x18];
	[sflag:s4] =	ssyncadd.s32 $0xFFFFD800  }
0x68: {  	[spmem:s0] =	stream.linear.scatter @!p0 [tilespmem:s12], [sflag:$0x9], $0x2800, $0x38;
	v63 =	vld [tilespmem:$0x0]  }
0x69: {  	s12 =	simm.s32 @!p0 $0x9  }
0x6a: {  	_ =	swait.ge @!p0 [sflag:s12], $0x2800  }
0x6b: {  	[sflag:s12] =	ssyncset.done @!p0 $0x0  }
0x6c: {  	[sflag:s12] =	ssyncadd.s32 @!p0 $0xFFFFD800  }
0x6d: {  	_ =	swait.ge [sflag:s5], $0x13B0  }
0x6e: {  	[sflag:s5] =	ssyncset.done $0x0  }
0x6f: {  	[sflag:s5] =	ssyncadd.s32 $0xFFFFEC50  }
0x70: {  	_ =	swait.ge [sflag:s6], $0x13B0  }
0x71: {  	[sflag:s6] =	ssyncset.done $0x0  }
0x72: {  	[sflag:s6] =	ssyncadd.s32 $0xFFFFEC50  }
0x73: {  	s0 =	simm.s32 $0x0;
	[bflag:$0x0] =	sbarrier.arrive $0xFFFF  }
0x74: {  	[tilespmem:s3], [sflag:$0x1] =	stream.indirect.gather [hbm4b:s16+s7], $0x80, s0, s7, $0xb8;
	v63 =	vld [tilespmem:$0x0]  }
0x75: {  	_ = 	snop  }
0x76: {  	[tilespmem:s8], [sflag:$0x2] =	stream.indirect.gather [hbm4b:s16+s7], $0x80, s7, s7, $0xb8;
	v63 =	vld [tilespmem:$0x0]  }
0x77: {  	_ = 	snop  }
0x78: {  	[tilespmem:s10], [sflag:$0x3] =	stream.indirect.gather [hbm4b:s16+s7], $0x80, s9, s7, $0xb8;
	v63 =	vld [tilespmem:$0x0]  }
0x79: {  	_ = 	snop  }
0x7a: {  	[tilespmem:s14], [sflag:$0x4] =	stream.indirect.gather [hbm4b:s16+s7], $0x80, s11, s7, $0xb8;
	v63 =	vld [tilespmem:$0x0]  }
0x7b: {  	_ =	swait.ge [sflag:s5], $0x2800  }
0x7c: {  	[sflag:s5] =	ssyncset.done $0x0  }
0x7d: {  	s0 =	simm.s32 $0x13B0;
	[sflag:s5] =	ssyncadd.s32 $0xFFFFD800  }
0x7e: {  	[spmem:s13] =	stream.indirect.scatter.add.f32 [tilespmem:s3], [sflag:$0x5], $0x80, s0, s7, $0xb8;
	v63 =	vld [tilespmem:$0x0]  }
0x7f: {  	_ =	swait.ge [sflag:s6], $0x2800  }
0x80: {  	[sflag:s6] =	ssyncset.done $0x0  }
0x81: {  	s0 =	simm.s32 $0x1400;
	[sflag:s6] =	ssyncadd.s32 $0xFFFFD800  }
0x82: {  	[spmem:s13] =	stream.indirect.scatter.add.f32 [tilespmem:s8], [sflag:$0x6], $0x80, s0, s7, $0xb8;
	v63 =	vld [tilespmem:$0x0]  }
0x83: {  	_ =	swait.ge [sflag:s15], $0x2800  }
0x84: {  	[sflag:s15] =	ssyncset.done $0x0  }
0x85: {  	s0 =	simm.s32 $0x1450;
	[sflag:s15] =	ssyncadd.s32 $0xFFFFD800  }
0x86: {  	[spmem:s13] =	stream.indirect.scatter.add.f32 [tilespmem:s10], [sflag:$0x7], $0x80, s0, s7, $0xb8;
	v63 =	vld [tilespmem:$0x0]  }
0x87: {  	_ =	swait.ge [sflag:s17], $0x2800  }
0x88: {  	[sflag:s17] =	ssyncset.done $0x0  }
0x89: {  	s0 =	simm.s32 $0x14A0;
	[sflag:s17] =	ssyncadd.s32 $0xFFFFD800  }
0x8a: {  	[spmem:s13] =	stream.indirect.scatter.add.f32 [tilespmem:s14], [sflag:$0x8], $0x80, s0, s7, $0xb8;
	v63 =	vld [tilespmem:$0x0]  }
0x8b: {  	_ =	swait.ge [sflag:s18], $0x2800  }
0x8c: {  	[sflag:s18] =	ssyncset.done $0x0  }
0x8d: {  	s0 =	simm.s32 $0x140;
	[sflag:s18] =	ssyncadd.s32 $0xFFFFD800  }
0x8e: {  	[tilespmem:s3], [sflag:$0x1] =	stream.indirect.gather [hbm4b:s16+s7], $0x80, s0, s7, $0xb8;
	v63 =	vld [tilespmem:$0x0]  }
0x8f: {  	_ =	swait.ge [sflag:s19], $0x2800  }
0x90: {  	[sflag:s19] =	ssyncset.done $0x0  }
0x91: {  	s0 =	simm.s32 $0x190;
	[sflag:s19] =	ssyncadd.s32 $0xFFFFD800  }
0x92: {  	[tilespmem:s8], [sflag:$0x2] =	stream.indirect.gather [hbm4b:s16+s7], $0x80, s0, s7, $0xb8;
	v63 =	vld [tilespmem:$0x0]  }
0x93: {  	_ =	swait.ge [sflag:s20], $0x2800  }
0x94: {  	[sflag:s20] =	ssyncset.done $0x0  }
0x95: {  	s0 =	simm.s32 $0x1E0;
	[sflag:s20] =	ssyncadd.s32 $0xFFFFD800  }
0x96: {  	[tilespmem:s10], [sflag:$0x3] =	stream.indirect.gather [hbm4b:s16+s7], $0x80, s0, s7, $0xb8;
	v63 =	vld [tilespmem:$0x0]  }
0x97: {  	_ =	swait.ge [sflag:s21], $0x2800  }
0x98: {  	[sflag:s21] =	ssyncset.done $0x0  }
0x99: {  	s31 =	simm.s32 $0x500;
	s12 =	simm.s32 $0x230;
	[sflag:s21] =	ssyncadd.s32 $0xFFFFD800  }
.LBB2_4:
0x9a: {  	[tilespmem:s14], [sflag:$0x4] =	stream.indirect.gather [hbm4b:s16+s7], $0x80, s12, s7, $0xb8;
	v63 =	vld [tilespmem:$0x0]  }
0x9b: {  	s12 =	smov.u32 s31  }
0x9c: {  	p1 =	sne.s32 s31, $0x4100;
	s31 =	sadd.s32 $0x500, s31;
	_ =	swait.ge [sflag:s5], $0x2800  }
0x9d: {  	s12 =	sshra.s32 s12, $0x2;
	[sflag:s5] =	ssyncset.done $0x0  }
0x9e: {  	s0 =	sadd.s32 $0x13B0, s12;
	[sflag:s5] =	ssyncadd.s32 $0xFFFFD800  }
0x9f: {  	[spmem:s13] =	stream.indirect.scatter.add.f32 [tilespmem:s3], [sflag:$0x5], $0x80, s0, s7, $0xb8;
	v63 =	vld [tilespmem:$0x0]  }
0xa0: {  	_ =	swait.ge [sflag:s6], $0x2800  }
0xa1: {  	[sflag:s6] =	ssyncset.done $0x0  }
0xa2: {  	s0 =	sadd.s32 $0x1400, s12;
	[sflag:s6] =	ssyncadd.s32 $0xFFFFD800  }
0xa3: {  	[spmem:s13] =	stream.indirect.scatter.add.f32 [tilespmem:s8], [sflag:$0x6], $0x80, s0, s7, $0xb8;
	v63 =	vld [tilespmem:$0x0]  }
0xa4: {  	_ =	swait.ge [sflag:s15], $0x2800  }
0xa5: {  	[sflag:s15] =	ssyncset.done $0x0  }
0xa6: {  	s0 =	sadd.s32 $0x1450, s12;
	[sflag:s15] =	ssyncadd.s32 $0xFFFFD800  }
0xa7: {  	[spmem:s13] =	stream.indirect.scatter.add.f32 [tilespmem:s10], [sflag:$0x7], $0x80, s0, s7, $0xb8;
	v63 =	vld [tilespmem:$0x0]  }
0xa8: {  	_ =	swait.ge [sflag:s17], $0x2800  }
0xa9: {  	[sflag:s17] =	ssyncset.done $0x0  }
0xaa: {  	s0 =	sadd.s32 $0x14A0, s12;
	[sflag:s17] =	ssyncadd.s32 $0xFFFFD800  }
0xab: {  	[spmem:s13] =	stream.indirect.scatter.add.f32 [tilespmem:s14], [sflag:$0x8], $0x80, s0, s7, $0xb8;
	v63 =	vld [tilespmem:$0x0]  }
0xac: {  	_ =	swait.ge [sflag:s18], $0x2800  }
0xad: {  	[sflag:s18] =	ssyncset.done $0x0  }
0xae: {  	s0 =	sadd.s32 $0x140, s12;
	[sflag:s18] =	ssyncadd.s32 $0xFFFFD800  }
0xaf: {  	[tilespmem:s3], [sflag:$0x1] =	stream.indirect.gather [hbm4b:s16+s7], $0x80, s0, s7, $0xb8;
	v63 =	vld [tilespmem:$0x0]  }
0xb0: {  	_ =	swait.ge [sflag:s19], $0x2800  }
0xb1: {  	[sflag:s19] =	ssyncset.done $0x0  }
0xb2: {  	s0 =	sadd.s32 $0x190, s12;
	[sflag:s19] =	ssyncadd.s32 $0xFFFFD800  }
0xb3: {  	[tilespmem:s8], [sflag:$0x2] =	stream.indirect.gather [hbm4b:s16+s7], $0x80, s0, s7, $0xb8;
	v63 =	vld [tilespmem:$0x0]  }
0xb4: {  	_ =	swait.ge [sflag:s20], $0x2800  }
0xb5: {  	[sflag:s20] =	ssyncset.done $0x0  }
.Ltmp1:
0xb6: {  	s0 =	sadd.s32 $0x1E0, s12;
	[sflag:s20] =	ssyncadd.s32 $0xFFFFD800;
	(pc) =	sbr.rel @p1 .LBB2_4-.Ltmp1, $4  }
0xb7: {  	[tilespmem:s10], [sflag:$0x3] =	stream.indirect.gather [hbm4b:s16+s7], $0x80, s0, s7, $0xb8;
	v63 =	vld [tilespmem:$0x0]  }
0xb8: {  	_ =	swait.ge [sflag:s21], $0x2800  }
0xb9: {  	[sflag:s21] =	ssyncset.done $0x0  }
0xba: {  	s12 =	sadd.s32 $0x230, s12;
	[sflag:s21] =	ssyncadd.s32 $0xFFFFD800  }
0xbb: {  	[tilespmem:s14], [sflag:$0x4] =	stream.indirect.gather [hbm4b:s16+s7], $0x80, s12, s7, $0xb8;
	v63 =	vld [tilespmem:$0x0]  }
0xbc: {  	_ =	swait.ge [sflag:s5], $0x2800  }
0xbd: {  	[sflag:s5] =	ssyncset.done $0x0  }
0xbe: {  	[sflag:s5] =	ssyncadd.s32 $0xFFFFD800  }
0xbf: {  	[spmem:s13] =	stream.indirect.scatter.add.f32 [tilespmem:s3], [sflag:$0x5], $0x80, s22, s7, $0xb8;
	v63 =	vld [tilespmem:$0x0]  }
0xc0: {  	_ =	swait.ge [sflag:s6], $0x2800  }
0xc1: {  	[sflag:s6] =	ssyncset.done $0x0  }
0xc2: {  	[sflag:s6] =	ssyncadd.s32 $0xFFFFD800  }
0xc3: {  	[spmem:s13] =	stream.indirect.scatter.add.f32 [tilespmem:s8], [sflag:$0x6], $0x80, s23, s7, $0xb8;
	v63 =	vld [tilespmem:$0x0]  }
0xc4: {  	_ =	swait.ge [sflag:s15], $0x2800  }
0xc5: {  	[sflag:s15] =	ssyncset.done $0x0  }
0xc6: {  	[sflag:s15] =	ssyncadd.s32 $0xFFFFD800  }
0xc7: {  	[spmem:s13] =	stream.indirect.scatter.add.f32 [tilespmem:s10], [sflag:$0x7], $0x80, s24, s7, $0xb8;
	v63 =	vld [tilespmem:$0x0]  }
0xc8: {  	_ =	swait.ge [sflag:s17], $0x2800  }
0xc9: {  	[sflag:s17] =	ssyncset.done $0x0  }
0xca: {  	[sflag:s17] =	ssyncadd.s32 $0xFFFFD800  }
0xcb: {  	[spmem:s13] =	stream.indirect.scatter.add.f32 [tilespmem:s14], [sflag:$0x8], $0x80, s25, s7, $0xb8;
	v63 =	vld [tilespmem:$0x0]  }
0xcc: {  	_ =	swait.ge [sflag:s18], $0x2800  }
0xcd: {  	[sflag:s18] =	ssyncset.done $0x0  }
0xce: {  	[sflag:s18] =	ssyncadd.s32 $0xFFFFD800  }
0xcf: {  	_ =	swait.ge [sflag:s19], $0x2800  }
0xd0: {  	[sflag:s19] =	ssyncset.done $0x0  }
0xd1: {  	[sflag:s19] =	ssyncadd.s32 $0xFFFFD800  }
0xd2: {  	_ =	swait.ge [sflag:s20], $0x2800  }
0xd3: {  	[sflag:s20] =	ssyncset.done $0x0  }
0xd4: {  	[sflag:s20] =	ssyncadd.s32 $0xFFFFD800  }
0xd5: {  	_ =	swait.ge [sflag:s21], $0x2800  }
0xd6: {  	[sflag:s21] =	ssyncset.done $0x0  }
0xd7: {  	[sflag:s21] =	ssyncadd.s32 $0xFFFFD800  }
0xd8: {  	[tilespmem:s3], [sflag:$0x1] =	stream.indirect.gather [hbm4b:s16+s7], $0x80, s2, s7, $0xb8;
	v63 =	vld [tilespmem:$0x0]  }
0xd9: {  	_ =	swait.ge [sflag:s5], $0x2800  }
0xda: {  	[sflag:s5] =	ssyncset.done $0x0  }
0xdb: {  	[sflag:s5] =	ssyncadd.s32 $0xFFFFD800  }
0xdc: {  	[spmem:s13] =	stream.indirect.scatter.add.f32 [tilespmem:s3], [sflag:$0x9], $0x80, s26, s7, $0xb8;
	v63 =	vld [tilespmem:$0x0]  }
0xdd: {  	_ =	swait.ge [sflag:s4], $0x2800  }
0xde: {  	[sflag:s4] =	ssyncset.done $0x0  }
0xdf: {  	[sflag:s4] =	ssyncadd.s32 $0xFFFFD800  }
0xe0: {  	[tilespmem:s8], [sflag:$0x2] =	stream.indirect.gather [hbm4b:s16+s7], $0x80, s28, s7, $0xb8;
	v63 =	vld [tilespmem:$0x0]  }
0xe1: {  	_ =	swait.ge [sflag:s6], $0x2800  }
0xe2: {  	[sflag:s6] =	ssyncset.done $0x0  }
0xe3: {  	[sflag:s6] =	ssyncadd.s32 $0xFFFFD800  }
0xe4: {  	[spmem:s13] =	stream.indirect.scatter.add.f32 [tilespmem:s8], [sflag:$0x9], $0x80, s29, s7, $0xb8;
	v63 =	vld [tilespmem:$0x0]  }
0xe5: {  	_ =	swait.ge [sflag:s4], $0x2800  }
0xe6: {  	[sflag:s4] =	ssyncset.done $0x0  }
0xe7: {  	s0 =	simm.s32 $0x1360;
	[sflag:s4] =	ssyncadd.s32 $0xFFFFD800  }
0xe8: {  	[tilespmem:s10], [sflag:$0x3] =	stream.indirect.gather [hbm4b:s16+s7], $0x80, s0, s7, $0xb8;
	v63 =	vld [tilespmem:$0x0]  }
0xe9: {  	_ =	swait.ge [sflag:s15], $0x2800  }
0xea: {  	[sflag:s15] =	ssyncset.done $0x0  }
0xeb: {  	s12 =	simm.s32 $0x2710;
	[sflag:s15] =	ssyncadd.s32 $0xFFFFD800  }
0xec: {  	[spmem:s13] =	stream.indirect.scatter.add.f32 [tilespmem:s10], [sflag:$0x9], $0x80, s12, s7, $0xb8;
	v63 =	vld [tilespmem:$0x0]  }
0xed: {  	_ =	swait.ge [sflag:s4], $0x2800  }
0xee: {  	[sflag:s4] =	ssyncset.done $0x0  }
0xef: {  	s0 =	simm.s32 $0x0;
	s12 =	rddreg [dreg:$0x6];
	[sflag:s4] =	ssyncadd.s32 $0xFFFFD800  }
0xf0: {  	[tilespmem:s0], [sflag:$0x9] =	stream.linear.gather [hbm4b:s12+s0], $0x1360, $0x38;
	v63 =	vld [tilespmem:$0x0]  }
0xf1: {  	_ =	swait.ge [sflag:s4], $0x1360  }
0xf2: {  	[sflag:s4] =	ssyncset.done $0x0  }
0xf3: {  	s31 =	simm.s32 $0x13B0;
	s12 =	rddreg [dreg:$0x7];
	[sflag:s4] =	ssyncadd.s32 $0xFFFFECA0  }
0xf4: {  	[tilespmem:s31], [sflag:$0x9] =	stream.linear.gather [hbm4b:s12+s0], $0x1360, $0x38;
	v63 =	vld [tilespmem:$0x0]  }
0xf5: {  	_ =	swait.ge [sflag:s4], $0x1360  }
0xf6: {  	[sflag:s4] =	ssyncset.done $0x0  }
0xf7: {  	[sflag:s4] =	ssyncadd.s32 $0xFFFFECA0  }
0xf8: {  	[tilespmem:s3], [sflag:$0x1] =	stream.indirect.gather [hbm4b:s16+s7], $0x80, s0, s7, $0xb8;
	v63 =	vld [tilespmem:$0x0]  }
0xf9: {  	_ = 	snop  }
0xfa: {  	[tilespmem:s8], [sflag:$0x2] =	stream.indirect.gather [hbm4b:s16+s7], $0x80, s7, s7, $0xb8;
	v63 =	vld [tilespmem:$0x0]  }
0xfb: {  	_ = 	snop  }
0xfc: {  	[tilespmem:s10], [sflag:$0x3] =	stream.indirect.gather [hbm4b:s16+s7], $0x80, s9, s7, $0xb8;
	v63 =	vld [tilespmem:$0x0]  }
0xfd: {  	_ = 	snop  }
0xfe: {  	[tilespmem:s14], [sflag:$0x4] =	stream.indirect.gather [hbm4b:s16+s7], $0x80, s11, s7, $0xb8;
	v63 =	vld [tilespmem:$0x0]  }
0xff: {  	_ =	swait.ge [sflag:s5], $0x2800  }
0x100: {  	[sflag:s5] =	ssyncset.done $0x0  }
0x101: {  	s12 =	simm.s32 $0x13B0;
	[sflag:s5] =	ssyncadd.s32 $0xFFFFD800  }
0x102: {  	[spmem:s13] =	stream.indirect.scatter.add.f32 [tilespmem:s3], [sflag:$0x5], $0x80, s12, s7, $0xb8;
	v63 =	vld [tilespmem:$0x0]  }
0x103: {  	_ =	swait.ge [sflag:s6], $0x2800  }
0x104: {  	[sflag:s6] =	ssyncset.done $0x0  }
0x105: {  	s12 =	simm.s32 $0x1400;
	[sflag:s6] =	ssyncadd.s32 $0xFFFFD800  }
0x106: {  	[spmem:s13] =	stream.indirect.scatter.add.f32 [tilespmem:s8], [sflag:$0x6], $0x80, s12, s7, $0xb8;
	v63 =	vld [tilespmem:$0x0]  }
0x107: {  	_ =	swait.ge [sflag:s15], $0x2800  }
0x108: {  	[sflag:s15] =	ssyncset.done $0x0  }
0x109: {  	s12 =	simm.s32 $0x1450;
	[sflag:s15] =	ssyncadd.s32 $0xFFFFD800  }
0x10a: {  	[spmem:s13] =	stream.indirect.scatter.add.f32 [tilespmem:s10], [sflag:$0x7], $0x80, s12, s7, $0xb8;
	v63 =	vld [tilespmem:$0x0]  }
0x10b: {  	_ =	swait.ge [sflag:s17], $0x2800  }
0x10c: {  	[sflag:s17] =	ssyncset.done $0x0  }
0x10d: {  	s12 =	simm.s32 $0x14A0;
	[sflag:s17] =	ssyncadd.s32 $0xFFFFD800  }
0x10e: {  	[spmem:s13] =	stream.indirect.scatter.add.f32 [tilespmem:s14], [sflag:$0x8], $0x80, s12, s7, $0xb8;
	v63 =	vld [tilespmem:$0x0]  }
0x10f: {  	_ =	swait.ge [sflag:s18], $0x2800  }
0x110: {  	[sflag:s18] =	ssyncset.done $0x0  }
0x111: {  	s12 =	simm.s32 $0x140;
	[sflag:s18] =	ssyncadd.s32 $0xFFFFD800  }
0x112: {  	[tilespmem:s3], [sflag:$0x1] =	stream.indirect.gather [hbm4b:s16+s7], $0x80, s12, s7, $0xb8;
	v63 =	vld [tilespmem:$0x0]  }
0x113: {  	_ =	swait.ge [sflag:s19], $0x2800  }
0x114: {  	[sflag:s19] =	ssyncset.done $0x0  }
0x115: {  	s12 =	simm.s32 $0x190;
	[sflag:s19] =	ssyncadd.s32 $0xFFFFD800  }
0x116: {  	[tilespmem:s8], [sflag:$0x2] =	stream.indirect.gather [hbm4b:s16+s7], $0x80, s12, s7, $0xb8;
	v63 =	vld [tilespmem:$0x0]  }
0x117: {  	_ =	swait.ge [sflag:s20], $0x2800  }
0x118: {  	[sflag:s20] =	ssyncset.done $0x0  }
0x119: {  	s12 =	simm.s32 $0x1E0;
	[sflag:s20] =	ssyncadd.s32 $0xFFFFD800  }
0x11a: {  	[tilespmem:s10], [sflag:$0x3] =	stream.indirect.gather [hbm4b:s16+s7], $0x80, s12, s7, $0xb8;
	v63 =	vld [tilespmem:$0x0]  }
0x11b: {  	_ =	swait.ge [sflag:s21], $0x2800  }
0x11c: {  	[sflag:s21] =	ssyncset.done $0x0  }
0x11d: {  	s31 =	simm.s32 $0x500;
	s12 =	simm.s32 $0x230;
	[sflag:s21] =	ssyncadd.s32 $0xFFFFD800  }
.LBB2_6:
0x11e: {  	[tilespmem:s14], [sflag:$0x4] =	stream.indirect.gather [hbm4b:s16+s7], $0x80, s12, s7, $0xb8;
	v63 =	vld [tilespmem:$0x0]  }
0x11f: {  	s0 =	smov.u32 s31  }
0x120: {  	p1 =	sne.s32 s31, $0x4100;
	s31 =	sadd.s32 $0x500, s31;
	_ =	swait.ge [sflag:s5], $0x2800  }
0x121: {  	s12 =	sshra.s32 s0, $0x2;
	[sflag:s5] =	ssyncset.done $0x0  }
0x122: {  	s0 =	sadd.s32 $0x13B0, s12;
	[sflag:s5] =	ssyncadd.s32 $0xFFFFD800  }
0x123: {  	[spmem:s13] =	stream.indirect.scatter.add.f32 [tilespmem:s3], [sflag:$0x5], $0x80, s0, s7, $0xb8;
	v63 =	vld [tilespmem:$0x0]  }
0x124: {  	_ =	swait.ge [sflag:s6], $0x2800  }
0x125: {  	[sflag:s6] =	ssyncset.done $0x0  }
0x126: {  	s0 =	sadd.s32 $0x1400, s12;
	[sflag:s6] =	ssyncadd.s32 $0xFFFFD800  }
0x127: {  	[spmem:s13] =	stream.indirect.scatter.add.f32 [tilespmem:s8], [sflag:$0x6], $0x80, s0, s7, $0xb8;
	v63 =	vld [tilespmem:$0x0]  }
0x128: {  	_ =	swait.ge [sflag:s15], $0x2800  }
0x129: {  	[sflag:s15] =	ssyncset.done $0x0  }
0x12a: {  	s0 =	sadd.s32 $0x1450, s12;
	[sflag:s15] =	ssyncadd.s32 $0xFFFFD800  }
0x12b: {  	[spmem:s13] =	stream.indirect.scatter.add.f32 [tilespmem:s10], [sflag:$0x7], $0x80, s0, s7, $0xb8;
	v63 =	vld [tilespmem:$0x0]  }
0x12c: {  	_ =	swait.ge [sflag:s17], $0x2800  }
0x12d: {  	[sflag:s17] =	ssyncset.done $0x0  }
0x12e: {  	s0 =	sadd.s32 $0x14A0, s12;
	[sflag:s17] =	ssyncadd.s32 $0xFFFFD800  }
0x12f: {  	[spmem:s13] =	stream.indirect.scatter.add.f32 [tilespmem:s14], [sflag:$0x8], $0x80, s0, s7, $0xb8;
	v63 =	vld [tilespmem:$0x0]  }
0x130: {  	_ =	swait.ge [sflag:s18], $0x2800  }
0x131: {  	[sflag:s18] =	ssyncset.done $0x0  }
0x132: {  	s0 =	sadd.s32 $0x140, s12;
	[sflag:s18] =	ssyncadd.s32 $0xFFFFD800  }
0x133: {  	[tilespmem:s3], [sflag:$0x1] =	stream.indirect.gather [hbm4b:s16+s7], $0x80, s0, s7, $0xb8;
	v63 =	vld [tilespmem:$0x0]  }
0x134: {  	_ =	swait.ge [sflag:s19], $0x2800  }
0x135: {  	[sflag:s19] =	ssyncset.done $0x0  }
0x136: {  	s0 =	sadd.s32 $0x190, s12;
	[sflag:s19] =	ssyncadd.s32 $0xFFFFD800  }
0x137: {  	[tilespmem:s8], [sflag:$0x2] =	stream.indirect.gather [hbm4b:s16+s7], $0x80, s0, s7, $0xb8;
	v63 =	vld [tilespmem:$0x0]  }
0x138: {  	_ =	swait.ge [sflag:s20], $0x2800  }
0x139: {  	[sflag:s20] =	ssyncset.done $0x0  }
.Ltmp2:
0x13a: {  	s0 =	sadd.s32 $0x1E0, s12;
	[sflag:s20] =	ssyncadd.s32 $0xFFFFD800;
	(pc) =	sbr.rel @p1 .LBB2_6-.Ltmp2, $4  }
0x13b: {  	[tilespmem:s10], [sflag:$0x3] =	stream.indirect.gather [hbm4b:s16+s7], $0x80, s0, s7, $0xb8;
	v63 =	vld [tilespmem:$0x0]  }
0x13c: {  	_ =	swait.ge [sflag:s21], $0x2800  }
0x13d: {  	[sflag:s21] =	ssyncset.done $0x0  }
0x13e: {  	s12 =	sadd.s32 $0x230, s12;
	[sflag:s21] =	ssyncadd.s32 $0xFFFFD800  }
0x13f: {  	[tilespmem:s14], [sflag:$0x4] =	stream.indirect.gather [hbm4b:s16+s7], $0x80, s12, s7, $0xb8;
	v63 =	vld [tilespmem:$0x0]  }
0x140: {  	_ =	swait.ge [sflag:s5], $0x2800  }
0x141: {  	[sflag:s5] =	ssyncset.done $0x0  }
0x142: {  	[sflag:s5] =	ssyncadd.s32 $0xFFFFD800  }
0x143: {  	[spmem:s13] =	stream.indirect.scatter.add.f32 [tilespmem:s3], [sflag:$0x5], $0x80, s22, s7, $0xb8;
	v63 =	vld [tilespmem:$0x0]  }
0x144: {  	_ =	swait.ge [sflag:s6], $0x2800  }
0x145: {  	[sflag:s6] =	ssyncset.done $0x0  }
0x146: {  	[sflag:s6] =	ssyncadd.s32 $0xFFFFD800  }
0x147: {  	[spmem:s13] =	stream.indirect.scatter.add.f32 [tilespmem:s8], [sflag:$0x6], $0x80, s23, s7, $0xb8;
	v63 =	vld [tilespmem:$0x0]  }
0x148: {  	_ =	swait.ge [sflag:s15], $0x2800  }
0x149: {  	[sflag:s15] =	ssyncset.done $0x0  }
0x14a: {  	[sflag:s15] =	ssyncadd.s32 $0xFFFFD800  }
0x14b: {  	[spmem:s13] =	stream.indirect.scatter.add.f32 [tilespmem:s10], [sflag:$0x7], $0x80, s24, s7, $0xb8;
	v63 =	vld [tilespmem:$0x0]  }
0x14c: {  	_ =	swait.ge [sflag:s17], $0x2800  }
0x14d: {  	[sflag:s17] =	ssyncset.done $0x0  }
0x14e: {  	[sflag:s17] =	ssyncadd.s32 $0xFFFFD800  }
0x14f: {  	[spmem:s13] =	stream.indirect.scatter.add.f32 [tilespmem:s14], [sflag:$0x8], $0x80, s25, s7, $0xb8;
	v63 =	vld [tilespmem:$0x0]  }
0x150: {  	_ =	swait.ge [sflag:s18], $0x2800  }
0x151: {  	[sflag:s18] =	ssyncset.done $0x0  }
0x152: {  	[sflag:s18] =	ssyncadd.s32 $0xFFFFD800  }
0x153: {  	_ =	swait.ge [sflag:s19], $0x2800  }
0x154: {  	[sflag:s19] =	ssyncset.done $0x0  }
0x155: {  	[sflag:s19] =	ssyncadd.s32 $0xFFFFD800  }
0x156: {  	_ =	swait.ge [sflag:s20], $0x2800  }
0x157: {  	[sflag:s20] =	ssyncset.done $0x0  }
0x158: {  	[sflag:s20] =	ssyncadd.s32 $0xFFFFD800  }
0x159: {  	_ =	swait.ge [sflag:s21], $0x2800  }
0x15a: {  	[sflag:s21] =	ssyncset.done $0x0  }
0x15b: {  	[sflag:s21] =	ssyncadd.s32 $0xFFFFD800  }
0x15c: {  	[tilespmem:s3], [sflag:$0x1] =	stream.indirect.gather [hbm4b:s16+s7], $0x80, s2, s7, $0xb8;
	v63 =	vld [tilespmem:$0x0]  }
0x15d: {  	_ =	swait.ge [sflag:s5], $0x2800  }
0x15e: {  	[sflag:s5] =	ssyncset.done $0x0  }
0x15f: {  	[sflag:s5] =	ssyncadd.s32 $0xFFFFD800  }
0x160: {  	[spmem:s13] =	stream.indirect.scatter.add.f32 [tilespmem:s3], [sflag:$0x9], $0x80, s26, s7, $0xb8;
	v63 =	vld [tilespmem:$0x0]  }
0x161: {  	_ =	swait.ge [sflag:s4], $0x2800  }
0x162: {  	[sflag:s4] =	ssyncset.done $0x0  }
0x163: {  	[sflag:s4] =	ssyncadd.s32 $0xFFFFD800  }
0x164: {  	[tilespmem:s8], [sflag:$0x2] =	stream.indirect.gather [hbm4b:s16+s7], $0x80, s28, s7, $0xb8;
	v63 =	vld [tilespmem:$0x0]  }
0x165: {  	_ =	swait.ge [sflag:s6], $0x2800  }
0x166: {  	[sflag:s6] =	ssyncset.done $0x0  }
0x167: {  	[sflag:s6] =	ssyncadd.s32 $0xFFFFD800  }
0x168: {  	[spmem:s13] =	stream.indirect.scatter.add.f32 [tilespmem:s8], [sflag:$0x9], $0x80, s29, s7, $0xb8;
	v63 =	vld [tilespmem:$0x0]  }
0x169: {  	_ =	swait.ge [sflag:s4], $0x2800  }
0x16a: {  	[sflag:s4] =	ssyncset.done $0x0  }
0x16b: {  	[sflag:s4] =	ssyncadd.s32 $0xFFFFD800  }
0x16c: {  	s0 =	stileid.u32;
	[bflag:$0x0] =	sbarrier.arrive $0xFFFF  }
0x16d: {  	s0 =	sshll.u32 s0, $0x6;
	s12 =	rddreg [dreg:$0x8]  }
0x16e: {  	s0 =	sor.u32 $0x1C09, s0;
	s31 =	rddreg [dreg:$0x19]  }
0x16f: {  	[hbm:s12], [sflag:s0] =	dma.local [spmem:s31], $0x500  }
0x170: {  	_ =	swait.ge [sflag:s4], $0x500  }
0x171: {  	[sflag:s4] =	ssyncset.done $0x0;
	s12 =	rddreg [dreg:$0x9]  }
0x172: {  	s31 =	rddreg [dreg:$0x1a];
	[sflag:s4] =	ssyncadd.s32 $0xFFFFFB00  }
0x173: {  	[hbm:s12], [sflag:s0] =	dma.local [spmem:s31], $0x500  }
0x174: {  	_ =	swait.ge [sflag:s4], $0x500  }
0x175: {  	[sflag:s4] =	ssyncset.done $0x0;
	s12 =	rddreg [dreg:$0xa]  }
0x176: {  	s31 =	rddreg [dreg:$0x1b];
	[sflag:s4] =	ssyncadd.s32 $0xFFFFFB00  }
0x177: {  	[hbm:s12], [sflag:s0] =	dma.local [spmem:s31], $0x500  }
0x178: {  	_ =	swait.ge [sflag:s4], $0x500  }
0x179: {  	[sflag:s4] =	ssyncset.done $0x0;
	s12 =	rddreg [dreg:$0xb]  }
0x17a: {  	s31 =	rddreg [dreg:$0x1c];
	[sflag:s4] =	ssyncadd.s32 $0xFFFFFB00  }
0x17b: {  	[hbm:s12], [sflag:s0] =	dma.local [spmem:s31], $0x500  }
0x17c: {  	_ =	swait.ge [sflag:s4], $0x500  }
0x17d: {  	[sflag:s4] =	ssyncset.done $0x0;
	s12 =	rddreg [dreg:$0xc]  }
0x17e: {  	s31 =	rddreg [dreg:$0x1d];
	[sflag:s4] =	ssyncadd.s32 $0xFFFFFB00  }
0x17f: {  	[hbm:s12], [sflag:s0] =	dma.local [spmem:s31], $0x500  }
0x180: {  	_ =	swait.ge [sflag:s4], $0x500  }
0x181: {  	[sflag:s4] =	ssyncset.done $0x0;
	s12 =	rddreg [dreg:$0xd]  }
0x182: {  	s31 =	rddreg [dreg:$0x1e];
	[sflag:s4] =	ssyncadd.s32 $0xFFFFFB00  }
0x183: {  	[hbm:s12], [sflag:s0] =	dma.local [spmem:s31], $0x500  }
0x184: {  	_ =	swait.ge [sflag:s4], $0x500  }
0x185: {  	[sflag:s4] =	ssyncset.done $0x0;
	s12 =	rddreg [dreg:$0xe]  }
0x186: {  	s31 =	rddreg [dreg:$0x1f];
	[sflag:s4] =	ssyncadd.s32 $0xFFFFFB00  }
0x187: {  	[hbm:s12], [sflag:s0] =	dma.local [spmem:s31], $0x500  }
0x188: {  	_ =	swait.ge [sflag:s4], $0x500  }
0x189: {  	[sflag:s4] =	ssyncset.done $0x0  }
0x18a: {  	s12 =	rddreg [dreg:$0xf];
	[sflag:s4] =	ssyncadd.s32 $0xFFFFFB00  }
0x18b: {  	[hbm:s12], [sflag:s0] =	dma.local @!p0 [spmem:s1], $0x500  }
0x18c: {  	s0 =	simm.s32 @!p0 $0x9  }
0x18d: {  	_ =	swait.ge @!p0 [sflag:s0], $0x500  }
0x18e: {  	s30 =	sadd.s32 $0x1, s30;
	s31 =	rddreg [dreg:$0x10]  }
0x18f: {  	p1 =	sne.s32 s30, s31  }
.Ltmp3:
0x190: {  	_ = 	snop;
	(pc) =	sbr.rel @p1 .LBB2_1-.Ltmp3, $3  }
0x191: {  	_ =	sdelay $0x1  }
0x192: {  	[sflag:s0] =	ssyncset.done @!p0 $0x0  }
0x193: {  	[sflag:s0] =	ssyncadd.s32 @!p0 $0xFFFFFB00  }
0x194: {  	_ =	sfence.sel $0x180000  }
0x195: {  	[bflag:$0x0] =	sbarrier.arrive $0xFFFF  }
0x196: {  	_ =	strace $0x9000004D  }
0x197: {  	s0 =	stileid.u32;
	[bflag:$0x2] =	sbarrier.arrive $0xFFFF  }
0x198: {  	p0 =	sne.s32 s0, $0x0;
	s0 =	rddreg [dreg:$0x3]  }
0x199: {  	s0 =	sadd.s32 @!p0 $0x100000, s0  }
0x19a: {  	[sflag:s0] =	ssyncadd.tile.s32 @!p0 $0x1;
	_ =	shalt  }
.Lfunc_end2:
_tile_overlayer_lowered:
.L_overlay_start_2:
0x19b: {  	(tag) =	ssettag $0x2  }
0x19c: {  	s0 =	rddreg [dreg:$0x0];
	s2 =	stileid.u32  }
0x19d: {  	s1 =	rddreg [dreg:$0x1];
	p0 =	sne.s32 s2, $0x0  }
0x19e: {  	s3 =	rddreg [dreg:$0x2];
	[bflag:$0x3] =	sbarrier.arrive $0xFFFF;
	s2 =	simm.s32 @!p0 $0x1C09  }
0x19f: {  	[timem:s3], [sflag:s2] =	dma.local @!p0 [hbm:s0], s1  }
0x1a0: {  	s0 =	simm.s32 @!p0 $0x9  }
0x1a1: {  	_ =	swait.ge @!p0 [sflag:s0], s1  }
0x1a2: {  	s1 =	ssub.s32 @!p0 $0x0, s1;
	[sflag:s0] =	ssyncset.done @!p0 $0x0  }
0x1a3: {  	[sflag:s0] =	ssyncadd.s32 @!p0 s1  }
0x1a4: {  	[bflag:$0x3] =	sbarrier.arrive $0xFFFF  }
0x1a5: {  	_ =	shalt  }

// kernel: kernel.19.cloned.1.call-start
scs
__scs_entry_jumppad:
0x0: {  	(pc) =	sbr.rel $0x88, $3  }
0x1: {  	(tag) =	ssettag $0x0;
	lr =	simm.s32 $0x1  }
0x2: {  	[smem:$0x3F97] =	sst lr;
	_ =	strace $0xD0000000  }
0x3: {  	_ = 	snop  }
0x4: {  	_ = 	snop  }
0x5: {  	_ = 	snop  }
0x6: {  	_ = 	snop  }
0x7: {  	_ = 	snop  }
__scs_overlays_trampoline_lowered:
0x8: {  	[smem:$0x3FA6] =	sst s0  }
0x9: {  	[smem:$0x3FA7] =	sst s1  }
0xa: {  	[smem:$0x3FA8] =	sst s2  }
0xb: {  	[smem:$0x3FA9] =	sst s3  }
0xc: {  	[smem:$0x3FAA] =	sst s4  }
0xd: {  	[smem:$0x3FAB] =	sst s5  }
0xe: {  	[smem:$0x3FAC] =	sst s6  }
0xf: {  	[smem:$0x3FAD] =	sst s7  }
0x10: {  	[smem:$0x3FAE] =	sst s8  }
0x11: {  	[smem:$0x3FAF] =	sst s9;
	s0 =	simm.s32 @!p0 $0x0  }
0x12: {  	s1 =	sld [smem:$0x3F95];
	s0 =	simm.s32 @p0 $0x1  }
0x13: {  	[smem:$0x3FB0] =	sst s0;
	s0 =	simm.s32 @!p1 $0x0  }
0x14: {  	s2 =	sld [smem:$0x3F94];
	s0 =	simm.s32 @p1 $0x1  }
0x15: {  	[smem:$0x3FB1] =	sst s0;
	s0 =	simm.s32 @!p2 $0x0  }
0x16: {  	s3 =	sld [smem:$0x3FDB];
	s0 =	simm.s32 @p2 $0x1  }
0x17: {  	s4 =	simm.s32 $0x1BF5;
	[smem:$0x3FB3] =	sst s0  }
0x18: {  	s0 =	sld [smem:$0x3F96];
	_ =	swait.ge [sflag:s4], $0x0  }
0x19: {  	s7 =	sld [smem:$0x3F97]  }
0x1a: {  	s8 =	sadd.s32 $0xFFFFE003, lr  }
0x1b: {  	s9 =	sadd.s32 $0xFFFFFEF7, lr;
	s5 =	simm.s32 $0xFFFFFFFF;
	p2 =	slt.u32 s8, $0xFFFFF086  }
0x1c: {  	p1 =	slt.u32 s9, $0xF7A;
	s5 =	simm.s32 @!p2 $0x0  }
0x1d: {  	s5 =	simm.s32 @p1 $0x1;
	p0 =	seq.s32 s7, s2  }
0x1e: {  	s7 =	smul.u32 @!p0 $0xF7A, s2;
	p2 =	seq.s32 @!p0 s5, $0x0  }
0x1f: {  	s9 =	smul.u32 $0xF7A, s1;
	s8 =	simm.s32 @!p0 $0x1BF5;
	p2 =	por !p2, p0  }
0x20: {  	[sflag:s8] =	ssyncset.s32 @!p0 $0xFFFFF086;
	s6 =	sadd.s32 @!p0 s3, s7;
	s7 =	simm.s32 @!p0 $0x108  }
0x21: {  	s3 =	sadd.s32 s3, s9;
	s6 =	sadd.s32 @!p0 $0x88, s6;
	s7 =	simm.s32 @p2 $0x1082  }
0x22: {  	[simem:s7], [sflag:s8] =	dma.local @!p0 [hbm:s6], $0xF7A  }
0x23: {  	s9 =	sor.u32 $0xD0000000, s2;
	s6 =	simm.s32 $0x108;
	_ =	swait.ge @!p0 [sflag:s8], $0x0  }
0x24: {  	s3 =	sadd.s32 $0x88, s3;
	s6 =	simm.s32 @!p1 $0x1082;
	[sflag:s4] =	ssyncset.s32 $0xFFFFF086  }
0x25: {  	[simem:s6], [sflag:s4] =	dma.local [hbm:s3], $0xF7A  }
0x26: {  	[smem:$0x3F97] =	sst s1;
	(tag) =	ssettag s2;
	_ =	strace s9  }
0x27: {  	s1 =	sld [smem:$0x3FA7]  }
0x28: {  	s2 =	sld [smem:$0x3FA8]  }
0x29: {  	s4 =	sld [smem:$0x3FAA]  }
0x2a: {  	p0 =	seq.s32 s5, $0x0;
	s5 =	sld [smem:$0x3FAB]  }
0x2b: {  	s6 =	sld [smem:$0x3FAC]  }
0x2c: {  	s7 =	sld [smem:$0x3FAD]  }
0x2d: {  	s3 =	simm.s32 $0x108;
	s8 =	sld [smem:$0x3FAE]  }
0x2e: {  	s3 =	simm.s32 @!p0 $0x1082;
	s9 =	sld [smem:$0x3FAF]  }
0x2f: {  	lr =	sadd.s32 s0, s3;
	s0 =	sld [smem:$0x3FA6]  }
0x30: {  	s3 =	sld [smem:$0x3FA9]  }
0x31: {  	[smem:$0x3FB2] =	sst s10  }
0x32: {  	s10 =	sld [smem:$0x3FB0];
	_ =	sdelay $0x3  }
0x33: {  	p0 =	seq.s32 s10, $0x1;
	s10 =	sld [smem:$0x3FB2];
	_ =	sdelay $0x3  }
0x34: {  	[smem:$0x3FB2] =	sst s10  }
0x35: {  	s10 =	sld [smem:$0x3FB1];
	_ =	sdelay $0x3  }
0x36: {  	p1 =	seq.s32 s10, $0x1;
	s10 =	sld [smem:$0x3FB2];
	_ =	sdelay $0x3  }
0x37: {  	[smem:$0x3FB2] =	sst s10  }
0x38: {  	s10 =	sld [smem:$0x3FB3]  }
0x39: {  	_ = 	snop;
	(pc) =	sbr.ind lr, $3  }
0x3a: {  	_ = 	snop  }
0x3b: {  	_ = 	snop  }
0x3c: {  	p2 =	seq.s32 s10, $0x1;
	s10 =	sld [smem:$0x3FB2]  }
0x3d: {  	_ =	shalt  }
0x3e: {  	_ =	shalt  }
0x3f: {  	_ =	shalt  }
0x40: {  	_ =	shalt  }
0x41: {  	_ =	shalt  }
0x42: {  	_ =	shalt  }
0x43: {  	_ =	shalt  }
0x44: {  	_ =	shalt  }
0x45: {  	_ =	shalt  }
0x46: {  	_ =	shalt  }
0x47: {  	_ =	shalt  }
0x48: {  	_ =	shalt  }
0x49: {  	_ =	shalt  }
0x4a: {  	_ =	shalt  }
0x4b: {  	_ =	shalt  }
0x4c: {  	_ =	shalt  }
0x4d: {  	_ =	shalt  }
0x4e: {  	_ =	shalt  }
0x4f: {  	_ =	shalt  }
0x50: {  	_ =	shalt  }
0x51: {  	_ =	shalt  }
0x52: {  	_ =	shalt  }
0x53: {  	_ =	shalt  }
0x54: {  	_ =	shalt  }
0x55: {  	_ =	shalt  }
0x56: {  	_ =	shalt  }
0x57: {  	_ =	shalt  }
0x58: {  	_ =	shalt  }
0x59: {  	_ =	shalt  }
0x5a: {  	_ =	shalt  }
0x5b: {  	_ =	shalt  }
0x5c: {  	_ =	shalt  }
0x5d: {  	_ =	shalt  }
0x5e: {  	_ =	shalt  }
0x5f: {  	_ =	shalt  }
0x60: {  	_ =	shalt  }
0x61: {  	_ =	shalt  }
0x62: {  	_ =	shalt  }
0x63: {  	_ =	shalt  }
0x64: {  	_ =	shalt  }
0x65: {  	_ =	shalt  }
0x66: {  	_ =	shalt  }
0x67: {  	_ =	shalt  }
0x68: {  	_ =	shalt  }
0x69: {  	_ =	shalt  }
0x6a: {  	_ =	shalt  }
0x6b: {  	_ =	shalt  }
0x6c: {  	_ =	shalt  }
0x6d: {  	_ =	shalt  }
0x6e: {  	_ =	shalt  }
0x6f: {  	_ =	shalt  }
0x70: {  	_ =	shalt  }
0x71: {  	_ =	shalt  }
0x72: {  	_ =	shalt  }
0x73: {  	_ =	shalt  }
0x74: {  	_ =	shalt  }
0x75: {  	_ =	shalt  }
0x76: {  	_ =	shalt  }
0x77: {  	_ =	shalt  }
0x78: {  	_ =	shalt  }
0x79: {  	_ =	shalt  }
0x7a: {  	_ =	shalt  }
0x7b: {  	_ =	shalt  }
0x7c: {  	_ =	shalt  }
0x7d: {  	_ =	shalt  }
0x7e: {  	_ =	shalt  }
0x7f: {  	_ =	shalt  }
0x80: {  	_ =	shalt  }
0x81: {  	_ =	shalt  }
0x82: {  	_ =	shalt  }
0x83: {  	_ =	shalt  }
0x84: {  	_ =	shalt  }
0x85: {  	_ =	shalt  }
0x86: {  	_ =	shalt  }
0x87: {  	_ =	shalt  }
.Lfunc_end0:
.L_simem_size_0:
called_computation.3_lowered:
.L_overlay_start_0:
0x88: {  	s2 =	sld [smem:$0x3FD9]  }
0x89: {  	s3 =	sld [smem:$0x3FFE];
	_ =	sdelay $0x1  }
0x8a: {  	s1 =	srdreg.scid  }
0x8b: {  	s0 =	sand.u32 $0x1, s1  }
0x8c: {  	s17 =	sshll.u32 s0, $0xA;
	s2 =	sadd.s32 s3, s2  }
0x8d: {  	s2 =	sadd.s32 s2, s17  }
0x8e: {  	[smem:$0x3FBE] =	sst s2  }
0x8f: {  	_ = 	snop  }
0x90: {  	s2 =	sld [smem:$0x3FD0];
	(tm) =	ssettm $0x1  }
0x91: {  	s18 =	sld [smem:$0x3FFB];
	_ =	sdelay $0x3  }
0x92: {  	_ =	strace s18  }
0x93: {  	s3 =	sld [smem:$0x3FFC];
	_ =	sdelay $0x3  }
0x94: {  	_ =	strace s3  }
0x95: {  	s3 =	sld [smem:$0x3FFD];
	_ =	sdelay $0x3  }
0x96: {  	_ =	strace s3  }
0x97: {  	_ =	strace $0x8FFFFFFF  }
0x98: {  	s19 =	sld [smem:$0x3FDB];
	_ =	sdelay $0x1  }
0x99: {  	s4 =	simm.s32 $_scs_section_size  }
0x9a: {  	s5 =	simm.s32 $_size__tile_overlayer_lowered;
	s6 =	simm.s32 $_tile_overlayer_lowered  }
0x9b: {  	s22 =	simm.s32 $0x1BFF;
	s21 =	sshll.u32 s6, $0x1;
	s3 =	sadd.s32 s4, s19  }
0x9c: {  	s7 =	simm.s32 $0x0;
	s20 =	sshll.u32 s5, $0x1;
	s5 =	sadd.s32 s21, s3  }
0x9d: {  	[timem:s7], [sflag:s22] =	dma.local [hbm:s5], s20  }
0x9e: {  	_ =	swait.ge [sflag:s22], s20  }
0x9f: {  	s4 =	ssub.s32 $0x0, s20;
	[sflag:s22] =	ssyncset.done $0x0  }
0xa0: {  	[sflag:s22] =	ssyncadd.s32 s4;
	_ =	sdelay $0x1  }
0xa1: {  	s23 =	simm.s32 $0x1B8B  }
0xa2: {  	_ =	swait.ge [sflag:s23], $0x1  }
0xa3: {  	[sflag:s23] =	ssyncset.done $0x0  }
0xa4: {  	s25 =	simm.s32 $0x1B8E;
	s24 =	sld [smem:$0x3FFE];
	[sflag:s23] =	ssyncadd.s32 $0xFFFFFFFF  }
0xa5: {  	s26 =	simm.s32 $execute0_lowered;
	[smem:$0x3FD2] =	sst s25  }
0xa6: {  	s5 =	sshll.u32 s26, $0x1;
	_ =	strace $0x8000004F;
	[dreg:$0x1] =	wrdreg $0xFFFFFFFF  }
0xa7: {  	s28 =	simm.s32 $_size_execute0_lowered;
	s3 =	sadd.s32 s3, s5;
	[dreg:$0x0] =	wrdreg $0x0  }
0xa8: {  	s5 =	sshll.u32 s28, $0x1;
	[dreg:$0x2] =	wrdreg s3  }
0xa9: {  	[dreg:$0x3] =	wrdreg s5  }
0xaa: {  	[dreg:$0x4] =	wrdreg $0xC0  }
0xab: {  	_ =	task [dreg:s7], $0x5FFFF  }
0xac: {  	[dreg:$0x1] =	wrdreg $0xFFFFFFFF  }
0xad: {  	[dreg:$0x0] =	wrdreg $0x60  }
0xae: {  	[dreg:$0x2] =	wrdreg s24  }
0xaf: {  	[dreg:$0x3] =	wrdreg s2  }
0xb0: {  	[dreg:$0x4] =	wrdreg $0xC7600  }
0xb1: {  	[dreg:$0x5] =	wrdreg $0x9  }
0xb2: {  	_ =	task.clear_ibuf [dreg:s7], $0x6FFFF;
	_ =	strace $0x9000004F  }
0xb3: {  	s29 =	simm.s32 $0x9;
	_ =	strace $0x80000051  }
0xb4: {  	_ =	swait.ge [sflag:s29], $0x1  }
0xb5: {  	[sflag:s29] =	ssyncadd.s32 $0xFFFFFFFF  }
0xb6: {  	_ =	strace $0x90000051  }
0xb7: {  	_ =	sfence  }
0xb8: {  	s30 =	sld [smem:$0x0];
	_ =	sdelay $0x2  }
0xb9: {  	s31 =	sshll.u32 s1, $0xD;
	s1 =	sshrl.u32 s1, $0x2  }
0xba: {  	s3 =	sand.u32 $0x4000, s31;
	s1 =	sadd.s32 s1, s30  }
0xbb: {  	s0 =	sor.u32 s3, s0;
	s1 =	sshll.u32 s1, $0x11  }
0xbc: {  	s0 =	sor.u32 s1, s0  }
0xbd: {  	s0 =	sadd.s32 $0x8F2B, s0  }
0xbe: {  	[sflag:s0] =	ssyncadd.remote.s32 $0x1  }
0xbf: {  	_ =	sfence.sel $0xFFFF  }
0xc0: {  	[dreg:$0x0] =	wrdreg $0xFFFFFFFF;
	(pc) =	sbr.abs _section_cstart, $3  }
0xc1: {  	[dreg:$0x1] =	wrdreg $0xFFFFFFFF  }
0xc2: {  	_ =	task.clear_ibuf [dreg:s7], $0x2FFFF;
	_ =	strace $0x9FFFFFFF  }
0xc3: {  	(tm) =	ssettm $0x7FFFFFFF  }
tec
execute0_lowered:
.L_overlay_start_1:
0x0: {  	(tag) =	ssettag $0x1  }
0x1: {  	s2 =	rddreg [dreg:$0x0]  }
0x2: {  	s0 =	srdreg.scid;
	s1 =	rddreg [dreg:$0x1]  }
0x3: {  	s16 =	stileid.u32;
	s5 =	simm.s32 $0x0;
	s28 =	simm.s32 $0x1310  }
0x4: {  	s29 =	simm.s32 $0x26C0;
	s30 =	simm.s32 $0x0;
	s0 =	sand.u32 $0x1, s0  }
0x5: {  	[smem:$0x7FF] =	sst s5;
	s3 =	sshll.u32 s0, $0x4;
	s5 =	smul.u32 $0x138800, s0  }
0x6: {  	s4 =	ssub.s32 $0x2, s0;
	s0 =	smul.u32 $0x2800, s16;
	s3 =	sor.u32 s16, s3  }
0x7: {  	s6 =	sadd.s32 $0x3400, s2;
	s8 =	sor.u32 $0x10, s16;
	s3 =	smul.u32 $0x2710, s3  }
0x8: {  	s7 =	sadd.s32 $0x5B600, s2;
	s10 =	smul.u32 $0xA000, s8;
	s11 =	sadd.s32 s5, s0  }
0x9: {  	s15 =	sshrl.u32 s4, $0x1;
	s11 =	sshrl.u32 s11, $0x3;
	s3 =	sshrl.u32 s3, $0x3  }
0xa: {  	s4 =	ssub.s32 s4, s15;
	s11 =	sadd.s32 s7, s11;
	s17 =	sadd.s32 s1, s3  }
0xb: {  	s9 =	sadd.s32 $0x276, s3;
	s18 =	sadd.s32 s6, s3;
	s3 =	sor.u32 $0x20, s16  }
0xc: {  	[dreg:$0x8] =	wrdreg s11;
	s19 =	sadd.s32 s1, s9;
	s1 =	smul.u32 $0x2800, s8  }
0xd: {  	s20 =	sadd.s32 s6, s9;
	s6 =	sor.u32 $0x30, s16;
	s14 =	smul.u32 $0x2800, s3  }
0xe: {  	[dreg:$0x4] =	wrdreg s17;
	s8 =	sor.u32 $0x40, s16;
	s15 =	smul.u32 $0x2800, s6  }
0xf: {  	[dreg:$0x5] =	wrdreg s18;
	s9 =	sor.u32 $0x50, s16;
	s18 =	smul.u32 $0x2800, s8  }
0x10: {  	s17 =	sor.u32 $0x60, s16;
	[dreg:$0x6] =	wrdreg s19;
	s19 =	smul.u32 $0x2800, s9  }
0x11: {  	[dreg:$0x7] =	wrdreg s20;
	s20 =	smul.u32 $0x2800, s17;
	s12 =	sadd.s32 s5, s1  }
0x12: {  	s22 =	sadd.s32 s5, s14;
	s12 =	sshrl.u32 s12, $0x3;
	s23 =	sadd.s32 s5, s15  }
0x13: {  	s11 =	sshrl.u32 s22, $0x3;
	s25 =	sadd.s32 s5, s18;
	s13 =	sadd.s32 s5, s19  }
0x14: {  	s31 =	sadd.s32 s5, s20;
	s22 =	smul.u32 $0xA000, s3;
	s21 =	sadd.s32 s7, s12  }
0x15: {  	s12 =	sshrl.u32 s23, $0x3;
	s11 =	sadd.s32 s7, s11;
	[dreg:$0x9] =	wrdreg s21  }
0x16: {  	s13 =	sshrl.u32 s13, $0x3;
	[dreg:$0xa] =	wrdreg s11;
	s24 =	sadd.s32 s7, s12  }
0x17: {  	s11 =	sor.u32 $0x70, s16;
	s26 =	sadd.s32 s7, s13;
	s13 =	rddreg [dreg:$0x2]  }
0x18: {  	s12 =	sshrl.u32 s25, $0x3;
	s25 =	smul.u32 $0xA000, s6;
	[dreg:$0xb] =	wrdreg s24  }
0x19: {  	s21 =	smul.u32 $0x2800, s11;
	s12 =	sadd.s32 s7, s12;
	[dreg:$0xd] =	wrdreg s26  }
0x1a: {  	s24 =	sshrl.u32 s10, $0x2;
	p0 =	sgt.u32 s11, $0x7C;
	s10 =	smul.u32 $0xA000, s11  }
0x1b: {  	s0 =	sadd.s32 s0, s13;
	s1 =	sadd.s32 s1, s13;
	s14 =	sadd.s32 s14, s13  }
0x1c: {  	s18 =	sadd.s32 s18, s13;
	s19 =	sadd.s32 s19, s13;
	s20 =	sadd.s32 s20, s13  }
0x1d: {  	[dreg:$0xc] =	wrdreg s12;
	s12 =	sshrl.u32 s31, $0x3;
	s26 =	sadd.s32 s24, s13  }
0x1e: {  	s31 =	smul.u32 $0xA000, s8;
	s6 =	sshrl.u32 s25, $0x2;
	s0 =	sshrl.u32 s0, $0x3  }
0x1f: {  	s25 =	sshrl.u32 s18, $0x3;
	s18 =	simm.s32 $0x5;
	s5 =	sadd.s32 s5, s21  }
0x20: {  	s12 =	sadd.s32 s7, s12;
	s8 =	sadd.s32 s6, s13;
	s5 =	sshrl.u32 s5, $0x3  }
0x21: {  	[dreg:$0xe] =	wrdreg s12;
	s12 =	smax.u32 s4, $0x1;
	s5 =	sadd.s32 s7, s5  }
0x22: {  	s7 =	smul.u32 $0xA000, s16;
	s16 =	sadd.s32 $0xD200, s2;
	[dreg:$0xf] =	wrdreg s5  }
0x23: {  	s2 =	sshrl.u32 s22, $0x2;
	_ =	strace $0x80000050;
	[dreg:$0x10] =	wrdreg s12  }
0x24: {  	s6 =	simm.s32 $0x2;
	s2 =	sadd.s32 s2, s13;
	[dreg:$0x12] =	wrdreg s26  }
0x25: {  	s4 =	simm.s32 $0x9;
	s22 =	sshrl.u32 s1, $0x3;
	[dreg:$0x13] =	wrdreg s2  }
0x26: {  	s23 =	sshrl.u32 s7, $0x2;
	s7 =	smul.u32 $0xA000, s9;
	[dreg:$0x14] =	wrdreg s8  }
0x27: {  	s5 =	simm.s32 $0x1;
	s9 =	smul.u32 $0xA000, s17;
	[dreg:$0x19] =	wrdreg s0  }
0x28: {  	s12 =	sshrl.u32 s10, $0x2;
	s17 =	sadd.s32 s15, s13;
	[dreg:$0x1a] =	wrdreg s22  }
0x29: {  	[dreg:$0x1d] =	wrdreg s25;
	s26 =	sshrl.u32 s19, $0x3;
	s8 =	simm.s32 $0x4F60  }
0x2a: {  	s10 =	simm.s32 $0x7760;
	s15 =	simm.s32 $0x3;
	s19 =	simm.s32 $0x6  }
0x2b: {  	s22 =	simm.s32 $0x2530;
	s25 =	simm.s32 $0x2620;
	s3 =	sadd.s32 s23, s13  }
0x2c: {  	s23 =	sshrl.u32 s14, $0x3;
	s24 =	sshrl.u32 s17, $0x3;
	[dreg:$0x1e] =	wrdreg s26  }
0x2d: {  	s14 =	simm.s32 $0x9F60;
	s17 =	simm.s32 $0x4;
	s26 =	simm.s32 $0x2670  }
0x2e: {  	[dreg:$0x11] =	wrdreg s3;
	s3 =	sshrl.u32 s31, $0x2;
	s11 =	sshrl.u32 s7, $0x2  }
0x2f: {  	s2 =	sshrl.u32 s9, $0x2;
	s7 =	sadd.s32 s21, s13;
	[dreg:$0x1b] =	wrdreg s23  }
0x30: {  	[dreg:$0x1c] =	wrdreg s24;
	s31 =	sshrl.u32 s20, $0x3;
	s9 =	simm.s32 $0xA0  }
0x31: {  	s20 =	simm.s32 $0x7;
	s21 =	simm.s32 $0x8;
	s23 =	simm.s32 $0x2580  }
0x32: {  	s24 =	simm.s32 $0x25D0;
	s3 =	sadd.s32 s3, s13;
	[dreg:$0x1f] =	wrdreg s31  }
0x33: {  	s2 =	sadd.s32 s2, s13;
	s1 =	sshrl.u32 @!p0 s7, $0x3;
	[dreg:$0x15] =	wrdreg s3  }
0x34: {  	s7 =	simm.s32 $0x50;
	s3 =	sadd.s32 s11, s13;
	[dreg:$0x17] =	wrdreg s2  }
0x35: {  	s2 =	sadd.s32 s12, s13;
	s11 =	simm.s32 $0xF0;
	[dreg:$0x16] =	wrdreg s3  }
0x36: {  	v0 =	vimm.f32 $0.0e+00;
	[dreg:$0x18] =	wrdreg s2;
	s3 =	simm.s32 $0x2760;
	s2 =	simm.s32 $0x12C0  }
.LBB2_1:
0x37: {  	s0 =	simm.s32 $0x0;
	s12 =	rddreg [dreg:$0x4]  }
0x38: {  	[tilespmem:s0], [sflag:$0x1] =	stream.linear.gather [hbm4b:s12+s0], $0x13B0, $0x38;
	v63 =	vld [tilespmem:$0x0]  }
0x39: {  	s31 =	simm.s32 $0x13B0;
	s12 =	rddreg [dreg:$0x5]  }
0x3a: {  	[tilespmem:s31], [sflag:$0x2] =	stream.linear.gather [hbm4b:s12+s0], $0x13B0, $0x38;
	v63 =	vld [tilespmem:$0x0]  }
0x3b: {  	s12 =	simm.s32 $0x0;
	s31 =	simm.s32 $0x200  }
.LBB2_2:
0x3c: {  	p1 =	sne.s32 s31, $0x9E00;
	[tilespmem:s12+$0x27D0] =	vst v0  }
0x3d: {  	[tilespmem:s12+$0x2760] =	vst v0  }
0x3e: {  	[tilespmem:s12+$0x2770] =	vst v0  }
.Ltmp0:
0x3f: {  	[tilespmem:s12+$0x2780] =	vst v0;
	(pc) =	sbr.rel @p1 .LBB2_2-.Ltmp0, $4  }
0x40: {  	[tilespmem:s12+$0x2790] =	vst v0  }
0x41: {  	[tilespmem:s12+$0x27A0] =	vst v0  }
0x42: {  	[tilespmem:s12+$0x27B0] =	vst v0  }
0x43: {  	[tilespmem:s12+$0x27C0] =	vst v0;
	s12 =	sshra.s32 s31, $0x2;
	s31 =	sadd.s32 $0x200, s31  }
0x44: {  	[tilespmem:s12+$0x27D0] =	vst v0  }
0x45: {  	[tilespmem:s12+$0x2760] =	vst v0  }
0x46: {  	[tilespmem:s12+$0x2770] =	vst v0  }
0x47: {  	[tilespmem:s12+$0x2780] =	vst v0  }
0x48: {  	[tilespmem:s12+$0x2790] =	vst v0  }
0x49: {  	[tilespmem:s12+$0x27A0] =	vst v0  }
0x4a: {  	[tilespmem:s12+$0x27B0] =	vst v0  }
0x4b: {  	[tilespmem:s12+$0x27C0] =	vst v0;
	s0 =	rddreg [dreg:$0x11]  }
0x4c: {  	[spmem:s0] =	stream.linear.scatter [tilespmem:s3], [sflag:$0x9], $0x2800, $0x38;
	v63 =	vld [tilespmem:$0x0]  }
0x4d: {  	_ =	swait.ge [sflag:s4], $0x2800  }
0x4e: {  	[sflag:s4] =	ssyncset.done $0x0  }
0x4f: {  	s12 =	rddreg [dreg:$0x12];
	[sflag:s4] =	ssyncadd.s32 $0xFFFFD800  }
0x50: {  	[spmem:s12] =	stream.linear.scatter [tilespmem:s3], [sflag:$0x9], $0x2800, $0x38;
	v63 =	vld [tilespmem:$0x0]  }
0x51: {  	_ =	swait.ge [sflag:s4], $0x2800  }
0x52: {  	[sflag:s4] =	ssyncset.done $0x0  }
0x53: {  	s12 =	rddreg [dreg:$0x13];
	[sflag:s4] =	ssyncadd.s32 $0xFFFFD800  }
0x54: {  	[spmem:s12] =	stream.linear.scatter [tilespmem:s3], [sflag:$0x9], $0x2800, $0x38;
	v63 =	vld [tilespmem:$0x0]  }
0x55: {  	_ =	swait.ge [sflag:s4], $0x2800  }
0x56: {  	[sflag:s4] =	ssyncset.done $0x0  }
0x57: {  	s12 =	rddreg [dreg:$0x14];
	[sflag:s4] =	ssyncadd.s32 $0xFFFFD800  }
0x58: {  	[spmem:s12] =	stream.linear.scatter [tilespmem:s3], [sflag:$0x9], $0x2800, $0x38;
	v63 =	vld [tilespmem:$0x0]  }
0x59: {  	_ =	swait.ge [sflag:s4], $0x2800  }
0x5a: {  	[sflag:s4] =	ssyncset.done $0x0  }
0x5b: {  	s12 =	rddreg [dreg:$0x15];
	[sflag:s4] =	ssyncadd.s32 $0xFFFFD800  }
0x5c: {  	[spmem:s12] =	stream.linear.scatter [tilespmem:s3], [sflag:$0x9], $0x2800, $0x38;
	v63 =	vld [tilespmem:$0x0]  }
0x5d: {  	_ =	swait.ge [sflag:s4], $0x2800  }
0x5e: {  	[sflag:s4] =	ssyncset.done $0x0  }
0x5f: {  	s12 =	rddreg [dreg:$0x16];
	[sflag:s4] =	ssyncadd.s32 $0xFFFFD800  }
0x60: {  	[spmem:s12] =	stream.linear.scatter [tilespmem:s3], [sflag:$0x9], $0x2800, $0x38;
	v63 =	vld [tilespmem:$0x0]  }
0x61: {  	_ =	swait.ge [sflag:s4], $0x2800  }
0x62: {  	[sflag:s4] =	ssyncset.done $0x0  }
0x63: {  	s12 =	rddreg [dreg:$0x17];
	[sflag:s4] =	ssyncadd.s32 $0xFFFFD800  }
0x64: {  	[spmem:s12] =	stream.linear.scatter [tilespmem:s3], [sflag:$0x9], $0x2800, $0x38;
	v63 =	vld [tilespmem:$0x0]  }
0x65: {  	_ =	swait.ge [sflag:s4], $0x2800  }
0x66: {  	[sflag:s4] =	ssyncset.done $0x0  }
0x67: {  	s12 =	simm.s32 @!p0 $0x2760;
	s0 =	rddreg [dreg:$0x18];
	[sflag:s4] =	ssyncadd.s32 $0xFFFFD800  }
0x68: {  	[spmem:s0] =	stream.linear.scatter @!p0 [tilespmem:s12], [sflag:$0x9], $0x2800, $0x38;
	v63 =	vld [tilespmem:$0x0]  }
0x69: {  	s12 =	simm.s32 @!p0 $0x9  }
0x6a: {  	_ =	swait.ge @!p0 [sflag:s12], $0x2800  }
0x6b: {  	[sflag:s12] =	ssyncset.done @!p0 $0x0  }
0x6c: {  	[sflag:s12] =	ssyncadd.s32 @!p0 $0xFFFFD800  }
0x6d: {  	_ =	swait.ge [sflag:s5], $0x13B0  }
0x6e: {  	[sflag:s5] =	ssyncset.done $0x0  }
0x6f: {  	[sflag:s5] =	ssyncadd.s32 $0xFFFFEC50  }
0x70: {  	_ =	swait.ge [sflag:s6], $0x13B0  }
0x71: {  	[sflag:s6] =	ssyncset.done $0x0  }
0x72: {  	[sflag:s6] =	ssyncadd.s32 $0xFFFFEC50  }
0x73: {  	s0 =	simm.s32 $0x0;
	[bflag:$0x0] =	sbarrier.arrive $0xFFFF  }
0x74: {  	[tilespmem:s3], [sflag:$0x1] =	stream.indirect.gather [hbm4b:s16+s7], $0x80, s0, s7, $0xb8;
	v63 =	vld [tilespmem:$0x0]  }
0x75: {  	_ = 	snop  }
0x76: {  	[tilespmem:s8], [sflag:$0x2] =	stream.indirect.gather [hbm4b:s16+s7], $0x80, s7, s7, $0xb8;
	v63 =	vld [tilespmem:$0x0]  }
0x77: {  	_ = 	snop  }
0x78: {  	[tilespmem:s10], [sflag:$0x3] =	stream.indirect.gather [hbm4b:s16+s7], $0x80, s9, s7, $0xb8;
	v63 =	vld [tilespmem:$0x0]  }
0x79: {  	_ = 	snop  }
0x7a: {  	[tilespmem:s14], [sflag:$0x4] =	stream.indirect.gather [hbm4b:s16+s7], $0x80, s11, s7, $0xb8;
	v63 =	vld [tilespmem:$0x0]  }
0x7b: {  	_ =	swait.ge [sflag:s5], $0x2800  }
0x7c: {  	[sflag:s5] =	ssyncset.done $0x0  }
0x7d: {  	s0 =	simm.s32 $0x13B0;
	[sflag:s5] =	ssyncadd.s32 $0xFFFFD800  }
0x7e: {  	[spmem:s13] =	stream.indirect.scatter.add.f32 [tilespmem:s3], [sflag:$0x5], $0x80, s0, s7, $0xb8;
	v63 =	vld [tilespmem:$0x0]  }
0x7f: {  	_ =	swait.ge [sflag:s6], $0x2800  }
0x80: {  	[sflag:s6] =	ssyncset.done $0x0  }
0x81: {  	s0 =	simm.s32 $0x1400;
	[sflag:s6] =	ssyncadd.s32 $0xFFFFD800  }
0x82: {  	[spmem:s13] =	stream.indirect.scatter.add.f32 [tilespmem:s8], [sflag:$0x6], $0x80, s0, s7, $0xb8;
	v63 =	vld [tilespmem:$0x0]  }
0x83: {  	_ =	swait.ge [sflag:s15], $0x2800  }
0x84: {  	[sflag:s15] =	ssyncset.done $0x0  }
0x85: {  	s0 =	simm.s32 $0x1450;
	[sflag:s15] =	ssyncadd.s32 $0xFFFFD800  }
0x86: {  	[spmem:s13] =	stream.indirect.scatter.add.f32 [tilespmem:s10], [sflag:$0x7], $0x80, s0, s7, $0xb8;
	v63 =	vld [tilespmem:$0x0]  }
0x87: {  	_ =	swait.ge [sflag:s17], $0x2800  }
0x88: {  	[sflag:s17] =	ssyncset.done $0x0  }
0x89: {  	s0 =	simm.s32 $0x14A0;
	[sflag:s17] =	ssyncadd.s32 $0xFFFFD800  }
0x8a: {  	[spmem:s13] =	stream.indirect.scatter.add.f32 [tilespmem:s14], [sflag:$0x8], $0x80, s0, s7, $0xb8;
	v63 =	vld [tilespmem:$0x0]  }
0x8b: {  	_ =	swait.ge [sflag:s18], $0x2800  }
0x8c: {  	[sflag:s18] =	ssyncset.done $0x0  }
0x8d: {  	s0 =	simm.s32 $0x140;
	[sflag:s18] =	ssyncadd.s32 $0xFFFFD800  }
0x8e: {  	[tilespmem:s3], [sflag:$0x1] =	stream.indirect.gather [hbm4b:s16+s7], $0x80, s0, s7, $0xb8;
	v63 =	vld [tilespmem:$0x0]  }
0x8f: {  	_ =	swait.ge [sflag:s19], $0x2800  }
0x90: {  	[sflag:s19] =	ssyncset.done $0x0  }
0x91: {  	s0 =	simm.s32 $0x190;
	[sflag:s19] =	ssyncadd.s32 $0xFFFFD800  }
0x92: {  	[tilespmem:s8], [sflag:$0x2] =	stream.indirect.gather [hbm4b:s16+s7], $0x80, s0, s7, $0xb8;
	v63 =	vld [tilespmem:$0x0]  }
0x93: {  	_ =	swait.ge [sflag:s20], $0x2800  }
0x94: {  	[sflag:s20] =	ssyncset.done $0x0  }
0x95: {  	s0 =	simm.s32 $0x1E0;
	[sflag:s20] =	ssyncadd.s32 $0xFFFFD800  }
0x96: {  	[tilespmem:s10], [sflag:$0x3] =	stream.indirect.gather [hbm4b:s16+s7], $0x80, s0, s7, $0xb8;
	v63 =	vld [tilespmem:$0x0]  }
0x97: {  	_ =	swait.ge [sflag:s21], $0x2800  }
0x98: {  	[sflag:s21] =	ssyncset.done $0x0  }
0x99: {  	s31 =	simm.s32 $0x500;
	s12 =	simm.s32 $0x230;
	[sflag:s21] =	ssyncadd.s32 $0xFFFFD800  }
.LBB2_4:
0x9a: {  	[tilespmem:s14], [sflag:$0x4] =	stream.indirect.gather [hbm4b:s16+s7], $0x80, s12, s7, $0xb8;
	v63 =	vld [tilespmem:$0x0]  }
0x9b: {  	s12 =	smov.u32 s31  }
0x9c: {  	p1 =	sne.s32 s31, $0x4100;
	s31 =	sadd.s32 $0x500, s31;
	_ =	swait.ge [sflag:s5], $0x2800  }
0x9d: {  	s12 =	sshra.s32 s12, $0x2;
	[sflag:s5] =	ssyncset.done $0x0  }
0x9e: {  	s0 =	sadd.s32 $0x13B0, s12;
	[sflag:s5] =	ssyncadd.s32 $0xFFFFD800  }
0x9f: {  	[spmem:s13] =	stream.indirect.scatter.add.f32 [tilespmem:s3], [sflag:$0x5], $0x80, s0, s7, $0xb8;
	v63 =	vld [tilespmem:$0x0]  }
0xa0: {  	_ =	swait.ge [sflag:s6], $0x2800  }
0xa1: {  	[sflag:s6] =	ssyncset.done $0x0  }
0xa2: {  	s0 =	sadd.s32 $0x1400, s12;
	[sflag:s6] =	ssyncadd.s32 $0xFFFFD800  }
0xa3: {  	[spmem:s13] =	stream.indirect.scatter.add.f32 [tilespmem:s8], [sflag:$0x6], $0x80, s0, s7, $0xb8;
	v63 =	vld [tilespmem:$0x0]  }
0xa4: {  	_ =	swait.ge [sflag:s15], $0x2800  }
0xa5: {  	[sflag:s15] =	ssyncset.done $0x0  }
0xa6: {  	s0 =	sadd.s32 $0x1450, s12;
	[sflag:s15] =	ssyncadd.s32 $0xFFFFD800  }
0xa7: {  	[spmem:s13] =	stream.indirect.scatter.add.f32 [tilespmem:s10], [sflag:$0x7], $0x80, s0, s7, $0xb8;
	v63 =	vld [tilespmem:$0x0]  }
0xa8: {  	_ =	swait.ge [sflag:s17], $0x2800  }
0xa9: {  	[sflag:s17] =	ssyncset.done $0x0  }
0xaa: {  	s0 =	sadd.s32 $0x14A0, s12;
	[sflag:s17] =	ssyncadd.s32 $0xFFFFD800  }
0xab: {  	[spmem:s13] =	stream.indirect.scatter.add.f32 [tilespmem:s14], [sflag:$0x8], $0x80, s0, s7, $0xb8;
	v63 =	vld [tilespmem:$0x0]  }
0xac: {  	_ =	swait.ge [sflag:s18], $0x2800  }
0xad: {  	[sflag:s18] =	ssyncset.done $0x0  }
0xae: {  	s0 =	sadd.s32 $0x140, s12;
	[sflag:s18] =	ssyncadd.s32 $0xFFFFD800  }
0xaf: {  	[tilespmem:s3], [sflag:$0x1] =	stream.indirect.gather [hbm4b:s16+s7], $0x80, s0, s7, $0xb8;
	v63 =	vld [tilespmem:$0x0]  }
0xb0: {  	_ =	swait.ge [sflag:s19], $0x2800  }
0xb1: {  	[sflag:s19] =	ssyncset.done $0x0  }
0xb2: {  	s0 =	sadd.s32 $0x190, s12;
	[sflag:s19] =	ssyncadd.s32 $0xFFFFD800  }
0xb3: {  	[tilespmem:s8], [sflag:$0x2] =	stream.indirect.gather [hbm4b:s16+s7], $0x80, s0, s7, $0xb8;
	v63 =	vld [tilespmem:$0x0]  }
0xb4: {  	_ =	swait.ge [sflag:s20], $0x2800  }
0xb5: {  	[sflag:s20] =	ssyncset.done $0x0  }
.Ltmp1:
0xb6: {  	s0 =	sadd.s32 $0x1E0, s12;
	[sflag:s20] =	ssyncadd.s32 $0xFFFFD800;
	(pc) =	sbr.rel @p1 .LBB2_4-.Ltmp1, $4  }
0xb7: {  	[tilespmem:s10], [sflag:$0x3] =	stream.indirect.gather [hbm4b:s16+s7], $0x80, s0, s7, $0xb8;
	v63 =	vld [tilespmem:$0x0]  }
0xb8: {  	_ =	swait.ge [sflag:s21], $0x2800  }
0xb9: {  	[sflag:s21] =	ssyncset.done $0x0  }
0xba: {  	s12 =	sadd.s32 $0x230, s12;
	[sflag:s21] =	ssyncadd.s32 $0xFFFFD800  }
0xbb: {  	[tilespmem:s14], [sflag:$0x4] =	stream.indirect.gather [hbm4b:s16+s7], $0x80, s12, s7, $0xb8;
	v63 =	vld [tilespmem:$0x0]  }
0xbc: {  	_ =	swait.ge [sflag:s5], $0x2800  }
0xbd: {  	[sflag:s5] =	ssyncset.done $0x0  }
0xbe: {  	[sflag:s5] =	ssyncadd.s32 $0xFFFFD800  }
0xbf: {  	[spmem:s13] =	stream.indirect.scatter.add.f32 [tilespmem:s3], [sflag:$0x5], $0x80, s22, s7, $0xb8;
	v63 =	vld [tilespmem:$0x0]  }
0xc0: {  	_ =	swait.ge [sflag:s6], $0x2800  }
0xc1: {  	[sflag:s6] =	ssyncset.done $0x0  }
0xc2: {  	[sflag:s6] =	ssyncadd.s32 $0xFFFFD800  }
0xc3: {  	[spmem:s13] =	stream.indirect.scatter.add.f32 [tilespmem:s8], [sflag:$0x6], $0x80, s23, s7, $0xb8;
	v63 =	vld [tilespmem:$0x0]  }
0xc4: {  	_ =	swait.ge [sflag:s15], $0x2800  }
0xc5: {  	[sflag:s15] =	ssyncset.done $0x0  }
0xc6: {  	[sflag:s15] =	ssyncadd.s32 $0xFFFFD800  }
0xc7: {  	[spmem:s13] =	stream.indirect.scatter.add.f32 [tilespmem:s10], [sflag:$0x7], $0x80, s24, s7, $0xb8;
	v63 =	vld [tilespmem:$0x0]  }
0xc8: {  	_ =	swait.ge [sflag:s17], $0x2800  }
0xc9: {  	[sflag:s17] =	ssyncset.done $0x0  }
0xca: {  	[sflag:s17] =	ssyncadd.s32 $0xFFFFD800  }
0xcb: {  	[spmem:s13] =	stream.indirect.scatter.add.f32 [tilespmem:s14], [sflag:$0x8], $0x80, s25, s7, $0xb8;
	v63 =	vld [tilespmem:$0x0]  }
0xcc: {  	_ =	swait.ge [sflag:s18], $0x2800  }
0xcd: {  	[sflag:s18] =	ssyncset.done $0x0  }
0xce: {  	[sflag:s18] =	ssyncadd.s32 $0xFFFFD800  }
0xcf: {  	_ =	swait.ge [sflag:s19], $0x2800  }
0xd0: {  	[sflag:s19] =	ssyncset.done $0x0  }
0xd1: {  	[sflag:s19] =	ssyncadd.s32 $0xFFFFD800  }
0xd2: {  	_ =	swait.ge [sflag:s20], $0x2800  }
0xd3: {  	[sflag:s20] =	ssyncset.done $0x0  }
0xd4: {  	[sflag:s20] =	ssyncadd.s32 $0xFFFFD800  }
0xd5: {  	_ =	swait.ge [sflag:s21], $0x2800  }
0xd6: {  	[sflag:s21] =	ssyncset.done $0x0  }
0xd7: {  	[sflag:s21] =	ssyncadd.s32 $0xFFFFD800  }
0xd8: {  	[tilespmem:s3], [sflag:$0x1] =	stream.indirect.gather [hbm4b:s16+s7], $0x80, s2, s7, $0xb8;
	v63 =	vld [tilespmem:$0x0]  }
0xd9: {  	_ =	swait.ge [sflag:s5], $0x2800  }
0xda: {  	[sflag:s5] =	ssyncset.done $0x0  }
0xdb: {  	[sflag:s5] =	ssyncadd.s32 $0xFFFFD800  }
0xdc: {  	[spmem:s13] =	stream.indirect.scatter.add.f32 [tilespmem:s3], [sflag:$0x9], $0x80, s26, s7, $0xb8;
	v63 =	vld [tilespmem:$0x0]  }
0xdd: {  	_ =	swait.ge [sflag:s4], $0x2800  }
0xde: {  	[sflag:s4] =	ssyncset.done $0x0  }
0xdf: {  	[sflag:s4] =	ssyncadd.s32 $0xFFFFD800  }
0xe0: {  	[tilespmem:s8], [sflag:$0x2] =	stream.indirect.gather [hbm4b:s16+s7], $0x80, s28, s7, $0xb8;
	v63 =	vld [tilespmem:$0x0]  }
0xe1: {  	_ =	swait.ge [sflag:s6], $0x2800  }
0xe2: {  	[sflag:s6] =	ssyncset.done $0x0  }
0xe3: {  	[sflag:s6] =	ssyncadd.s32 $0xFFFFD800  }
0xe4: {  	[spmem:s13] =	stream.indirect.scatter.add.f32 [tilespmem:s8], [sflag:$0x9], $0x80, s29, s7, $0xb8;
	v63 =	vld [tilespmem:$0x0]  }
0xe5: {  	_ =	swait.ge [sflag:s4], $0x2800  }
0xe6: {  	[sflag:s4] =	ssyncset.done $0x0  }
0xe7: {  	s0 =	simm.s32 $0x1360;
	[sflag:s4] =	ssyncadd.s32 $0xFFFFD800  }
0xe8: {  	[tilespmem:s10], [sflag:$0x3] =	stream.indirect.gather [hbm4b:s16+s7], $0x80, s0, s7, $0xb8;
	v63 =	vld [tilespmem:$0x0]  }
0xe9: {  	_ =	swait.ge [sflag:s15], $0x2800  }
0xea: {  	[sflag:s15] =	ssyncset.done $0x0  }
0xeb: {  	s12 =	simm.s32 $0x2710;
	[sflag:s15] =	ssyncadd.s32 $0xFFFFD800  }
0xec: {  	[spmem:s13] =	stream.indirect.scatter.add.f32 [tilespmem:s10], [sflag:$0x9], $0x80, s12, s7, $0xb8;
	v63 =	vld [tilespmem:$0x0]  }
0xed: {  	_ =	swait.ge [sflag:s4], $0x2800  }
0xee: {  	[sflag:s4] =	ssyncset.done $0x0  }
0xef: {  	s0 =	simm.s32 $0x0;
	s12 =	rddreg [dreg:$0x6];
	[sflag:s4] =	ssyncadd.s32 $0xFFFFD800  }
0xf0: {  	[tilespmem:s0], [sflag:$0x9] =	stream.linear.gather [hbm4b:s12+s0], $0x1360, $0x38;
	v63 =	vld [tilespmem:$0x0]  }
0xf1: {  	_ =	swait.ge [sflag:s4], $0x1360  }
0xf2: {  	[sflag:s4] =	ssyncset.done $0x0  }
0xf3: {  	s31 =	simm.s32 $0x13B0;
	s12 =	rddreg [dreg:$0x7];
	[sflag:s4] =	ssyncadd.s32 $0xFFFFECA0  }
0xf4: {  	[tilespmem:s31], [sflag:$0x9] =	stream.linear.gather [hbm4b:s12+s0], $0x1360, $0x38;
	v63 =	vld [tilespmem:$0x0]  }
0xf5: {  	_ =	swait.ge [sflag:s4], $0x1360  }
0xf6: {  	[sflag:s4] =	ssyncset.done $0x0  }
0xf7: {  	[sflag:s4] =	ssyncadd.s32 $0xFFFFECA0  }
0xf8: {  	[tilespmem:s3], [sflag:$0x1] =	stream.indirect.gather [hbm4b:s16+s7], $0x80, s0, s7, $0xb8;
	v63 =	vld [tilespmem:$0x0]  }
0xf9: {  	_ = 	snop  }
0xfa: {  	[tilespmem:s8], [sflag:$0x2] =	stream.indirect.gather [hbm4b:s16+s7], $0x80, s7, s7, $0xb8;
	v63 =	vld [tilespmem:$0x0]  }
0xfb: {  	_ = 	snop  }
0xfc: {  	[tilespmem:s10], [sflag:$0x3] =	stream.indirect.gather [hbm4b:s16+s7], $0x80, s9, s7, $0xb8;
	v63 =	vld [tilespmem:$0x0]  }
0xfd: {  	_ = 	snop  }
0xfe: {  	[tilespmem:s14], [sflag:$0x4] =	stream.indirect.gather [hbm4b:s16+s7], $0x80, s11, s7, $0xb8;
	v63 =	vld [tilespmem:$0x0]  }
0xff: {  	_ =	swait.ge [sflag:s5], $0x2800  }
0x100: {  	[sflag:s5] =	ssyncset.done $0x0  }
0x101: {  	s12 =	simm.s32 $0x13B0;
	[sflag:s5] =	ssyncadd.s32 $0xFFFFD800  }
0x102: {  	[spmem:s13] =	stream.indirect.scatter.add.f32 [tilespmem:s3], [sflag:$0x5], $0x80, s12, s7, $0xb8;
	v63 =	vld [tilespmem:$0x0]  }
0x103: {  	_ =	swait.ge [sflag:s6], $0x2800  }
0x104: {  	[sflag:s6] =	ssyncset.done $0x0  }
0x105: {  	s12 =	simm.s32 $0x1400;
	[sflag:s6] =	ssyncadd.s32 $0xFFFFD800  }
0x106: {  	[spmem:s13] =	stream.indirect.scatter.add.f32 [tilespmem:s8], [sflag:$0x6], $0x80, s12, s7, $0xb8;
	v63 =	vld [tilespmem:$0x0]  }
0x107: {  	_ =	swait.ge [sflag:s15], $0x2800  }
0x108: {  	[sflag:s15] =	ssyncset.done $0x0  }
0x109: {  	s12 =	simm.s32 $0x1450;
	[sflag:s15] =	ssyncadd.s32 $0xFFFFD800  }
0x10a: {  	[spmem:s13] =	stream.indirect.scatter.add.f32 [tilespmem:s10], [sflag:$0x7], $0x80, s12, s7, $0xb8;
	v63 =	vld [tilespmem:$0x0]  }
0x10b: {  	_ =	swait.ge [sflag:s17], $0x2800  }
0x10c: {  	[sflag:s17] =	ssyncset.done $0x0  }
0x10d: {  	s12 =	simm.s32 $0x14A0;
	[sflag:s17] =	ssyncadd.s32 $0xFFFFD800  }
0x10e: {  	[spmem:s13] =	stream.indirect.scatter.add.f32 [tilespmem:s14], [sflag:$0x8], $0x80, s12, s7, $0xb8;
	v63 =	vld [tilespmem:$0x0]  }
0x10f: {  	_ =	swait.ge [sflag:s18], $0x2800  }
0x110: {  	[sflag:s18] =	ssyncset.done $0x0  }
0x111: {  	s12 =	simm.s32 $0x140;
	[sflag:s18] =	ssyncadd.s32 $0xFFFFD800  }
0x112: {  	[tilespmem:s3], [sflag:$0x1] =	stream.indirect.gather [hbm4b:s16+s7], $0x80, s12, s7, $0xb8;
	v63 =	vld [tilespmem:$0x0]  }
0x113: {  	_ =	swait.ge [sflag:s19], $0x2800  }
0x114: {  	[sflag:s19] =	ssyncset.done $0x0  }
0x115: {  	s12 =	simm.s32 $0x190;
	[sflag:s19] =	ssyncadd.s32 $0xFFFFD800  }
0x116: {  	[tilespmem:s8], [sflag:$0x2] =	stream.indirect.gather [hbm4b:s16+s7], $0x80, s12, s7, $0xb8;
	v63 =	vld [tilespmem:$0x0]  }
0x117: {  	_ =	swait.ge [sflag:s20], $0x2800  }
0x118: {  	[sflag:s20] =	ssyncset.done $0x0  }
0x119: {  	s12 =	simm.s32 $0x1E0;
	[sflag:s20] =	ssyncadd.s32 $0xFFFFD800  }
0x11a: {  	[tilespmem:s10], [sflag:$0x3] =	stream.indirect.gather [hbm4b:s16+s7], $0x80, s12, s7, $0xb8;
	v63 =	vld [tilespmem:$0x0]  }
0x11b: {  	_ =	swait.ge [sflag:s21], $0x2800  }
0x11c: {  	[sflag:s21] =	ssyncset.done $0x0  }
0x11d: {  	s31 =	simm.s32 $0x500;
	s12 =	simm.s32 $0x230;
	[sflag:s21] =	ssyncadd.s32 $0xFFFFD800  }
.LBB2_6:
0x11e: {  	[tilespmem:s14], [sflag:$0x4] =	stream.indirect.gather [hbm4b:s16+s7], $0x80, s12, s7, $0xb8;
	v63 =	vld [tilespmem:$0x0]  }
0x11f: {  	s0 =	smov.u32 s31  }
0x120: {  	p1 =	sne.s32 s31, $0x4100;
	s31 =	sadd.s32 $0x500, s31;
	_ =	swait.ge [sflag:s5], $0x2800  }
0x121: {  	s12 =	sshra.s32 s0, $0x2;
	[sflag:s5] =	ssyncset.done $0x0  }
0x122: {  	s0 =	sadd.s32 $0x13B0, s12;
	[sflag:s5] =	ssyncadd.s32 $0xFFFFD800  }
0x123: {  	[spmem:s13] =	stream.indirect.scatter.add.f32 [tilespmem:s3], [sflag:$0x5], $0x80, s0, s7, $0xb8;
	v63 =	vld [tilespmem:$0x0]  }
0x124: {  	_ =	swait.ge [sflag:s6], $0x2800  }
0x125: {  	[sflag:s6] =	ssyncset.done $0x0  }
0x126: {  	s0 =	sadd.s32 $0x1400, s12;
	[sflag:s6] =	ssyncadd.s32 $0xFFFFD800  }
0x127: {  	[spmem:s13] =	stream.indirect.scatter.add.f32 [tilespmem:s8], [sflag:$0x6], $0x80, s0, s7, $0xb8;
	v63 =	vld [tilespmem:$0x0]  }
0x128: {  	_ =	swait.ge [sflag:s15], $0x2800  }
0x129: {  	[sflag:s15] =	ssyncset.done $0x0  }
0x12a: {  	s0 =	sadd.s32 $0x1450, s12;
	[sflag:s15] =	ssyncadd.s32 $0xFFFFD800  }
0x12b: {  	[spmem:s13] =	stream.indirect.scatter.add.f32 [tilespmem:s10], [sflag:$0x7], $0x80, s0, s7, $0xb8;
	v63 =	vld [tilespmem:$0x0]  }
0x12c: {  	_ =	swait.ge [sflag:s17], $0x2800  }
0x12d: {  	[sflag:s17] =	ssyncset.done $0x0  }
0x12e: {  	s0 =	sadd.s32 $0x14A0, s12;
	[sflag:s17] =	ssyncadd.s32 $0xFFFFD800  }
0x12f: {  	[spmem:s13] =	stream.indirect.scatter.add.f32 [tilespmem:s14], [sflag:$0x8], $0x80, s0, s7, $0xb8;
	v63 =	vld [tilespmem:$0x0]  }
0x130: {  	_ =	swait.ge [sflag:s18], $0x2800  }
0x131: {  	[sflag:s18] =	ssyncset.done $0x0  }
0x132: {  	s0 =	sadd.s32 $0x140, s12;
	[sflag:s18] =	ssyncadd.s32 $0xFFFFD800  }
0x133: {  	[tilespmem:s3], [sflag:$0x1] =	stream.indirect.gather [hbm4b:s16+s7], $0x80, s0, s7, $0xb8;
	v63 =	vld [tilespmem:$0x0]  }
0x134: {  	_ =	swait.ge [sflag:s19], $0x2800  }
0x135: {  	[sflag:s19] =	ssyncset.done $0x0  }
0x136: {  	s0 =	sadd.s32 $0x190, s12;
	[sflag:s19] =	ssyncadd.s32 $0xFFFFD800  }
0x137: {  	[tilespmem:s8], [sflag:$0x2] =	stream.indirect.gather [hbm4b:s16+s7], $0x80, s0, s7, $0xb8;
	v63 =	vld [tilespmem:$0x0]  }
0x138: {  	_ =	swait.ge [sflag:s20], $0x2800  }
0x139: {  	[sflag:s20] =	ssyncset.done $0x0  }
.Ltmp2:
0x13a: {  	s0 =	sadd.s32 $0x1E0, s12;
	[sflag:s20] =	ssyncadd.s32 $0xFFFFD800;
	(pc) =	sbr.rel @p1 .LBB2_6-.Ltmp2, $4  }
0x13b: {  	[tilespmem:s10], [sflag:$0x3] =	stream.indirect.gather [hbm4b:s16+s7], $0x80, s0, s7, $0xb8;
	v63 =	vld [tilespmem:$0x0]  }
0x13c: {  	_ =	swait.ge [sflag:s21], $0x2800  }
0x13d: {  	[sflag:s21] =	ssyncset.done $0x0  }
0x13e: {  	s12 =	sadd.s32 $0x230, s12;
	[sflag:s21] =	ssyncadd.s32 $0xFFFFD800  }
0x13f: {  	[tilespmem:s14], [sflag:$0x4] =	stream.indirect.gather [hbm4b:s16+s7], $0x80, s12, s7, $0xb8;
	v63 =	vld [tilespmem:$0x0]  }
0x140: {  	_ =	swait.ge [sflag:s5], $0x2800  }
0x141: {  	[sflag:s5] =	ssyncset.done $0x0  }
0x142: {  	[sflag:s5] =	ssyncadd.s32 $0xFFFFD800  }
0x143: {  	[spmem:s13] =	stream.indirect.scatter.add.f32 [tilespmem:s3], [sflag:$0x5], $0x80, s22, s7, $0xb8;
	v63 =	vld [tilespmem:$0x0]  }
0x144: {  	_ =	swait.ge [sflag:s6], $0x2800  }
0x145: {  	[sflag:s6] =	ssyncset.done $0x0  }
0x146: {  	[sflag:s6] =	ssyncadd.s32 $0xFFFFD800  }
0x147: {  	[spmem:s13] =	stream.indirect.scatter.add.f32 [tilespmem:s8], [sflag:$0x6], $0x80, s23, s7, $0xb8;
	v63 =	vld [tilespmem:$0x0]  }
0x148: {  	_ =	swait.ge [sflag:s15], $0x2800  }
0x149: {  	[sflag:s15] =	ssyncset.done $0x0  }
0x14a: {  	[sflag:s15] =	ssyncadd.s32 $0xFFFFD800  }
0x14b: {  	[spmem:s13] =	stream.indirect.scatter.add.f32 [tilespmem:s10], [sflag:$0x7], $0x80, s24, s7, $0xb8;
	v63 =	vld [tilespmem:$0x0]  }
0x14c: {  	_ =	swait.ge [sflag:s17], $0x2800  }
0x14d: {  	[sflag:s17] =	ssyncset.done $0x0  }
0x14e: {  	[sflag:s17] =	ssyncadd.s32 $0xFFFFD800  }
0x14f: {  	[spmem:s13] =	stream.indirect.scatter.add.f32 [tilespmem:s14], [sflag:$0x8], $0x80, s25, s7, $0xb8;
	v63 =	vld [tilespmem:$0x0]  }
0x150: {  	_ =	swait.ge [sflag:s18], $0x2800  }
0x151: {  	[sflag:s18] =	ssyncset.done $0x0  }
0x152: {  	[sflag:s18] =	ssyncadd.s32 $0xFFFFD800  }
0x153: {  	_ =	swait.ge [sflag:s19], $0x2800  }
0x154: {  	[sflag:s19] =	ssyncset.done $0x0  }
0x155: {  	[sflag:s19] =	ssyncadd.s32 $0xFFFFD800  }
0x156: {  	_ =	swait.ge [sflag:s20], $0x2800  }
0x157: {  	[sflag:s20] =	ssyncset.done $0x0  }
0x158: {  	[sflag:s20] =	ssyncadd.s32 $0xFFFFD800  }
0x159: {  	_ =	swait.ge [sflag:s21], $0x2800  }
0x15a: {  	[sflag:s21] =	ssyncset.done $0x0  }
0x15b: {  	[sflag:s21] =	ssyncadd.s32 $0xFFFFD800  }
0x15c: {  	[tilespmem:s3], [sflag:$0x1] =	stream.indirect.gather [hbm4b:s16+s7], $0x80, s2, s7, $0xb8;
	v63 =	vld [tilespmem:$0x0]  }
0x15d: {  	_ =	swait.ge [sflag:s5], $0x2800  }
0x15e: {  	[sflag:s5] =	ssyncset.done $0x0  }
0x15f: {  	[sflag:s5] =	ssyncadd.s32 $0xFFFFD800  }
0x160: {  	[spmem:s13] =	stream.indirect.scatter.add.f32 [tilespmem:s3], [sflag:$0x9], $0x80, s26, s7, $0xb8;
	v63 =	vld [tilespmem:$0x0]  }
0x161: {  	_ =	swait.ge [sflag:s4], $0x2800  }
0x162: {  	[sflag:s4] =	ssyncset.done $0x0  }
0x163: {  	[sflag:s4] =	ssyncadd.s32 $0xFFFFD800  }
0x164: {  	[tilespmem:s8], [sflag:$0x2] =	stream.indirect.gather [hbm4b:s16+s7], $0x80, s28, s7, $0xb8;
	v63 =	vld [tilespmem:$0x0]  }
0x165: {  	_ =	swait.ge [sflag:s6], $0x2800  }
0x166: {  	[sflag:s6] =	ssyncset.done $0x0  }
0x167: {  	[sflag:s6] =	ssyncadd.s32 $0xFFFFD800  }
0x168: {  	[spmem:s13] =	stream.indirect.scatter.add.f32 [tilespmem:s8], [sflag:$0x9], $0x80, s29, s7, $0xb8;
	v63 =	vld [tilespmem:$0x0]  }
0x169: {  	_ =	swait.ge [sflag:s4], $0x2800  }
0x16a: {  	[sflag:s4] =	ssyncset.done $0x0  }
0x16b: {  	[sflag:s4] =	ssyncadd.s32 $0xFFFFD800  }
0x16c: {  	s0 =	stileid.u32;
	[bflag:$0x0] =	sbarrier.arrive $0xFFFF  }
0x16d: {  	s0 =	sshll.u32 s0, $0x6;
	s12 =	rddreg [dreg:$0x8]  }
0x16e: {  	s0 =	sor.u32 $0x1C09, s0;
	s31 =	rddreg [dreg:$0x19]  }
0x16f: {  	[hbm:s12], [sflag:s0] =	dma.local [spmem:s31], $0x500  }
0x170: {  	_ =	swait.ge [sflag:s4], $0x500  }
0x171: {  	[sflag:s4] =	ssyncset.done $0x0;
	s12 =	rddreg [dreg:$0x9]  }
0x172: {  	s31 =	rddreg [dreg:$0x1a];
	[sflag:s4] =	ssyncadd.s32 $0xFFFFFB00  }
0x173: {  	[hbm:s12], [sflag:s0] =	dma.local [spmem:s31], $0x500  }
0x174: {  	_ =	swait.ge [sflag:s4], $0x500  }
0x175: {  	[sflag:s4] =	ssyncset.done $0x0;
	s12 =	rddreg [dreg:$0xa]  }
0x176: {  	s31 =	rddreg [dreg:$0x1b];
	[sflag:s4] =	ssyncadd.s32 $0xFFFFFB00  }
0x177: {  	[hbm:s12], [sflag:s0] =	dma.local [spmem:s31], $0x500  }
0x178: {  	_ =	swait.ge [sflag:s4], $0x500  }
0x179: {  	[sflag:s4] =	ssyncset.done $0x0;
	s12 =	rddreg [dreg:$0xb]  }
0x17a: {  	s31 =	rddreg [dreg:$0x1c];
	[sflag:s4] =	ssyncadd.s32 $0xFFFFFB00  }
0x17b: {  	[hbm:s12], [sflag:s0] =	dma.local [spmem:s31], $0x500  }
0x17c: {  	_ =	swait.ge [sflag:s4], $0x500  }
0x17d: {  	[sflag:s4] =	ssyncset.done $0x0;
	s12 =	rddreg [dreg:$0xc]  }
0x17e: {  	s31 =	rddreg [dreg:$0x1d];
	[sflag:s4] =	ssyncadd.s32 $0xFFFFFB00  }
0x17f: {  	[hbm:s12], [sflag:s0] =	dma.local [spmem:s31], $0x500  }
0x180: {  	_ =	swait.ge [sflag:s4], $0x500  }
0x181: {  	[sflag:s4] =	ssyncset.done $0x0;
	s12 =	rddreg [dreg:$0xd]  }
0x182: {  	s31 =	rddreg [dreg:$0x1e];
	[sflag:s4] =	ssyncadd.s32 $0xFFFFFB00  }
0x183: {  	[hbm:s12], [sflag:s0] =	dma.local [spmem:s31], $0x500  }
0x184: {  	_ =	swait.ge [sflag:s4], $0x500  }
0x185: {  	[sflag:s4] =	ssyncset.done $0x0;
	s12 =	rddreg [dreg:$0xe]  }
0x186: {  	s31 =	rddreg [dreg:$0x1f];
	[sflag:s4] =	ssyncadd.s32 $0xFFFFFB00  }
0x187: {  	[hbm:s12], [sflag:s0] =	dma.local [spmem:s31], $0x500  }
0x188: {  	_ =	swait.ge [sflag:s4], $0x500  }
0x189: {  	[sflag:s4] =	ssyncset.done $0x0  }
0x18a: {  	s12 =	rddreg [dreg:$0xf];
	[sflag:s4] =	ssyncadd.s32 $0xFFFFFB00  }
0x18b: {  	[hbm:s12], [sflag:s0] =	dma.local @!p0 [spmem:s1], $0x500  }
0x18c: {  	s0 =	simm.s32 @!p0 $0x9  }
0x18d: {  	_ =	swait.ge @!p0 [sflag:s0], $0x500  }
0x18e: {  	s30 =	sadd.s32 $0x1, s30;
	s31 =	rddreg [dreg:$0x10]  }
0x18f: {  	p1 =	sne.s32 s30, s31  }
.Ltmp3:
0x190: {  	_ = 	snop;
	(pc) =	sbr.rel @p1 .LBB2_1-.Ltmp3, $3  }
0x191: {  	_ =	sdelay $0x1  }
0x192: {  	[sflag:s0] =	ssyncset.done @!p0 $0x0  }
0x193: {  	[sflag:s0] =	ssyncadd.s32 @!p0 $0xFFFFFB00  }
0x194: {  	_ =	sfence.sel $0x180000  }
0x195: {  	[bflag:$0x0] =	sbarrier.arrive $0xFFFF  }
0x196: {  	_ =	strace $0x90000050  }
0x197: {  	s0 =	stileid.u32;
	[bflag:$0x2] =	sbarrier.arrive $0xFFFF  }
0x198: {  	p0 =	sne.s32 s0, $0x0;
	s0 =	rddreg [dreg:$0x3]  }
0x199: {  	s0 =	sadd.s32 @!p0 $0x100000, s0  }
0x19a: {  	[sflag:s0] =	ssyncadd.tile.s32 @!p0 $0x1;
	_ =	shalt  }
.Lfunc_end2:
_tile_overlayer_lowered:
.L_overlay_start_2:
0x19b: {  	(tag) =	ssettag $0x2  }
0x19c: {  	s0 =	rddreg [dreg:$0x0];
	s2 =	stileid.u32  }
0x19d: {  	s1 =	rddreg [dreg:$0x1];
	p0 =	sne.s32 s2, $0x0  }
0x19e: {  	s3 =	rddreg [dreg:$0x2];
	[bflag:$0x3] =	sbarrier.arrive $0xFFFF;
	s2 =	simm.s32 @!p0 $0x1C09  }
0x19f: {  	[timem:s3], [sflag:s2] =	dma.local @!p0 [hbm:s0], s1  }
0x1a0: {  	s0 =	simm.s32 @!p0 $0x9  }
0x1a1: {  	_ =	swait.ge @!p0 [sflag:s0], s1  }
0x1a2: {  	s1 =	ssub.s32 @!p0 $0x0, s1;
	[sflag:s0] =	ssyncset.done @!p0 $0x0  }
0x1a3: {  	[sflag:s0] =	ssyncadd.s32 @!p0 s1  }
0x1a4: {  	[bflag:$0x3] =	sbarrier.arrive $0xFFFF  }
0x1a5: {  	_ =	shalt  }

</sc_bundles>
